<compile_context>
chip_gen: v7x
topology: tpu7x:2x2x1
jax: 0.10.2.dev20260603
libtpu: 0.0.44.dev20260713+nightly
codegen_flags: <defaults>
</compile_context>

<pallas_src>
import functools

import jax
import jax.numpy as jnp
from jax import lax
from jax.experimental import pallas as pl
from jax.experimental.pallas import tpu as pltpu
from jax.experimental.pallas import tpu_sc as plsc

N = 50000
E = 800000
H = 64
L_MID = 10
T_TAYLOR = 10

NTILES = 16
SH = 3136
NPAD = SH * NTILES
EPT = E // NTILES
CH = 10000
NCHUNK = EPT // CH
LPC = CH // 16
LPS = SH // 16


def _coef_body(w0_ref, b0_ref, wm_ref, w11_ref, out_ref):
    c = jnp.concatenate([w0_ref[...], b0_ref[...]], axis=0)
    eye = jnp.eye(H, dtype=jnp.float32)

    def layer(i, c):
        p = wm_ref[i]
        a = p - p.T
        w = eye
        term = eye
        for t in range(1, T_TAYLOR + 1):
            term = lax.dot(term, a, precision=lax.Precision.HIGHEST) / t
            w = w + term
        return lax.dot(c, w, precision=lax.Precision.HIGHEST)

    c = lax.fori_loop(0, L_MID, layer, c)
    ab = lax.dot(c, w11_ref[...], precision=lax.Precision.HIGHEST)
    out_ref[...] = jnp.broadcast_to(ab, (2, 128))


def _coef_chain(w0, b0, wm, w11):
    return pl.pallas_call(
        _coef_body,
        out_shape=jax.ShapeDtypeStruct((2, 128), jnp.float32),
    )(w0, b0.reshape(1, H), wm, w11)


def _newton_rsqrt(d):
    bits = lax.bitcast_convert_type(d, jnp.int32)
    y = lax.bitcast_convert_type(jnp.int32(0x5F3759DF) - (bits >> 1),
                                 jnp.float32)
    for _ in range(3):
        y = y * (1.5 - 0.5 * d * y * y)
    return y


def _sc_body(x_hbm, src_hbm, dst_hbm, w_hbm, ca_hbm, cb_hbm, cc_hbm,
             out_hbm,
             ya0, ya1, yb0, yb1, dis, selfn, norm_sp,
             sbuf, dbuf, fbuf, g0, g1, sh0, sh1, shs, cav, cbv, ccv):
    tid = lax.axis_index("s")
    nsl = pl.ds(tid * SH, SH)
    ebase = tid * EPT

    pltpu.sync_copy(ca_hbm, cav)
    pltpu.sync_copy(cb_hbm, cbv)
    pltpu.sync_copy(cc_hbm, ccv)

    def fill_ones(i, _):
        shs[pl.ds(pl.multiple_of(i * 16, 16), 16)] = jnp.full(
            (16,), 1.0, jnp.float32)
        return 0
    lax.fori_loop(0, LPS, fill_ones, 0)
    pltpu.sync_copy(shs, norm_sp.at[nsl])
    pltpu.sync_copy(shs, ya1.at[nsl])
    pltpu.sync_copy(x_hbm.at[nsl], sh0)
    pltpu.sync_copy(sh0, ya0.at[nsl])
    plsc.subcore_barrier()

    def deg_chunk(k, _):
        ec = pl.ds(pl.multiple_of(ebase + k * CH, 8), CH)
        pltpu.sync_copy(dst_hbm.at[ec], dbuf)
        pltpu.sync_copy(w_hbm.at[ec], fbuf)
        pltpu.sync_copy(fbuf, norm_sp.at[dbuf], add=True)
        return 0
    lax.fori_loop(0, NCHUNK, deg_chunk, 0)
    plsc.subcore_barrier()

    pltpu.sync_copy(norm_sp.at[nsl], sh0)

    def rsqrt_loop(i, _):
        ds = pl.ds(pl.multiple_of(i * 16, 16), 16)
        y = _newton_rsqrt(sh0[ds])
        sh1[ds] = y
        shs[ds] = y * y
        return 0
    lax.fori_loop(0, LPS, rsqrt_loop, 0)
    pltpu.sync_copy(sh1, dis.at[nsl])
    pltpu.sync_copy(shs, selfn.at[nsl])
    plsc.subcore_barrier()

    def norm_chunk(k, _):
        ec = pl.ds(pl.multiple_of(ebase + k * CH, 8), CH)
        pltpu.sync_copy(src_hbm.at[ec], sbuf)
        pltpu.sync_copy(dst_hbm.at[ec], dbuf)
        pltpu.sync_copy(w_hbm.at[ec], fbuf)
        pltpu.sync_copy(dis.at[sbuf], g0)
        pltpu.sync_copy(dis.at[dbuf], g1)

        def mul_loop(i, _):
            ds = pl.ds(pl.multiple_of(i * 16, 16), 16)
            fbuf[ds] = g0[ds] * g1[ds] * fbuf[ds]
            return 0
        lax.fori_loop(0, LPC, mul_loop, 0)
        pltpu.sync_copy(fbuf, norm_sp.at[ec])
        return 0
    lax.fori_loop(0, NCHUNK, norm_chunk, 0)
    plsc.subcore_barrier()

    bufs = [(ya0, ya1), (yb0, yb1)]
    for a in range(12):
        yin0, yin1 = bufs[a % 2]
        yout0, yout1 = bufs[(a + 1) % 2]

        pltpu.sync_copy(selfn.at[nsl], shs)
        pltpu.sync_copy(yin0.at[nsl], sh0)
        pltpu.sync_copy(yin1.at[nsl], sh1)

        def init_loop(i, _):
            ds = pl.ds(pl.multiple_of(i * 16, 16), 16)
            s = shs[ds]
            sh0[ds] = sh0[ds] * s
            sh1[ds] = sh1[ds] * s
            return 0
        lax.fori_loop(0, LPS, init_loop, 0)
        pltpu.sync_copy(sh0, yout0.at[nsl])
        pltpu.sync_copy(sh1, yout1.at[nsl])
        plsc.subcore_barrier()

        def edge_chunk(k, _):
            ec = pl.ds(pl.multiple_of(ebase + k * CH, 8), CH)
            pltpu.sync_copy(src_hbm.at[ec], sbuf)
            pltpu.sync_copy(dst_hbm.at[ec], dbuf)
            pltpu.sync_copy(norm_sp.at[ec], fbuf)
            pltpu.sync_copy(yin0.at[sbuf], g0)
            pltpu.sync_copy(yin1.at[sbuf], g1)

            def mul_loop(i, _):
                ds = pl.ds(pl.multiple_of(i * 16, 16), 16)
                nv = fbuf[ds]
                g0[ds] = g0[ds] * nv
                g1[ds] = g1[ds] * nv
                return 0
            lax.fori_loop(0, LPC, mul_loop, 0)
            pltpu.sync_copy(g0, yout0.at[dbuf], add=True)
            pltpu.sync_copy(g1, yout1.at[dbuf], add=True)
            return 0
        lax.fori_loop(0, NCHUNK, edge_chunk, 0)
        plsc.subcore_barrier()

    pltpu.sync_copy(ya0.at[nsl], sh0)
    pltpu.sync_copy(yb1.at[nsl], sh1)

    def comb_loop(i, _):
        ds = pl.ds(pl.multiple_of(i * 16, 16), 16)
        sh0[ds] = cav[...] * sh0[ds] + cbv[...] * sh1[ds] + ccv[...]
        return 0
    lax.fori_loop(0, LPS, comb_loop, 0)
    pltpu.sync_copy(sh0, out_hbm.at[nsl])


@functools.partial(jax.jit, static_argnames=())
def _sc_propagate(x_pad, src, dst, w, ca, cb, cc):
    mesh = plsc.VectorSubcoreMesh(core_axis_name="c", subcore_axis_name="s",
                                  num_cores=1)
    f = pl.kernel(
        _sc_body,
        out_type=jax.ShapeDtypeStruct((NPAD,), jnp.float32),
        mesh=mesh,
        scratch_types=[
            pltpu.VMEM_SHARED((NPAD,), jnp.float32),
            pltpu.VMEM_SHARED((NPAD,), jnp.float32),
            pltpu.VMEM_SHARED((NPAD,), jnp.float32),
            pltpu.VMEM_SHARED((NPAD,), jnp.float32),
            pltpu.VMEM_SHARED((NPAD,), jnp.float32),
            pltpu.VMEM_SHARED((NPAD,), jnp.float32),
            pltpu.VMEM_SHARED((E,), jnp.float32),
            pltpu.VMEM((CH,), jnp.int32),
            pltpu.VMEM((CH,), jnp.int32),
            pltpu.VMEM((CH,), jnp.float32),
            pltpu.VMEM((CH,), jnp.float32),
            pltpu.VMEM((CH,), jnp.float32),
            pltpu.VMEM((SH,), jnp.float32),
            pltpu.VMEM((SH,), jnp.float32),
            pltpu.VMEM((SH,), jnp.float32),
            pltpu.VMEM((16,), jnp.float32),
            pltpu.VMEM((16,), jnp.float32),
            pltpu.VMEM((16,), jnp.float32),
        ],
    )
    return f(x_pad, src, dst, w, ca, cb, cc)


def kernel(x, edge_index, edge_weight, W0, b0, Wm, W11, b11):
    x_pad = jnp.pad(x[:, 0], (0, NPAD - N))
    src = edge_index[0]
    dst = edge_index[1]
    coef = _coef_chain(W0, b0, Wm, W11)
    ca = coef[0, :16]
    cb = coef[1, :16]
    cc = jnp.full((16,), b11[0], jnp.float32)
    out_pad = _sc_propagate(x_pad, src, dst, edge_weight, ca, cb, cc)
    return out_pad[:N].reshape(N, 1, 1)

# --- scband reference (transcript-rebuilt; emitter-appended) ---
"""Pipeline reference for scband-uni-14456859918367 (READ-ONLY COPY).

The authoritative reference and input builder live on the scoring server;
editing this copy changes nothing except your own understanding.
"""

import jax, jax.numpy as jnp
import numpy as np

N = 50000
E = 800000
H = 64
L_MID = 10
T_TAYLOR = 10


def gcn_norm(src, dst, edge_weight, num_nodes, add_self_loops=True):
    if add_self_loops:
        loop = jnp.arange(num_nodes, dtype=src.dtype)
        src = jnp.concatenate([src, loop])
        dst = jnp.concatenate([dst, loop])
        edge_weight = jnp.concatenate([edge_weight, jnp.ones((num_nodes,), edge_weight.dtype)])
    deg = jax.ops.segment_sum(edge_weight, dst, num_segments=num_nodes)
    dis = jnp.where(deg > 0, 1.0 / jnp.sqrt(jnp.maximum(deg, 1e-12)), 0.0)
    norm = dis[src] * edge_weight * dis[dst]
    return src, dst, norm


def propagate(x, src, dst, norm, num_nodes):
    msgs = norm[:, None] * x[src]
    return jax.ops.segment_sum(msgs, dst, num_segments=num_nodes)


def expm_taylor(P, T=T_TAYLOR):
    # orthogonal parametrization: W = exp(P - P^T) via T-term Taylor series
    A = P - P.T
    W = jnp.eye(A.shape[0], dtype=A.dtype)
    term = jnp.eye(A.shape[0], dtype=A.dtype)
    for t in range(1, T + 1):
        term = (term @ A) / t
        W = W + term
    return W


def setup_inputs(seed: int = 0) -> dict:
    key = jax.random.key(seed)
    ks = jax.random.split(key, 8)
    x = jax.random.normal(ks[0], (N, 1), dtype=jnp.float32)
    edge_index = jax.random.randint(ks[1], (2, E), 0, N, dtype=jnp.int32)
    edge_weight = jax.random.uniform(ks[2], (E,), dtype=jnp.float32)
    W0 = jax.random.normal(ks[3], (1, H), dtype=jnp.float32) * 0.1
    b0 = jnp.zeros((H,), dtype=jnp.float32)
    Wm = jax.random.normal(ks[4], (L_MID, H, H), dtype=jnp.float32) * 0.05
    W11 = jax.random.normal(ks[5], (H, 1), dtype=jnp.float32) * 0.1
    b11 = jnp.zeros((1,), dtype=jnp.float32)
    return {"x": x, "edge_index": edge_index, "edge_weight": edge_weight,
            "W0": W0, "b0": b0, "Wm": Wm, "W11": W11, "b11": b11}


def reference(x, edge_index, edge_weight, W0, b0, Wm, W11, b11):
    num_nodes = x.shape[0]
    src, dst, norm = gcn_norm(edge_index[0], edge_index[1], edge_weight, num_nodes, add_self_loops=True)
    # block 0: GCNConv(1, 64)
    h = propagate(x @ W0, src, dst, norm, num_nodes) + b0
    # blocks 1..10: OrthogonalGCNConv(64, 64), identity activation, no residual
    for i in range(L_MID):
        W = expm_taylor(Wm[i])
        h = propagate(h @ W, src, dst, norm, num_nodes)
    # block 11: GCNConv(64, 1)
    out = propagate(h @ W11, src, dst, norm, num_nodes) + b11
    return out[:, :, None]

if __name__ == "__main__":
    import jax
    _d = setup_inputs()
    print(jax.jit(kernel)(*tuple(_d.values())))

</pallas_src>

<mosaic_0001>
#map = affine_map<(d0, d1) -> (0)>
module attributes {stable_mosaic.version = 14 : i64} {
  func.func @_sc_body(%arg0: i32, %arg1: i32, %arg2: memref<50176xf32, #tpu.memory_space<hbm>>, %arg3: memref<800000xi32, #tpu.memory_space<hbm>>, %arg4: memref<800000xi32, #tpu.memory_space<hbm>>, %arg5: memref<800000xf32, #tpu.memory_space<hbm>>, %arg6: memref<16xf32, #tpu.memory_space<hbm>>, %arg7: memref<16xf32, #tpu.memory_space<hbm>>, %arg8: memref<16xf32, #tpu.memory_space<hbm>>, %arg9: memref<50176xf32, #tpu.memory_space<hbm>>, %arg10: memref<50176xf32, #tpu.memory_space<vmem_shared>>, %arg11: memref<50176xf32, #tpu.memory_space<vmem_shared>>, %arg12: memref<50176xf32, #tpu.memory_space<vmem_shared>>, %arg13: memref<50176xf32, #tpu.memory_space<vmem_shared>>, %arg14: memref<50176xf32, #tpu.memory_space<vmem_shared>>, %arg15: memref<50176xf32, #tpu.memory_space<vmem_shared>>, %arg16: memref<800000xf32, #tpu.memory_space<vmem_shared>>, %arg17: memref<10000xi32, #tpu.memory_space<vmem>>, %arg18: memref<10000xi32, #tpu.memory_space<vmem>>, %arg19: memref<10000xf32, #tpu.memory_space<vmem>>, %arg20: memref<10000xf32, #tpu.memory_space<vmem>>, %arg21: memref<10000xf32, #tpu.memory_space<vmem>>, %arg22: memref<3136xf32, #tpu.memory_space<vmem>>, %arg23: memref<3136xf32, #tpu.memory_space<vmem>>, %arg24: memref<3136xf32, #tpu.memory_space<vmem>>, %arg25: memref<16xf32, #tpu.memory_space<vmem>>, %arg26: memref<16xf32, #tpu.memory_space<vmem>>, %arg27: memref<16xf32, #tpu.memory_space<vmem>>) attributes {dimension_semantics = [#tpu.dimension_semantics<core_parallel>, #tpu.dimension_semantics<subcore_parallel>], iteration_bounds = array<i64: 1, 16>, scalar_prefetch = 0 : i64, scratch_operands = 18 : i64, tpu.core_type = #tpu.core_type<sc_vector_subcore>, window_params = [{transform_indices = #map}, {transform_indices = #map}, {transform_indices = #map}, {transform_indices = #map}, {transform_indices = #map}, {transform_indices = #map}, {transform_indices = #map}, {transform_indices = #map}]} {
    %mul3A = arith.constant 3136 : i32
    %mul3A_0 = arith.muli %arg1, %mul3A : i32
    %mul3A_1 = arith.constant 50000 : i32
    %mul3A_2 = arith.muli %arg1, %mul3A_1 : i32
    "tpu.region"() ({
      %run_scoped3A = tpu.sem_alloc : memref<!tpu.dma_semaphore, #tpu.memory_space<semaphore_mem>>
      tpu.enqueue_dma source(%arg6 : memref<16xf32, #tpu.memory_space<hbm>>) target(%arg25 : memref<16xf32, #tpu.memory_space<vmem>>) target_semaphore(%run_scoped3A : memref<!tpu.dma_semaphore, #tpu.memory_space<semaphore_mem>>)
      tpu.wait_dma2 semaphore(%run_scoped3A : memref<!tpu.dma_semaphore, #tpu.memory_space<semaphore_mem>>) src(%arg6 : memref<16xf32, #tpu.memory_space<hbm>>) dst(%arg25 : memref<16xf32, #tpu.memory_space<vmem>>)
      tpu.yield
    }) : () -> ()
    "tpu.region"() ({
      %run_scoped3A = tpu.sem_alloc : memref<!tpu.dma_semaphore, #tpu.memory_space<semaphore_mem>>
      tpu.enqueue_dma source(%arg7 : memref<16xf32, #tpu.memory_space<hbm>>) target(%arg26 : memref<16xf32, #tpu.memory_space<vmem>>) target_semaphore(%run_scoped3A : memref<!tpu.dma_semaphore, #tpu.memory_space<semaphore_mem>>)
      tpu.wait_dma2 semaphore(%run_scoped3A : memref<!tpu.dma_semaphore, #tpu.memory_space<semaphore_mem>>) src(%arg7 : memref<16xf32, #tpu.memory_space<hbm>>) dst(%arg26 : memref<16xf32, #tpu.memory_space<vmem>>)
      tpu.yield
    }) : () -> ()
    "tpu.region"() ({
      %run_scoped3A = tpu.sem_alloc : memref<!tpu.dma_semaphore, #tpu.memory_space<semaphore_mem>>
      tpu.enqueue_dma source(%arg8 : memref<16xf32, #tpu.memory_space<hbm>>) target(%arg27 : memref<16xf32, #tpu.memory_space<vmem>>) target_semaphore(%run_scoped3A : memref<!tpu.dma_semaphore, #tpu.memory_space<semaphore_mem>>)
      tpu.wait_dma2 semaphore(%run_scoped3A : memref<!tpu.dma_semaphore, #tpu.memory_space<semaphore_mem>>) src(%arg8 : memref<16xf32, #tpu.memory_space<hbm>>) dst(%arg27 : memref<16xf32, #tpu.memory_space<vmem>>)
      tpu.yield
    }) : () -> ()
    %scan3A = arith.constant 0 : i32
    %scan3A_3 = arith.constant 0 : i32
    %scan3A_4 = arith.constant 196 : i32
    %scan3A_5 = arith.addi %scan3A_3, %scan3A_4 : i32
    %scan3A_6 = arith.constant 1 : i32
    %scan3A_7 = scf.for %scan3A_232 = %scan3A_3 to %scan3A_5 step %scan3A_6 iter_args(%scan3A_233 = %scan3A) -> (i32)  : i32 {
      %broadcast_in_dim3A = arith.constant 1.000000e+00 : f32
      %broadcast_in_dim3A_234 = vector.broadcast %broadcast_in_dim3A : f32 to vector<16xf32>
      %mul3A_235 = arith.constant 16 : i32
      %mul3A_236 = arith.muli %scan3A_232, %mul3A_235 : i32
      %multiple_of3A = tpu.assume_multiple %mul3A_236, 16 : i32
      %swap3A = arith.index_cast %multiple_of3A : i32 to index
      %swap3A_237 = tpu.vector_load %arg24[%swap3A] {strides = array<i32>} : memref<3136xf32, #tpu.memory_space<vmem>>, vector<16xf32>,
      %swap3A_238 = vector.shape_cast %swap3A_237 : vector<16xf32> to vector<16xf32>
      %swap3A_239 = vector.shape_cast %broadcast_in_dim3A_234 : vector<16xf32> to vector<16xf32>
      tpu.vector_store %arg24[%swap3A], %swap3A_239 {strides = array<i32>} : memref<3136xf32, #tpu.memory_space<vmem>>, vector<16xf32>,
      %scan3A_240 = arith.constant 0 : i32
      scf.yield %scan3A_240 : i32
    }
    %scan3A_8 = arith.constant 196 : i32
    "tpu.region"() ({
      %run_scoped3A = tpu.sem_alloc : memref<!tpu.dma_semaphore, #tpu.memory_space<semaphore_mem>>
      %dma_start3A = tpu.memref_slice %arg16[%mul3A_0] : memref<800000xf32, #tpu.memory_space<vmem_shared>> -> memref<3136xf32, #tpu.memory_space<vmem_shared>>
      %dma_start3A_232 = tpu.memref_slice %arg16[%mul3A_0] : memref<800000xf32, #tpu.memory_space<vmem_shared>> -> memref<3136xf32, #tpu.memory_space<vmem_shared>>
      tpu.enqueue_dma source(%arg24 : memref<3136xf32, #tpu.memory_space<vmem>>) target(%dma_start3A_232 : memref<3136xf32, #tpu.memory_space<vmem_shared>>) target_semaphore(%run_scoped3A : memref<!tpu.dma_semaphore, #tpu.memory_space<semaphore_mem>>)
      %dma_wait3A = tpu.memref_slice %arg16[%mul3A_0] : memref<800000xf32, #tpu.memory_space<vmem_shared>> -> memref<3136xf32, #tpu.memory_space<vmem_shared>>
      %dma_wait3A_233 = tpu.memref_slice %arg16[%mul3A_0] : memref<800000xf32, #tpu.memory_space<vmem_shared>> -> memref<3136xf32, #tpu.memory_space<vmem_shared>>
      tpu.wait_dma2 semaphore(%run_scoped3A : memref<!tpu.dma_semaphore, #tpu.memory_space<semaphore_mem>>) src(%arg24 : memref<3136xf32, #tpu.memory_space<vmem>>) dst(%dma_wait3A_233 : memref<3136xf32, #tpu.memory_space<vmem_shared>>)
      tpu.yield
    }) : () -> ()
    "tpu.region"() ({
      %run_scoped3A = tpu.sem_alloc : memref<!tpu.dma_semaphore, #tpu.memory_space<semaphore_mem>>
      %dma_start3A = tpu.memref_slice %arg11[%mul3A_0] : memref<50176xf32, #tpu.memory_space<vmem_shared>> -> memref<3136xf32, #tpu.memory_space<vmem_shared>>
      %dma_start3A_232 = tpu.memref_slice %arg11[%mul3A_0] : memref<50176xf32, #tpu.memory_space<vmem_shared>> -> memref<3136xf32, #tpu.memory_space<vmem_shared>>
      tpu.enqueue_dma source(%arg24 : memref<3136xf32, #tpu.memory_space<vmem>>) target(%dma_start3A_232 : memref<3136xf32, #tpu.memory_space<vmem_shared>>) target_semaphore(%run_scoped3A : memref<!tpu.dma_semaphore, #tpu.memory_space<semaphore_mem>>)
      %dma_wait3A = tpu.memref_slice %arg11[%mul3A_0] : memref<50176xf32, #tpu.memory_space<vmem_shared>> -> memref<3136xf32, #tpu.memory_space<vmem_shared>>
      %dma_wait3A_233 = tpu.memref_slice %arg11[%mul3A_0] : memref<50176xf32, #tpu.memory_space<vmem_shared>> -> memref<3136xf32, #tpu.memory_space<vmem_shared>>
      tpu.wait_dma2 semaphore(%run_scoped3A : memref<!tpu.dma_semaphore, #tpu.memory_space<semaphore_mem>>) src(%arg24 : memref<3136xf32, #tpu.memory_space<vmem>>) dst(%dma_wait3A_233 : memref<3136xf32, #tpu.memory_space<vmem_shared>>)
      tpu.yield
    }) : () -> ()
    "tpu.region"() ({
      %run_scoped3A = tpu.sem_alloc : memref<!tpu.dma_semaphore, #tpu.memory_space<semaphore_mem>>
      %dma_start3A = tpu.memref_slice %arg2[%mul3A_0] : memref<50176xf32, #tpu.memory_space<hbm>> -> memref<3136xf32, #tpu.memory_space<hbm>>
      %dma_start3A_232 = tpu.memref_slice %arg2[%mul3A_0] : memref<50176xf32, #tpu.memory_space<hbm>> -> memref<3136xf32, #tpu.memory_space<hbm>>
      tpu.enqueue_dma source(%dma_start3A_232 : memref<3136xf32, #tpu.memory_space<hbm>>) target(%arg22 : memref<3136xf32, #tpu.memory_space<vmem>>) target_semaphore(%run_scoped3A : memref<!tpu.dma_semaphore, #tpu.memory_space<semaphore_mem>>)
      %dma_wait3A = tpu.memref_slice %arg2[%mul3A_0] : memref<50176xf32, #tpu.memory_space<hbm>> -> memref<3136xf32, #tpu.memory_space<hbm>>
      %dma_wait3A_233 = tpu.memref_slice %arg2[%mul3A_0] : memref<50176xf32, #tpu.memory_space<hbm>> -> memref<3136xf32, #tpu.memory_space<hbm>>
      tpu.wait_dma2 semaphore(%run_scoped3A : memref<!tpu.dma_semaphore, #tpu.memory_space<semaphore_mem>>) src(%dma_wait3A_233 : memref<3136xf32, #tpu.memory_space<hbm>>) dst(%arg22 : memref<3136xf32, #tpu.memory_space<vmem>>)
      tpu.yield
    }) : () -> ()
    "tpu.region"() ({
      %run_scoped3A = tpu.sem_alloc : memref<!tpu.dma_semaphore, #tpu.memory_space<semaphore_mem>>
      %dma_start3A = tpu.memref_slice %arg10[%mul3A_0] : memref<50176xf32, #tpu.memory_space<vmem_shared>> -> memref<3136xf32, #tpu.memory_space<vmem_shared>>
      %dma_start3A_232 = tpu.memref_slice %arg10[%mul3A_0] : memref<50176xf32, #tpu.memory_space<vmem_shared>> -> memref<3136xf32, #tpu.memory_space<vmem_shared>>
      tpu.enqueue_dma source(%arg22 : memref<3136xf32, #tpu.memory_space<vmem>>) target(%dma_start3A_232 : memref<3136xf32, #tpu.memory_space<vmem_shared>>) target_semaphore(%run_scoped3A : memref<!tpu.dma_semaphore, #tpu.memory_space<semaphore_mem>>)
      %dma_wait3A = tpu.memref_slice %arg10[%mul3A_0] : memref<50176xf32, #tpu.memory_space<vmem_shared>> -> memref<3136xf32, #tpu.memory_space<vmem_shared>>
      %dma_wait3A_233 = tpu.memref_slice %arg10[%mul3A_0] : memref<50176xf32, #tpu.memory_space<vmem_shared>> -> memref<3136xf32, #tpu.memory_space<vmem_shared>>
      tpu.wait_dma2 semaphore(%run_scoped3A : memref<!tpu.dma_semaphore, #tpu.memory_space<semaphore_mem>>) src(%arg22 : memref<3136xf32, #tpu.memory_space<vmem>>) dst(%dma_wait3A_233 : memref<3136xf32, #tpu.memory_space<vmem_shared>>)
      tpu.yield
    }) : () -> ()
    %barrier3A = arith.constant 0 : index
    tpu.barrier barrier_id(%barrier3A)
    %scan3A_9 = arith.constant 0 : i32
    %scan3A_10 = arith.constant 0 : i32
    %scan3A_11 = arith.constant 5 : i32
    %scan3A_12 = arith.addi %scan3A_10, %scan3A_11 : i32
    %scan3A_13 = arith.constant 1 : i32
    %scan3A_14 = scf.for %scan3A_232 = %scan3A_10 to %scan3A_12 step %scan3A_13 iter_args(%scan3A_233 = %scan3A_9) -> (i32)  : i32 {
      %mul3A_234 = arith.constant 10000 : i32
      %mul3A_235 = arith.muli %scan3A_232, %mul3A_234 : i32
      %add3A = arith.addi %mul3A_2, %mul3A_235 : i32
      %multiple_of3A = tpu.assume_multiple %add3A, 8 : i32
      "tpu.region"() ({
        %run_scoped3A = tpu.sem_alloc : memref<!tpu.dma_semaphore, #tpu.memory_space<semaphore_mem>>
        %dma_start3A = tpu.memref_slice %arg4[%multiple_of3A] : memref<800000xi32, #tpu.memory_space<hbm>> -> memref<10000xi32, #tpu.memory_space<hbm>>
        %dma_start3A_237 = tpu.memref_slice %arg4[%multiple_of3A] : memref<800000xi32, #tpu.memory_space<hbm>> -> memref<10000xi32, #tpu.memory_space<hbm>>
        tpu.enqueue_dma source(%dma_start3A_237 : memref<10000xi32, #tpu.memory_space<hbm>>) target(%arg18 : memref<10000xi32, #tpu.memory_space<vmem>>) target_semaphore(%run_scoped3A : memref<!tpu.dma_semaphore, #tpu.memory_space<semaphore_mem>>)
        %dma_wait3A = tpu.memref_slice %arg4[%multiple_of3A] : memref<800000xi32, #tpu.memory_space<hbm>> -> memref<10000xi32, #tpu.memory_space<hbm>>
        %dma_wait3A_238 = tpu.memref_slice %arg4[%multiple_of3A] : memref<800000xi32, #tpu.memory_space<hbm>> -> memref<10000xi32, #tpu.memory_space<hbm>>
        tpu.wait_dma2 semaphore(%run_scoped3A : memref<!tpu.dma_semaphore, #tpu.memory_space<semaphore_mem>>) src(%dma_wait3A_238 : memref<10000xi32, #tpu.memory_space<hbm>>) dst(%arg18 : memref<10000xi32, #tpu.memory_space<vmem>>)
        tpu.yield
      }) : () -> ()
      "tpu.region"() ({
        %run_scoped3A = tpu.sem_alloc : memref<!tpu.dma_semaphore, #tpu.memory_space<semaphore_mem>>
        %dma_start3A = tpu.memref_slice %arg5[%multiple_of3A] : memref<800000xf32, #tpu.memory_space<hbm>> -> memref<10000xf32, #tpu.memory_space<hbm>>
        %dma_start3A_237 = tpu.memref_slice %arg5[%multiple_of3A] : memref<800000xf32, #tpu.memory_space<hbm>> -> memref<10000xf32, #tpu.memory_space<hbm>>
        tpu.enqueue_dma source(%dma_start3A_237 : memref<10000xf32, #tpu.memory_space<hbm>>) target(%arg19 : memref<10000xf32, #tpu.memory_space<vmem>>) target_semaphore(%run_scoped3A : memref<!tpu.dma_semaphore, #tpu.memory_space<semaphore_mem>>)
        %dma_wait3A = tpu.memref_slice %arg5[%multiple_of3A] : memref<800000xf32, #tpu.memory_space<hbm>> -> memref<10000xf32, #tpu.memory_space<hbm>>
        %dma_wait3A_238 = tpu.memref_slice %arg5[%multiple_of3A] : memref<800000xf32, #tpu.memory_space<hbm>> -> memref<10000xf32, #tpu.memory_space<hbm>>
        tpu.wait_dma2 semaphore(%run_scoped3A : memref<!tpu.dma_semaphore, #tpu.memory_space<semaphore_mem>>) src(%dma_wait3A_238 : memref<10000xf32, #tpu.memory_space<hbm>>) dst(%arg19 : memref<10000xf32, #tpu.memory_space<vmem>>)
        tpu.yield
      }) : () -> ()
      "tpu.region"() ({
        %run_scoped3A = tpu.sem_alloc : memref<!tpu.dma_semaphore, #tpu.memory_space<semaphore_mem>>
        %dma_start3A = arith.constant 0 : i32
        %dma_start3A_237 = tpu.memref_slice %arg16[%dma_start3A] : memref<800000xf32, #tpu.memory_space<vmem_shared>> -> memref<800000xf32, #tpu.memory_space<vmem_shared>>
        tpu.enqueue_indirect_dma source(%arg19 : memref<10000xf32, #tpu.memory_space<vmem>>) target(%dma_start3A_237 : memref<800000xf32, #tpu.memory_space<vmem_shared>>) offsets(%arg18 : memref<10000xi32, #tpu.memory_space<vmem>>) semaphore(%run_scoped3A : memref<!tpu.dma_semaphore, #tpu.memory_space<semaphore_mem>>) {add = true}
        %dma_wait3A = arith.constant 0 : i32
        %dma_wait3A_238 = tpu.memref_slice %arg16[%dma_wait3A] : memref<800000xf32, #tpu.memory_space<vmem_shared>> -> memref<800000xf32, #tpu.memory_space<vmem_shared>>
        tpu.wait_indirect_dma semaphore(%run_scoped3A : memref<!tpu.dma_semaphore, #tpu.memory_space<semaphore_mem>>) src(%arg19 : memref<10000xf32, #tpu.memory_space<vmem>>) dst(%dma_wait3A_238 : memref<800000xf32, #tpu.memory_space<vmem_shared>>)
        tpu.yield
      }) : () -> ()
      %scan3A_236 = arith.constant 0 : i32
      scf.yield %scan3A_236 : i32
    }
    %scan3A_15 = arith.constant 5 : i32
    %barrier3A_16 = arith.constant 0 : index
    tpu.barrier barrier_id(%barrier3A_16)
    "tpu.region"() ({
      %run_scoped3A = tpu.sem_alloc : memref<!tpu.dma_semaphore, #tpu.memory_space<semaphore_mem>>
      %dma_start3A = tpu.memref_slice %arg16[%mul3A_0] : memref<800000xf32, #tpu.memory_space<vmem_shared>> -> memref<3136xf32, #tpu.memory_space<vmem_shared>>
      %dma_start3A_232 = tpu.memref_slice %arg16[%mul3A_0] : memref<800000xf32, #tpu.memory_space<vmem_shared>> -> memref<3136xf32, #tpu.memory_space<vmem_shared>>
      tpu.enqueue_dma source(%dma_start3A_232 : memref<3136xf32, #tpu.memory_space<vmem_shared>>) target(%arg22 : memref<3136xf32, #tpu.memory_space<vmem>>) target_semaphore(%run_scoped3A : memref<!tpu.dma_semaphore, #tpu.memory_space<semaphore_mem>>)
      %dma_wait3A = tpu.memref_slice %arg16[%mul3A_0] : memref<800000xf32, #tpu.memory_space<vmem_shared>> -> memref<3136xf32, #tpu.memory_space<vmem_shared>>
      %dma_wait3A_233 = tpu.memref_slice %arg16[%mul3A_0] : memref<800000xf32, #tpu.memory_space<vmem_shared>> -> memref<3136xf32, #tpu.memory_space<vmem_shared>>
      tpu.wait_dma2 semaphore(%run_scoped3A : memref<!tpu.dma_semaphore, #tpu.memory_space<semaphore_mem>>) src(%dma_wait3A_233 : memref<3136xf32, #tpu.memory_space<vmem_shared>>) dst(%arg22 : memref<3136xf32, #tpu.memory_space<vmem>>)
      tpu.yield
    }) : () -> ()
    %scan3A_17 = arith.constant 0 : i32
    %scan3A_18 = arith.constant 0 : i32
    %scan3A_19 = arith.constant 196 : i32
    %scan3A_20 = arith.addi %scan3A_18, %scan3A_19 : i32
    %scan3A_21 = arith.constant 1 : i32
    %scan3A_22 = scf.for %scan3A_232 = %scan3A_18 to %scan3A_20 step %scan3A_21 iter_args(%scan3A_233 = %scan3A_17) -> (i32)  : i32 {
      %mul3A_234 = arith.constant 16 : i32
      %mul3A_235 = arith.muli %scan3A_232, %mul3A_234 : i32
      %multiple_of3A = tpu.assume_multiple %mul3A_235, 16 : i32
      %get3A = arith.index_cast %multiple_of3A : i32 to index
      %get3A_236 = tpu.vector_load %arg22[%get3A] {strides = array<i32>} : memref<3136xf32, #tpu.memory_space<vmem>>, vector<16xf32>,
      %get3A_237 = vector.shape_cast %get3A_236 : vector<16xf32> to vector<16xf32>
      %bitcast_convert_type3A = tpu.bitcast %get3A_237 : vector<16xf32> -> vector<16xi32>
      %shift_right_arithmetic3A = arith.constant 1 : i32
      %shift_right_arithmetic3A_238 = vector.broadcast %shift_right_arithmetic3A : i32 to vector<16xi32>
      %shift_right_arithmetic3A_239 = arith.shrsi %bitcast_convert_type3A, %shift_right_arithmetic3A_238 : vector<16xi32>
      %sub3A = arith.constant 1597463007 : i32
      %sub3A_240 = vector.broadcast %sub3A : i32 to vector<16xi32>
      %sub3A_241 = arith.subi %sub3A_240, %shift_right_arithmetic3A_239 : vector<16xi32>
      %bitcast_convert_type3A_242 = tpu.bitcast %sub3A_241 : vector<16xi32> -> vector<16xf32>
      %mul3A_243 = arith.constant 5.000000e-01 : f32
      %mul3A_244 = vector.broadcast %mul3A_243 : f32 to vector<16xf32>
      %mul3A_245 = arith.mulf %mul3A_244, %get3A_237 : vector<16xf32>
      %mul3A_246 = arith.mulf %mul3A_245, %bitcast_convert_type3A_242 : vector<16xf32>
      %mul3A_247 = arith.mulf %mul3A_246, %bitcast_convert_type3A_242 : vector<16xf32>
      %sub3A_248 = arith.constant 1.500000e+00 : f32
      %sub3A_249 = vector.broadcast %sub3A_248 : f32 to vector<16xf32>
      %sub3A_250 = arith.subf %sub3A_249, %mul3A_247 : vector<16xf32>
      %mul3A_251 = arith.mulf %bitcast_convert_type3A_242, %sub3A_250 : vector<16xf32>
      %mul3A_252 = arith.constant 5.000000e-01 : f32
      %mul3A_253 = vector.broadcast %mul3A_252 : f32 to vector<16xf32>
      %mul3A_254 = arith.mulf %mul3A_253, %get3A_237 : vector<16xf32>
      %mul3A_255 = arith.mulf %mul3A_254, %mul3A_251 : vector<16xf32>
      %mul3A_256 = arith.mulf %mul3A_255, %mul3A_251 : vector<16xf32>
      %sub3A_257 = arith.constant 1.500000e+00 : f32
      %sub3A_258 = vector.broadcast %sub3A_257 : f32 to vector<16xf32>
      %sub3A_259 = arith.subf %sub3A_258, %mul3A_256 : vector<16xf32>
      %mul3A_260 = arith.mulf %mul3A_251, %sub3A_259 : vector<16xf32>
      %mul3A_261 = arith.constant 5.000000e-01 : f32
      %mul3A_262 = vector.broadcast %mul3A_261 : f32 to vector<16xf32>
      %mul3A_263 = arith.mulf %mul3A_262, %get3A_237 : vector<16xf32>
      %mul3A_264 = arith.mulf %mul3A_263, %mul3A_260 : vector<16xf32>
      %mul3A_265 = arith.mulf %mul3A_264, %mul3A_260 : vector<16xf32>
      %sub3A_266 = arith.constant 1.500000e+00 : f32
      %sub3A_267 = vector.broadcast %sub3A_266 : f32 to vector<16xf32>
      %sub3A_268 = arith.subf %sub3A_267, %mul3A_265 : vector<16xf32>
      %mul3A_269 = arith.mulf %mul3A_260, %sub3A_268 : vector<16xf32>
      %swap3A = arith.index_cast %multiple_of3A : i32 to index
      %swap3A_270 = tpu.vector_load %arg23[%swap3A] {strides = array<i32>} : memref<3136xf32, #tpu.memory_space<vmem>>, vector<16xf32>,
      %swap3A_271 = vector.shape_cast %swap3A_270 : vector<16xf32> to vector<16xf32>
      %swap3A_272 = vector.shape_cast %mul3A_269 : vector<16xf32> to vector<16xf32>
      tpu.vector_store %arg23[%swap3A], %swap3A_272 {strides = array<i32>} : memref<3136xf32, #tpu.memory_space<vmem>>, vector<16xf32>,
      %mul3A_273 = arith.mulf %mul3A_269, %mul3A_269 : vector<16xf32>
      %swap3A_274 = arith.index_cast %multiple_of3A : i32 to index
      %swap3A_275 = tpu.vector_load %arg24[%swap3A_274] {strides = array<i32>} : memref<3136xf32, #tpu.memory_space<vmem>>, vector<16xf32>,
      %swap3A_276 = vector.shape_cast %swap3A_275 : vector<16xf32> to vector<16xf32>
      %swap3A_277 = vector.shape_cast %mul3A_273 : vector<16xf32> to vector<16xf32>
      tpu.vector_store %arg24[%swap3A_274], %swap3A_277 {strides = array<i32>} : memref<3136xf32, #tpu.memory_space<vmem>>, vector<16xf32>,
      %scan3A_278 = arith.constant 0 : i32
      scf.yield %scan3A_278 : i32
    }
    %scan3A_23 = arith.constant 196 : i32
    "tpu.region"() ({
      %run_scoped3A = tpu.sem_alloc : memref<!tpu.dma_semaphore, #tpu.memory_space<semaphore_mem>>
      %dma_start3A = tpu.memref_slice %arg14[%mul3A_0] : memref<50176xf32, #tpu.memory_space<vmem_shared>> -> memref<3136xf32, #tpu.memory_space<vmem_shared>>
      %dma_start3A_232 = tpu.memref_slice %arg14[%mul3A_0] : memref<50176xf32, #tpu.memory_space<vmem_shared>> -> memref<3136xf32, #tpu.memory_space<vmem_shared>>
      tpu.enqueue_dma source(%arg23 : memref<3136xf32, #tpu.memory_space<vmem>>) target(%dma_start3A_232 : memref<3136xf32, #tpu.memory_space<vmem_shared>>) target_semaphore(%run_scoped3A : memref<!tpu.dma_semaphore, #tpu.memory_space<semaphore_mem>>)
      %dma_wait3A = tpu.memref_slice %arg14[%mul3A_0] : memref<50176xf32, #tpu.memory_space<vmem_shared>> -> memref<3136xf32, #tpu.memory_space<vmem_shared>>
      %dma_wait3A_233 = tpu.memref_slice %arg14[%mul3A_0] : memref<50176xf32, #tpu.memory_space<vmem_shared>> -> memref<3136xf32, #tpu.memory_space<vmem_shared>>
      tpu.wait_dma2 semaphore(%run_scoped3A : memref<!tpu.dma_semaphore, #tpu.memory_space<semaphore_mem>>) src(%arg23 : memref<3136xf32, #tpu.memory_space<vmem>>) dst(%dma_wait3A_233 : memref<3136xf32, #tpu.memory_space<vmem_shared>>)
      tpu.yield
    }) : () -> ()
    "tpu.region"() ({
      %run_scoped3A = tpu.sem_alloc : memref<!tpu.dma_semaphore, #tpu.memory_space<semaphore_mem>>
      %dma_start3A = tpu.memref_slice %arg15[%mul3A_0] : memref<50176xf32, #tpu.memory_space<vmem_shared>> -> memref<3136xf32, #tpu.memory_space<vmem_shared>>
      %dma_start3A_232 = tpu.memref_slice %arg15[%mul3A_0] : memref<50176xf32, #tpu.memory_space<vmem_shared>> -> memref<3136xf32, #tpu.memory_space<vmem_shared>>
      tpu.enqueue_dma source(%arg24 : memref<3136xf32, #tpu.memory_space<vmem>>) target(%dma_start3A_232 : memref<3136xf32, #tpu.memory_space<vmem_shared>>) target_semaphore(%run_scoped3A : memref<!tpu.dma_semaphore, #tpu.memory_space<semaphore_mem>>)
      %dma_wait3A = tpu.memref_slice %arg15[%mul3A_0] : memref<50176xf32, #tpu.memory_space<vmem_shared>> -> memref<3136xf32, #tpu.memory_space<vmem_shared>>
      %dma_wait3A_233 = tpu.memref_slice %arg15[%mul3A_0] : memref<50176xf32, #tpu.memory_space<vmem_shared>> -> memref<3136xf32, #tpu.memory_space<vmem_shared>>
      tpu.wait_dma2 semaphore(%run_scoped3A : memref<!tpu.dma_semaphore, #tpu.memory_space<semaphore_mem>>) src(%arg24 : memref<3136xf32, #tpu.memory_space<vmem>>) dst(%dma_wait3A_233 : memref<3136xf32, #tpu.memory_space<vmem_shared>>)
      tpu.yield
    }) : () -> ()
    %barrier3A_24 = arith.constant 0 : index
    tpu.barrier barrier_id(%barrier3A_24)
    %scan3A_25 = arith.constant 0 : i32
    %scan3A_26 = arith.constant 0 : i32
    %scan3A_27 = arith.constant 5 : i32
    %scan3A_28 = arith.addi %scan3A_26, %scan3A_27 : i32
    %scan3A_29 = arith.constant 1 : i32
    %scan3A_30 = scf.for %scan3A_232 = %scan3A_26 to %scan3A_28 step %scan3A_29 iter_args(%scan3A_233 = %scan3A_25) -> (i32)  : i32 {
      %mul3A_234 = arith.constant 10000 : i32
      %mul3A_235 = arith.muli %scan3A_232, %mul3A_234 : i32
      %add3A = arith.addi %mul3A_2, %mul3A_235 : i32
      %multiple_of3A = tpu.assume_multiple %add3A, 8 : i32
      "tpu.region"() ({
        %run_scoped3A = tpu.sem_alloc : memref<!tpu.dma_semaphore, #tpu.memory_space<semaphore_mem>>
        %dma_start3A = tpu.memref_slice %arg3[%multiple_of3A] : memref<800000xi32, #tpu.memory_space<hbm>> -> memref<10000xi32, #tpu.memory_space<hbm>>
        %dma_start3A_244 = tpu.memref_slice %arg3[%multiple_of3A] : memref<800000xi32, #tpu.memory_space<hbm>> -> memref<10000xi32, #tpu.memory_space<hbm>>
        tpu.enqueue_dma source(%dma_start3A_244 : memref<10000xi32, #tpu.memory_space<hbm>>) target(%arg17 : memref<10000xi32, #tpu.memory_space<vmem>>) target_semaphore(%run_scoped3A : memref<!tpu.dma_semaphore, #tpu.memory_space<semaphore_mem>>)
        %dma_wait3A = tpu.memref_slice %arg3[%multiple_of3A] : memref<800000xi32, #tpu.memory_space<hbm>> -> memref<10000xi32, #tpu.memory_space<hbm>>
        %dma_wait3A_245 = tpu.memref_slice %arg3[%multiple_of3A] : memref<800000xi32, #tpu.memory_space<hbm>> -> memref<10000xi32, #tpu.memory_space<hbm>>
        tpu.wait_dma2 semaphore(%run_scoped3A : memref<!tpu.dma_semaphore, #tpu.memory_space<semaphore_mem>>) src(%dma_wait3A_245 : memref<10000xi32, #tpu.memory_space<hbm>>) dst(%arg17 : memref<10000xi32, #tpu.memory_space<vmem>>)
        tpu.yield
      }) : () -> ()
      "tpu.region"() ({
        %run_scoped3A = tpu.sem_alloc : memref<!tpu.dma_semaphore, #tpu.memory_space<semaphore_mem>>
        %dma_start3A = tpu.memref_slice %arg4[%multiple_of3A] : memref<800000xi32, #tpu.memory_space<hbm>> -> memref<10000xi32, #tpu.memory_space<hbm>>
        %dma_start3A_244 = tpu.memref_slice %arg4[%multiple_of3A] : memref<800000xi32, #tpu.memory_space<hbm>> -> memref<10000xi32, #tpu.memory_space<hbm>>
        tpu.enqueue_dma source(%dma_start3A_244 : memref<10000xi32, #tpu.memory_space<hbm>>) target(%arg18 : memref<10000xi32, #tpu.memory_space<vmem>>) target_semaphore(%run_scoped3A : memref<!tpu.dma_semaphore, #tpu.memory_space<semaphore_mem>>)
        %dma_wait3A = tpu.memref_slice %arg4[%multiple_of3A] : memref<800000xi32, #tpu.memory_space<hbm>> -> memref<10000xi32, #tpu.memory_space<hbm>>
        %dma_wait3A_245 = tpu.memref_slice %arg4[%multiple_of3A] : memref<800000xi32, #tpu.memory_space<hbm>> -> memref<10000xi32, #tpu.memory_space<hbm>>
        tpu.wait_dma2 semaphore(%run_scoped3A : memref<!tpu.dma_semaphore, #tpu.memory_space<semaphore_mem>>) src(%dma_wait3A_245 : memref<10000xi32, #tpu.memory_space<hbm>>) dst(%arg18 : memref<10000xi32, #tpu.memory_space<vmem>>)
        tpu.yield
      }) : () -> ()
      "tpu.region"() ({
        %run_scoped3A = tpu.sem_alloc : memref<!tpu.dma_semaphore, #tpu.memory_space<semaphore_mem>>
        %dma_start3A = tpu.memref_slice %arg5[%multiple_of3A] : memref<800000xf32, #tpu.memory_space<hbm>> -> memref<10000xf32, #tpu.memory_space<hbm>>
        %dma_start3A_244 = tpu.memref_slice %arg5[%multiple_of3A] : memref<800000xf32, #tpu.memory_space<hbm>> -> memref<10000xf32, #tpu.memory_space<hbm>>
        tpu.enqueue_dma source(%dma_start3A_244 : memref<10000xf32, #tpu.memory_space<hbm>>) target(%arg19 : memref<10000xf32, #tpu.memory_space<vmem>>) target_semaphore(%run_scoped3A : memref<!tpu.dma_semaphore, #tpu.memory_space<semaphore_mem>>)
        %dma_wait3A = tpu.memref_slice %arg5[%multiple_of3A] : memref<800000xf32, #tpu.memory_space<hbm>> -> memref<10000xf32, #tpu.memory_space<hbm>>
        %dma_wait3A_245 = tpu.memref_slice %arg5[%multiple_of3A] : memref<800000xf32, #tpu.memory_space<hbm>> -> memref<10000xf32, #tpu.memory_space<hbm>>
        tpu.wait_dma2 semaphore(%run_scoped3A : memref<!tpu.dma_semaphore, #tpu.memory_space<semaphore_mem>>) src(%dma_wait3A_245 : memref<10000xf32, #tpu.memory_space<hbm>>) dst(%arg19 : memref<10000xf32, #tpu.memory_space<vmem>>)
        tpu.yield
      }) : () -> ()
      "tpu.region"() ({
        %run_scoped3A = tpu.sem_alloc : memref<!tpu.dma_semaphore, #tpu.memory_space<semaphore_mem>>
        %dma_start3A = arith.constant 0 : i32
        %dma_start3A_244 = tpu.memref_slice %arg14[%dma_start3A] : memref<50176xf32, #tpu.memory_space<vmem_shared>> -> memref<50176xf32, #tpu.memory_space<vmem_shared>>
        tpu.enqueue_indirect_dma source(%dma_start3A_244 : memref<50176xf32, #tpu.memory_space<vmem_shared>>) target(%arg20 : memref<10000xf32, #tpu.memory_space<vmem>>) offsets(%arg17 : memref<10000xi32, #tpu.memory_space<vmem>>) semaphore(%run_scoped3A : memref<!tpu.dma_semaphore, #tpu.memory_space<semaphore_mem>>)
        %dma_wait3A = arith.constant 0 : i32
        %dma_wait3A_245 = tpu.memref_slice %arg14[%dma_wait3A] : memref<50176xf32, #tpu.memory_space<vmem_shared>> -> memref<50176xf32, #tpu.memory_space<vmem_shared>>
        tpu.wait_indirect_dma semaphore(%run_scoped3A : memref<!tpu.dma_semaphore, #tpu.memory_space<semaphore_mem>>) src(%dma_wait3A_245 : memref<50176xf32, #tpu.memory_space<vmem_shared>>) dst(%arg20 : memref<10000xf32, #tpu.memory_space<vmem>>)
        tpu.yield
      }) : () -> ()
      "tpu.region"() ({
        %run_scoped3A = tpu.sem_alloc : memref<!tpu.dma_semaphore, #tpu.memory_space<semaphore_mem>>
        %dma_start3A = arith.constant 0 : i32
        %dma_start3A_244 = tpu.memref_slice %arg14[%dma_start3A] : memref<50176xf32, #tpu.memory_space<vmem_shared>> -> memref<50176xf32, #tpu.memory_space<vmem_shared>>
        tpu.enqueue_indirect_dma source(%dma_start3A_244 : memref<50176xf32, #tpu.memory_space<vmem_shared>>) target(%arg21 : memref<10000xf32, #tpu.memory_space<vmem>>) offsets(%arg18 : memref<10000xi32, #tpu.memory_space<vmem>>) semaphore(%run_scoped3A : memref<!tpu.dma_semaphore, #tpu.memory_space<semaphore_mem>>)
        %dma_wait3A = arith.constant 0 : i32
        %dma_wait3A_245 = tpu.memref_slice %arg14[%dma_wait3A] : memref<50176xf32, #tpu.memory_space<vmem_shared>> -> memref<50176xf32, #tpu.memory_space<vmem_shared>>
        tpu.wait_indirect_dma semaphore(%run_scoped3A : memref<!tpu.dma_semaphore, #tpu.memory_space<semaphore_mem>>) src(%dma_wait3A_245 : memref<50176xf32, #tpu.memory_space<vmem_shared>>) dst(%arg21 : memref<10000xf32, #tpu.memory_space<vmem>>)
        tpu.yield
      }) : () -> ()
      %scan3A_236 = arith.constant 0 : i32
      %scan3A_237 = arith.constant 0 : i32
      %scan3A_238 = arith.constant 625 : i32
      %scan3A_239 = arith.addi %scan3A_237, %scan3A_238 : i32
      %scan3A_240 = arith.constant 1 : i32
      %scan3A_241 = scf.for %scan3A_244 = %scan3A_237 to %scan3A_239 step %scan3A_240 iter_args(%scan3A_245 = %scan3A_236) -> (i32)  : i32 {
        %mul3A_246 = arith.constant 16 : i32
        %mul3A_247 = arith.muli %scan3A_244, %mul3A_246 : i32
        %multiple_of3A_248 = tpu.assume_multiple %mul3A_247, 16 : i32
        %get3A = arith.index_cast %multiple_of3A_248 : i32 to index
        %get3A_249 = tpu.vector_load %arg20[%get3A] {strides = array<i32>} : memref<10000xf32, #tpu.memory_space<vmem>>, vector<16xf32>,
        %get3A_250 = vector.shape_cast %get3A_249 : vector<16xf32> to vector<16xf32>
        %get3A_251 = arith.index_cast %multiple_of3A_248 : i32 to index
        %get3A_252 = tpu.vector_load %arg21[%get3A_251] {strides = array<i32>} : memref<10000xf32, #tpu.memory_space<vmem>>, vector<16xf32>,
        %get3A_253 = vector.shape_cast %get3A_252 : vector<16xf32> to vector<16xf32>
        %mul3A_254 = arith.mulf %get3A_250, %get3A_253 : vector<16xf32>
        %get3A_255 = arith.index_cast %multiple_of3A_248 : i32 to index
        %get3A_256 = tpu.vector_load %arg19[%get3A_255] {strides = array<i32>} : memref<10000xf32, #tpu.memory_space<vmem>>, vector<16xf32>,
        %get3A_257 = vector.shape_cast %get3A_256 : vector<16xf32> to vector<16xf32>
        %mul3A_258 = arith.mulf %mul3A_254, %get3A_257 : vector<16xf32>
        %swap3A = arith.index_cast %multiple_of3A_248 : i32 to index
        %swap3A_259 = tpu.vector_load %arg19[%swap3A] {strides = array<i32>} : memref<10000xf32, #tpu.memory_space<vmem>>, vector<16xf32>,
        %swap3A_260 = vector.shape_cast %swap3A_259 : vector<16xf32> to vector<16xf32>
        %swap3A_261 = vector.shape_cast %mul3A_258 : vector<16xf32> to vector<16xf32>
        tpu.vector_store %arg19[%swap3A], %swap3A_261 {strides = array<i32>} : memref<10000xf32, #tpu.memory_space<vmem>>, vector<16xf32>,
        %scan3A_262 = arith.constant 0 : i32
        scf.yield %scan3A_262 : i32
      }
      %scan3A_242 = arith.constant 625 : i32
      "tpu.region"() ({
        %run_scoped3A = tpu.sem_alloc : memref<!tpu.dma_semaphore, #tpu.memory_space<semaphore_mem>>
        %dma_start3A = tpu.memref_slice %arg16[%multiple_of3A] : memref<800000xf32, #tpu.memory_space<vmem_shared>> -> memref<10000xf32, #tpu.memory_space<vmem_shared>>
        %dma_start3A_244 = tpu.memref_slice %arg16[%multiple_of3A] : memref<800000xf32, #tpu.memory_space<vmem_shared>> -> memref<10000xf32, #tpu.memory_space<vmem_shared>>
        tpu.enqueue_dma source(%arg19 : memref<10000xf32, #tpu.memory_space<vmem>>) target(%dma_start3A_244 : memref<10000xf32, #tpu.memory_space<vmem_shared>>) target_semaphore(%run_scoped3A : memref<!tpu.dma_semaphore, #tpu.memory_space<semaphore_mem>>)
        %dma_wait3A = tpu.memref_slice %arg16[%multiple_of3A] : memref<800000xf32, #tpu.memory_space<vmem_shared>> -> memref<10000xf32, #tpu.memory_space<vmem_shared>>
        %dma_wait3A_245 = tpu.memref_slice %arg16[%multiple_of3A] : memref<800000xf32, #tpu.memory_space<vmem_shared>> -> memref<10000xf32, #tpu.memory_space<vmem_shared>>
        tpu.wait_dma2 semaphore(%run_scoped3A : memref<!tpu.dma_semaphore, #tpu.memory_space<semaphore_mem>>) src(%arg19 : memref<10000xf32, #tpu.memory_space<vmem>>) dst(%dma_wait3A_245 : memref<10000xf32, #tpu.memory_space<vmem_shared>>)
        tpu.yield
      }) : () -> ()
      %scan3A_243 = arith.constant 0 : i32
      scf.yield %scan3A_243 : i32
    }
    %scan3A_31 = arith.constant 5 : i32
    %barrier3A_32 = arith.constant 0 : index
    tpu.barrier barrier_id(%barrier3A_32)
    "tpu.region"() ({
      %run_scoped3A = tpu.sem_alloc : memref<!tpu.dma_semaphore, #tpu.memory_space<semaphore_mem>>
      %dma_start3A = tpu.memref_slice %arg15[%mul3A_0] : memref<50176xf32, #tpu.memory_space<vmem_shared>> -> memref<3136xf32, #tpu.memory_space<vmem_shared>>
      %dma_start3A_232 = tpu.memref_slice %arg15[%mul3A_0] : memref<50176xf32, #tpu.memory_space<vmem_shared>> -> memref<3136xf32, #tpu.memory_space<vmem_shared>>
      tpu.enqueue_dma source(%dma_start3A_232 : memref<3136xf32, #tpu.memory_space<vmem_shared>>) target(%arg24 : memref<3136xf32, #tpu.memory_space<vmem>>) target_semaphore(%run_scoped3A : memref<!tpu.dma_semaphore, #tpu.memory_space<semaphore_mem>>)
      %dma_wait3A = tpu.memref_slice %arg15[%mul3A_0] : memref<50176xf32, #tpu.memory_space<vmem_shared>> -> memref<3136xf32, #tpu.memory_space<vmem_shared>>
      %dma_wait3A_233 = tpu.memref_slice %arg15[%mul3A_0] : memref<50176xf32, #tpu.memory_space<vmem_shared>> -> memref<3136xf32, #tpu.memory_space<vmem_shared>>
      tpu.wait_dma2 semaphore(%run_scoped3A : memref<!tpu.dma_semaphore, #tpu.memory_space<semaphore_mem>>) src(%dma_wait3A_233 : memref<3136xf32, #tpu.memory_space<vmem_shared>>) dst(%arg24 : memref<3136xf32, #tpu.memory_space<vmem>>)
      tpu.yield
    }) : () -> ()
    "tpu.region"() ({
      %run_scoped3A = tpu.sem_alloc : memref<!tpu.dma_semaphore, #tpu.memory_space<semaphore_mem>>
      %dma_start3A = tpu.memref_slice %arg10[%mul3A_0] : memref<50176xf32, #tpu.memory_space<vmem_shared>> -> memref<3136xf32, #tpu.memory_space<vmem_shared>>
      %dma_start3A_232 = tpu.memref_slice %arg10[%mul3A_0] : memref<50176xf32, #tpu.memory_space<vmem_shared>> -> memref<3136xf32, #tpu.memory_space<vmem_shared>>
      tpu.enqueue_dma source(%dma_start3A_232 : memref<3136xf32, #tpu.memory_space<vmem_shared>>) target(%arg22 : memref<3136xf32, #tpu.memory_space<vmem>>) target_semaphore(%run_scoped3A : memref<!tpu.dma_semaphore, #tpu.memory_space<semaphore_mem>>)
      %dma_wait3A = tpu.memref_slice %arg10[%mul3A_0] : memref<50176xf32, #tpu.memory_space<vmem_shared>> -> memref<3136xf32, #tpu.memory_space<vmem_shared>>
      %dma_wait3A_233 = tpu.memref_slice %arg10[%mul3A_0] : memref<50176xf32, #tpu.memory_space<vmem_shared>> -> memref<3136xf32, #tpu.memory_space<vmem_shared>>
      tpu.wait_dma2 semaphore(%run_scoped3A : memref<!tpu.dma_semaphore, #tpu.memory_space<semaphore_mem>>) src(%dma_wait3A_233 : memref<3136xf32, #tpu.memory_space<vmem_shared>>) dst(%arg22 : memref<3136xf32, #tpu.memory_space<vmem>>)
      tpu.yield
    }) : () -> ()
    "tpu.region"() ({
      %run_scoped3A = tpu.sem_alloc : memref<!tpu.dma_semaphore, #tpu.memory_space<semaphore_mem>>
      %dma_start3A = tpu.memref_slice %arg11[%mul3A_0] : memref<50176xf32, #tpu.memory_space<vmem_shared>> -> memref<3136xf32, #tpu.memory_space<vmem_shared>>
      %dma_start3A_232 = tpu.memref_slice %arg11[%mul3A_0] : memref<50176xf32, #tpu.memory_space<vmem_shared>> -> memref<3136xf32, #tpu.memory_space<vmem_shared>>
      tpu.enqueue_dma source(%dma_start3A_232 : memref<3136xf32, #tpu.memory_space<vmem_shared>>) target(%arg23 : memref<3136xf32, #tpu.memory_space<vmem>>) target_semaphore(%run_scoped3A : memref<!tpu.dma_semaphore, #tpu.memory_space<semaphore_mem>>)
      %dma_wait3A = tpu.memref_slice %arg11[%mul3A_0] : memref<50176xf32, #tpu.memory_space<vmem_shared>> -> memref<3136xf32, #tpu.memory_space<vmem_shared>>
      %dma_wait3A_233 = tpu.memref_slice %arg11[%mul3A_0] : memref<50176xf32, #tpu.memory_space<vmem_shared>> -> memref<3136xf32, #tpu.memory_space<vmem_shared>>
      tpu.wait_dma2 semaphore(%run_scoped3A : memref<!tpu.dma_semaphore, #tpu.memory_space<semaphore_mem>>) src(%dma_wait3A_233 : memref<3136xf32, #tpu.memory_space<vmem_shared>>) dst(%arg23 : memref<3136xf32, #tpu.memory_space<vmem>>)
      tpu.yield
    }) : () -> ()
    %scan3A_33 = arith.constant 0 : i32
    %scan3A_34 = arith.constant 0 : i32
    %scan3A_35 = arith.constant 196 : i32
    %scan3A_36 = arith.addi %scan3A_34, %scan3A_35 : i32
    %scan3A_37 = arith.constant 1 : i32
    %scan3A_38 = scf.for %scan3A_232 = %scan3A_34 to %scan3A_36 step %scan3A_37 iter_args(%scan3A_233 = %scan3A_33) -> (i32)  : i32 {
      %mul3A_234 = arith.constant 16 : i32
      %mul3A_235 = arith.muli %scan3A_232, %mul3A_234 : i32
      %multiple_of3A = tpu.assume_multiple %mul3A_235, 16 : i32
      %get3A = arith.index_cast %multiple_of3A : i32 to index
      %get3A_236 = tpu.vector_load %arg24[%get3A] {strides = array<i32>} : memref<3136xf32, #tpu.memory_space<vmem>>, vector<16xf32>,
      %get3A_237 = vector.shape_cast %get3A_236 : vector<16xf32> to vector<16xf32>
      %get3A_238 = arith.index_cast %multiple_of3A : i32 to index
      %get3A_239 = tpu.vector_load %arg22[%get3A_238] {strides = array<i32>} : memref<3136xf32, #tpu.memory_space<vmem>>, vector<16xf32>,
      %get3A_240 = vector.shape_cast %get3A_239 : vector<16xf32> to vector<16xf32>
      %mul3A_241 = arith.mulf %get3A_240, %get3A_237 : vector<16xf32>
      %swap3A = arith.index_cast %multiple_of3A : i32 to index
      %swap3A_242 = tpu.vector_load %arg22[%swap3A] {strides = array<i32>} : memref<3136xf32, #tpu.memory_space<vmem>>, vector<16xf32>,
      %swap3A_243 = vector.shape_cast %swap3A_242 : vector<16xf32> to vector<16xf32>
      %swap3A_244 = vector.shape_cast %mul3A_241 : vector<16xf32> to vector<16xf32>
      tpu.vector_store %arg22[%swap3A], %swap3A_244 {strides = array<i32>} : memref<3136xf32, #tpu.memory_space<vmem>>, vector<16xf32>,
      %get3A_245 = arith.index_cast %multiple_of3A : i32 to index
      %get3A_246 = tpu.vector_load %arg23[%get3A_245] {strides = array<i32>} : memref<3136xf32, #tpu.memory_space<vmem>>, vector<16xf32>,
      %get3A_247 = vector.shape_cast %get3A_246 : vector<16xf32> to vector<16xf32>
      %mul3A_248 = arith.mulf %get3A_247, %get3A_237 : vector<16xf32>
      %swap3A_249 = arith.index_cast %multiple_of3A : i32 to index
      %swap3A_250 = tpu.vector_load %arg23[%swap3A_249] {strides = array<i32>} : memref<3136xf32, #tpu.memory_space<vmem>>, vector<16xf32>,
      %swap3A_251 = vector.shape_cast %swap3A_250 : vector<16xf32> to vector<16xf32>
      %swap3A_252 = vector.shape_cast %mul3A_248 : vector<16xf32> to vector<16xf32>
      tpu.vector_store %arg23[%swap3A_249], %swap3A_252 {strides = array<i32>} : memref<3136xf32, #tpu.memory_space<vmem>>, vector<16xf32>,
      %scan3A_253 = arith.constant 0 : i32
      scf.yield %scan3A_253 : i32
    }
    %scan3A_39 = arith.constant 196 : i32
    "tpu.region"() ({
      %run_scoped3A = tpu.sem_alloc : memref<!tpu.dma_semaphore, #tpu.memory_space<semaphore_mem>>
      %dma_start3A = tpu.memref_slice %arg12[%mul3A_0] : memref<50176xf32, #tpu.memory_space<vmem_shared>> -> memref<3136xf32, #tpu.memory_space<vmem_shared>>
      %dma_start3A_232 = tpu.memref_slice %arg12[%mul3A_0] : memref<50176xf32, #tpu.memory_space<vmem_shared>> -> memref<3136xf32, #tpu.memory_space<vmem_shared>>
      tpu.enqueue_dma source(%arg22 : memref<3136xf32, #tpu.memory_space<vmem>>) target(%dma_start3A_232 : memref<3136xf32, #tpu.memory_space<vmem_shared>>) target_semaphore(%run_scoped3A : memref<!tpu.dma_semaphore, #tpu.memory_space<semaphore_mem>>)
      %dma_wait3A = tpu.memref_slice %arg12[%mul3A_0] : memref<50176xf32, #tpu.memory_space<vmem_shared>> -> memref<3136xf32, #tpu.memory_space<vmem_shared>>
      %dma_wait3A_233 = tpu.memref_slice %arg12[%mul3A_0] : memref<50176xf32, #tpu.memory_space<vmem_shared>> -> memref<3136xf32, #tpu.memory_space<vmem_shared>>
      tpu.wait_dma2 semaphore(%run_scoped3A : memref<!tpu.dma_semaphore, #tpu.memory_space<semaphore_mem>>) src(%arg22 : memref<3136xf32, #tpu.memory_space<vmem>>) dst(%dma_wait3A_233 : memref<3136xf32, #tpu.memory_space<vmem_shared>>)
      tpu.yield
    }) : () -> ()
    "tpu.region"() ({
      %run_scoped3A = tpu.sem_alloc : memref<!tpu.dma_semaphore, #tpu.memory_space<semaphore_mem>>
      %dma_start3A = tpu.memref_slice %arg13[%mul3A_0] : memref<50176xf32, #tpu.memory_space<vmem_shared>> -> memref<3136xf32, #tpu.memory_space<vmem_shared>>
      %dma_start3A_232 = tpu.memref_slice %arg13[%mul3A_0] : memref<50176xf32, #tpu.memory_space<vmem_shared>> -> memref<3136xf32, #tpu.memory_space<vmem_shared>>
      tpu.enqueue_dma source(%arg23 : memref<3136xf32, #tpu.memory_space<vmem>>) target(%dma_start3A_232 : memref<3136xf32, #tpu.memory_space<vmem_shared>>) target_semaphore(%run_scoped3A : memref<!tpu.dma_semaphore, #tpu.memory_space<semaphore_mem>>)
      %dma_wait3A = tpu.memref_slice %arg13[%mul3A_0] : memref<50176xf32, #tpu.memory_space<vmem_shared>> -> memref<3136xf32, #tpu.memory_space<vmem_shared>>
      %dma_wait3A_233 = tpu.memref_slice %arg13[%mul3A_0] : memref<50176xf32, #tpu.memory_space<vmem_shared>> -> memref<3136xf32, #tpu.memory_space<vmem_shared>>
      tpu.wait_dma2 semaphore(%run_scoped3A : memref<!tpu.dma_semaphore, #tpu.memory_space<semaphore_mem>>) src(%arg23 : memref<3136xf32, #tpu.memory_space<vmem>>) dst(%dma_wait3A_233 : memref<3136xf32, #tpu.memory_space<vmem_shared>>)
      tpu.yield
    }) : () -> ()
    %barrier3A_40 = arith.constant 0 : index
    tpu.barrier barrier_id(%barrier3A_40)
    %scan3A_41 = arith.constant 0 : i32
    %scan3A_42 = arith.constant 0 : i32
    %scan3A_43 = arith.constant 5 : i32
    %scan3A_44 = arith.addi %scan3A_42, %scan3A_43 : i32
    %scan3A_45 = arith.constant 1 : i32
    %scan3A_46 = scf.for %scan3A_232 = %scan3A_42 to %scan3A_44 step %scan3A_45 iter_args(%scan3A_233 = %scan3A_41) -> (i32)  : i32 {
      %mul3A_234 = arith.constant 10000 : i32
      %mul3A_235 = arith.muli %scan3A_232, %mul3A_234 : i32
      %add3A = arith.addi %mul3A_2, %mul3A_235 : i32
      %multiple_of3A = tpu.assume_multiple %add3A, 8 : i32
      "tpu.region"() ({
        %run_scoped3A = tpu.sem_alloc : memref<!tpu.dma_semaphore, #tpu.memory_space<semaphore_mem>>
        %dma_start3A = tpu.memref_slice %arg3[%multiple_of3A] : memref<800000xi32, #tpu.memory_space<hbm>> -> memref<10000xi32, #tpu.memory_space<hbm>>
        %dma_start3A_244 = tpu.memref_slice %arg3[%multiple_of3A] : memref<800000xi32, #tpu.memory_space<hbm>> -> memref<10000xi32, #tpu.memory_space<hbm>>
        tpu.enqueue_dma source(%dma_start3A_244 : memref<10000xi32, #tpu.memory_space<hbm>>) target(%arg17 : memref<10000xi32, #tpu.memory_space<vmem>>) target_semaphore(%run_scoped3A : memref<!tpu.dma_semaphore, #tpu.memory_space<semaphore_mem>>)
        %dma_wait3A = tpu.memref_slice %arg3[%multiple_of3A] : memref<800000xi32, #tpu.memory_space<hbm>> -> memref<10000xi32, #tpu.memory_space<hbm>>
        %dma_wait3A_245 = tpu.memref_slice %arg3[%multiple_of3A] : memref<800000xi32, #tpu.memory_space<hbm>> -> memref<10000xi32, #tpu.memory_space<hbm>>
        tpu.wait_dma2 semaphore(%run_scoped3A : memref<!tpu.dma_semaphore, #tpu.memory_space<semaphore_mem>>) src(%dma_wait3A_245 : memref<10000xi32, #tpu.memory_space<hbm>>) dst(%arg17 : memref<10000xi32, #tpu.memory_space<vmem>>)
        tpu.yield
      }) : () -> ()
      "tpu.region"() ({
        %run_scoped3A = tpu.sem_alloc : memref<!tpu.dma_semaphore, #tpu.memory_space<semaphore_mem>>
        %dma_start3A = tpu.memref_slice %arg4[%multiple_of3A] : memref<800000xi32, #tpu.memory_space<hbm>> -> memref<10000xi32, #tpu.memory_space<hbm>>
        %dma_start3A_244 = tpu.memref_slice %arg4[%multiple_of3A] : memref<800000xi32, #tpu.memory_space<hbm>> -> memref<10000xi32, #tpu.memory_space<hbm>>
        tpu.enqueue_dma source(%dma_start3A_244 : memref<10000xi32, #tpu.memory_space<hbm>>) target(%arg18 : memref<10000xi32, #tpu.memory_space<vmem>>) target_semaphore(%run_scoped3A : memref<!tpu.dma_semaphore, #tpu.memory_space<semaphore_mem>>)
        %dma_wait3A = tpu.memref_slice %arg4[%multiple_of3A] : memref<800000xi32, #tpu.memory_space<hbm>> -> memref<10000xi32, #tpu.memory_space<hbm>>
        %dma_wait3A_245 = tpu.memref_slice %arg4[%multiple_of3A] : memref<800000xi32, #tpu.memory_space<hbm>> -> memref<10000xi32, #tpu.memory_space<hbm>>
        tpu.wait_dma2 semaphore(%run_scoped3A : memref<!tpu.dma_semaphore, #tpu.memory_space<semaphore_mem>>) src(%dma_wait3A_245 : memref<10000xi32, #tpu.memory_space<hbm>>) dst(%arg18 : memref<10000xi32, #tpu.memory_space<vmem>>)
        tpu.yield
      }) : () -> ()
      "tpu.region"() ({
        %run_scoped3A = tpu.sem_alloc : memref<!tpu.dma_semaphore, #tpu.memory_space<semaphore_mem>>
        %dma_start3A = tpu.memref_slice %arg16[%multiple_of3A] : memref<800000xf32, #tpu.memory_space<vmem_shared>> -> memref<10000xf32, #tpu.memory_space<vmem_shared>>
        %dma_start3A_244 = tpu.memref_slice %arg16[%multiple_of3A] : memref<800000xf32, #tpu.memory_space<vmem_shared>> -> memref<10000xf32, #tpu.memory_space<vmem_shared>>
        tpu.enqueue_dma source(%dma_start3A_244 : memref<10000xf32, #tpu.memory_space<vmem_shared>>) target(%arg19 : memref<10000xf32, #tpu.memory_space<vmem>>) target_semaphore(%run_scoped3A : memref<!tpu.dma_semaphore, #tpu.memory_space<semaphore_mem>>)
        %dma_wait3A = tpu.memref_slice %arg16[%multiple_of3A] : memref<800000xf32, #tpu.memory_space<vmem_shared>> -> memref<10000xf32, #tpu.memory_space<vmem_shared>>
        %dma_wait3A_245 = tpu.memref_slice %arg16[%multiple_of3A] : memref<800000xf32, #tpu.memory_space<vmem_shared>> -> memref<10000xf32, #tpu.memory_space<vmem_shared>>
        tpu.wait_dma2 semaphore(%run_scoped3A : memref<!tpu.dma_semaphore, #tpu.memory_space<semaphore_mem>>) src(%dma_wait3A_245 : memref<10000xf32, #tpu.memory_space<vmem_shared>>) dst(%arg19 : memref<10000xf32, #tpu.memory_space<vmem>>)
        tpu.yield
      }) : () -> ()
      "tpu.region"() ({
        %run_scoped3A = tpu.sem_alloc : memref<!tpu.dma_semaphore, #tpu.memory_space<semaphore_mem>>
        %dma_start3A = arith.constant 0 : i32
        %dma_start3A_244 = tpu.memref_slice %arg10[%dma_start3A] : memref<50176xf32, #tpu.memory_space<vmem_shared>> -> memref<50176xf32, #tpu.memory_space<vmem_shared>>
        tpu.enqueue_indirect_dma source(%dma_start3A_244 : memref<50176xf32, #tpu.memory_space<vmem_shared>>) target(%arg20 : memref<10000xf32, #tpu.memory_space<vmem>>) offsets(%arg17 : memref<10000xi32, #tpu.memory_space<vmem>>) semaphore(%run_scoped3A : memref<!tpu.dma_semaphore, #tpu.memory_space<semaphore_mem>>)
        %dma_wait3A = arith.constant 0 : i32
        %dma_wait3A_245 = tpu.memref_slice %arg10[%dma_wait3A] : memref<50176xf32, #tpu.memory_space<vmem_shared>> -> memref<50176xf32, #tpu.memory_space<vmem_shared>>
        tpu.wait_indirect_dma semaphore(%run_scoped3A : memref<!tpu.dma_semaphore, #tpu.memory_space<semaphore_mem>>) src(%dma_wait3A_245 : memref<50176xf32, #tpu.memory_space<vmem_shared>>) dst(%arg20 : memref<10000xf32, #tpu.memory_space<vmem>>)
        tpu.yield
      }) : () -> ()
      "tpu.region"() ({
        %run_scoped3A = tpu.sem_alloc : memref<!tpu.dma_semaphore, #tpu.memory_space<semaphore_mem>>
        %dma_start3A = arith.constant 0 : i32
        %dma_start3A_244 = tpu.memref_slice %arg11[%dma_start3A] : memref<50176xf32, #tpu.memory_space<vmem_shared>> -> memref<50176xf32, #tpu.memory_space<vmem_shared>>
        tpu.enqueue_indirect_dma source(%dma_start3A_244 : memref<50176xf32, #tpu.memory_space<vmem_shared>>) target(%arg21 : memref<10000xf32, #tpu.memory_space<vmem>>) offsets(%arg17 : memref<10000xi32, #tpu.memory_space<vmem>>) semaphore(%run_scoped3A : memref<!tpu.dma_semaphore, #tpu.memory_space<semaphore_mem>>)
        %dma_wait3A = arith.constant 0 : i32
        %dma_wait3A_245 = tpu.memref_slice %arg11[%dma_wait3A] : memref<50176xf32, #tpu.memory_space<vmem_shared>> -> memref<50176xf32, #tpu.memory_space<vmem_shared>>
        tpu.wait_indirect_dma semaphore(%run_scoped3A : memref<!tpu.dma_semaphore, #tpu.memory_space<semaphore_mem>>) src(%dma_wait3A_245 : memref<50176xf32, #tpu.memory_space<vmem_shared>>) dst(%arg21 : memref<10000xf32, #tpu.memory_space<vmem>>)
        tpu.yield
      }) : () -> ()
      %scan3A_236 = arith.constant 0 : i32
      %scan3A_237 = arith.constant 0 : i32
      %scan3A_238 = arith.constant 625 : i32
      %scan3A_239 = arith.addi %scan3A_237, %scan3A_238 : i32
      %scan3A_240 = arith.constant 1 : i32
      %scan3A_241 = scf.for %scan3A_244 = %scan3A_237 to %scan3A_239 step %scan3A_240 iter_args(%scan3A_245 = %scan3A_236) -> (i32)  : i32 {
        %mul3A_246 = arith.constant 16 : i32
        %mul3A_247 = arith.muli %scan3A_244, %mul3A_246 : i32
        %multiple_of3A_248 = tpu.assume_multiple %mul3A_247, 16 : i32
        %get3A = arith.index_cast %multiple_of3A_248 : i32 to index
        %get3A_249 = tpu.vector_load %arg19[%get3A] {strides = array<i32>} : memref<10000xf32, #tpu.memory_space<vmem>>, vector<16xf32>,
        %get3A_250 = vector.shape_cast %get3A_249 : vector<16xf32> to vector<16xf32>
        %get3A_251 = arith.index_cast %multiple_of3A_248 : i32 to index
        %get3A_252 = tpu.vector_load %arg20[%get3A_251] {strides = array<i32>} : memref<10000xf32, #tpu.memory_space<vmem>>, vector<16xf32>,
        %get3A_253 = vector.shape_cast %get3A_252 : vector<16xf32> to vector<16xf32>
        %mul3A_254 = arith.mulf %get3A_253, %get3A_250 : vector<16xf32>
        %swap3A = arith.index_cast %multiple_of3A_248 : i32 to index
        %swap3A_255 = tpu.vector_load %arg20[%swap3A] {strides = array<i32>} : memref<10000xf32, #tpu.memory_space<vmem>>, vector<16xf32>,
        %swap3A_256 = vector.shape_cast %swap3A_255 : vector<16xf32> to vector<16xf32>
        %swap3A_257 = vector.shape_cast %mul3A_254 : vector<16xf32> to vector<16xf32>
        tpu.vector_store %arg20[%swap3A], %swap3A_257 {strides = array<i32>} : memref<10000xf32, #tpu.memory_space<vmem>>, vector<16xf32>,
        %get3A_258 = arith.index_cast %multiple_of3A_248 : i32 to index
        %get3A_259 = tpu.vector_load %arg21[%get3A_258] {strides = array<i32>} : memref<10000xf32, #tpu.memory_space<vmem>>, vector<16xf32>,
        %get3A_260 = vector.shape_cast %get3A_259 : vector<16xf32> to vector<16xf32>
        %mul3A_261 = arith.mulf %get3A_260, %get3A_250 : vector<16xf32>
        %swap3A_262 = arith.index_cast %multiple_of3A_248 : i32 to index
        %swap3A_263 = tpu.vector_load %arg21[%swap3A_262] {strides = array<i32>} : memref<10000xf32, #tpu.memory_space<vmem>>, vector<16xf32>,
        %swap3A_264 = vector.shape_cast %swap3A_263 : vector<16xf32> to vector<16xf32>
        %swap3A_265 = vector.shape_cast %mul3A_261 : vector<16xf32> to vector<16xf32>
        tpu.vector_store %arg21[%swap3A_262], %swap3A_265 {strides = array<i32>} : memref<10000xf32, #tpu.memory_space<vmem>>, vector<16xf32>,
        %scan3A_266 = arith.constant 0 : i32
        scf.yield %scan3A_266 : i32
      }
      %scan3A_242 = arith.constant 625 : i32
      "tpu.region"() ({
        %run_scoped3A = tpu.sem_alloc : memref<!tpu.dma_semaphore, #tpu.memory_space<semaphore_mem>>
        %dma_start3A = arith.constant 0 : i32
        %dma_start3A_244 = tpu.memref_slice %arg12[%dma_start3A] : memref<50176xf32, #tpu.memory_space<vmem_shared>> -> memref<50176xf32, #tpu.memory_space<vmem_shared>>
        tpu.enqueue_indirect_dma source(%arg20 : memref<10000xf32, #tpu.memory_space<vmem>>) target(%dma_start3A_244 : memref<50176xf32, #tpu.memory_space<vmem_shared>>) offsets(%arg18 : memref<10000xi32, #tpu.memory_space<vmem>>) semaphore(%run_scoped3A : memref<!tpu.dma_semaphore, #tpu.memory_space<semaphore_mem>>) {add = true}
        %dma_wait3A = arith.constant 0 : i32
        %dma_wait3A_245 = tpu.memref_slice %arg12[%dma_wait3A] : memref<50176xf32, #tpu.memory_space<vmem_shared>> -> memref<50176xf32, #tpu.memory_space<vmem_shared>>
        tpu.wait_indirect_dma semaphore(%run_scoped3A : memref<!tpu.dma_semaphore, #tpu.memory_space<semaphore_mem>>) src(%arg20 : memref<10000xf32, #tpu.memory_space<vmem>>) dst(%dma_wait3A_245 : memref<50176xf32, #tpu.memory_space<vmem_shared>>)
        tpu.yield
      }) : () -> ()
      "tpu.region"() ({
        %run_scoped3A = tpu.sem_alloc : memref<!tpu.dma_semaphore, #tpu.memory_space<semaphore_mem>>
        %dma_start3A = arith.constant 0 : i32
        %dma_start3A_244 = tpu.memref_slice %arg13[%dma_start3A] : memref<50176xf32, #tpu.memory_space<vmem_shared>> -> memref<50176xf32, #tpu.memory_space<vmem_shared>>
        tpu.enqueue_indirect_dma source(%arg21 : memref<10000xf32, #tpu.memory_space<vmem>>) target(%dma_start3A_244 : memref<50176xf32, #tpu.memory_space<vmem_shared>>) offsets(%arg18 : memref<10000xi32, #tpu.memory_space<vmem>>) semaphore(%run_scoped3A : memref<!tpu.dma_semaphore, #tpu.memory_space<semaphore_mem>>) {add = true}
        %dma_wait3A = arith.constant 0 : i32
        %dma_wait3A_245 = tpu.memref_slice %arg13[%dma_wait3A] : memref<50176xf32, #tpu.memory_space<vmem_shared>> -> memref<50176xf32, #tpu.memory_space<vmem_shared>>
        tpu.wait_indirect_dma semaphore(%run_scoped3A : memref<!tpu.dma_semaphore, #tpu.memory_space<semaphore_mem>>) src(%arg21 : memref<10000xf32, #tpu.memory_space<vmem>>) dst(%dma_wait3A_245 : memref<50176xf32, #tpu.memory_space<vmem_shared>>)
        tpu.yield
      }) : () -> ()
      %scan3A_243 = arith.constant 0 : i32
      scf.yield %scan3A_243 : i32
    }
    %scan3A_47 = arith.constant 5 : i32
    %barrier3A_48 = arith.constant 0 : index
    tpu.barrier barrier_id(%barrier3A_48)
    "tpu.region"() ({
      %run_scoped3A = tpu.sem_alloc : memref<!tpu.dma_semaphore, #tpu.memory_space<semaphore_mem>>
      %dma_start3A = tpu.memref_slice %arg15[%mul3A_0] : memref<50176xf32, #tpu.memory_space<vmem_shared>> -> memref<3136xf32, #tpu.memory_space<vmem_shared>>
      %dma_start3A_232 = tpu.memref_slice %arg15[%mul3A_0] : memref<50176xf32, #tpu.memory_space<vmem_shared>> -> memref<3136xf32, #tpu.memory_space<vmem_shared>>
      tpu.enqueue_dma source(%dma_start3A_232 : memref<3136xf32, #tpu.memory_space<vmem_shared>>) target(%arg24 : memref<3136xf32, #tpu.memory_space<vmem>>) target_semaphore(%run_scoped3A : memref<!tpu.dma_semaphore, #tpu.memory_space<semaphore_mem>>)
      %dma_wait3A = tpu.memref_slice %arg15[%mul3A_0] : memref<50176xf32, #tpu.memory_space<vmem_shared>> -> memref<3136xf32, #tpu.memory_space<vmem_shared>>
      %dma_wait3A_233 = tpu.memref_slice %arg15[%mul3A_0] : memref<50176xf32, #tpu.memory_space<vmem_shared>> -> memref<3136xf32, #tpu.memory_space<vmem_shared>>
      tpu.wait_dma2 semaphore(%run_scoped3A : memref<!tpu.dma_semaphore, #tpu.memory_space<semaphore_mem>>) src(%dma_wait3A_233 : memref<3136xf32, #tpu.memory_space<vmem_shared>>) dst(%arg24 : memref<3136xf32, #tpu.memory_space<vmem>>)
      tpu.yield
    }) : () -> ()
    "tpu.region"() ({
      %run_scoped3A = tpu.sem_alloc : memref<!tpu.dma_semaphore, #tpu.memory_space<semaphore_mem>>
      %dma_start3A = tpu.memref_slice %arg12[%mul3A_0] : memref<50176xf32, #tpu.memory_space<vmem_shared>> -> memref<3136xf32, #tpu.memory_space<vmem_shared>>
      %dma_start3A_232 = tpu.memref_slice %arg12[%mul3A_0] : memref<50176xf32, #tpu.memory_space<vmem_shared>> -> memref<3136xf32, #tpu.memory_space<vmem_shared>>
      tpu.enqueue_dma source(%dma_start3A_232 : memref<3136xf32, #tpu.memory_space<vmem_shared>>) target(%arg22 : memref<3136xf32, #tpu.memory_space<vmem>>) target_semaphore(%run_scoped3A : memref<!tpu.dma_semaphore, #tpu.memory_space<semaphore_mem>>)
      %dma_wait3A = tpu.memref_slice %arg12[%mul3A_0] : memref<50176xf32, #tpu.memory_space<vmem_shared>> -> memref<3136xf32, #tpu.memory_space<vmem_shared>>
      %dma_wait3A_233 = tpu.memref_slice %arg12[%mul3A_0] : memref<50176xf32, #tpu.memory_space<vmem_shared>> -> memref<3136xf32, #tpu.memory_space<vmem_shared>>
      tpu.wait_dma2 semaphore(%run_scoped3A : memref<!tpu.dma_semaphore, #tpu.memory_space<semaphore_mem>>) src(%dma_wait3A_233 : memref<3136xf32, #tpu.memory_space<vmem_shared>>) dst(%arg22 : memref<3136xf32, #tpu.memory_space<vmem>>)
      tpu.yield
    }) : () -> ()
    "tpu.region"() ({
      %run_scoped3A = tpu.sem_alloc : memref<!tpu.dma_semaphore, #tpu.memory_space<semaphore_mem>>
      %dma_start3A = tpu.memref_slice %arg13[%mul3A_0] : memref<50176xf32, #tpu.memory_space<vmem_shared>> -> memref<3136xf32, #tpu.memory_space<vmem_shared>>
      %dma_start3A_232 = tpu.memref_slice %arg13[%mul3A_0] : memref<50176xf32, #tpu.memory_space<vmem_shared>> -> memref<3136xf32, #tpu.memory_space<vmem_shared>>
      tpu.enqueue_dma source(%dma_start3A_232 : memref<3136xf32, #tpu.memory_space<vmem_shared>>) target(%arg23 : memref<3136xf32, #tpu.memory_space<vmem>>) target_semaphore(%run_scoped3A : memref<!tpu.dma_semaphore, #tpu.memory_space<semaphore_mem>>)
      %dma_wait3A = tpu.memref_slice %arg13[%mul3A_0] : memref<50176xf32, #tpu.memory_space<vmem_shared>> -> memref<3136xf32, #tpu.memory_space<vmem_shared>>
      %dma_wait3A_233 = tpu.memref_slice %arg13[%mul3A_0] : memref<50176xf32, #tpu.memory_space<vmem_shared>> -> memref<3136xf32, #tpu.memory_space<vmem_shared>>
      tpu.wait_dma2 semaphore(%run_scoped3A : memref<!tpu.dma_semaphore, #tpu.memory_space<semaphore_mem>>) src(%dma_wait3A_233 : memref<3136xf32, #tpu.memory_space<vmem_shared>>) dst(%arg23 : memref<3136xf32, #tpu.memory_space<vmem>>)
      tpu.yield
    }) : () -> ()
    %scan3A_49 = arith.constant 0 : i32
    %scan3A_50 = arith.constant 0 : i32
    %scan3A_51 = arith.constant 196 : i32
    %scan3A_52 = arith.addi %scan3A_50, %scan3A_51 : i32
    %scan3A_53 = arith.constant 1 : i32
    %scan3A_54 = scf.for %scan3A_232 = %scan3A_50 to %scan3A_52 step %scan3A_53 iter_args(%scan3A_233 = %scan3A_49) -> (i32)  : i32 {
      %mul3A_234 = arith.constant 16 : i32
      %mul3A_235 = arith.muli %scan3A_232, %mul3A_234 : i32
      %multiple_of3A = tpu.assume_multiple %mul3A_235, 16 : i32
      %get3A = arith.index_cast %multiple_of3A : i32 to index
      %get3A_236 = tpu.vector_load %arg24[%get3A] {strides = array<i32>} : memref<3136xf32, #tpu.memory_space<vmem>>, vector<16xf32>,
      %get3A_237 = vector.shape_cast %get3A_236 : vector<16xf32> to vector<16xf32>
      %get3A_238 = arith.index_cast %multiple_of3A : i32 to index
      %get3A_239 = tpu.vector_load %arg22[%get3A_238] {strides = array<i32>} : memref<3136xf32, #tpu.memory_space<vmem>>, vector<16xf32>,
      %get3A_240 = vector.shape_cast %get3A_239 : vector<16xf32> to vector<16xf32>
      %mul3A_241 = arith.mulf %get3A_240, %get3A_237 : vector<16xf32>
      %swap3A = arith.index_cast %multiple_of3A : i32 to index
      %swap3A_242 = tpu.vector_load %arg22[%swap3A] {strides = array<i32>} : memref<3136xf32, #tpu.memory_space<vmem>>, vector<16xf32>,
      %swap3A_243 = vector.shape_cast %swap3A_242 : vector<16xf32> to vector<16xf32>
      %swap3A_244 = vector.shape_cast %mul3A_241 : vector<16xf32> to vector<16xf32>
      tpu.vector_store %arg22[%swap3A], %swap3A_244 {strides = array<i32>} : memref<3136xf32, #tpu.memory_space<vmem>>, vector<16xf32>,
      %get3A_245 = arith.index_cast %multiple_of3A : i32 to index
      %get3A_246 = tpu.vector_load %arg23[%get3A_245] {strides = array<i32>} : memref<3136xf32, #tpu.memory_space<vmem>>, vector<16xf32>,
      %get3A_247 = vector.shape_cast %get3A_246 : vector<16xf32> to vector<16xf32>
      %mul3A_248 = arith.mulf %get3A_247, %get3A_237 : vector<16xf32>
      %swap3A_249 = arith.index_cast %multiple_of3A : i32 to index
      %swap3A_250 = tpu.vector_load %arg23[%swap3A_249] {strides = array<i32>} : memref<3136xf32, #tpu.memory_space<vmem>>, vector<16xf32>,
      %swap3A_251 = vector.shape_cast %swap3A_250 : vector<16xf32> to vector<16xf32>
      %swap3A_252 = vector.shape_cast %mul3A_248 : vector<16xf32> to vector<16xf32>
      tpu.vector_store %arg23[%swap3A_249], %swap3A_252 {strides = array<i32>} : memref<3136xf32, #tpu.memory_space<vmem>>, vector<16xf32>,
      %scan3A_253 = arith.constant 0 : i32
      scf.yield %scan3A_253 : i32
    }
    %scan3A_55 = arith.constant 196 : i32
    "tpu.region"() ({
      %run_scoped3A = tpu.sem_alloc : memref<!tpu.dma_semaphore, #tpu.memory_space<semaphore_mem>>
      %dma_start3A = tpu.memref_slice %arg10[%mul3A_0] : memref<50176xf32, #tpu.memory_space<vmem_shared>> -> memref<3136xf32, #tpu.memory_space<vmem_shared>>
      %dma_start3A_232 = tpu.memref_slice %arg10[%mul3A_0] : memref<50176xf32, #tpu.memory_space<vmem_shared>> -> memref<3136xf32, #tpu.memory_space<vmem_shared>>
      tpu.enqueue_dma source(%arg22 : memref<3136xf32, #tpu.memory_space<vmem>>) target(%dma_start3A_232 : memref<3136xf32, #tpu.memory_space<vmem_shared>>) target_semaphore(%run_scoped3A : memref<!tpu.dma_semaphore, #tpu.memory_space<semaphore_mem>>)
      %dma_wait3A = tpu.memref_slice %arg10[%mul3A_0] : memref<50176xf32, #tpu.memory_space<vmem_shared>> -> memref<3136xf32, #tpu.memory_space<vmem_shared>>
      %dma_wait3A_233 = tpu.memref_slice %arg10[%mul3A_0] : memref<50176xf32, #tpu.memory_space<vmem_shared>> -> memref<3136xf32, #tpu.memory_space<vmem_shared>>
      tpu.wait_dma2 semaphore(%run_scoped3A : memref<!tpu.dma_semaphore, #tpu.memory_space<semaphore_mem>>) src(%arg22 : memref<3136xf32, #tpu.memory_space<vmem>>) dst(%dma_wait3A_233 : memref<3136xf32, #tpu.memory_space<vmem_shared>>)
      tpu.yield
    }) : () -> ()
    "tpu.region"() ({
      %run_scoped3A = tpu.sem_alloc : memref<!tpu.dma_semaphore, #tpu.memory_space<semaphore_mem>>
      %dma_start3A = tpu.memref_slice %arg11[%mul3A_0] : memref<50176xf32, #tpu.memory_space<vmem_shared>> -> memref<3136xf32, #tpu.memory_space<vmem_shared>>
      %dma_start3A_232 = tpu.memref_slice %arg11[%mul3A_0] : memref<50176xf32, #tpu.memory_space<vmem_shared>> -> memref<3136xf32, #tpu.memory_space<vmem_shared>>
      tpu.enqueue_dma source(%arg23 : memref<3136xf32, #tpu.memory_space<vmem>>) target(%dma_start3A_232 : memref<3136xf32, #tpu.memory_space<vmem_shared>>) target_semaphore(%run_scoped3A : memref<!tpu.dma_semaphore, #tpu.memory_space<semaphore_mem>>)
      %dma_wait3A = tpu.memref_slice %arg11[%mul3A_0] : memref<50176xf32, #tpu.memory_space<vmem_shared>> -> memref<3136xf32, #tpu.memory_space<vmem_shared>>
      %dma_wait3A_233 = tpu.memref_slice %arg11[%mul3A_0] : memref<50176xf32, #tpu.memory_space<vmem_shared>> -> memref<3136xf32, #tpu.memory_space<vmem_shared>>
      tpu.wait_dma2 semaphore(%run_scoped3A : memref<!tpu.dma_semaphore, #tpu.memory_space<semaphore_mem>>) src(%arg23 : memref<3136xf32, #tpu.memory_space<vmem>>) dst(%dma_wait3A_233 : memref<3136xf32, #tpu.memory_space<vmem_shared>>)
      tpu.yield
    }) : () -> ()
    %barrier3A_56 = arith.constant 0 : index
    tpu.barrier barrier_id(%barrier3A_56)
    %scan3A_57 = arith.constant 0 : i32
    %scan3A_58 = arith.constant 0 : i32
    %scan3A_59 = arith.constant 5 : i32
    %scan3A_60 = arith.addi %scan3A_58, %scan3A_59 : i32
    %scan3A_61 = arith.constant 1 : i32
    %scan3A_62 = scf.for %scan3A_232 = %scan3A_58 to %scan3A_60 step %scan3A_61 iter_args(%scan3A_233 = %scan3A_57) -> (i32)  : i32 {
      %mul3A_234 = arith.constant 10000 : i32
      %mul3A_235 = arith.muli %scan3A_232, %mul3A_234 : i32
      %add3A = arith.addi %mul3A_2, %mul3A_235 : i32
      %multiple_of3A = tpu.assume_multiple %add3A, 8 : i32
      "tpu.region"() ({
        %run_scoped3A = tpu.sem_alloc : memref<!tpu.dma_semaphore, #tpu.memory_space<semaphore_mem>>
        %dma_start3A = tpu.memref_slice %arg3[%multiple_of3A] : memref<800000xi32, #tpu.memory_space<hbm>> -> memref<10000xi32, #tpu.memory_space<hbm>>
        %dma_start3A_244 = tpu.memref_slice %arg3[%multiple_of3A] : memref<800000xi32, #tpu.memory_space<hbm>> -> memref<10000xi32, #tpu.memory_space<hbm>>
        tpu.enqueue_dma source(%dma_start3A_244 : memref<10000xi32, #tpu.memory_space<hbm>>) target(%arg17 : memref<10000xi32, #tpu.memory_space<vmem>>) target_semaphore(%run_scoped3A : memref<!tpu.dma_semaphore, #tpu.memory_space<semaphore_mem>>)
        %dma_wait3A = tpu.memref_slice %arg3[%multiple_of3A] : memref<800000xi32, #tpu.memory_space<hbm>> -> memref<10000xi32, #tpu.memory_space<hbm>>
        %dma_wait3A_245 = tpu.memref_slice %arg3[%multiple_of3A] : memref<800000xi32, #tpu.memory_space<hbm>> -> memref<10000xi32, #tpu.memory_space<hbm>>
        tpu.wait_dma2 semaphore(%run_scoped3A : memref<!tpu.dma_semaphore, #tpu.memory_space<semaphore_mem>>) src(%dma_wait3A_245 : memref<10000xi32, #tpu.memory_space<hbm>>) dst(%arg17 : memref<10000xi32, #tpu.memory_space<vmem>>)
        tpu.yield
      }) : () -> ()
      "tpu.region"() ({
        %run_scoped3A = tpu.sem_alloc : memref<!tpu.dma_semaphore, #tpu.memory_space<semaphore_mem>>
        %dma_start3A = tpu.memref_slice %arg4[%multiple_of3A] : memref<800000xi32, #tpu.memory_space<hbm>> -> memref<10000xi32, #tpu.memory_space<hbm>>
        %dma_start3A_244 = tpu.memref_slice %arg4[%multiple_of3A] : memref<800000xi32, #tpu.memory_space<hbm>> -> memref<10000xi32, #tpu.memory_space<hbm>>
        tpu.enqueue_dma source(%dma_start3A_244 : memref<10000xi32, #tpu.memory_space<hbm>>) target(%arg18 : memref<10000xi32, #tpu.memory_space<vmem>>) target_semaphore(%run_scoped3A : memref<!tpu.dma_semaphore, #tpu.memory_space<semaphore_mem>>)
        %dma_wait3A = tpu.memref_slice %arg4[%multiple_of3A] : memref<800000xi32, #tpu.memory_space<hbm>> -> memref<10000xi32, #tpu.memory_space<hbm>>
        %dma_wait3A_245 = tpu.memref_slice %arg4[%multiple_of3A] : memref<800000xi32, #tpu.memory_space<hbm>> -> memref<10000xi32, #tpu.memory_space<hbm>>
        tpu.wait_dma2 semaphore(%run_scoped3A : memref<!tpu.dma_semaphore, #tpu.memory_space<semaphore_mem>>) src(%dma_wait3A_245 : memref<10000xi32, #tpu.memory_space<hbm>>) dst(%arg18 : memref<10000xi32, #tpu.memory_space<vmem>>)
        tpu.yield
      }) : () -> ()
      "tpu.region"() ({
        %run_scoped3A = tpu.sem_alloc : memref<!tpu.dma_semaphore, #tpu.memory_space<semaphore_mem>>
        %dma_start3A = tpu.memref_slice %arg16[%multiple_of3A] : memref<800000xf32, #tpu.memory_space<vmem_shared>> -> memref<10000xf32, #tpu.memory_space<vmem_shared>>
        %dma_start3A_244 = tpu.memref_slice %arg16[%multiple_of3A] : memref<800000xf32, #tpu.memory_space<vmem_shared>> -> memref<10000xf32, #tpu.memory_space<vmem_shared>>
        tpu.enqueue_dma source(%dma_start3A_244 : memref<10000xf32, #tpu.memory_space<vmem_shared>>) target(%arg19 : memref<10000xf32, #tpu.memory_space<vmem>>) target_semaphore(%run_scoped3A : memref<!tpu.dma_semaphore, #tpu.memory_space<semaphore_mem>>)
        %dma_wait3A = tpu.memref_slice %arg16[%multiple_of3A] : memref<800000xf32, #tpu.memory_space<vmem_shared>> -> memref<10000xf32, #tpu.memory_space<vmem_shared>>
        %dma_wait3A_245 = tpu.memref_slice %arg16[%multiple_of3A] : memref<800000xf32, #tpu.memory_space<vmem_shared>> -> memref<10000xf32, #tpu.memory_space<vmem_shared>>
        tpu.wait_dma2 semaphore(%run_scoped3A : memref<!tpu.dma_semaphore, #tpu.memory_space<semaphore_mem>>) src(%dma_wait3A_245 : memref<10000xf32, #tpu.memory_space<vmem_shared>>) dst(%arg19 : memref<10000xf32, #tpu.memory_space<vmem>>)
        tpu.yield
      }) : () -> ()
      "tpu.region"() ({
        %run_scoped3A = tpu.sem_alloc : memref<!tpu.dma_semaphore, #tpu.memory_space<semaphore_mem>>
        %dma_start3A = arith.constant 0 : i32
        %dma_start3A_244 = tpu.memref_slice %arg12[%dma_start3A] : memref<50176xf32, #tpu.memory_space<vmem_shared>> -> memref<50176xf32, #tpu.memory_space<vmem_shared>>
        tpu.enqueue_indirect_dma source(%dma_start3A_244 : memref<50176xf32, #tpu.memory_space<vmem_shared>>) target(%arg20 : memref<10000xf32, #tpu.memory_space<vmem>>) offsets(%arg17 : memref<10000xi32, #tpu.memory_space<vmem>>) semaphore(%run_scoped3A : memref<!tpu.dma_semaphore, #tpu.memory_space<semaphore_mem>>)
        %dma_wait3A = arith.constant 0 : i32
        %dma_wait3A_245 = tpu.memref_slice %arg12[%dma_wait3A] : memref<50176xf32, #tpu.memory_space<vmem_shared>> -> memref<50176xf32, #tpu.memory_space<vmem_shared>>
        tpu.wait_indirect_dma semaphore(%run_scoped3A : memref<!tpu.dma_semaphore, #tpu.memory_space<semaphore_mem>>) src(%dma_wait3A_245 : memref<50176xf32, #tpu.memory_space<vmem_shared>>) dst(%arg20 : memref<10000xf32, #tpu.memory_space<vmem>>)
        tpu.yield
      }) : () -> ()
      "tpu.region"() ({
        %run_scoped3A = tpu.sem_alloc : memref<!tpu.dma_semaphore, #tpu.memory_space<semaphore_mem>>
        %dma_start3A = arith.constant 0 : i32
        %dma_start3A_244 = tpu.memref_slice %arg13[%dma_start3A] : memref<50176xf32, #tpu.memory_space<vmem_shared>> -> memref<50176xf32, #tpu.memory_space<vmem_shared>>
        tpu.enqueue_indirect_dma source(%dma_start3A_244 : memref<50176xf32, #tpu.memory_space<vmem_shared>>) target(%arg21 : memref<10000xf32, #tpu.memory_space<vmem>>) offsets(%arg17 : memref<10000xi32, #tpu.memory_space<vmem>>) semaphore(%run_scoped3A : memref<!tpu.dma_semaphore, #tpu.memory_space<semaphore_mem>>)
        %dma_wait3A = arith.constant 0 : i32
        %dma_wait3A_245 = tpu.memref_slice %arg13[%dma_wait3A] : memref<50176xf32, #tpu.memory_space<vmem_shared>> -> memref<50176xf32, #tpu.memory_space<vmem_shared>>
        tpu.wait_indirect_dma semaphore(%run_scoped3A : memref<!tpu.dma_semaphore, #tpu.memory_space<semaphore_mem>>) src(%dma_wait3A_245 : memref<50176xf32, #tpu.memory_space<vmem_shared>>) dst(%arg21 : memref<10000xf32, #tpu.memory_space<vmem>>)
        tpu.yield
      }) : () -> ()
      %scan3A_236 = arith.constant 0 : i32
      %scan3A_237 = arith.constant 0 : i32
      %scan3A_238 = arith.constant 625 : i32
      %scan3A_239 = arith.addi %scan3A_237, %scan3A_238 : i32
      %scan3A_240 = arith.constant 1 : i32
      %scan3A_241 = scf.for %scan3A_244 = %scan3A_237 to %scan3A_239 step %scan3A_240 iter_args(%scan3A_245 = %scan3A_236) -> (i32)  : i32 {
        %mul3A_246 = arith.constant 16 : i32
        %mul3A_247 = arith.muli %scan3A_244, %mul3A_246 : i32
        %multiple_of3A_248 = tpu.assume_multiple %mul3A_247, 16 : i32
        %get3A = arith.index_cast %multiple_of3A_248 : i32 to index
        %get3A_249 = tpu.vector_load %arg19[%get3A] {strides = array<i32>} : memref<10000xf32, #tpu.memory_space<vmem>>, vector<16xf32>,
        %get3A_250 = vector.shape_cast %get3A_249 : vector<16xf32> to vector<16xf32>
        %get3A_251 = arith.index_cast %multiple_of3A_248 : i32 to index
        %get3A_252 = tpu.vector_load %arg20[%get3A_251] {strides = array<i32>} : memref<10000xf32, #tpu.memory_space<vmem>>, vector<16xf32>,
        %get3A_253 = vector.shape_cast %get3A_252 : vector<16xf32> to vector<16xf32>
        %mul3A_254 = arith.mulf %get3A_253, %get3A_250 : vector<16xf32>
        %swap3A = arith.index_cast %multiple_of3A_248 : i32 to index
        %swap3A_255 = tpu.vector_load %arg20[%swap3A] {strides = array<i32>} : memref<10000xf32, #tpu.memory_space<vmem>>, vector<16xf32>,
        %swap3A_256 = vector.shape_cast %swap3A_255 : vector<16xf32> to vector<16xf32>
        %swap3A_257 = vector.shape_cast %mul3A_254 : vector<16xf32> to vector<16xf32>
        tpu.vector_store %arg20[%swap3A], %swap3A_257 {strides = array<i32>} : memref<10000xf32, #tpu.memory_space<vmem>>, vector<16xf32>,
        %get3A_258 = arith.index_cast %multiple_of3A_248 : i32 to index
        %get3A_259 = tpu.vector_load %arg21[%get3A_258] {strides = array<i32>} : memref<10000xf32, #tpu.memory_space<vmem>>, vector<16xf32>,
        %get3A_260 = vector.shape_cast %get3A_259 : vector<16xf32> to vector<16xf32>
        %mul3A_261 = arith.mulf %get3A_260, %get3A_250 : vector<16xf32>
        %swap3A_262 = arith.index_cast %multiple_of3A_248 : i32 to index
        %swap3A_263 = tpu.vector_load %arg21[%swap3A_262] {strides = array<i32>} : memref<10000xf32, #tpu.memory_space<vmem>>, vector<16xf32>,
        %swap3A_264 = vector.shape_cast %swap3A_263 : vector<16xf32> to vector<16xf32>
        %swap3A_265 = vector.shape_cast %mul3A_261 : vector<16xf32> to vector<16xf32>
        tpu.vector_store %arg21[%swap3A_262], %swap3A_265 {strides = array<i32>} : memref<10000xf32, #tpu.memory_space<vmem>>, vector<16xf32>,
        %scan3A_266 = arith.constant 0 : i32
        scf.yield %scan3A_266 : i32
      }
      %scan3A_242 = arith.constant 625 : i32
      "tpu.region"() ({
        %run_scoped3A = tpu.sem_alloc : memref<!tpu.dma_semaphore, #tpu.memory_space<semaphore_mem>>
        %dma_start3A = arith.constant 0 : i32
        %dma_start3A_244 = tpu.memref_slice %arg10[%dma_start3A] : memref<50176xf32, #tpu.memory_space<vmem_shared>> -> memref<50176xf32, #tpu.memory_space<vmem_shared>>
        tpu.enqueue_indirect_dma source(%arg20 : memref<10000xf32, #tpu.memory_space<vmem>>) target(%dma_start3A_244 : memref<50176xf32, #tpu.memory_space<vmem_shared>>) offsets(%arg18 : memref<10000xi32, #tpu.memory_space<vmem>>) semaphore(%run_scoped3A : memref<!tpu.dma_semaphore, #tpu.memory_space<semaphore_mem>>) {add = true}
        %dma_wait3A = arith.constant 0 : i32
        %dma_wait3A_245 = tpu.memref_slice %arg10[%dma_wait3A] : memref<50176xf32, #tpu.memory_space<vmem_shared>> -> memref<50176xf32, #tpu.memory_space<vmem_shared>>
        tpu.wait_indirect_dma semaphore(%run_scoped3A : memref<!tpu.dma_semaphore, #tpu.memory_space<semaphore_mem>>) src(%arg20 : memref<10000xf32, #tpu.memory_space<vmem>>) dst(%dma_wait3A_245 : memref<50176xf32, #tpu.memory_space<vmem_shared>>)
        tpu.yield
      }) : () -> ()
      "tpu.region"() ({
        %run_scoped3A = tpu.sem_alloc : memref<!tpu.dma_semaphore, #tpu.memory_space<semaphore_mem>>
        %dma_start3A = arith.constant 0 : i32
        %dma_start3A_244 = tpu.memref_slice %arg11[%dma_start3A] : memref<50176xf32, #tpu.memory_space<vmem_shared>> -> memref<50176xf32, #tpu.memory_space<vmem_shared>>
        tpu.enqueue_indirect_dma source(%arg21 : memref<10000xf32, #tpu.memory_space<vmem>>) target(%dma_start3A_244 : memref<50176xf32, #tpu.memory_space<vmem_shared>>) offsets(%arg18 : memref<10000xi32, #tpu.memory_space<vmem>>) semaphore(%run_scoped3A : memref<!tpu.dma_semaphore, #tpu.memory_space<semaphore_mem>>) {add = true}
        %dma_wait3A = arith.constant 0 : i32
        %dma_wait3A_245 = tpu.memref_slice %arg11[%dma_wait3A] : memref<50176xf32, #tpu.memory_space<vmem_shared>> -> memref<50176xf32, #tpu.memory_space<vmem_shared>>
        tpu.wait_indirect_dma semaphore(%run_scoped3A : memref<!tpu.dma_semaphore, #tpu.memory_space<semaphore_mem>>) src(%arg21 : memref<10000xf32, #tpu.memory_space<vmem>>) dst(%dma_wait3A_245 : memref<50176xf32, #tpu.memory_space<vmem_shared>>)
        tpu.yield
      }) : () -> ()
      %scan3A_243 = arith.constant 0 : i32
      scf.yield %scan3A_243 : i32
    }
    %scan3A_63 = arith.constant 5 : i32
    %barrier3A_64 = arith.constant 0 : index
    tpu.barrier barrier_id(%barrier3A_64)
    "tpu.region"() ({
      %run_scoped3A = tpu.sem_alloc : memref<!tpu.dma_semaphore, #tpu.memory_space<semaphore_mem>>
      %dma_start3A = tpu.memref_slice %arg15[%mul3A_0] : memref<50176xf32, #tpu.memory_space<vmem_shared>> -> memref<3136xf32, #tpu.memory_space<vmem_shared>>
      %dma_start3A_232 = tpu.memref_slice %arg15[%mul3A_0] : memref<50176xf32, #tpu.memory_space<vmem_shared>> -> memref<3136xf32, #tpu.memory_space<vmem_shared>>
      tpu.enqueue_dma source(%dma_start3A_232 : memref<3136xf32, #tpu.memory_space<vmem_shared>>) target(%arg24 : memref<3136xf32, #tpu.memory_space<vmem>>) target_semaphore(%run_scoped3A : memref<!tpu.dma_semaphore, #tpu.memory_space<semaphore_mem>>)
      %dma_wait3A = tpu.memref_slice %arg15[%mul3A_0] : memref<50176xf32, #tpu.memory_space<vmem_shared>> -> memref<3136xf32, #tpu.memory_space<vmem_shared>>
      %dma_wait3A_233 = tpu.memref_slice %arg15[%mul3A_0] : memref<50176xf32, #tpu.memory_space<vmem_shared>> -> memref<3136xf32, #tpu.memory_space<vmem_shared>>
      tpu.wait_dma2 semaphore(%run_scoped3A : memref<!tpu.dma_semaphore, #tpu.memory_space<semaphore_mem>>) src(%dma_wait3A_233 : memref<3136xf32, #tpu.memory_space<vmem_shared>>) dst(%arg24 : memref<3136xf32, #tpu.memory_space<vmem>>)
      tpu.yield
    }) : () -> ()
    "tpu.region"() ({
      %run_scoped3A = tpu.sem_alloc : memref<!tpu.dma_semaphore, #tpu.memory_space<semaphore_mem>>
      %dma_start3A = tpu.memref_slice %arg10[%mul3A_0] : memref<50176xf32, #tpu.memory_space<vmem_shared>> -> memref<3136xf32, #tpu.memory_space<vmem_shared>>
      %dma_start3A_232 = tpu.memref_slice %arg10[%mul3A_0] : memref<50176xf32, #tpu.memory_space<vmem_shared>> -> memref<3136xf32, #tpu.memory_space<vmem_shared>>
      tpu.enqueue_dma source(%dma_start3A_232 : memref<3136xf32, #tpu.memory_space<vmem_shared>>) target(%arg22 : memref<3136xf32, #tpu.memory_space<vmem>>) target_semaphore(%run_scoped3A : memref<!tpu.dma_semaphore, #tpu.memory_space<semaphore_mem>>)
      %dma_wait3A = tpu.memref_slice %arg10[%mul3A_0] : memref<50176xf32, #tpu.memory_space<vmem_shared>> -> memref<3136xf32, #tpu.memory_space<vmem_shared>>
      %dma_wait3A_233 = tpu.memref_slice %arg10[%mul3A_0] : memref<50176xf32, #tpu.memory_space<vmem_shared>> -> memref<3136xf32, #tpu.memory_space<vmem_shared>>
      tpu.wait_dma2 semaphore(%run_scoped3A : memref<!tpu.dma_semaphore, #tpu.memory_space<semaphore_mem>>) src(%dma_wait3A_233 : memref<3136xf32, #tpu.memory_space<vmem_shared>>) dst(%arg22 : memref<3136xf32, #tpu.memory_space<vmem>>)
      tpu.yield
    }) : () -> ()
    "tpu.region"() ({
      %run_scoped3A = tpu.sem_alloc : memref<!tpu.dma_semaphore, #tpu.memory_space<semaphore_mem>>
      %dma_start3A = tpu.memref_slice %arg11[%mul3A_0] : memref<50176xf32, #tpu.memory_space<vmem_shared>> -> memref<3136xf32, #tpu.memory_space<vmem_shared>>
      %dma_start3A_232 = tpu.memref_slice %arg11[%mul3A_0] : memref<50176xf32, #tpu.memory_space<vmem_shared>> -> memref<3136xf32, #tpu.memory_space<vmem_shared>>
      tpu.enqueue_dma source(%dma_start3A_232 : memref<3136xf32, #tpu.memory_space<vmem_shared>>) target(%arg23 : memref<3136xf32, #tpu.memory_space<vmem>>) target_semaphore(%run_scoped3A : memref<!tpu.dma_semaphore, #tpu.memory_space<semaphore_mem>>)
      %dma_wait3A = tpu.memref_slice %arg11[%mul3A_0] : memref<50176xf32, #tpu.memory_space<vmem_shared>> -> memref<3136xf32, #tpu.memory_space<vmem_shared>>
      %dma_wait3A_233 = tpu.memref_slice %arg11[%mul3A_0] : memref<50176xf32, #tpu.memory_space<vmem_shared>> -> memref<3136xf32, #tpu.memory_space<vmem_shared>>
      tpu.wait_dma2 semaphore(%run_scoped3A : memref<!tpu.dma_semaphore, #tpu.memory_space<semaphore_mem>>) src(%dma_wait3A_233 : memref<3136xf32, #tpu.memory_space<vmem_shared>>) dst(%arg23 : memref<3136xf32, #tpu.memory_space<vmem>>)
      tpu.yield
    }) : () -> ()
    %scan3A_65 = arith.constant 0 : i32
    %scan3A_66 = arith.constant 0 : i32
    %scan3A_67 = arith.constant 196 : i32
    %scan3A_68 = arith.addi %scan3A_66, %scan3A_67 : i32
    %scan3A_69 = arith.constant 1 : i32
    %scan3A_70 = scf.for %scan3A_232 = %scan3A_66 to %scan3A_68 step %scan3A_69 iter_args(%scan3A_233 = %scan3A_65) -> (i32)  : i32 {
      %mul3A_234 = arith.constant 16 : i32
      %mul3A_235 = arith.muli %scan3A_232, %mul3A_234 : i32
      %multiple_of3A = tpu.assume_multiple %mul3A_235, 16 : i32
      %get3A = arith.index_cast %multiple_of3A : i32 to index
      %get3A_236 = tpu.vector_load %arg24[%get3A] {strides = array<i32>} : memref<3136xf32, #tpu.memory_space<vmem>>, vector<16xf32>,
      %get3A_237 = vector.shape_cast %get3A_236 : vector<16xf32> to vector<16xf32>
      %get3A_238 = arith.index_cast %multiple_of3A : i32 to index
      %get3A_239 = tpu.vector_load %arg22[%get3A_238] {strides = array<i32>} : memref<3136xf32, #tpu.memory_space<vmem>>, vector<16xf32>,
      %get3A_240 = vector.shape_cast %get3A_239 : vector<16xf32> to vector<16xf32>
      %mul3A_241 = arith.mulf %get3A_240, %get3A_237 : vector<16xf32>
      %swap3A = arith.index_cast %multiple_of3A : i32 to index
      %swap3A_242 = tpu.vector_load %arg22[%swap3A] {strides = array<i32>} : memref<3136xf32, #tpu.memory_space<vmem>>, vector<16xf32>,
      %swap3A_243 = vector.shape_cast %swap3A_242 : vector<16xf32> to vector<16xf32>
      %swap3A_244 = vector.shape_cast %mul3A_241 : vector<16xf32> to vector<16xf32>
      tpu.vector_store %arg22[%swap3A], %swap3A_244 {strides = array<i32>} : memref<3136xf32, #tpu.memory_space<vmem>>, vector<16xf32>,
      %get3A_245 = arith.index_cast %multiple_of3A : i32 to index
      %get3A_246 = tpu.vector_load %arg23[%get3A_245] {strides = array<i32>} : memref<3136xf32, #tpu.memory_space<vmem>>, vector<16xf32>,
      %get3A_247 = vector.shape_cast %get3A_246 : vector<16xf32> to vector<16xf32>
      %mul3A_248 = arith.mulf %get3A_247, %get3A_237 : vector<16xf32>
      %swap3A_249 = arith.index_cast %multiple_of3A : i32 to index
      %swap3A_250 = tpu.vector_load %arg23[%swap3A_249] {strides = array<i32>} : memref<3136xf32, #tpu.memory_space<vmem>>, vector<16xf32>,
      %swap3A_251 = vector.shape_cast %swap3A_250 : vector<16xf32> to vector<16xf32>
      %swap3A_252 = vector.shape_cast %mul3A_248 : vector<16xf32> to vector<16xf32>
      tpu.vector_store %arg23[%swap3A_249], %swap3A_252 {strides = array<i32>} : memref<3136xf32, #tpu.memory_space<vmem>>, vector<16xf32>,
      %scan3A_253 = arith.constant 0 : i32
      scf.yield %scan3A_253 : i32
    }
    %scan3A_71 = arith.constant 196 : i32
    "tpu.region"() ({
      %run_scoped3A = tpu.sem_alloc : memref<!tpu.dma_semaphore, #tpu.memory_space<semaphore_mem>>
      %dma_start3A = tpu.memref_slice %arg12[%mul3A_0] : memref<50176xf32, #tpu.memory_space<vmem_shared>> -> memref<3136xf32, #tpu.memory_space<vmem_shared>>
      %dma_start3A_232 = tpu.memref_slice %arg12[%mul3A_0] : memref<50176xf32, #tpu.memory_space<vmem_shared>> -> memref<3136xf32, #tpu.memory_space<vmem_shared>>
      tpu.enqueue_dma source(%arg22 : memref<3136xf32, #tpu.memory_space<vmem>>) target(%dma_start3A_232 : memref<3136xf32, #tpu.memory_space<vmem_shared>>) target_semaphore(%run_scoped3A : memref<!tpu.dma_semaphore, #tpu.memory_space<semaphore_mem>>)
      %dma_wait3A = tpu.memref_slice %arg12[%mul3A_0] : memref<50176xf32, #tpu.memory_space<vmem_shared>> -> memref<3136xf32, #tpu.memory_space<vmem_shared>>
      %dma_wait3A_233 = tpu.memref_slice %arg12[%mul3A_0] : memref<50176xf32, #tpu.memory_space<vmem_shared>> -> memref<3136xf32, #tpu.memory_space<vmem_shared>>
      tpu.wait_dma2 semaphore(%run_scoped3A : memref<!tpu.dma_semaphore, #tpu.memory_space<semaphore_mem>>) src(%arg22 : memref<3136xf32, #tpu.memory_space<vmem>>) dst(%dma_wait3A_233 : memref<3136xf32, #tpu.memory_space<vmem_shared>>)
      tpu.yield
    }) : () -> ()
    "tpu.region"() ({
      %run_scoped3A = tpu.sem_alloc : memref<!tpu.dma_semaphore, #tpu.memory_space<semaphore_mem>>
      %dma_start3A = tpu.memref_slice %arg13[%mul3A_0] : memref<50176xf32, #tpu.memory_space<vmem_shared>> -> memref<3136xf32, #tpu.memory_space<vmem_shared>>
      %dma_start3A_232 = tpu.memref_slice %arg13[%mul3A_0] : memref<50176xf32, #tpu.memory_space<vmem_shared>> -> memref<3136xf32, #tpu.memory_space<vmem_shared>>
      tpu.enqueue_dma source(%arg23 : memref<3136xf32, #tpu.memory_space<vmem>>) target(%dma_start3A_232 : memref<3136xf32, #tpu.memory_space<vmem_shared>>) target_semaphore(%run_scoped3A : memref<!tpu.dma_semaphore, #tpu.memory_space<semaphore_mem>>)
      %dma_wait3A = tpu.memref_slice %arg13[%mul3A_0] : memref<50176xf32, #tpu.memory_space<vmem_shared>> -> memref<3136xf32, #tpu.memory_space<vmem_shared>>
      %dma_wait3A_233 = tpu.memref_slice %arg13[%mul3A_0] : memref<50176xf32, #tpu.memory_space<vmem_shared>> -> memref<3136xf32, #tpu.memory_space<vmem_shared>>
      tpu.wait_dma2 semaphore(%run_scoped3A : memref<!tpu.dma_semaphore, #tpu.memory_space<semaphore_mem>>) src(%arg23 : memref<3136xf32, #tpu.memory_space<vmem>>) dst(%dma_wait3A_233 : memref<3136xf32, #tpu.memory_space<vmem_shared>>)
      tpu.yield
    }) : () -> ()
    %barrier3A_72 = arith.constant 0 : index
    tpu.barrier barrier_id(%barrier3A_72)
    %scan3A_73 = arith.constant 0 : i32
    %scan3A_74 = arith.constant 0 : i32
    %scan3A_75 = arith.constant 5 : i32
    %scan3A_76 = arith.addi %scan3A_74, %scan3A_75 : i32
    %scan3A_77 = arith.constant 1 : i32
    %scan3A_78 = scf.for %scan3A_232 = %scan3A_74 to %scan3A_76 step %scan3A_77 iter_args(%scan3A_233 = %scan3A_73) -> (i32)  : i32 {
      %mul3A_234 = arith.constant 10000 : i32
      %mul3A_235 = arith.muli %scan3A_232, %mul3A_234 : i32
      %add3A = arith.addi %mul3A_2, %mul3A_235 : i32
      %multiple_of3A = tpu.assume_multiple %add3A, 8 : i32
      "tpu.region"() ({
        %run_scoped3A = tpu.sem_alloc : memref<!tpu.dma_semaphore, #tpu.memory_space<semaphore_mem>>
        %dma_start3A = tpu.memref_slice %arg3[%multiple_of3A] : memref<800000xi32, #tpu.memory_space<hbm>> -> memref<10000xi32, #tpu.memory_space<hbm>>
        %dma_start3A_244 = tpu.memref_slice %arg3[%multiple_of3A] : memref<800000xi32, #tpu.memory_space<hbm>> -> memref<10000xi32, #tpu.memory_space<hbm>>
        tpu.enqueue_dma source(%dma_start3A_244 : memref<10000xi32, #tpu.memory_space<hbm>>) target(%arg17 : memref<10000xi32, #tpu.memory_space<vmem>>) target_semaphore(%run_scoped3A : memref<!tpu.dma_semaphore, #tpu.memory_space<semaphore_mem>>)
        %dma_wait3A = tpu.memref_slice %arg3[%multiple_of3A] : memref<800000xi32, #tpu.memory_space<hbm>> -> memref<10000xi32, #tpu.memory_space<hbm>>
        %dma_wait3A_245 = tpu.memref_slice %arg3[%multiple_of3A] : memref<800000xi32, #tpu.memory_space<hbm>> -> memref<10000xi32, #tpu.memory_space<hbm>>
        tpu.wait_dma2 semaphore(%run_scoped3A : memref<!tpu.dma_semaphore, #tpu.memory_space<semaphore_mem>>) src(%dma_wait3A_245 : memref<10000xi32, #tpu.memory_space<hbm>>) dst(%arg17 : memref<10000xi32, #tpu.memory_space<vmem>>)
        tpu.yield
      }) : () -> ()
      "tpu.region"() ({
        %run_scoped3A = tpu.sem_alloc : memref<!tpu.dma_semaphore, #tpu.memory_space<semaphore_mem>>
        %dma_start3A = tpu.memref_slice %arg4[%multiple_of3A] : memref<800000xi32, #tpu.memory_space<hbm>> -> memref<10000xi32, #tpu.memory_space<hbm>>
        %dma_start3A_244 = tpu.memref_slice %arg4[%multiple_of3A] : memref<800000xi32, #tpu.memory_space<hbm>> -> memref<10000xi32, #tpu.memory_space<hbm>>
        tpu.enqueue_dma source(%dma_start3A_244 : memref<10000xi32, #tpu.memory_space<hbm>>) target(%arg18 : memref<10000xi32, #tpu.memory_space<vmem>>) target_semaphore(%run_scoped3A : memref<!tpu.dma_semaphore, #tpu.memory_space<semaphore_mem>>)
        %dma_wait3A = tpu.memref_slice %arg4[%multiple_of3A] : memref<800000xi32, #tpu.memory_space<hbm>> -> memref<10000xi32, #tpu.memory_space<hbm>>
        %dma_wait3A_245 = tpu.memref_slice %arg4[%multiple_of3A] : memref<800000xi32, #tpu.memory_space<hbm>> -> memref<10000xi32, #tpu.memory_space<hbm>>
        tpu.wait_dma2 semaphore(%run_scoped3A : memref<!tpu.dma_semaphore, #tpu.memory_space<semaphore_mem>>) src(%dma_wait3A_245 : memref<10000xi32, #tpu.memory_space<hbm>>) dst(%arg18 : memref<10000xi32, #tpu.memory_space<vmem>>)
        tpu.yield
      }) : () -> ()
      "tpu.region"() ({
        %run_scoped3A = tpu.sem_alloc : memref<!tpu.dma_semaphore, #tpu.memory_space<semaphore_mem>>
        %dma_start3A = tpu.memref_slice %arg16[%multiple_of3A] : memref<800000xf32, #tpu.memory_space<vmem_shared>> -> memref<10000xf32, #tpu.memory_space<vmem_shared>>
        %dma_start3A_244 = tpu.memref_slice %arg16[%multiple_of3A] : memref<800000xf32, #tpu.memory_space<vmem_shared>> -> memref<10000xf32, #tpu.memory_space<vmem_shared>>
        tpu.enqueue_dma source(%dma_start3A_244 : memref<10000xf32, #tpu.memory_space<vmem_shared>>) target(%arg19 : memref<10000xf32, #tpu.memory_space<vmem>>) target_semaphore(%run_scoped3A : memref<!tpu.dma_semaphore, #tpu.memory_space<semaphore_mem>>)
        %dma_wait3A = tpu.memref_slice %arg16[%multiple_of3A] : memref<800000xf32, #tpu.memory_space<vmem_shared>> -> memref<10000xf32, #tpu.memory_space<vmem_shared>>
        %dma_wait3A_245 = tpu.memref_slice %arg16[%multiple_of3A] : memref<800000xf32, #tpu.memory_space<vmem_shared>> -> memref<10000xf32, #tpu.memory_space<vmem_shared>>
        tpu.wait_dma2 semaphore(%run_scoped3A : memref<!tpu.dma_semaphore, #tpu.memory_space<semaphore_mem>>) src(%dma_wait3A_245 : memref<10000xf32, #tpu.memory_space<vmem_shared>>) dst(%arg19 : memref<10000xf32, #tpu.memory_space<vmem>>)
        tpu.yield
      }) : () -> ()
      "tpu.region"() ({
        %run_scoped3A = tpu.sem_alloc : memref<!tpu.dma_semaphore, #tpu.memory_space<semaphore_mem>>
        %dma_start3A = arith.constant 0 : i32
        %dma_start3A_244 = tpu.memref_slice %arg10[%dma_start3A] : memref<50176xf32, #tpu.memory_space<vmem_shared>> -> memref<50176xf32, #tpu.memory_space<vmem_shared>>
        tpu.enqueue_indirect_dma source(%dma_start3A_244 : memref<50176xf32, #tpu.memory_space<vmem_shared>>) target(%arg20 : memref<10000xf32, #tpu.memory_space<vmem>>) offsets(%arg17 : memref<10000xi32, #tpu.memory_space<vmem>>) semaphore(%run_scoped3A : memref<!tpu.dma_semaphore, #tpu.memory_space<semaphore_mem>>)
        %dma_wait3A = arith.constant 0 : i32
        %dma_wait3A_245 = tpu.memref_slice %arg10[%dma_wait3A] : memref<50176xf32, #tpu.memory_space<vmem_shared>> -> memref<50176xf32, #tpu.memory_space<vmem_shared>>
        tpu.wait_indirect_dma semaphore(%run_scoped3A : memref<!tpu.dma_semaphore, #tpu.memory_space<semaphore_mem>>) src(%dma_wait3A_245 : memref<50176xf32, #tpu.memory_space<vmem_shared>>) dst(%arg20 : memref<10000xf32, #tpu.memory_space<vmem>>)
        tpu.yield
      }) : () -> ()
      "tpu.region"() ({
        %run_scoped3A = tpu.sem_alloc : memref<!tpu.dma_semaphore, #tpu.memory_space<semaphore_mem>>
        %dma_start3A = arith.constant 0 : i32
        %dma_start3A_244 = tpu.memref_slice %arg11[%dma_start3A] : memref<50176xf32, #tpu.memory_space<vmem_shared>> -> memref<50176xf32, #tpu.memory_space<vmem_shared>>
        tpu.enqueue_indirect_dma source(%dma_start3A_244 : memref<50176xf32, #tpu.memory_space<vmem_shared>>) target(%arg21 : memref<10000xf32, #tpu.memory_space<vmem>>) offsets(%arg17 : memref<10000xi32, #tpu.memory_space<vmem>>) semaphore(%run_scoped3A : memref<!tpu.dma_semaphore, #tpu.memory_space<semaphore_mem>>)
        %dma_wait3A = arith.constant 0 : i32
        %dma_wait3A_245 = tpu.memref_slice %arg11[%dma_wait3A] : memref<50176xf32, #tpu.memory_space<vmem_shared>> -> memref<50176xf32, #tpu.memory_space<vmem_shared>>
        tpu.wait_indirect_dma semaphore(%run_scoped3A : memref<!tpu.dma_semaphore, #tpu.memory_space<semaphore_mem>>) src(%dma_wait3A_245 : memref<50176xf32, #tpu.memory_space<vmem_shared>>) dst(%arg21 : memref<10000xf32, #tpu.memory_space<vmem>>)
        tpu.yield
      }) : () -> ()
      %scan3A_236 = arith.constant 0 : i32
      %scan3A_237 = arith.constant 0 : i32
      %scan3A_238 = arith.constant 625 : i32
      %scan3A_239 = arith.addi %scan3A_237, %scan3A_238 : i32
      %scan3A_240 = arith.constant 1 : i32
      %scan3A_241 = scf.for %scan3A_244 = %scan3A_237 to %scan3A_239 step %scan3A_240 iter_args(%scan3A_245 = %scan3A_236) -> (i32)  : i32 {
        %mul3A_246 = arith.constant 16 : i32
        %mul3A_247 = arith.muli %scan3A_244, %mul3A_246 : i32
        %multiple_of3A_248 = tpu.assume_multiple %mul3A_247, 16 : i32
        %get3A = arith.index_cast %multiple_of3A_248 : i32 to index
        %get3A_249 = tpu.vector_load %arg19[%get3A] {strides = array<i32>} : memref<10000xf32, #tpu.memory_space<vmem>>, vector<16xf32>,
        %get3A_250 = vector.shape_cast %get3A_249 : vector<16xf32> to vector<16xf32>
        %get3A_251 = arith.index_cast %multiple_of3A_248 : i32 to index
        %get3A_252 = tpu.vector_load %arg20[%get3A_251] {strides = array<i32>} : memref<10000xf32, #tpu.memory_space<vmem>>, vector<16xf32>,
        %get3A_253 = vector.shape_cast %get3A_252 : vector<16xf32> to vector<16xf32>
        %mul3A_254 = arith.mulf %get3A_253, %get3A_250 : vector<16xf32>
        %swap3A = arith.index_cast %multiple_of3A_248 : i32 to index
        %swap3A_255 = tpu.vector_load %arg20[%swap3A] {strides = array<i32>} : memref<10000xf32, #tpu.memory_space<vmem>>, vector<16xf32>,
        %swap3A_256 = vector.shape_cast %swap3A_255 : vector<16xf32> to vector<16xf32>
        %swap3A_257 = vector.shape_cast %mul3A_254 : vector<16xf32> to vector<16xf32>
        tpu.vector_store %arg20[%swap3A], %swap3A_257 {strides = array<i32>} : memref<10000xf32, #tpu.memory_space<vmem>>, vector<16xf32>,
        %get3A_258 = arith.index_cast %multiple_of3A_248 : i32 to index
        %get3A_259 = tpu.vector_load %arg21[%get3A_258] {strides = array<i32>} : memref<10000xf32, #tpu.memory_space<vmem>>, vector<16xf32>,
        %get3A_260 = vector.shape_cast %get3A_259 : vector<16xf32> to vector<16xf32>
        %mul3A_261 = arith.mulf %get3A_260, %get3A_250 : vector<16xf32>
        %swap3A_262 = arith.index_cast %multiple_of3A_248 : i32 to index
        %swap3A_263 = tpu.vector_load %arg21[%swap3A_262] {strides = array<i32>} : memref<10000xf32, #tpu.memory_space<vmem>>, vector<16xf32>,
        %swap3A_264 = vector.shape_cast %swap3A_263 : vector<16xf32> to vector<16xf32>
        %swap3A_265 = vector.shape_cast %mul3A_261 : vector<16xf32> to vector<16xf32>
        tpu.vector_store %arg21[%swap3A_262], %swap3A_265 {strides = array<i32>} : memref<10000xf32, #tpu.memory_space<vmem>>, vector<16xf32>,
        %scan3A_266 = arith.constant 0 : i32
        scf.yield %scan3A_266 : i32
      }
      %scan3A_242 = arith.constant 625 : i32
      "tpu.region"() ({
        %run_scoped3A = tpu.sem_alloc : memref<!tpu.dma_semaphore, #tpu.memory_space<semaphore_mem>>
        %dma_start3A = arith.constant 0 : i32
        %dma_start3A_244 = tpu.memref_slice %arg12[%dma_start3A] : memref<50176xf32, #tpu.memory_space<vmem_shared>> -> memref<50176xf32, #tpu.memory_space<vmem_shared>>
        tpu.enqueue_indirect_dma source(%arg20 : memref<10000xf32, #tpu.memory_space<vmem>>) target(%dma_start3A_244 : memref<50176xf32, #tpu.memory_space<vmem_shared>>) offsets(%arg18 : memref<10000xi32, #tpu.memory_space<vmem>>) semaphore(%run_scoped3A : memref<!tpu.dma_semaphore, #tpu.memory_space<semaphore_mem>>) {add = true}
        %dma_wait3A = arith.constant 0 : i32
        %dma_wait3A_245 = tpu.memref_slice %arg12[%dma_wait3A] : memref<50176xf32, #tpu.memory_space<vmem_shared>> -> memref<50176xf32, #tpu.memory_space<vmem_shared>>
        tpu.wait_indirect_dma semaphore(%run_scoped3A : memref<!tpu.dma_semaphore, #tpu.memory_space<semaphore_mem>>) src(%arg20 : memref<10000xf32, #tpu.memory_space<vmem>>) dst(%dma_wait3A_245 : memref<50176xf32, #tpu.memory_space<vmem_shared>>)
        tpu.yield
      }) : () -> ()
      "tpu.region"() ({
        %run_scoped3A = tpu.sem_alloc : memref<!tpu.dma_semaphore, #tpu.memory_space<semaphore_mem>>
        %dma_start3A = arith.constant 0 : i32
        %dma_start3A_244 = tpu.memref_slice %arg13[%dma_start3A] : memref<50176xf32, #tpu.memory_space<vmem_shared>> -> memref<50176xf32, #tpu.memory_space<vmem_shared>>
        tpu.enqueue_indirect_dma source(%arg21 : memref<10000xf32, #tpu.memory_space<vmem>>) target(%dma_start3A_244 : memref<50176xf32, #tpu.memory_space<vmem_shared>>) offsets(%arg18 : memref<10000xi32, #tpu.memory_space<vmem>>) semaphore(%run_scoped3A : memref<!tpu.dma_semaphore, #tpu.memory_space<semaphore_mem>>) {add = true}
        %dma_wait3A = arith.constant 0 : i32
        %dma_wait3A_245 = tpu.memref_slice %arg13[%dma_wait3A] : memref<50176xf32, #tpu.memory_space<vmem_shared>> -> memref<50176xf32, #tpu.memory_space<vmem_shared>>
        tpu.wait_indirect_dma semaphore(%run_scoped3A : memref<!tpu.dma_semaphore, #tpu.memory_space<semaphore_mem>>) src(%arg21 : memref<10000xf32, #tpu.memory_space<vmem>>) dst(%dma_wait3A_245 : memref<50176xf32, #tpu.memory_space<vmem_shared>>)
        tpu.yield
      }) : () -> ()
      %scan3A_243 = arith.constant 0 : i32
      scf.yield %scan3A_243 : i32
    }
    %scan3A_79 = arith.constant 5 : i32
    %barrier3A_80 = arith.constant 0 : index
    tpu.barrier barrier_id(%barrier3A_80)
    "tpu.region"() ({
      %run_scoped3A = tpu.sem_alloc : memref<!tpu.dma_semaphore, #tpu.memory_space<semaphore_mem>>
      %dma_start3A = tpu.memref_slice %arg15[%mul3A_0] : memref<50176xf32, #tpu.memory_space<vmem_shared>> -> memref<3136xf32, #tpu.memory_space<vmem_shared>>
      %dma_start3A_232 = tpu.memref_slice %arg15[%mul3A_0] : memref<50176xf32, #tpu.memory_space<vmem_shared>> -> memref<3136xf32, #tpu.memory_space<vmem_shared>>
      tpu.enqueue_dma source(%dma_start3A_232 : memref<3136xf32, #tpu.memory_space<vmem_shared>>) target(%arg24 : memref<3136xf32, #tpu.memory_space<vmem>>) target_semaphore(%run_scoped3A : memref<!tpu.dma_semaphore, #tpu.memory_space<semaphore_mem>>)
      %dma_wait3A = tpu.memref_slice %arg15[%mul3A_0] : memref<50176xf32, #tpu.memory_space<vmem_shared>> -> memref<3136xf32, #tpu.memory_space<vmem_shared>>
      %dma_wait3A_233 = tpu.memref_slice %arg15[%mul3A_0] : memref<50176xf32, #tpu.memory_space<vmem_shared>> -> memref<3136xf32, #tpu.memory_space<vmem_shared>>
      tpu.wait_dma2 semaphore(%run_scoped3A : memref<!tpu.dma_semaphore, #tpu.memory_space<semaphore_mem>>) src(%dma_wait3A_233 : memref<3136xf32, #tpu.memory_space<vmem_shared>>) dst(%arg24 : memref<3136xf32, #tpu.memory_space<vmem>>)
      tpu.yield
    }) : () -> ()
    "tpu.region"() ({
      %run_scoped3A = tpu.sem_alloc : memref<!tpu.dma_semaphore, #tpu.memory_space<semaphore_mem>>
      %dma_start3A = tpu.memref_slice %arg12[%mul3A_0] : memref<50176xf32, #tpu.memory_space<vmem_shared>> -> memref<3136xf32, #tpu.memory_space<vmem_shared>>
      %dma_start3A_232 = tpu.memref_slice %arg12[%mul3A_0] : memref<50176xf32, #tpu.memory_space<vmem_shared>> -> memref<3136xf32, #tpu.memory_space<vmem_shared>>
      tpu.enqueue_dma source(%dma_start3A_232 : memref<3136xf32, #tpu.memory_space<vmem_shared>>) target(%arg22 : memref<3136xf32, #tpu.memory_space<vmem>>) target_semaphore(%run_scoped3A : memref<!tpu.dma_semaphore, #tpu.memory_space<semaphore_mem>>)
      %dma_wait3A = tpu.memref_slice %arg12[%mul3A_0] : memref<50176xf32, #tpu.memory_space<vmem_shared>> -> memref<3136xf32, #tpu.memory_space<vmem_shared>>
      %dma_wait3A_233 = tpu.memref_slice %arg12[%mul3A_0] : memref<50176xf32, #tpu.memory_space<vmem_shared>> -> memref<3136xf32, #tpu.memory_space<vmem_shared>>
      tpu.wait_dma2 semaphore(%run_scoped3A : memref<!tpu.dma_semaphore, #tpu.memory_space<semaphore_mem>>) src(%dma_wait3A_233 : memref<3136xf32, #tpu.memory_space<vmem_shared>>) dst(%arg22 : memref<3136xf32, #tpu.memory_space<vmem>>)
      tpu.yield
    }) : () -> ()
    "tpu.region"() ({
      %run_scoped3A = tpu.sem_alloc : memref<!tpu.dma_semaphore, #tpu.memory_space<semaphore_mem>>
      %dma_start3A = tpu.memref_slice %arg13[%mul3A_0] : memref<50176xf32, #tpu.memory_space<vmem_shared>> -> memref<3136xf32, #tpu.memory_space<vmem_shared>>
      %dma_start3A_232 = tpu.memref_slice %arg13[%mul3A_0] : memref<50176xf32, #tpu.memory_space<vmem_shared>> -> memref<3136xf32, #tpu.memory_space<vmem_shared>>
      tpu.enqueue_dma source(%dma_start3A_232 : memref<3136xf32, #tpu.memory_space<vmem_shared>>) target(%arg23 : memref<3136xf32, #tpu.memory_space<vmem>>) target_semaphore(%run_scoped3A : memref<!tpu.dma_semaphore, #tpu.memory_space<semaphore_mem>>)
      %dma_wait3A = tpu.memref_slice %arg13[%mul3A_0] : memref<50176xf32, #tpu.memory_space<vmem_shared>> -> memref<3136xf32, #tpu.memory_space<vmem_shared>>
      %dma_wait3A_233 = tpu.memref_slice %arg13[%mul3A_0] : memref<50176xf32, #tpu.memory_space<vmem_shared>> -> memref<3136xf32, #tpu.memory_space<vmem_shared>>
      tpu.wait_dma2 semaphore(%run_scoped3A : memref<!tpu.dma_semaphore, #tpu.memory_space<semaphore_mem>>) src(%dma_wait3A_233 : memref<3136xf32, #tpu.memory_space<vmem_shared>>) dst(%arg23 : memref<3136xf32, #tpu.memory_space<vmem>>)
      tpu.yield
    }) : () -> ()
    %scan3A_81 = arith.constant 0 : i32
    %scan3A_82 = arith.constant 0 : i32
    %scan3A_83 = arith.constant 196 : i32
    %scan3A_84 = arith.addi %scan3A_82, %scan3A_83 : i32
    %scan3A_85 = arith.constant 1 : i32
    %scan3A_86 = scf.for %scan3A_232 = %scan3A_82 to %scan3A_84 step %scan3A_85 iter_args(%scan3A_233 = %scan3A_81) -> (i32)  : i32 {
      %mul3A_234 = arith.constant 16 : i32
      %mul3A_235 = arith.muli %scan3A_232, %mul3A_234 : i32
      %multiple_of3A = tpu.assume_multiple %mul3A_235, 16 : i32
      %get3A = arith.index_cast %multiple_of3A : i32 to index
      %get3A_236 = tpu.vector_load %arg24[%get3A] {strides = array<i32>} : memref<3136xf32, #tpu.memory_space<vmem>>, vector<16xf32>,
      %get3A_237 = vector.shape_cast %get3A_236 : vector<16xf32> to vector<16xf32>
      %get3A_238 = arith.index_cast %multiple_of3A : i32 to index
      %get3A_239 = tpu.vector_load %arg22[%get3A_238] {strides = array<i32>} : memref<3136xf32, #tpu.memory_space<vmem>>, vector<16xf32>,
      %get3A_240 = vector.shape_cast %get3A_239 : vector<16xf32> to vector<16xf32>
      %mul3A_241 = arith.mulf %get3A_240, %get3A_237 : vector<16xf32>
      %swap3A = arith.index_cast %multiple_of3A : i32 to index
      %swap3A_242 = tpu.vector_load %arg22[%swap3A] {strides = array<i32>} : memref<3136xf32, #tpu.memory_space<vmem>>, vector<16xf32>,
      %swap3A_243 = vector.shape_cast %swap3A_242 : vector<16xf32> to vector<16xf32>
      %swap3A_244 = vector.shape_cast %mul3A_241 : vector<16xf32> to vector<16xf32>
      tpu.vector_store %arg22[%swap3A], %swap3A_244 {strides = array<i32>} : memref<3136xf32, #tpu.memory_space<vmem>>, vector<16xf32>,
      %get3A_245 = arith.index_cast %multiple_of3A : i32 to index
      %get3A_246 = tpu.vector_load %arg23[%get3A_245] {strides = array<i32>} : memref<3136xf32, #tpu.memory_space<vmem>>, vector<16xf32>,
      %get3A_247 = vector.shape_cast %get3A_246 : vector<16xf32> to vector<16xf32>
      %mul3A_248 = arith.mulf %get3A_247, %get3A_237 : vector<16xf32>
      %swap3A_249 = arith.index_cast %multiple_of3A : i32 to index
      %swap3A_250 = tpu.vector_load %arg23[%swap3A_249] {strides = array<i32>} : memref<3136xf32, #tpu.memory_space<vmem>>, vector<16xf32>,
      %swap3A_251 = vector.shape_cast %swap3A_250 : vector<16xf32> to vector<16xf32>
      %swap3A_252 = vector.shape_cast %mul3A_248 : vector<16xf32> to vector<16xf32>
      tpu.vector_store %arg23[%swap3A_249], %swap3A_252 {strides = array<i32>} : memref<3136xf32, #tpu.memory_space<vmem>>, vector<16xf32>,
      %scan3A_253 = arith.constant 0 : i32
      scf.yield %scan3A_253 : i32
    }
    %scan3A_87 = arith.constant 196 : i32
    "tpu.region"() ({
      %run_scoped3A = tpu.sem_alloc : memref<!tpu.dma_semaphore, #tpu.memory_space<semaphore_mem>>
      %dma_start3A = tpu.memref_slice %arg10[%mul3A_0] : memref<50176xf32, #tpu.memory_space<vmem_shared>> -> memref<3136xf32, #tpu.memory_space<vmem_shared>>
      %dma_start3A_232 = tpu.memref_slice %arg10[%mul3A_0] : memref<50176xf32, #tpu.memory_space<vmem_shared>> -> memref<3136xf32, #tpu.memory_space<vmem_shared>>
      tpu.enqueue_dma source(%arg22 : memref<3136xf32, #tpu.memory_space<vmem>>) target(%dma_start3A_232 : memref<3136xf32, #tpu.memory_space<vmem_shared>>) target_semaphore(%run_scoped3A : memref<!tpu.dma_semaphore, #tpu.memory_space<semaphore_mem>>)
      %dma_wait3A = tpu.memref_slice %arg10[%mul3A_0] : memref<50176xf32, #tpu.memory_space<vmem_shared>> -> memref<3136xf32, #tpu.memory_space<vmem_shared>>
      %dma_wait3A_233 = tpu.memref_slice %arg10[%mul3A_0] : memref<50176xf32, #tpu.memory_space<vmem_shared>> -> memref<3136xf32, #tpu.memory_space<vmem_shared>>
      tpu.wait_dma2 semaphore(%run_scoped3A : memref<!tpu.dma_semaphore, #tpu.memory_space<semaphore_mem>>) src(%arg22 : memref<3136xf32, #tpu.memory_space<vmem>>) dst(%dma_wait3A_233 : memref<3136xf32, #tpu.memory_space<vmem_shared>>)
      tpu.yield
    }) : () -> ()
    "tpu.region"() ({
      %run_scoped3A = tpu.sem_alloc : memref<!tpu.dma_semaphore, #tpu.memory_space<semaphore_mem>>
      %dma_start3A = tpu.memref_slice %arg11[%mul3A_0] : memref<50176xf32, #tpu.memory_space<vmem_shared>> -> memref<3136xf32, #tpu.memory_space<vmem_shared>>
      %dma_start3A_232 = tpu.memref_slice %arg11[%mul3A_0] : memref<50176xf32, #tpu.memory_space<vmem_shared>> -> memref<3136xf32, #tpu.memory_space<vmem_shared>>
      tpu.enqueue_dma source(%arg23 : memref<3136xf32, #tpu.memory_space<vmem>>) target(%dma_start3A_232 : memref<3136xf32, #tpu.memory_space<vmem_shared>>) target_semaphore(%run_scoped3A : memref<!tpu.dma_semaphore, #tpu.memory_space<semaphore_mem>>)
      %dma_wait3A = tpu.memref_slice %arg11[%mul3A_0] : memref<50176xf32, #tpu.memory_space<vmem_shared>> -> memref<3136xf32, #tpu.memory_space<vmem_shared>>
      %dma_wait3A_233 = tpu.memref_slice %arg11[%mul3A_0] : memref<50176xf32, #tpu.memory_space<vmem_shared>> -> memref<3136xf32, #tpu.memory_space<vmem_shared>>
      tpu.wait_dma2 semaphore(%run_scoped3A : memref<!tpu.dma_semaphore, #tpu.memory_space<semaphore_mem>>) src(%arg23 : memref<3136xf32, #tpu.memory_space<vmem>>) dst(%dma_wait3A_233 : memref<3136xf32, #tpu.memory_space<vmem_shared>>)
      tpu.yield
    }) : () -> ()
    %barrier3A_88 = arith.constant 0 : index
    tpu.barrier barrier_id(%barrier3A_88)
    %scan3A_89 = arith.constant 0 : i32
    %scan3A_90 = arith.constant 0 : i32
    %scan3A_91 = arith.constant 5 : i32
    %scan3A_92 = arith.addi %scan3A_90, %scan3A_91 : i32
    %scan3A_93 = arith.constant 1 : i32
    %scan3A_94 = scf.for %scan3A_232 = %scan3A_90 to %scan3A_92 step %scan3A_93 iter_args(%scan3A_233 = %scan3A_89) -> (i32)  : i32 {
      %mul3A_234 = arith.constant 10000 : i32
      %mul3A_235 = arith.muli %scan3A_232, %mul3A_234 : i32
      %add3A = arith.addi %mul3A_2, %mul3A_235 : i32
      %multiple_of3A = tpu.assume_multiple %add3A, 8 : i32
      "tpu.region"() ({
        %run_scoped3A = tpu.sem_alloc : memref<!tpu.dma_semaphore, #tpu.memory_space<semaphore_mem>>
        %dma_start3A = tpu.memref_slice %arg3[%multiple_of3A] : memref<800000xi32, #tpu.memory_space<hbm>> -> memref<10000xi32, #tpu.memory_space<hbm>>
        %dma_start3A_244 = tpu.memref_slice %arg3[%multiple_of3A] : memref<800000xi32, #tpu.memory_space<hbm>> -> memref<10000xi32, #tpu.memory_space<hbm>>
        tpu.enqueue_dma source(%dma_start3A_244 : memref<10000xi32, #tpu.memory_space<hbm>>) target(%arg17 : memref<10000xi32, #tpu.memory_space<vmem>>) target_semaphore(%run_scoped3A : memref<!tpu.dma_semaphore, #tpu.memory_space<semaphore_mem>>)
        %dma_wait3A = tpu.memref_slice %arg3[%multiple_of3A] : memref<800000xi32, #tpu.memory_space<hbm>> -> memref<10000xi32, #tpu.memory_space<hbm>>
        %dma_wait3A_245 = tpu.memref_slice %arg3[%multiple_of3A] : memref<800000xi32, #tpu.memory_space<hbm>> -> memref<10000xi32, #tpu.memory_space<hbm>>
        tpu.wait_dma2 semaphore(%run_scoped3A : memref<!tpu.dma_semaphore, #tpu.memory_space<semaphore_mem>>) src(%dma_wait3A_245 : memref<10000xi32, #tpu.memory_space<hbm>>) dst(%arg17 : memref<10000xi32, #tpu.memory_space<vmem>>)
        tpu.yield
      }) : () -> ()
      "tpu.region"() ({
        %run_scoped3A = tpu.sem_alloc : memref<!tpu.dma_semaphore, #tpu.memory_space<semaphore_mem>>
        %dma_start3A = tpu.memref_slice %arg4[%multiple_of3A] : memref<800000xi32, #tpu.memory_space<hbm>> -> memref<10000xi32, #tpu.memory_space<hbm>>
        %dma_start3A_244 = tpu.memref_slice %arg4[%multiple_of3A] : memref<800000xi32, #tpu.memory_space<hbm>> -> memref<10000xi32, #tpu.memory_space<hbm>>
        tpu.enqueue_dma source(%dma_start3A_244 : memref<10000xi32, #tpu.memory_space<hbm>>) target(%arg18 : memref<10000xi32, #tpu.memory_space<vmem>>) target_semaphore(%run_scoped3A : memref<!tpu.dma_semaphore, #tpu.memory_space<semaphore_mem>>)
        %dma_wait3A = tpu.memref_slice %arg4[%multiple_of3A] : memref<800000xi32, #tpu.memory_space<hbm>> -> memref<10000xi32, #tpu.memory_space<hbm>>
        %dma_wait3A_245 = tpu.memref_slice %arg4[%multiple_of3A] : memref<800000xi32, #tpu.memory_space<hbm>> -> memref<10000xi32, #tpu.memory_space<hbm>>
        tpu.wait_dma2 semaphore(%run_scoped3A : memref<!tpu.dma_semaphore, #tpu.memory_space<semaphore_mem>>) src(%dma_wait3A_245 : memref<10000xi32, #tpu.memory_space<hbm>>) dst(%arg18 : memref<10000xi32, #tpu.memory_space<vmem>>)
        tpu.yield
      }) : () -> ()
      "tpu.region"() ({
        %run_scoped3A = tpu.sem_alloc : memref<!tpu.dma_semaphore, #tpu.memory_space<semaphore_mem>>
        %dma_start3A = tpu.memref_slice %arg16[%multiple_of3A] : memref<800000xf32, #tpu.memory_space<vmem_shared>> -> memref<10000xf32, #tpu.memory_space<vmem_shared>>
        %dma_start3A_244 = tpu.memref_slice %arg16[%multiple_of3A] : memref<800000xf32, #tpu.memory_space<vmem_shared>> -> memref<10000xf32, #tpu.memory_space<vmem_shared>>
        tpu.enqueue_dma source(%dma_start3A_244 : memref<10000xf32, #tpu.memory_space<vmem_shared>>) target(%arg19 : memref<10000xf32, #tpu.memory_space<vmem>>) target_semaphore(%run_scoped3A : memref<!tpu.dma_semaphore, #tpu.memory_space<semaphore_mem>>)
        %dma_wait3A = tpu.memref_slice %arg16[%multiple_of3A] : memref<800000xf32, #tpu.memory_space<vmem_shared>> -> memref<10000xf32, #tpu.memory_space<vmem_shared>>
        %dma_wait3A_245 = tpu.memref_slice %arg16[%multiple_of3A] : memref<800000xf32, #tpu.memory_space<vmem_shared>> -> memref<10000xf32, #tpu.memory_space<vmem_shared>>
        tpu.wait_dma2 semaphore(%run_scoped3A : memref<!tpu.dma_semaphore, #tpu.memory_space<semaphore_mem>>) src(%dma_wait3A_245 : memref<10000xf32, #tpu.memory_space<vmem_shared>>) dst(%arg19 : memref<10000xf32, #tpu.memory_space<vmem>>)
        tpu.yield
      }) : () -> ()
      "tpu.region"() ({
        %run_scoped3A = tpu.sem_alloc : memref<!tpu.dma_semaphore, #tpu.memory_space<semaphore_mem>>
        %dma_start3A = arith.constant 0 : i32
        %dma_start3A_244 = tpu.memref_slice %arg12[%dma_start3A] : memref<50176xf32, #tpu.memory_space<vmem_shared>> -> memref<50176xf32, #tpu.memory_space<vmem_shared>>
        tpu.enqueue_indirect_dma source(%dma_start3A_244 : memref<50176xf32, #tpu.memory_space<vmem_shared>>) target(%arg20 : memref<10000xf32, #tpu.memory_space<vmem>>) offsets(%arg17 : memref<10000xi32, #tpu.memory_space<vmem>>) semaphore(%run_scoped3A : memref<!tpu.dma_semaphore, #tpu.memory_space<semaphore_mem>>)
        %dma_wait3A = arith.constant 0 : i32
        %dma_wait3A_245 = tpu.memref_slice %arg12[%dma_wait3A] : memref<50176xf32, #tpu.memory_space<vmem_shared>> -> memref<50176xf32, #tpu.memory_space<vmem_shared>>
        tpu.wait_indirect_dma semaphore(%run_scoped3A : memref<!tpu.dma_semaphore, #tpu.memory_space<semaphore_mem>>) src(%dma_wait3A_245 : memref<50176xf32, #tpu.memory_space<vmem_shared>>) dst(%arg20 : memref<10000xf32, #tpu.memory_space<vmem>>)
        tpu.yield
      }) : () -> ()
      "tpu.region"() ({
        %run_scoped3A = tpu.sem_alloc : memref<!tpu.dma_semaphore, #tpu.memory_space<semaphore_mem>>
        %dma_start3A = arith.constant 0 : i32
        %dma_start3A_244 = tpu.memref_slice %arg13[%dma_start3A] : memref<50176xf32, #tpu.memory_space<vmem_shared>> -> memref<50176xf32, #tpu.memory_space<vmem_shared>>
        tpu.enqueue_indirect_dma source(%dma_start3A_244 : memref<50176xf32, #tpu.memory_space<vmem_shared>>) target(%arg21 : memref<10000xf32, #tpu.memory_space<vmem>>) offsets(%arg17 : memref<10000xi32, #tpu.memory_space<vmem>>) semaphore(%run_scoped3A : memref<!tpu.dma_semaphore, #tpu.memory_space<semaphore_mem>>)
        %dma_wait3A = arith.constant 0 : i32
        %dma_wait3A_245 = tpu.memref_slice %arg13[%dma_wait3A] : memref<50176xf32, #tpu.memory_space<vmem_shared>> -> memref<50176xf32, #tpu.memory_space<vmem_shared>>
        tpu.wait_indirect_dma semaphore(%run_scoped3A : memref<!tpu.dma_semaphore, #tpu.memory_space<semaphore_mem>>) src(%dma_wait3A_245 : memref<50176xf32, #tpu.memory_space<vmem_shared>>) dst(%arg21 : memref<10000xf32, #tpu.memory_space<vmem>>)
        tpu.yield
      }) : () -> ()
      %scan3A_236 = arith.constant 0 : i32
      %scan3A_237 = arith.constant 0 : i32
      %scan3A_238 = arith.constant 625 : i32
      %scan3A_239 = arith.addi %scan3A_237, %scan3A_238 : i32
      %scan3A_240 = arith.constant 1 : i32
      %scan3A_241 = scf.for %scan3A_244 = %scan3A_237 to %scan3A_239 step %scan3A_240 iter_args(%scan3A_245 = %scan3A_236) -> (i32)  : i32 {
        %mul3A_246 = arith.constant 16 : i32
        %mul3A_247 = arith.muli %scan3A_244, %mul3A_246 : i32
        %multiple_of3A_248 = tpu.assume_multiple %mul3A_247, 16 : i32
        %get3A = arith.index_cast %multiple_of3A_248 : i32 to index
        %get3A_249 = tpu.vector_load %arg19[%get3A] {strides = array<i32>} : memref<10000xf32, #tpu.memory_space<vmem>>, vector<16xf32>,
        %get3A_250 = vector.shape_cast %get3A_249 : vector<16xf32> to vector<16xf32>
        %get3A_251 = arith.index_cast %multiple_of3A_248 : i32 to index
        %get3A_252 = tpu.vector_load %arg20[%get3A_251] {strides = array<i32>} : memref<10000xf32, #tpu.memory_space<vmem>>, vector<16xf32>,
        %get3A_253 = vector.shape_cast %get3A_252 : vector<16xf32> to vector<16xf32>
        %mul3A_254 = arith.mulf %get3A_253, %get3A_250 : vector<16xf32>
        %swap3A = arith.index_cast %multiple_of3A_248 : i32 to index
        %swap3A_255 = tpu.vector_load %arg20[%swap3A] {strides = array<i32>} : memref<10000xf32, #tpu.memory_space<vmem>>, vector<16xf32>,
        %swap3A_256 = vector.shape_cast %swap3A_255 : vector<16xf32> to vector<16xf32>
        %swap3A_257 = vector.shape_cast %mul3A_254 : vector<16xf32> to vector<16xf32>
        tpu.vector_store %arg20[%swap3A], %swap3A_257 {strides = array<i32>} : memref<10000xf32, #tpu.memory_space<vmem>>, vector<16xf32>,
        %get3A_258 = arith.index_cast %multiple_of3A_248 : i32 to index
        %get3A_259 = tpu.vector_load %arg21[%get3A_258] {strides = array<i32>} : memref<10000xf32, #tpu.memory_space<vmem>>, vector<16xf32>,
        %get3A_260 = vector.shape_cast %get3A_259 : vector<16xf32> to vector<16xf32>
        %mul3A_261 = arith.mulf %get3A_260, %get3A_250 : vector<16xf32>
        %swap3A_262 = arith.index_cast %multiple_of3A_248 : i32 to index
        %swap3A_263 = tpu.vector_load %arg21[%swap3A_262] {strides = array<i32>} : memref<10000xf32, #tpu.memory_space<vmem>>, vector<16xf32>,
        %swap3A_264 = vector.shape_cast %swap3A_263 : vector<16xf32> to vector<16xf32>
        %swap3A_265 = vector.shape_cast %mul3A_261 : vector<16xf32> to vector<16xf32>
        tpu.vector_store %arg21[%swap3A_262], %swap3A_265 {strides = array<i32>} : memref<10000xf32, #tpu.memory_space<vmem>>, vector<16xf32>,
        %scan3A_266 = arith.constant 0 : i32
        scf.yield %scan3A_266 : i32
      }
      %scan3A_242 = arith.constant 625 : i32
      "tpu.region"() ({
        %run_scoped3A = tpu.sem_alloc : memref<!tpu.dma_semaphore, #tpu.memory_space<semaphore_mem>>
        %dma_start3A = arith.constant 0 : i32
        %dma_start3A_244 = tpu.memref_slice %arg10[%dma_start3A] : memref<50176xf32, #tpu.memory_space<vmem_shared>> -> memref<50176xf32, #tpu.memory_space<vmem_shared>>
        tpu.enqueue_indirect_dma source(%arg20 : memref<10000xf32, #tpu.memory_space<vmem>>) target(%dma_start3A_244 : memref<50176xf32, #tpu.memory_space<vmem_shared>>) offsets(%arg18 : memref<10000xi32, #tpu.memory_space<vmem>>) semaphore(%run_scoped3A : memref<!tpu.dma_semaphore, #tpu.memory_space<semaphore_mem>>) {add = true}
        %dma_wait3A = arith.constant 0 : i32
        %dma_wait3A_245 = tpu.memref_slice %arg10[%dma_wait3A] : memref<50176xf32, #tpu.memory_space<vmem_shared>> -> memref<50176xf32, #tpu.memory_space<vmem_shared>>
        tpu.wait_indirect_dma semaphore(%run_scoped3A : memref<!tpu.dma_semaphore, #tpu.memory_space<semaphore_mem>>) src(%arg20 : memref<10000xf32, #tpu.memory_space<vmem>>) dst(%dma_wait3A_245 : memref<50176xf32, #tpu.memory_space<vmem_shared>>)
        tpu.yield
      }) : () -> ()
      "tpu.region"() ({
        %run_scoped3A = tpu.sem_alloc : memref<!tpu.dma_semaphore, #tpu.memory_space<semaphore_mem>>
        %dma_start3A = arith.constant 0 : i32
        %dma_start3A_244 = tpu.memref_slice %arg11[%dma_start3A] : memref<50176xf32, #tpu.memory_space<vmem_shared>> -> memref<50176xf32, #tpu.memory_space<vmem_shared>>
        tpu.enqueue_indirect_dma source(%arg21 : memref<10000xf32, #tpu.memory_space<vmem>>) target(%dma_start3A_244 : memref<50176xf32, #tpu.memory_space<vmem_shared>>) offsets(%arg18 : memref<10000xi32, #tpu.memory_space<vmem>>) semaphore(%run_scoped3A : memref<!tpu.dma_semaphore, #tpu.memory_space<semaphore_mem>>) {add = true}
        %dma_wait3A = arith.constant 0 : i32
        %dma_wait3A_245 = tpu.memref_slice %arg11[%dma_wait3A] : memref<50176xf32, #tpu.memory_space<vmem_shared>> -> memref<50176xf32, #tpu.memory_space<vmem_shared>>
        tpu.wait_indirect_dma semaphore(%run_scoped3A : memref<!tpu.dma_semaphore, #tpu.memory_space<semaphore_mem>>) src(%arg21 : memref<10000xf32, #tpu.memory_space<vmem>>) dst(%dma_wait3A_245 : memref<50176xf32, #tpu.memory_space<vmem_shared>>)
        tpu.yield
      }) : () -> ()
      %scan3A_243 = arith.constant 0 : i32
      scf.yield %scan3A_243 : i32
    }
    %scan3A_95 = arith.constant 5 : i32
    %barrier3A_96 = arith.constant 0 : index
    tpu.barrier barrier_id(%barrier3A_96)
    "tpu.region"() ({
      %run_scoped3A = tpu.sem_alloc : memref<!tpu.dma_semaphore, #tpu.memory_space<semaphore_mem>>
      %dma_start3A = tpu.memref_slice %arg15[%mul3A_0] : memref<50176xf32, #tpu.memory_space<vmem_shared>> -> memref<3136xf32, #tpu.memory_space<vmem_shared>>
      %dma_start3A_232 = tpu.memref_slice %arg15[%mul3A_0] : memref<50176xf32, #tpu.memory_space<vmem_shared>> -> memref<3136xf32, #tpu.memory_space<vmem_shared>>
      tpu.enqueue_dma source(%dma_start3A_232 : memref<3136xf32, #tpu.memory_space<vmem_shared>>) target(%arg24 : memref<3136xf32, #tpu.memory_space<vmem>>) target_semaphore(%run_scoped3A : memref<!tpu.dma_semaphore, #tpu.memory_space<semaphore_mem>>)
      %dma_wait3A = tpu.memref_slice %arg15[%mul3A_0] : memref<50176xf32, #tpu.memory_space<vmem_shared>> -> memref<3136xf32, #tpu.memory_space<vmem_shared>>
      %dma_wait3A_233 = tpu.memref_slice %arg15[%mul3A_0] : memref<50176xf32, #tpu.memory_space<vmem_shared>> -> memref<3136xf32, #tpu.memory_space<vmem_shared>>
      tpu.wait_dma2 semaphore(%run_scoped3A : memref<!tpu.dma_semaphore, #tpu.memory_space<semaphore_mem>>) src(%dma_wait3A_233 : memref<3136xf32, #tpu.memory_space<vmem_shared>>) dst(%arg24 : memref<3136xf32, #tpu.memory_space<vmem>>)
      tpu.yield
    }) : () -> ()
    "tpu.region"() ({
      %run_scoped3A = tpu.sem_alloc : memref<!tpu.dma_semaphore, #tpu.memory_space<semaphore_mem>>
      %dma_start3A = tpu.memref_slice %arg10[%mul3A_0] : memref<50176xf32, #tpu.memory_space<vmem_shared>> -> memref<3136xf32, #tpu.memory_space<vmem_shared>>
      %dma_start3A_232 = tpu.memref_slice %arg10[%mul3A_0] : memref<50176xf32, #tpu.memory_space<vmem_shared>> -> memref<3136xf32, #tpu.memory_space<vmem_shared>>
      tpu.enqueue_dma source(%dma_start3A_232 : memref<3136xf32, #tpu.memory_space<vmem_shared>>) target(%arg22 : memref<3136xf32, #tpu.memory_space<vmem>>) target_semaphore(%run_scoped3A : memref<!tpu.dma_semaphore, #tpu.memory_space<semaphore_mem>>)
      %dma_wait3A = tpu.memref_slice %arg10[%mul3A_0] : memref<50176xf32, #tpu.memory_space<vmem_shared>> -> memref<3136xf32, #tpu.memory_space<vmem_shared>>
      %dma_wait3A_233 = tpu.memref_slice %arg10[%mul3A_0] : memref<50176xf32, #tpu.memory_space<vmem_shared>> -> memref<3136xf32, #tpu.memory_space<vmem_shared>>
      tpu.wait_dma2 semaphore(%run_scoped3A : memref<!tpu.dma_semaphore, #tpu.memory_space<semaphore_mem>>) src(%dma_wait3A_233 : memref<3136xf32, #tpu.memory_space<vmem_shared>>) dst(%arg22 : memref<3136xf32, #tpu.memory_space<vmem>>)
      tpu.yield
    }) : () -> ()
    "tpu.region"() ({
      %run_scoped3A = tpu.sem_alloc : memref<!tpu.dma_semaphore, #tpu.memory_space<semaphore_mem>>
      %dma_start3A = tpu.memref_slice %arg11[%mul3A_0] : memref<50176xf32, #tpu.memory_space<vmem_shared>> -> memref<3136xf32, #tpu.memory_space<vmem_shared>>
      %dma_start3A_232 = tpu.memref_slice %arg11[%mul3A_0] : memref<50176xf32, #tpu.memory_space<vmem_shared>> -> memref<3136xf32, #tpu.memory_space<vmem_shared>>
      tpu.enqueue_dma source(%dma_start3A_232 : memref<3136xf32, #tpu.memory_space<vmem_shared>>) target(%arg23 : memref<3136xf32, #tpu.memory_space<vmem>>) target_semaphore(%run_scoped3A : memref<!tpu.dma_semaphore, #tpu.memory_space<semaphore_mem>>)
      %dma_wait3A = tpu.memref_slice %arg11[%mul3A_0] : memref<50176xf32, #tpu.memory_space<vmem_shared>> -> memref<3136xf32, #tpu.memory_space<vmem_shared>>
      %dma_wait3A_233 = tpu.memref_slice %arg11[%mul3A_0] : memref<50176xf32, #tpu.memory_space<vmem_shared>> -> memref<3136xf32, #tpu.memory_space<vmem_shared>>
      tpu.wait_dma2 semaphore(%run_scoped3A : memref<!tpu.dma_semaphore, #tpu.memory_space<semaphore_mem>>) src(%dma_wait3A_233 : memref<3136xf32, #tpu.memory_space<vmem_shared>>) dst(%arg23 : memref<3136xf32, #tpu.memory_space<vmem>>)
      tpu.yield
    }) : () -> ()
    %scan3A_97 = arith.constant 0 : i32
    %scan3A_98 = arith.constant 0 : i32
    %scan3A_99 = arith.constant 196 : i32
    %scan3A_100 = arith.addi %scan3A_98, %scan3A_99 : i32
    %scan3A_101 = arith.constant 1 : i32
    %scan3A_102 = scf.for %scan3A_232 = %scan3A_98 to %scan3A_100 step %scan3A_101 iter_args(%scan3A_233 = %scan3A_97) -> (i32)  : i32 {
      %mul3A_234 = arith.constant 16 : i32
      %mul3A_235 = arith.muli %scan3A_232, %mul3A_234 : i32
      %multiple_of3A = tpu.assume_multiple %mul3A_235, 16 : i32
      %get3A = arith.index_cast %multiple_of3A : i32 to index
      %get3A_236 = tpu.vector_load %arg24[%get3A] {strides = array<i32>} : memref<3136xf32, #tpu.memory_space<vmem>>, vector<16xf32>,
      %get3A_237 = vector.shape_cast %get3A_236 : vector<16xf32> to vector<16xf32>
      %get3A_238 = arith.index_cast %multiple_of3A : i32 to index
      %get3A_239 = tpu.vector_load %arg22[%get3A_238] {strides = array<i32>} : memref<3136xf32, #tpu.memory_space<vmem>>, vector<16xf32>,
      %get3A_240 = vector.shape_cast %get3A_239 : vector<16xf32> to vector<16xf32>
      %mul3A_241 = arith.mulf %get3A_240, %get3A_237 : vector<16xf32>
      %swap3A = arith.index_cast %multiple_of3A : i32 to index
      %swap3A_242 = tpu.vector_load %arg22[%swap3A] {strides = array<i32>} : memref<3136xf32, #tpu.memory_space<vmem>>, vector<16xf32>,
      %swap3A_243 = vector.shape_cast %swap3A_242 : vector<16xf32> to vector<16xf32>
      %swap3A_244 = vector.shape_cast %mul3A_241 : vector<16xf32> to vector<16xf32>
      tpu.vector_store %arg22[%swap3A], %swap3A_244 {strides = array<i32>} : memref<3136xf32, #tpu.memory_space<vmem>>, vector<16xf32>,
      %get3A_245 = arith.index_cast %multiple_of3A : i32 to index
      %get3A_246 = tpu.vector_load %arg23[%get3A_245] {strides = array<i32>} : memref<3136xf32, #tpu.memory_space<vmem>>, vector<16xf32>,
      %get3A_247 = vector.shape_cast %get3A_246 : vector<16xf32> to vector<16xf32>
      %mul3A_248 = arith.mulf %get3A_247, %get3A_237 : vector<16xf32>
      %swap3A_249 = arith.index_cast %multiple_of3A : i32 to index
      %swap3A_250 = tpu.vector_load %arg23[%swap3A_249] {strides = array<i32>} : memref<3136xf32, #tpu.memory_space<vmem>>, vector<16xf32>,
      %swap3A_251 = vector.shape_cast %swap3A_250 : vector<16xf32> to vector<16xf32>
      %swap3A_252 = vector.shape_cast %mul3A_248 : vector<16xf32> to vector<16xf32>
      tpu.vector_store %arg23[%swap3A_249], %swap3A_252 {strides = array<i32>} : memref<3136xf32, #tpu.memory_space<vmem>>, vector<16xf32>,
      %scan3A_253 = arith.constant 0 : i32
      scf.yield %scan3A_253 : i32
    }
    %scan3A_103 = arith.constant 196 : i32
    "tpu.region"() ({
      %run_scoped3A = tpu.sem_alloc : memref<!tpu.dma_semaphore, #tpu.memory_space<semaphore_mem>>
      %dma_start3A = tpu.memref_slice %arg12[%mul3A_0] : memref<50176xf32, #tpu.memory_space<vmem_shared>> -> memref<3136xf32, #tpu.memory_space<vmem_shared>>
      %dma_start3A_232 = tpu.memref_slice %arg12[%mul3A_0] : memref<50176xf32, #tpu.memory_space<vmem_shared>> -> memref<3136xf32, #tpu.memory_space<vmem_shared>>
      tpu.enqueue_dma source(%arg22 : memref<3136xf32, #tpu.memory_space<vmem>>) target(%dma_start3A_232 : memref<3136xf32, #tpu.memory_space<vmem_shared>>) target_semaphore(%run_scoped3A : memref<!tpu.dma_semaphore, #tpu.memory_space<semaphore_mem>>)
      %dma_wait3A = tpu.memref_slice %arg12[%mul3A_0] : memref<50176xf32, #tpu.memory_space<vmem_shared>> -> memref<3136xf32, #tpu.memory_space<vmem_shared>>
      %dma_wait3A_233 = tpu.memref_slice %arg12[%mul3A_0] : memref<50176xf32, #tpu.memory_space<vmem_shared>> -> memref<3136xf32, #tpu.memory_space<vmem_shared>>
      tpu.wait_dma2 semaphore(%run_scoped3A : memref<!tpu.dma_semaphore, #tpu.memory_space<semaphore_mem>>) src(%arg22 : memref<3136xf32, #tpu.memory_space<vmem>>) dst(%dma_wait3A_233 : memref<3136xf32, #tpu.memory_space<vmem_shared>>)
      tpu.yield
    }) : () -> ()
    "tpu.region"() ({
      %run_scoped3A = tpu.sem_alloc : memref<!tpu.dma_semaphore, #tpu.memory_space<semaphore_mem>>
      %dma_start3A = tpu.memref_slice %arg13[%mul3A_0] : memref<50176xf32, #tpu.memory_space<vmem_shared>> -> memref<3136xf32, #tpu.memory_space<vmem_shared>>
      %dma_start3A_232 = tpu.memref_slice %arg13[%mul3A_0] : memref<50176xf32, #tpu.memory_space<vmem_shared>> -> memref<3136xf32, #tpu.memory_space<vmem_shared>>
      tpu.enqueue_dma source(%arg23 : memref<3136xf32, #tpu.memory_space<vmem>>) target(%dma_start3A_232 : memref<3136xf32, #tpu.memory_space<vmem_shared>>) target_semaphore(%run_scoped3A : memref<!tpu.dma_semaphore, #tpu.memory_space<semaphore_mem>>)
      %dma_wait3A = tpu.memref_slice %arg13[%mul3A_0] : memref<50176xf32, #tpu.memory_space<vmem_shared>> -> memref<3136xf32, #tpu.memory_space<vmem_shared>>
      %dma_wait3A_233 = tpu.memref_slice %arg13[%mul3A_0] : memref<50176xf32, #tpu.memory_space<vmem_shared>> -> memref<3136xf32, #tpu.memory_space<vmem_shared>>
      tpu.wait_dma2 semaphore(%run_scoped3A : memref<!tpu.dma_semaphore, #tpu.memory_space<semaphore_mem>>) src(%arg23 : memref<3136xf32, #tpu.memory_space<vmem>>) dst(%dma_wait3A_233 : memref<3136xf32, #tpu.memory_space<vmem_shared>>)
      tpu.yield
    }) : () -> ()
    %barrier3A_104 = arith.constant 0 : index
    tpu.barrier barrier_id(%barrier3A_104)
    %scan3A_105 = arith.constant 0 : i32
    %scan3A_106 = arith.constant 0 : i32
    %scan3A_107 = arith.constant 5 : i32
    %scan3A_108 = arith.addi %scan3A_106, %scan3A_107 : i32
    %scan3A_109 = arith.constant 1 : i32
    %scan3A_110 = scf.for %scan3A_232 = %scan3A_106 to %scan3A_108 step %scan3A_109 iter_args(%scan3A_233 = %scan3A_105) -> (i32)  : i32 {
      %mul3A_234 = arith.constant 10000 : i32
      %mul3A_235 = arith.muli %scan3A_232, %mul3A_234 : i32
      %add3A = arith.addi %mul3A_2, %mul3A_235 : i32
      %multiple_of3A = tpu.assume_multiple %add3A, 8 : i32
      "tpu.region"() ({
        %run_scoped3A = tpu.sem_alloc : memref<!tpu.dma_semaphore, #tpu.memory_space<semaphore_mem>>
        %dma_start3A = tpu.memref_slice %arg3[%multiple_of3A] : memref<800000xi32, #tpu.memory_space<hbm>> -> memref<10000xi32, #tpu.memory_space<hbm>>
        %dma_start3A_244 = tpu.memref_slice %arg3[%multiple_of3A] : memref<800000xi32, #tpu.memory_space<hbm>> -> memref<10000xi32, #tpu.memory_space<hbm>>
        tpu.enqueue_dma source(%dma_start3A_244 : memref<10000xi32, #tpu.memory_space<hbm>>) target(%arg17 : memref<10000xi32, #tpu.memory_space<vmem>>) target_semaphore(%run_scoped3A : memref<!tpu.dma_semaphore, #tpu.memory_space<semaphore_mem>>)
        %dma_wait3A = tpu.memref_slice %arg3[%multiple_of3A] : memref<800000xi32, #tpu.memory_space<hbm>> -> memref<10000xi32, #tpu.memory_space<hbm>>
        %dma_wait3A_245 = tpu.memref_slice %arg3[%multiple_of3A] : memref<800000xi32, #tpu.memory_space<hbm>> -> memref<10000xi32, #tpu.memory_space<hbm>>
        tpu.wait_dma2 semaphore(%run_scoped3A : memref<!tpu.dma_semaphore, #tpu.memory_space<semaphore_mem>>) src(%dma_wait3A_245 : memref<10000xi32, #tpu.memory_space<hbm>>) dst(%arg17 : memref<10000xi32, #tpu.memory_space<vmem>>)
        tpu.yield
      }) : () -> ()
      "tpu.region"() ({
        %run_scoped3A = tpu.sem_alloc : memref<!tpu.dma_semaphore, #tpu.memory_space<semaphore_mem>>
        %dma_start3A = tpu.memref_slice %arg4[%multiple_of3A] : memref<800000xi32, #tpu.memory_space<hbm>> -> memref<10000xi32, #tpu.memory_space<hbm>>
        %dma_start3A_244 = tpu.memref_slice %arg4[%multiple_of3A] : memref<800000xi32, #tpu.memory_space<hbm>> -> memref<10000xi32, #tpu.memory_space<hbm>>
        tpu.enqueue_dma source(%dma_start3A_244 : memref<10000xi32, #tpu.memory_space<hbm>>) target(%arg18 : memref<10000xi32, #tpu.memory_space<vmem>>) target_semaphore(%run_scoped3A : memref<!tpu.dma_semaphore, #tpu.memory_space<semaphore_mem>>)
        %dma_wait3A = tpu.memref_slice %arg4[%multiple_of3A] : memref<800000xi32, #tpu.memory_space<hbm>> -> memref<10000xi32, #tpu.memory_space<hbm>>
        %dma_wait3A_245 = tpu.memref_slice %arg4[%multiple_of3A] : memref<800000xi32, #tpu.memory_space<hbm>> -> memref<10000xi32, #tpu.memory_space<hbm>>
        tpu.wait_dma2 semaphore(%run_scoped3A : memref<!tpu.dma_semaphore, #tpu.memory_space<semaphore_mem>>) src(%dma_wait3A_245 : memref<10000xi32, #tpu.memory_space<hbm>>) dst(%arg18 : memref<10000xi32, #tpu.memory_space<vmem>>)
        tpu.yield
      }) : () -> ()
      "tpu.region"() ({
        %run_scoped3A = tpu.sem_alloc : memref<!tpu.dma_semaphore, #tpu.memory_space<semaphore_mem>>
        %dma_start3A = tpu.memref_slice %arg16[%multiple_of3A] : memref<800000xf32, #tpu.memory_space<vmem_shared>> -> memref<10000xf32, #tpu.memory_space<vmem_shared>>
        %dma_start3A_244 = tpu.memref_slice %arg16[%multiple_of3A] : memref<800000xf32, #tpu.memory_space<vmem_shared>> -> memref<10000xf32, #tpu.memory_space<vmem_shared>>
        tpu.enqueue_dma source(%dma_start3A_244 : memref<10000xf32, #tpu.memory_space<vmem_shared>>) target(%arg19 : memref<10000xf32, #tpu.memory_space<vmem>>) target_semaphore(%run_scoped3A : memref<!tpu.dma_semaphore, #tpu.memory_space<semaphore_mem>>)
        %dma_wait3A = tpu.memref_slice %arg16[%multiple_of3A] : memref<800000xf32, #tpu.memory_space<vmem_shared>> -> memref<10000xf32, #tpu.memory_space<vmem_shared>>
        %dma_wait3A_245 = tpu.memref_slice %arg16[%multiple_of3A] : memref<800000xf32, #tpu.memory_space<vmem_shared>> -> memref<10000xf32, #tpu.memory_space<vmem_shared>>
        tpu.wait_dma2 semaphore(%run_scoped3A : memref<!tpu.dma_semaphore, #tpu.memory_space<semaphore_mem>>) src(%dma_wait3A_245 : memref<10000xf32, #tpu.memory_space<vmem_shared>>) dst(%arg19 : memref<10000xf32, #tpu.memory_space<vmem>>)
        tpu.yield
      }) : () -> ()
      "tpu.region"() ({
        %run_scoped3A = tpu.sem_alloc : memref<!tpu.dma_semaphore, #tpu.memory_space<semaphore_mem>>
        %dma_start3A = arith.constant 0 : i32
        %dma_start3A_244 = tpu.memref_slice %arg10[%dma_start3A] : memref<50176xf32, #tpu.memory_space<vmem_shared>> -> memref<50176xf32, #tpu.memory_space<vmem_shared>>
        tpu.enqueue_indirect_dma source(%dma_start3A_244 : memref<50176xf32, #tpu.memory_space<vmem_shared>>) target(%arg20 : memref<10000xf32, #tpu.memory_space<vmem>>) offsets(%arg17 : memref<10000xi32, #tpu.memory_space<vmem>>) semaphore(%run_scoped3A : memref<!tpu.dma_semaphore, #tpu.memory_space<semaphore_mem>>)
        %dma_wait3A = arith.constant 0 : i32
        %dma_wait3A_245 = tpu.memref_slice %arg10[%dma_wait3A] : memref<50176xf32, #tpu.memory_space<vmem_shared>> -> memref<50176xf32, #tpu.memory_space<vmem_shared>>
        tpu.wait_indirect_dma semaphore(%run_scoped3A : memref<!tpu.dma_semaphore, #tpu.memory_space<semaphore_mem>>) src(%dma_wait3A_245 : memref<50176xf32, #tpu.memory_space<vmem_shared>>) dst(%arg20 : memref<10000xf32, #tpu.memory_space<vmem>>)
        tpu.yield
      }) : () -> ()
      "tpu.region"() ({
        %run_scoped3A = tpu.sem_alloc : memref<!tpu.dma_semaphore, #tpu.memory_space<semaphore_mem>>
        %dma_start3A = arith.constant 0 : i32
        %dma_start3A_244 = tpu.memref_slice %arg11[%dma_start3A] : memref<50176xf32, #tpu.memory_space<vmem_shared>> -> memref<50176xf32, #tpu.memory_space<vmem_shared>>
        tpu.enqueue_indirect_dma source(%dma_start3A_244 : memref<50176xf32, #tpu.memory_space<vmem_shared>>) target(%arg21 : memref<10000xf32, #tpu.memory_space<vmem>>) offsets(%arg17 : memref<10000xi32, #tpu.memory_space<vmem>>) semaphore(%run_scoped3A : memref<!tpu.dma_semaphore, #tpu.memory_space<semaphore_mem>>)
        %dma_wait3A = arith.constant 0 : i32
        %dma_wait3A_245 = tpu.memref_slice %arg11[%dma_wait3A] : memref<50176xf32, #tpu.memory_space<vmem_shared>> -> memref<50176xf32, #tpu.memory_space<vmem_shared>>
        tpu.wait_indirect_dma semaphore(%run_scoped3A : memref<!tpu.dma_semaphore, #tpu.memory_space<semaphore_mem>>) src(%dma_wait3A_245 : memref<50176xf32, #tpu.memory_space<vmem_shared>>) dst(%arg21 : memref<10000xf32, #tpu.memory_space<vmem>>)
        tpu.yield
      }) : () -> ()
      %scan3A_236 = arith.constant 0 : i32
      %scan3A_237 = arith.constant 0 : i32
      %scan3A_238 = arith.constant 625 : i32
      %scan3A_239 = arith.addi %scan3A_237, %scan3A_238 : i32
      %scan3A_240 = arith.constant 1 : i32
      %scan3A_241 = scf.for %scan3A_244 = %scan3A_237 to %scan3A_239 step %scan3A_240 iter_args(%scan3A_245 = %scan3A_236) -> (i32)  : i32 {
        %mul3A_246 = arith.constant 16 : i32
        %mul3A_247 = arith.muli %scan3A_244, %mul3A_246 : i32
        %multiple_of3A_248 = tpu.assume_multiple %mul3A_247, 16 : i32
        %get3A = arith.index_cast %multiple_of3A_248 : i32 to index
        %get3A_249 = tpu.vector_load %arg19[%get3A] {strides = array<i32>} : memref<10000xf32, #tpu.memory_space<vmem>>, vector<16xf32>,
        %get3A_250 = vector.shape_cast %get3A_249 : vector<16xf32> to vector<16xf32>
        %get3A_251 = arith.index_cast %multiple_of3A_248 : i32 to index
        %get3A_252 = tpu.vector_load %arg20[%get3A_251] {strides = array<i32>} : memref<10000xf32, #tpu.memory_space<vmem>>, vector<16xf32>,
        %get3A_253 = vector.shape_cast %get3A_252 : vector<16xf32> to vector<16xf32>
        %mul3A_254 = arith.mulf %get3A_253, %get3A_250 : vector<16xf32>
        %swap3A = arith.index_cast %multiple_of3A_248 : i32 to index
        %swap3A_255 = tpu.vector_load %arg20[%swap3A] {strides = array<i32>} : memref<10000xf32, #tpu.memory_space<vmem>>, vector<16xf32>,
        %swap3A_256 = vector.shape_cast %swap3A_255 : vector<16xf32> to vector<16xf32>
        %swap3A_257 = vector.shape_cast %mul3A_254 : vector<16xf32> to vector<16xf32>
        tpu.vector_store %arg20[%swap3A], %swap3A_257 {strides = array<i32>} : memref<10000xf32, #tpu.memory_space<vmem>>, vector<16xf32>,
        %get3A_258 = arith.index_cast %multiple_of3A_248 : i32 to index
        %get3A_259 = tpu.vector_load %arg21[%get3A_258] {strides = array<i32>} : memref<10000xf32, #tpu.memory_space<vmem>>, vector<16xf32>,
        %get3A_260 = vector.shape_cast %get3A_259 : vector<16xf32> to vector<16xf32>
        %mul3A_261 = arith.mulf %get3A_260, %get3A_250 : vector<16xf32>
        %swap3A_262 = arith.index_cast %multiple_of3A_248 : i32 to index
        %swap3A_263 = tpu.vector_load %arg21[%swap3A_262] {strides = array<i32>} : memref<10000xf32, #tpu.memory_space<vmem>>, vector<16xf32>,
        %swap3A_264 = vector.shape_cast %swap3A_263 : vector<16xf32> to vector<16xf32>
        %swap3A_265 = vector.shape_cast %mul3A_261 : vector<16xf32> to vector<16xf32>
        tpu.vector_store %arg21[%swap3A_262], %swap3A_265 {strides = array<i32>} : memref<10000xf32, #tpu.memory_space<vmem>>, vector<16xf32>,
        %scan3A_266 = arith.constant 0 : i32
        scf.yield %scan3A_266 : i32
      }
      %scan3A_242 = arith.constant 625 : i32
      "tpu.region"() ({
        %run_scoped3A = tpu.sem_alloc : memref<!tpu.dma_semaphore, #tpu.memory_space<semaphore_mem>>
        %dma_start3A = arith.constant 0 : i32
        %dma_start3A_244 = tpu.memref_slice %arg12[%dma_start3A] : memref<50176xf32, #tpu.memory_space<vmem_shared>> -> memref<50176xf32, #tpu.memory_space<vmem_shared>>
        tpu.enqueue_indirect_dma source(%arg20 : memref<10000xf32, #tpu.memory_space<vmem>>) target(%dma_start3A_244 : memref<50176xf32, #tpu.memory_space<vmem_shared>>) offsets(%arg18 : memref<10000xi32, #tpu.memory_space<vmem>>) semaphore(%run_scoped3A : memref<!tpu.dma_semaphore, #tpu.memory_space<semaphore_mem>>) {add = true}
        %dma_wait3A = arith.constant 0 : i32
        %dma_wait3A_245 = tpu.memref_slice %arg12[%dma_wait3A] : memref<50176xf32, #tpu.memory_space<vmem_shared>> -> memref<50176xf32, #tpu.memory_space<vmem_shared>>
        tpu.wait_indirect_dma semaphore(%run_scoped3A : memref<!tpu.dma_semaphore, #tpu.memory_space<semaphore_mem>>) src(%arg20 : memref<10000xf32, #tpu.memory_space<vmem>>) dst(%dma_wait3A_245 : memref<50176xf32, #tpu.memory_space<vmem_shared>>)
        tpu.yield
      }) : () -> ()
      "tpu.region"() ({
        %run_scoped3A = tpu.sem_alloc : memref<!tpu.dma_semaphore, #tpu.memory_space<semaphore_mem>>
        %dma_start3A = arith.constant 0 : i32
        %dma_start3A_244 = tpu.memref_slice %arg13[%dma_start3A] : memref<50176xf32, #tpu.memory_space<vmem_shared>> -> memref<50176xf32, #tpu.memory_space<vmem_shared>>
        tpu.enqueue_indirect_dma source(%arg21 : memref<10000xf32, #tpu.memory_space<vmem>>) target(%dma_start3A_244 : memref<50176xf32, #tpu.memory_space<vmem_shared>>) offsets(%arg18 : memref<10000xi32, #tpu.memory_space<vmem>>) semaphore(%run_scoped3A : memref<!tpu.dma_semaphore, #tpu.memory_space<semaphore_mem>>) {add = true}
        %dma_wait3A = arith.constant 0 : i32
        %dma_wait3A_245 = tpu.memref_slice %arg13[%dma_wait3A] : memref<50176xf32, #tpu.memory_space<vmem_shared>> -> memref<50176xf32, #tpu.memory_space<vmem_shared>>
        tpu.wait_indirect_dma semaphore(%run_scoped3A : memref<!tpu.dma_semaphore, #tpu.memory_space<semaphore_mem>>) src(%arg21 : memref<10000xf32, #tpu.memory_space<vmem>>) dst(%dma_wait3A_245 : memref<50176xf32, #tpu.memory_space<vmem_shared>>)
        tpu.yield
      }) : () -> ()
      %scan3A_243 = arith.constant 0 : i32
      scf.yield %scan3A_243 : i32
    }
    %scan3A_111 = arith.constant 5 : i32
    %barrier3A_112 = arith.constant 0 : index
    tpu.barrier barrier_id(%barrier3A_112)
    "tpu.region"() ({
      %run_scoped3A = tpu.sem_alloc : memref<!tpu.dma_semaphore, #tpu.memory_space<semaphore_mem>>
      %dma_start3A = tpu.memref_slice %arg15[%mul3A_0] : memref<50176xf32, #tpu.memory_space<vmem_shared>> -> memref<3136xf32, #tpu.memory_space<vmem_shared>>
      %dma_start3A_232 = tpu.memref_slice %arg15[%mul3A_0] : memref<50176xf32, #tpu.memory_space<vmem_shared>> -> memref<3136xf32, #tpu.memory_space<vmem_shared>>
      tpu.enqueue_dma source(%dma_start3A_232 : memref<3136xf32, #tpu.memory_space<vmem_shared>>) target(%arg24 : memref<3136xf32, #tpu.memory_space<vmem>>) target_semaphore(%run_scoped3A : memref<!tpu.dma_semaphore, #tpu.memory_space<semaphore_mem>>)
      %dma_wait3A = tpu.memref_slice %arg15[%mul3A_0] : memref<50176xf32, #tpu.memory_space<vmem_shared>> -> memref<3136xf32, #tpu.memory_space<vmem_shared>>
      %dma_wait3A_233 = tpu.memref_slice %arg15[%mul3A_0] : memref<50176xf32, #tpu.memory_space<vmem_shared>> -> memref<3136xf32, #tpu.memory_space<vmem_shared>>
      tpu.wait_dma2 semaphore(%run_scoped3A : memref<!tpu.dma_semaphore, #tpu.memory_space<semaphore_mem>>) src(%dma_wait3A_233 : memref<3136xf32, #tpu.memory_space<vmem_shared>>) dst(%arg24 : memref<3136xf32, #tpu.memory_space<vmem>>)
      tpu.yield
    }) : () -> ()
    "tpu.region"() ({
      %run_scoped3A = tpu.sem_alloc : memref<!tpu.dma_semaphore, #tpu.memory_space<semaphore_mem>>
      %dma_start3A = tpu.memref_slice %arg12[%mul3A_0] : memref<50176xf32, #tpu.memory_space<vmem_shared>> -> memref<3136xf32, #tpu.memory_space<vmem_shared>>
      %dma_start3A_232 = tpu.memref_slice %arg12[%mul3A_0] : memref<50176xf32, #tpu.memory_space<vmem_shared>> -> memref<3136xf32, #tpu.memory_space<vmem_shared>>
      tpu.enqueue_dma source(%dma_start3A_232 : memref<3136xf32, #tpu.memory_space<vmem_shared>>) target(%arg22 : memref<3136xf32, #tpu.memory_space<vmem>>) target_semaphore(%run_scoped3A : memref<!tpu.dma_semaphore, #tpu.memory_space<semaphore_mem>>)
      %dma_wait3A = tpu.memref_slice %arg12[%mul3A_0] : memref<50176xf32, #tpu.memory_space<vmem_shared>> -> memref<3136xf32, #tpu.memory_space<vmem_shared>>
      %dma_wait3A_233 = tpu.memref_slice %arg12[%mul3A_0] : memref<50176xf32, #tpu.memory_space<vmem_shared>> -> memref<3136xf32, #tpu.memory_space<vmem_shared>>
      tpu.wait_dma2 semaphore(%run_scoped3A : memref<!tpu.dma_semaphore, #tpu.memory_space<semaphore_mem>>) src(%dma_wait3A_233 : memref<3136xf32, #tpu.memory_space<vmem_shared>>) dst(%arg22 : memref<3136xf32, #tpu.memory_space<vmem>>)
      tpu.yield
    }) : () -> ()
    "tpu.region"() ({
      %run_scoped3A = tpu.sem_alloc : memref<!tpu.dma_semaphore, #tpu.memory_space<semaphore_mem>>
      %dma_start3A = tpu.memref_slice %arg13[%mul3A_0] : memref<50176xf32, #tpu.memory_space<vmem_shared>> -> memref<3136xf32, #tpu.memory_space<vmem_shared>>
      %dma_start3A_232 = tpu.memref_slice %arg13[%mul3A_0] : memref<50176xf32, #tpu.memory_space<vmem_shared>> -> memref<3136xf32, #tpu.memory_space<vmem_shared>>
      tpu.enqueue_dma source(%dma_start3A_232 : memref<3136xf32, #tpu.memory_space<vmem_shared>>) target(%arg23 : memref<3136xf32, #tpu.memory_space<vmem>>) target_semaphore(%run_scoped3A : memref<!tpu.dma_semaphore, #tpu.memory_space<semaphore_mem>>)
      %dma_wait3A = tpu.memref_slice %arg13[%mul3A_0] : memref<50176xf32, #tpu.memory_space<vmem_shared>> -> memref<3136xf32, #tpu.memory_space<vmem_shared>>
      %dma_wait3A_233 = tpu.memref_slice %arg13[%mul3A_0] : memref<50176xf32, #tpu.memory_space<vmem_shared>> -> memref<3136xf32, #tpu.memory_space<vmem_shared>>
      tpu.wait_dma2 semaphore(%run_scoped3A : memref<!tpu.dma_semaphore, #tpu.memory_space<semaphore_mem>>) src(%dma_wait3A_233 : memref<3136xf32, #tpu.memory_space<vmem_shared>>) dst(%arg23 : memref<3136xf32, #tpu.memory_space<vmem>>)
      tpu.yield
    }) : () -> ()
    %scan3A_113 = arith.constant 0 : i32
    %scan3A_114 = arith.constant 0 : i32
    %scan3A_115 = arith.constant 196 : i32
    %scan3A_116 = arith.addi %scan3A_114, %scan3A_115 : i32
    %scan3A_117 = arith.constant 1 : i32
    %scan3A_118 = scf.for %scan3A_232 = %scan3A_114 to %scan3A_116 step %scan3A_117 iter_args(%scan3A_233 = %scan3A_113) -> (i32)  : i32 {
      %mul3A_234 = arith.constant 16 : i32
      %mul3A_235 = arith.muli %scan3A_232, %mul3A_234 : i32
      %multiple_of3A = tpu.assume_multiple %mul3A_235, 16 : i32
      %get3A = arith.index_cast %multiple_of3A : i32 to index
      %get3A_236 = tpu.vector_load %arg24[%get3A] {strides = array<i32>} : memref<3136xf32, #tpu.memory_space<vmem>>, vector<16xf32>,
      %get3A_237 = vector.shape_cast %get3A_236 : vector<16xf32> to vector<16xf32>
      %get3A_238 = arith.index_cast %multiple_of3A : i32 to index
      %get3A_239 = tpu.vector_load %arg22[%get3A_238] {strides = array<i32>} : memref<3136xf32, #tpu.memory_space<vmem>>, vector<16xf32>,
      %get3A_240 = vector.shape_cast %get3A_239 : vector<16xf32> to vector<16xf32>
      %mul3A_241 = arith.mulf %get3A_240, %get3A_237 : vector<16xf32>
      %swap3A = arith.index_cast %multiple_of3A : i32 to index
      %swap3A_242 = tpu.vector_load %arg22[%swap3A] {strides = array<i32>} : memref<3136xf32, #tpu.memory_space<vmem>>, vector<16xf32>,
      %swap3A_243 = vector.shape_cast %swap3A_242 : vector<16xf32> to vector<16xf32>
      %swap3A_244 = vector.shape_cast %mul3A_241 : vector<16xf32> to vector<16xf32>
      tpu.vector_store %arg22[%swap3A], %swap3A_244 {strides = array<i32>} : memref<3136xf32, #tpu.memory_space<vmem>>, vector<16xf32>,
      %get3A_245 = arith.index_cast %multiple_of3A : i32 to index
      %get3A_246 = tpu.vector_load %arg23[%get3A_245] {strides = array<i32>} : memref<3136xf32, #tpu.memory_space<vmem>>, vector<16xf32>,
      %get3A_247 = vector.shape_cast %get3A_246 : vector<16xf32> to vector<16xf32>
      %mul3A_248 = arith.mulf %get3A_247, %get3A_237 : vector<16xf32>
      %swap3A_249 = arith.index_cast %multiple_of3A : i32 to index
      %swap3A_250 = tpu.vector_load %arg23[%swap3A_249] {strides = array<i32>} : memref<3136xf32, #tpu.memory_space<vmem>>, vector<16xf32>,
      %swap3A_251 = vector.shape_cast %swap3A_250 : vector<16xf32> to vector<16xf32>
      %swap3A_252 = vector.shape_cast %mul3A_248 : vector<16xf32> to vector<16xf32>
      tpu.vector_store %arg23[%swap3A_249], %swap3A_252 {strides = array<i32>} : memref<3136xf32, #tpu.memory_space<vmem>>, vector<16xf32>,
      %scan3A_253 = arith.constant 0 : i32
      scf.yield %scan3A_253 : i32
    }
    %scan3A_119 = arith.constant 196 : i32
    "tpu.region"() ({
      %run_scoped3A = tpu.sem_alloc : memref<!tpu.dma_semaphore, #tpu.memory_space<semaphore_mem>>
      %dma_start3A = tpu.memref_slice %arg10[%mul3A_0] : memref<50176xf32, #tpu.memory_space<vmem_shared>> -> memref<3136xf32, #tpu.memory_space<vmem_shared>>
      %dma_start3A_232 = tpu.memref_slice %arg10[%mul3A_0] : memref<50176xf32, #tpu.memory_space<vmem_shared>> -> memref<3136xf32, #tpu.memory_space<vmem_shared>>
      tpu.enqueue_dma source(%arg22 : memref<3136xf32, #tpu.memory_space<vmem>>) target(%dma_start3A_232 : memref<3136xf32, #tpu.memory_space<vmem_shared>>) target_semaphore(%run_scoped3A : memref<!tpu.dma_semaphore, #tpu.memory_space<semaphore_mem>>)
      %dma_wait3A = tpu.memref_slice %arg10[%mul3A_0] : memref<50176xf32, #tpu.memory_space<vmem_shared>> -> memref<3136xf32, #tpu.memory_space<vmem_shared>>
      %dma_wait3A_233 = tpu.memref_slice %arg10[%mul3A_0] : memref<50176xf32, #tpu.memory_space<vmem_shared>> -> memref<3136xf32, #tpu.memory_space<vmem_shared>>
      tpu.wait_dma2 semaphore(%run_scoped3A : memref<!tpu.dma_semaphore, #tpu.memory_space<semaphore_mem>>) src(%arg22 : memref<3136xf32, #tpu.memory_space<vmem>>) dst(%dma_wait3A_233 : memref<3136xf32, #tpu.memory_space<vmem_shared>>)
      tpu.yield
    }) : () -> ()
    "tpu.region"() ({
      %run_scoped3A = tpu.sem_alloc : memref<!tpu.dma_semaphore, #tpu.memory_space<semaphore_mem>>
      %dma_start3A = tpu.memref_slice %arg11[%mul3A_0] : memref<50176xf32, #tpu.memory_space<vmem_shared>> -> memref<3136xf32, #tpu.memory_space<vmem_shared>>
      %dma_start3A_232 = tpu.memref_slice %arg11[%mul3A_0] : memref<50176xf32, #tpu.memory_space<vmem_shared>> -> memref<3136xf32, #tpu.memory_space<vmem_shared>>
      tpu.enqueue_dma source(%arg23 : memref<3136xf32, #tpu.memory_space<vmem>>) target(%dma_start3A_232 : memref<3136xf32, #tpu.memory_space<vmem_shared>>) target_semaphore(%run_scoped3A : memref<!tpu.dma_semaphore, #tpu.memory_space<semaphore_mem>>)
      %dma_wait3A = tpu.memref_slice %arg11[%mul3A_0] : memref<50176xf32, #tpu.memory_space<vmem_shared>> -> memref<3136xf32, #tpu.memory_space<vmem_shared>>
      %dma_wait3A_233 = tpu.memref_slice %arg11[%mul3A_0] : memref<50176xf32, #tpu.memory_space<vmem_shared>> -> memref<3136xf32, #tpu.memory_space<vmem_shared>>
      tpu.wait_dma2 semaphore(%run_scoped3A : memref<!tpu.dma_semaphore, #tpu.memory_space<semaphore_mem>>) src(%arg23 : memref<3136xf32, #tpu.memory_space<vmem>>) dst(%dma_wait3A_233 : memref<3136xf32, #tpu.memory_space<vmem_shared>>)
      tpu.yield
    }) : () -> ()
    %barrier3A_120 = arith.constant 0 : index
    tpu.barrier barrier_id(%barrier3A_120)
    %scan3A_121 = arith.constant 0 : i32
    %scan3A_122 = arith.constant 0 : i32
    %scan3A_123 = arith.constant 5 : i32
    %scan3A_124 = arith.addi %scan3A_122, %scan3A_123 : i32
    %scan3A_125 = arith.constant 1 : i32
    %scan3A_126 = scf.for %scan3A_232 = %scan3A_122 to %scan3A_124 step %scan3A_125 iter_args(%scan3A_233 = %scan3A_121) -> (i32)  : i32 {
      %mul3A_234 = arith.constant 10000 : i32
      %mul3A_235 = arith.muli %scan3A_232, %mul3A_234 : i32
      %add3A = arith.addi %mul3A_2, %mul3A_235 : i32
      %multiple_of3A = tpu.assume_multiple %add3A, 8 : i32
      "tpu.region"() ({
        %run_scoped3A = tpu.sem_alloc : memref<!tpu.dma_semaphore, #tpu.memory_space<semaphore_mem>>
        %dma_start3A = tpu.memref_slice %arg3[%multiple_of3A] : memref<800000xi32, #tpu.memory_space<hbm>> -> memref<10000xi32, #tpu.memory_space<hbm>>
        %dma_start3A_244 = tpu.memref_slice %arg3[%multiple_of3A] : memref<800000xi32, #tpu.memory_space<hbm>> -> memref<10000xi32, #tpu.memory_space<hbm>>
        tpu.enqueue_dma source(%dma_start3A_244 : memref<10000xi32, #tpu.memory_space<hbm>>) target(%arg17 : memref<10000xi32, #tpu.memory_space<vmem>>) target_semaphore(%run_scoped3A : memref<!tpu.dma_semaphore, #tpu.memory_space<semaphore_mem>>)
        %dma_wait3A = tpu.memref_slice %arg3[%multiple_of3A] : memref<800000xi32, #tpu.memory_space<hbm>> -> memref<10000xi32, #tpu.memory_space<hbm>>
        %dma_wait3A_245 = tpu.memref_slice %arg3[%multiple_of3A] : memref<800000xi32, #tpu.memory_space<hbm>> -> memref<10000xi32, #tpu.memory_space<hbm>>
        tpu.wait_dma2 semaphore(%run_scoped3A : memref<!tpu.dma_semaphore, #tpu.memory_space<semaphore_mem>>) src(%dma_wait3A_245 : memref<10000xi32, #tpu.memory_space<hbm>>) dst(%arg17 : memref<10000xi32, #tpu.memory_space<vmem>>)
        tpu.yield
      }) : () -> ()
      "tpu.region"() ({
        %run_scoped3A = tpu.sem_alloc : memref<!tpu.dma_semaphore, #tpu.memory_space<semaphore_mem>>
        %dma_start3A = tpu.memref_slice %arg4[%multiple_of3A] : memref<800000xi32, #tpu.memory_space<hbm>> -> memref<10000xi32, #tpu.memory_space<hbm>>
        %dma_start3A_244 = tpu.memref_slice %arg4[%multiple_of3A] : memref<800000xi32, #tpu.memory_space<hbm>> -> memref<10000xi32, #tpu.memory_space<hbm>>
        tpu.enqueue_dma source(%dma_start3A_244 : memref<10000xi32, #tpu.memory_space<hbm>>) target(%arg18 : memref<10000xi32, #tpu.memory_space<vmem>>) target_semaphore(%run_scoped3A : memref<!tpu.dma_semaphore, #tpu.memory_space<semaphore_mem>>)
        %dma_wait3A = tpu.memref_slice %arg4[%multiple_of3A] : memref<800000xi32, #tpu.memory_space<hbm>> -> memref<10000xi32, #tpu.memory_space<hbm>>
        %dma_wait3A_245 = tpu.memref_slice %arg4[%multiple_of3A] : memref<800000xi32, #tpu.memory_space<hbm>> -> memref<10000xi32, #tpu.memory_space<hbm>>
        tpu.wait_dma2 semaphore(%run_scoped3A : memref<!tpu.dma_semaphore, #tpu.memory_space<semaphore_mem>>) src(%dma_wait3A_245 : memref<10000xi32, #tpu.memory_space<hbm>>) dst(%arg18 : memref<10000xi32, #tpu.memory_space<vmem>>)
        tpu.yield
      }) : () -> ()
      "tpu.region"() ({
        %run_scoped3A = tpu.sem_alloc : memref<!tpu.dma_semaphore, #tpu.memory_space<semaphore_mem>>
        %dma_start3A = tpu.memref_slice %arg16[%multiple_of3A] : memref<800000xf32, #tpu.memory_space<vmem_shared>> -> memref<10000xf32, #tpu.memory_space<vmem_shared>>
        %dma_start3A_244 = tpu.memref_slice %arg16[%multiple_of3A] : memref<800000xf32, #tpu.memory_space<vmem_shared>> -> memref<10000xf32, #tpu.memory_space<vmem_shared>>
        tpu.enqueue_dma source(%dma_start3A_244 : memref<10000xf32, #tpu.memory_space<vmem_shared>>) target(%arg19 : memref<10000xf32, #tpu.memory_space<vmem>>) target_semaphore(%run_scoped3A : memref<!tpu.dma_semaphore, #tpu.memory_space<semaphore_mem>>)
        %dma_wait3A = tpu.memref_slice %arg16[%multiple_of3A] : memref<800000xf32, #tpu.memory_space<vmem_shared>> -> memref<10000xf32, #tpu.memory_space<vmem_shared>>
        %dma_wait3A_245 = tpu.memref_slice %arg16[%multiple_of3A] : memref<800000xf32, #tpu.memory_space<vmem_shared>> -> memref<10000xf32, #tpu.memory_space<vmem_shared>>
        tpu.wait_dma2 semaphore(%run_scoped3A : memref<!tpu.dma_semaphore, #tpu.memory_space<semaphore_mem>>) src(%dma_wait3A_245 : memref<10000xf32, #tpu.memory_space<vmem_shared>>) dst(%arg19 : memref<10000xf32, #tpu.memory_space<vmem>>)
        tpu.yield
      }) : () -> ()
      "tpu.region"() ({
        %run_scoped3A = tpu.sem_alloc : memref<!tpu.dma_semaphore, #tpu.memory_space<semaphore_mem>>
        %dma_start3A = arith.constant 0 : i32
        %dma_start3A_244 = tpu.memref_slice %arg12[%dma_start3A] : memref<50176xf32, #tpu.memory_space<vmem_shared>> -> memref<50176xf32, #tpu.memory_space<vmem_shared>>
        tpu.enqueue_indirect_dma source(%dma_start3A_244 : memref<50176xf32, #tpu.memory_space<vmem_shared>>) target(%arg20 : memref<10000xf32, #tpu.memory_space<vmem>>) offsets(%arg17 : memref<10000xi32, #tpu.memory_space<vmem>>) semaphore(%run_scoped3A : memref<!tpu.dma_semaphore, #tpu.memory_space<semaphore_mem>>)
        %dma_wait3A = arith.constant 0 : i32
        %dma_wait3A_245 = tpu.memref_slice %arg12[%dma_wait3A] : memref<50176xf32, #tpu.memory_space<vmem_shared>> -> memref<50176xf32, #tpu.memory_space<vmem_shared>>
        tpu.wait_indirect_dma semaphore(%run_scoped3A : memref<!tpu.dma_semaphore, #tpu.memory_space<semaphore_mem>>) src(%dma_wait3A_245 : memref<50176xf32, #tpu.memory_space<vmem_shared>>) dst(%arg20 : memref<10000xf32, #tpu.memory_space<vmem>>)
        tpu.yield
      }) : () -> ()
      "tpu.region"() ({
        %run_scoped3A = tpu.sem_alloc : memref<!tpu.dma_semaphore, #tpu.memory_space<semaphore_mem>>
        %dma_start3A = arith.constant 0 : i32
        %dma_start3A_244 = tpu.memref_slice %arg13[%dma_start3A] : memref<50176xf32, #tpu.memory_space<vmem_shared>> -> memref<50176xf32, #tpu.memory_space<vmem_shared>>
        tpu.enqueue_indirect_dma source(%dma_start3A_244 : memref<50176xf32, #tpu.memory_space<vmem_shared>>) target(%arg21 : memref<10000xf32, #tpu.memory_space<vmem>>) offsets(%arg17 : memref<10000xi32, #tpu.memory_space<vmem>>) semaphore(%run_scoped3A : memref<!tpu.dma_semaphore, #tpu.memory_space<semaphore_mem>>)
        %dma_wait3A = arith.constant 0 : i32
        %dma_wait3A_245 = tpu.memref_slice %arg13[%dma_wait3A] : memref<50176xf32, #tpu.memory_space<vmem_shared>> -> memref<50176xf32, #tpu.memory_space<vmem_shared>>
        tpu.wait_indirect_dma semaphore(%run_scoped3A : memref<!tpu.dma_semaphore, #tpu.memory_space<semaphore_mem>>) src(%dma_wait3A_245 : memref<50176xf32, #tpu.memory_space<vmem_shared>>) dst(%arg21 : memref<10000xf32, #tpu.memory_space<vmem>>)
        tpu.yield
      }) : () -> ()
      %scan3A_236 = arith.constant 0 : i32
      %scan3A_237 = arith.constant 0 : i32
      %scan3A_238 = arith.constant 625 : i32
      %scan3A_239 = arith.addi %scan3A_237, %scan3A_238 : i32
      %scan3A_240 = arith.constant 1 : i32
      %scan3A_241 = scf.for %scan3A_244 = %scan3A_237 to %scan3A_239 step %scan3A_240 iter_args(%scan3A_245 = %scan3A_236) -> (i32)  : i32 {
        %mul3A_246 = arith.constant 16 : i32
        %mul3A_247 = arith.muli %scan3A_244, %mul3A_246 : i32
        %multiple_of3A_248 = tpu.assume_multiple %mul3A_247, 16 : i32
        %get3A = arith.index_cast %multiple_of3A_248 : i32 to index
        %get3A_249 = tpu.vector_load %arg19[%get3A] {strides = array<i32>} : memref<10000xf32, #tpu.memory_space<vmem>>, vector<16xf32>,
        %get3A_250 = vector.shape_cast %get3A_249 : vector<16xf32> to vector<16xf32>
        %get3A_251 = arith.index_cast %multiple_of3A_248 : i32 to index
        %get3A_252 = tpu.vector_load %arg20[%get3A_251] {strides = array<i32>} : memref<10000xf32, #tpu.memory_space<vmem>>, vector<16xf32>,
        %get3A_253 = vector.shape_cast %get3A_252 : vector<16xf32> to vector<16xf32>
        %mul3A_254 = arith.mulf %get3A_253, %get3A_250 : vector<16xf32>
        %swap3A = arith.index_cast %multiple_of3A_248 : i32 to index
        %swap3A_255 = tpu.vector_load %arg20[%swap3A] {strides = array<i32>} : memref<10000xf32, #tpu.memory_space<vmem>>, vector<16xf32>,
        %swap3A_256 = vector.shape_cast %swap3A_255 : vector<16xf32> to vector<16xf32>
        %swap3A_257 = vector.shape_cast %mul3A_254 : vector<16xf32> to vector<16xf32>
        tpu.vector_store %arg20[%swap3A], %swap3A_257 {strides = array<i32>} : memref<10000xf32, #tpu.memory_space<vmem>>, vector<16xf32>,
        %get3A_258 = arith.index_cast %multiple_of3A_248 : i32 to index
        %get3A_259 = tpu.vector_load %arg21[%get3A_258] {strides = array<i32>} : memref<10000xf32, #tpu.memory_space<vmem>>, vector<16xf32>,
        %get3A_260 = vector.shape_cast %get3A_259 : vector<16xf32> to vector<16xf32>
        %mul3A_261 = arith.mulf %get3A_260, %get3A_250 : vector<16xf32>
        %swap3A_262 = arith.index_cast %multiple_of3A_248 : i32 to index
        %swap3A_263 = tpu.vector_load %arg21[%swap3A_262] {strides = array<i32>} : memref<10000xf32, #tpu.memory_space<vmem>>, vector<16xf32>,
        %swap3A_264 = vector.shape_cast %swap3A_263 : vector<16xf32> to vector<16xf32>
        %swap3A_265 = vector.shape_cast %mul3A_261 : vector<16xf32> to vector<16xf32>
        tpu.vector_store %arg21[%swap3A_262], %swap3A_265 {strides = array<i32>} : memref<10000xf32, #tpu.memory_space<vmem>>, vector<16xf32>,
        %scan3A_266 = arith.constant 0 : i32
        scf.yield %scan3A_266 : i32
      }
      %scan3A_242 = arith.constant 625 : i32
      "tpu.region"() ({
        %run_scoped3A = tpu.sem_alloc : memref<!tpu.dma_semaphore, #tpu.memory_space<semaphore_mem>>
        %dma_start3A = arith.constant 0 : i32
        %dma_start3A_244 = tpu.memref_slice %arg10[%dma_start3A] : memref<50176xf32, #tpu.memory_space<vmem_shared>> -> memref<50176xf32, #tpu.memory_space<vmem_shared>>
        tpu.enqueue_indirect_dma source(%arg20 : memref<10000xf32, #tpu.memory_space<vmem>>) target(%dma_start3A_244 : memref<50176xf32, #tpu.memory_space<vmem_shared>>) offsets(%arg18 : memref<10000xi32, #tpu.memory_space<vmem>>) semaphore(%run_scoped3A : memref<!tpu.dma_semaphore, #tpu.memory_space<semaphore_mem>>) {add = true}
        %dma_wait3A = arith.constant 0 : i32
        %dma_wait3A_245 = tpu.memref_slice %arg10[%dma_wait3A] : memref<50176xf32, #tpu.memory_space<vmem_shared>> -> memref<50176xf32, #tpu.memory_space<vmem_shared>>
        tpu.wait_indirect_dma semaphore(%run_scoped3A : memref<!tpu.dma_semaphore, #tpu.memory_space<semaphore_mem>>) src(%arg20 : memref<10000xf32, #tpu.memory_space<vmem>>) dst(%dma_wait3A_245 : memref<50176xf32, #tpu.memory_space<vmem_shared>>)
        tpu.yield
      }) : () -> ()
      "tpu.region"() ({
        %run_scoped3A = tpu.sem_alloc : memref<!tpu.dma_semaphore, #tpu.memory_space<semaphore_mem>>
        %dma_start3A = arith.constant 0 : i32
        %dma_start3A_244 = tpu.memref_slice %arg11[%dma_start3A] : memref<50176xf32, #tpu.memory_space<vmem_shared>> -> memref<50176xf32, #tpu.memory_space<vmem_shared>>
        tpu.enqueue_indirect_dma source(%arg21 : memref<10000xf32, #tpu.memory_space<vmem>>) target(%dma_start3A_244 : memref<50176xf32, #tpu.memory_space<vmem_shared>>) offsets(%arg18 : memref<10000xi32, #tpu.memory_space<vmem>>) semaphore(%run_scoped3A : memref<!tpu.dma_semaphore, #tpu.memory_space<semaphore_mem>>) {add = true}
        %dma_wait3A = arith.constant 0 : i32
        %dma_wait3A_245 = tpu.memref_slice %arg11[%dma_wait3A] : memref<50176xf32, #tpu.memory_space<vmem_shared>> -> memref<50176xf32, #tpu.memory_space<vmem_shared>>
        tpu.wait_indirect_dma semaphore(%run_scoped3A : memref<!tpu.dma_semaphore, #tpu.memory_space<semaphore_mem>>) src(%arg21 : memref<10000xf32, #tpu.memory_space<vmem>>) dst(%dma_wait3A_245 : memref<50176xf32, #tpu.memory_space<vmem_shared>>)
        tpu.yield
      }) : () -> ()
      %scan3A_243 = arith.constant 0 : i32
      scf.yield %scan3A_243 : i32
    }
    %scan3A_127 = arith.constant 5 : i32
    %barrier3A_128 = arith.constant 0 : index
    tpu.barrier barrier_id(%barrier3A_128)
    "tpu.region"() ({
      %run_scoped3A = tpu.sem_alloc : memref<!tpu.dma_semaphore, #tpu.memory_space<semaphore_mem>>
      %dma_start3A = tpu.memref_slice %arg15[%mul3A_0] : memref<50176xf32, #tpu.memory_space<vmem_shared>> -> memref<3136xf32, #tpu.memory_space<vmem_shared>>
      %dma_start3A_232 = tpu.memref_slice %arg15[%mul3A_0] : memref<50176xf32, #tpu.memory_space<vmem_shared>> -> memref<3136xf32, #tpu.memory_space<vmem_shared>>
      tpu.enqueue_dma source(%dma_start3A_232 : memref<3136xf32, #tpu.memory_space<vmem_shared>>) target(%arg24 : memref<3136xf32, #tpu.memory_space<vmem>>) target_semaphore(%run_scoped3A : memref<!tpu.dma_semaphore, #tpu.memory_space<semaphore_mem>>)
      %dma_wait3A = tpu.memref_slice %arg15[%mul3A_0] : memref<50176xf32, #tpu.memory_space<vmem_shared>> -> memref<3136xf32, #tpu.memory_space<vmem_shared>>
      %dma_wait3A_233 = tpu.memref_slice %arg15[%mul3A_0] : memref<50176xf32, #tpu.memory_space<vmem_shared>> -> memref<3136xf32, #tpu.memory_space<vmem_shared>>
      tpu.wait_dma2 semaphore(%run_scoped3A : memref<!tpu.dma_semaphore, #tpu.memory_space<semaphore_mem>>) src(%dma_wait3A_233 : memref<3136xf32, #tpu.memory_space<vmem_shared>>) dst(%arg24 : memref<3136xf32, #tpu.memory_space<vmem>>)
      tpu.yield
    }) : () -> ()
    "tpu.region"() ({
      %run_scoped3A = tpu.sem_alloc : memref<!tpu.dma_semaphore, #tpu.memory_space<semaphore_mem>>
      %dma_start3A = tpu.memref_slice %arg10[%mul3A_0] : memref<50176xf32, #tpu.memory_space<vmem_shared>> -> memref<3136xf32, #tpu.memory_space<vmem_shared>>
      %dma_start3A_232 = tpu.memref_slice %arg10[%mul3A_0] : memref<50176xf32, #tpu.memory_space<vmem_shared>> -> memref<3136xf32, #tpu.memory_space<vmem_shared>>
      tpu.enqueue_dma source(%dma_start3A_232 : memref<3136xf32, #tpu.memory_space<vmem_shared>>) target(%arg22 : memref<3136xf32, #tpu.memory_space<vmem>>) target_semaphore(%run_scoped3A : memref<!tpu.dma_semaphore, #tpu.memory_space<semaphore_mem>>)
      %dma_wait3A = tpu.memref_slice %arg10[%mul3A_0] : memref<50176xf32, #tpu.memory_space<vmem_shared>> -> memref<3136xf32, #tpu.memory_space<vmem_shared>>
      %dma_wait3A_233 = tpu.memref_slice %arg10[%mul3A_0] : memref<50176xf32, #tpu.memory_space<vmem_shared>> -> memref<3136xf32, #tpu.memory_space<vmem_shared>>
      tpu.wait_dma2 semaphore(%run_scoped3A : memref<!tpu.dma_semaphore, #tpu.memory_space<semaphore_mem>>) src(%dma_wait3A_233 : memref<3136xf32, #tpu.memory_space<vmem_shared>>) dst(%arg22 : memref<3136xf32, #tpu.memory_space<vmem>>)
      tpu.yield
    }) : () -> ()
    "tpu.region"() ({
      %run_scoped3A = tpu.sem_alloc : memref<!tpu.dma_semaphore, #tpu.memory_space<semaphore_mem>>
      %dma_start3A = tpu.memref_slice %arg11[%mul3A_0] : memref<50176xf32, #tpu.memory_space<vmem_shared>> -> memref<3136xf32, #tpu.memory_space<vmem_shared>>
      %dma_start3A_232 = tpu.memref_slice %arg11[%mul3A_0] : memref<50176xf32, #tpu.memory_space<vmem_shared>> -> memref<3136xf32, #tpu.memory_space<vmem_shared>>
      tpu.enqueue_dma source(%dma_start3A_232 : memref<3136xf32, #tpu.memory_space<vmem_shared>>) target(%arg23 : memref<3136xf32, #tpu.memory_space<vmem>>) target_semaphore(%run_scoped3A : memref<!tpu.dma_semaphore, #tpu.memory_space<semaphore_mem>>)
      %dma_wait3A = tpu.memref_slice %arg11[%mul3A_0] : memref<50176xf32, #tpu.memory_space<vmem_shared>> -> memref<3136xf32, #tpu.memory_space<vmem_shared>>
      %dma_wait3A_233 = tpu.memref_slice %arg11[%mul3A_0] : memref<50176xf32, #tpu.memory_space<vmem_shared>> -> memref<3136xf32, #tpu.memory_space<vmem_shared>>
      tpu.wait_dma2 semaphore(%run_scoped3A : memref<!tpu.dma_semaphore, #tpu.memory_space<semaphore_mem>>) src(%dma_wait3A_233 : memref<3136xf32, #tpu.memory_space<vmem_shared>>) dst(%arg23 : memref<3136xf32, #tpu.memory_space<vmem>>)
      tpu.yield
    }) : () -> ()
    %scan3A_129 = arith.constant 0 : i32
    %scan3A_130 = arith.constant 0 : i32
    %scan3A_131 = arith.constant 196 : i32
    %scan3A_132 = arith.addi %scan3A_130, %scan3A_131 : i32
    %scan3A_133 = arith.constant 1 : i32
    %scan3A_134 = scf.for %scan3A_232 = %scan3A_130 to %scan3A_132 step %scan3A_133 iter_args(%scan3A_233 = %scan3A_129) -> (i32)  : i32 {
      %mul3A_234 = arith.constant 16 : i32
      %mul3A_235 = arith.muli %scan3A_232, %mul3A_234 : i32
      %multiple_of3A = tpu.assume_multiple %mul3A_235, 16 : i32
      %get3A = arith.index_cast %multiple_of3A : i32 to index
      %get3A_236 = tpu.vector_load %arg24[%get3A] {strides = array<i32>} : memref<3136xf32, #tpu.memory_space<vmem>>, vector<16xf32>,
      %get3A_237 = vector.shape_cast %get3A_236 : vector<16xf32> to vector<16xf32>
      %get3A_238 = arith.index_cast %multiple_of3A : i32 to index
      %get3A_239 = tpu.vector_load %arg22[%get3A_238] {strides = array<i32>} : memref<3136xf32, #tpu.memory_space<vmem>>, vector<16xf32>,
      %get3A_240 = vector.shape_cast %get3A_239 : vector<16xf32> to vector<16xf32>
      %mul3A_241 = arith.mulf %get3A_240, %get3A_237 : vector<16xf32>
      %swap3A = arith.index_cast %multiple_of3A : i32 to index
      %swap3A_242 = tpu.vector_load %arg22[%swap3A] {strides = array<i32>} : memref<3136xf32, #tpu.memory_space<vmem>>, vector<16xf32>,
      %swap3A_243 = vector.shape_cast %swap3A_242 : vector<16xf32> to vector<16xf32>
      %swap3A_244 = vector.shape_cast %mul3A_241 : vector<16xf32> to vector<16xf32>
      tpu.vector_store %arg22[%swap3A], %swap3A_244 {strides = array<i32>} : memref<3136xf32, #tpu.memory_space<vmem>>, vector<16xf32>,
      %get3A_245 = arith.index_cast %multiple_of3A : i32 to index
      %get3A_246 = tpu.vector_load %arg23[%get3A_245] {strides = array<i32>} : memref<3136xf32, #tpu.memory_space<vmem>>, vector<16xf32>,
      %get3A_247 = vector.shape_cast %get3A_246 : vector<16xf32> to vector<16xf32>
      %mul3A_248 = arith.mulf %get3A_247, %get3A_237 : vector<16xf32>
      %swap3A_249 = arith.index_cast %multiple_of3A : i32 to index
      %swap3A_250 = tpu.vector_load %arg23[%swap3A_249] {strides = array<i32>} : memref<3136xf32, #tpu.memory_space<vmem>>, vector<16xf32>,
      %swap3A_251 = vector.shape_cast %swap3A_250 : vector<16xf32> to vector<16xf32>
      %swap3A_252 = vector.shape_cast %mul3A_248 : vector<16xf32> to vector<16xf32>
      tpu.vector_store %arg23[%swap3A_249], %swap3A_252 {strides = array<i32>} : memref<3136xf32, #tpu.memory_space<vmem>>, vector<16xf32>,
      %scan3A_253 = arith.constant 0 : i32
      scf.yield %scan3A_253 : i32
    }
    %scan3A_135 = arith.constant 196 : i32
    "tpu.region"() ({
      %run_scoped3A = tpu.sem_alloc : memref<!tpu.dma_semaphore, #tpu.memory_space<semaphore_mem>>
      %dma_start3A = tpu.memref_slice %arg12[%mul3A_0] : memref<50176xf32, #tpu.memory_space<vmem_shared>> -> memref<3136xf32, #tpu.memory_space<vmem_shared>>
      %dma_start3A_232 = tpu.memref_slice %arg12[%mul3A_0] : memref<50176xf32, #tpu.memory_space<vmem_shared>> -> memref<3136xf32, #tpu.memory_space<vmem_shared>>
      tpu.enqueue_dma source(%arg22 : memref<3136xf32, #tpu.memory_space<vmem>>) target(%dma_start3A_232 : memref<3136xf32, #tpu.memory_space<vmem_shared>>) target_semaphore(%run_scoped3A : memref<!tpu.dma_semaphore, #tpu.memory_space<semaphore_mem>>)
      %dma_wait3A = tpu.memref_slice %arg12[%mul3A_0] : memref<50176xf32, #tpu.memory_space<vmem_shared>> -> memref<3136xf32, #tpu.memory_space<vmem_shared>>
      %dma_wait3A_233 = tpu.memref_slice %arg12[%mul3A_0] : memref<50176xf32, #tpu.memory_space<vmem_shared>> -> memref<3136xf32, #tpu.memory_space<vmem_shared>>
      tpu.wait_dma2 semaphore(%run_scoped3A : memref<!tpu.dma_semaphore, #tpu.memory_space<semaphore_mem>>) src(%arg22 : memref<3136xf32, #tpu.memory_space<vmem>>) dst(%dma_wait3A_233 : memref<3136xf32, #tpu.memory_space<vmem_shared>>)
      tpu.yield
    }) : () -> ()
    "tpu.region"() ({
      %run_scoped3A = tpu.sem_alloc : memref<!tpu.dma_semaphore, #tpu.memory_space<semaphore_mem>>
      %dma_start3A = tpu.memref_slice %arg13[%mul3A_0] : memref<50176xf32, #tpu.memory_space<vmem_shared>> -> memref<3136xf32, #tpu.memory_space<vmem_shared>>
      %dma_start3A_232 = tpu.memref_slice %arg13[%mul3A_0] : memref<50176xf32, #tpu.memory_space<vmem_shared>> -> memref<3136xf32, #tpu.memory_space<vmem_shared>>
      tpu.enqueue_dma source(%arg23 : memref<3136xf32, #tpu.memory_space<vmem>>) target(%dma_start3A_232 : memref<3136xf32, #tpu.memory_space<vmem_shared>>) target_semaphore(%run_scoped3A : memref<!tpu.dma_semaphore, #tpu.memory_space<semaphore_mem>>)
      %dma_wait3A = tpu.memref_slice %arg13[%mul3A_0] : memref<50176xf32, #tpu.memory_space<vmem_shared>> -> memref<3136xf32, #tpu.memory_space<vmem_shared>>
      %dma_wait3A_233 = tpu.memref_slice %arg13[%mul3A_0] : memref<50176xf32, #tpu.memory_space<vmem_shared>> -> memref<3136xf32, #tpu.memory_space<vmem_shared>>
      tpu.wait_dma2 semaphore(%run_scoped3A : memref<!tpu.dma_semaphore, #tpu.memory_space<semaphore_mem>>) src(%arg23 : memref<3136xf32, #tpu.memory_space<vmem>>) dst(%dma_wait3A_233 : memref<3136xf32, #tpu.memory_space<vmem_shared>>)
      tpu.yield
    }) : () -> ()
    %barrier3A_136 = arith.constant 0 : index
    tpu.barrier barrier_id(%barrier3A_136)
    %scan3A_137 = arith.constant 0 : i32
    %scan3A_138 = arith.constant 0 : i32
    %scan3A_139 = arith.constant 5 : i32
    %scan3A_140 = arith.addi %scan3A_138, %scan3A_139 : i32
    %scan3A_141 = arith.constant 1 : i32
    %scan3A_142 = scf.for %scan3A_232 = %scan3A_138 to %scan3A_140 step %scan3A_141 iter_args(%scan3A_233 = %scan3A_137) -> (i32)  : i32 {
      %mul3A_234 = arith.constant 10000 : i32
      %mul3A_235 = arith.muli %scan3A_232, %mul3A_234 : i32
      %add3A = arith.addi %mul3A_2, %mul3A_235 : i32
      %multiple_of3A = tpu.assume_multiple %add3A, 8 : i32
      "tpu.region"() ({
        %run_scoped3A = tpu.sem_alloc : memref<!tpu.dma_semaphore, #tpu.memory_space<semaphore_mem>>
        %dma_start3A = tpu.memref_slice %arg3[%multiple_of3A] : memref<800000xi32, #tpu.memory_space<hbm>> -> memref<10000xi32, #tpu.memory_space<hbm>>
        %dma_start3A_244 = tpu.memref_slice %arg3[%multiple_of3A] : memref<800000xi32, #tpu.memory_space<hbm>> -> memref<10000xi32, #tpu.memory_space<hbm>>
        tpu.enqueue_dma source(%dma_start3A_244 : memref<10000xi32, #tpu.memory_space<hbm>>) target(%arg17 : memref<10000xi32, #tpu.memory_space<vmem>>) target_semaphore(%run_scoped3A : memref<!tpu.dma_semaphore, #tpu.memory_space<semaphore_mem>>)
        %dma_wait3A = tpu.memref_slice %arg3[%multiple_of3A] : memref<800000xi32, #tpu.memory_space<hbm>> -> memref<10000xi32, #tpu.memory_space<hbm>>
        %dma_wait3A_245 = tpu.memref_slice %arg3[%multiple_of3A] : memref<800000xi32, #tpu.memory_space<hbm>> -> memref<10000xi32, #tpu.memory_space<hbm>>
        tpu.wait_dma2 semaphore(%run_scoped3A : memref<!tpu.dma_semaphore, #tpu.memory_space<semaphore_mem>>) src(%dma_wait3A_245 : memref<10000xi32, #tpu.memory_space<hbm>>) dst(%arg17 : memref<10000xi32, #tpu.memory_space<vmem>>)
        tpu.yield
      }) : () -> ()
      "tpu.region"() ({
        %run_scoped3A = tpu.sem_alloc : memref<!tpu.dma_semaphore, #tpu.memory_space<semaphore_mem>>
        %dma_start3A = tpu.memref_slice %arg4[%multiple_of3A] : memref<800000xi32, #tpu.memory_space<hbm>> -> memref<10000xi32, #tpu.memory_space<hbm>>
        %dma_start3A_244 = tpu.memref_slice %arg4[%multiple_of3A] : memref<800000xi32, #tpu.memory_space<hbm>> -> memref<10000xi32, #tpu.memory_space<hbm>>
        tpu.enqueue_dma source(%dma_start3A_244 : memref<10000xi32, #tpu.memory_space<hbm>>) target(%arg18 : memref<10000xi32, #tpu.memory_space<vmem>>) target_semaphore(%run_scoped3A : memref<!tpu.dma_semaphore, #tpu.memory_space<semaphore_mem>>)
        %dma_wait3A = tpu.memref_slice %arg4[%multiple_of3A] : memref<800000xi32, #tpu.memory_space<hbm>> -> memref<10000xi32, #tpu.memory_space<hbm>>
        %dma_wait3A_245 = tpu.memref_slice %arg4[%multiple_of3A] : memref<800000xi32, #tpu.memory_space<hbm>> -> memref<10000xi32, #tpu.memory_space<hbm>>
        tpu.wait_dma2 semaphore(%run_scoped3A : memref<!tpu.dma_semaphore, #tpu.memory_space<semaphore_mem>>) src(%dma_wait3A_245 : memref<10000xi32, #tpu.memory_space<hbm>>) dst(%arg18 : memref<10000xi32, #tpu.memory_space<vmem>>)
        tpu.yield
      }) : () -> ()
      "tpu.region"() ({
        %run_scoped3A = tpu.sem_alloc : memref<!tpu.dma_semaphore, #tpu.memory_space<semaphore_mem>>
        %dma_start3A = tpu.memref_slice %arg16[%multiple_of3A] : memref<800000xf32, #tpu.memory_space<vmem_shared>> -> memref<10000xf32, #tpu.memory_space<vmem_shared>>
        %dma_start3A_244 = tpu.memref_slice %arg16[%multiple_of3A] : memref<800000xf32, #tpu.memory_space<vmem_shared>> -> memref<10000xf32, #tpu.memory_space<vmem_shared>>
        tpu.enqueue_dma source(%dma_start3A_244 : memref<10000xf32, #tpu.memory_space<vmem_shared>>) target(%arg19 : memref<10000xf32, #tpu.memory_space<vmem>>) target_semaphore(%run_scoped3A : memref<!tpu.dma_semaphore, #tpu.memory_space<semaphore_mem>>)
        %dma_wait3A = tpu.memref_slice %arg16[%multiple_of3A] : memref<800000xf32, #tpu.memory_space<vmem_shared>> -> memref<10000xf32, #tpu.memory_space<vmem_shared>>
        %dma_wait3A_245 = tpu.memref_slice %arg16[%multiple_of3A] : memref<800000xf32, #tpu.memory_space<vmem_shared>> -> memref<10000xf32, #tpu.memory_space<vmem_shared>>
        tpu.wait_dma2 semaphore(%run_scoped3A : memref<!tpu.dma_semaphore, #tpu.memory_space<semaphore_mem>>) src(%dma_wait3A_245 : memref<10000xf32, #tpu.memory_space<vmem_shared>>) dst(%arg19 : memref<10000xf32, #tpu.memory_space<vmem>>)
        tpu.yield
      }) : () -> ()
      "tpu.region"() ({
        %run_scoped3A = tpu.sem_alloc : memref<!tpu.dma_semaphore, #tpu.memory_space<semaphore_mem>>
        %dma_start3A = arith.constant 0 : i32
        %dma_start3A_244 = tpu.memref_slice %arg10[%dma_start3A] : memref<50176xf32, #tpu.memory_space<vmem_shared>> -> memref<50176xf32, #tpu.memory_space<vmem_shared>>
        tpu.enqueue_indirect_dma source(%dma_start3A_244 : memref<50176xf32, #tpu.memory_space<vmem_shared>>) target(%arg20 : memref<10000xf32, #tpu.memory_space<vmem>>) offsets(%arg17 : memref<10000xi32, #tpu.memory_space<vmem>>) semaphore(%run_scoped3A : memref<!tpu.dma_semaphore, #tpu.memory_space<semaphore_mem>>)
        %dma_wait3A = arith.constant 0 : i32
        %dma_wait3A_245 = tpu.memref_slice %arg10[%dma_wait3A] : memref<50176xf32, #tpu.memory_space<vmem_shared>> -> memref<50176xf32, #tpu.memory_space<vmem_shared>>
        tpu.wait_indirect_dma semaphore(%run_scoped3A : memref<!tpu.dma_semaphore, #tpu.memory_space<semaphore_mem>>) src(%dma_wait3A_245 : memref<50176xf32, #tpu.memory_space<vmem_shared>>) dst(%arg20 : memref<10000xf32, #tpu.memory_space<vmem>>)
        tpu.yield
      }) : () -> ()
      "tpu.region"() ({
        %run_scoped3A = tpu.sem_alloc : memref<!tpu.dma_semaphore, #tpu.memory_space<semaphore_mem>>
        %dma_start3A = arith.constant 0 : i32
        %dma_start3A_244 = tpu.memref_slice %arg11[%dma_start3A] : memref<50176xf32, #tpu.memory_space<vmem_shared>> -> memref<50176xf32, #tpu.memory_space<vmem_shared>>
        tpu.enqueue_indirect_dma source(%dma_start3A_244 : memref<50176xf32, #tpu.memory_space<vmem_shared>>) target(%arg21 : memref<10000xf32, #tpu.memory_space<vmem>>) offsets(%arg17 : memref<10000xi32, #tpu.memory_space<vmem>>) semaphore(%run_scoped3A : memref<!tpu.dma_semaphore, #tpu.memory_space<semaphore_mem>>)
        %dma_wait3A = arith.constant 0 : i32
        %dma_wait3A_245 = tpu.memref_slice %arg11[%dma_wait3A] : memref<50176xf32, #tpu.memory_space<vmem_shared>> -> memref<50176xf32, #tpu.memory_space<vmem_shared>>
        tpu.wait_indirect_dma semaphore(%run_scoped3A : memref<!tpu.dma_semaphore, #tpu.memory_space<semaphore_mem>>) src(%dma_wait3A_245 : memref<50176xf32, #tpu.memory_space<vmem_shared>>) dst(%arg21 : memref<10000xf32, #tpu.memory_space<vmem>>)
        tpu.yield
      }) : () -> ()
      %scan3A_236 = arith.constant 0 : i32
      %scan3A_237 = arith.constant 0 : i32
      %scan3A_238 = arith.constant 625 : i32
      %scan3A_239 = arith.addi %scan3A_237, %scan3A_238 : i32
      %scan3A_240 = arith.constant 1 : i32
      %scan3A_241 = scf.for %scan3A_244 = %scan3A_237 to %scan3A_239 step %scan3A_240 iter_args(%scan3A_245 = %scan3A_236) -> (i32)  : i32 {
        %mul3A_246 = arith.constant 16 : i32
        %mul3A_247 = arith.muli %scan3A_244, %mul3A_246 : i32
        %multiple_of3A_248 = tpu.assume_multiple %mul3A_247, 16 : i32
        %get3A = arith.index_cast %multiple_of3A_248 : i32 to index
        %get3A_249 = tpu.vector_load %arg19[%get3A] {strides = array<i32>} : memref<10000xf32, #tpu.memory_space<vmem>>, vector<16xf32>,
        %get3A_250 = vector.shape_cast %get3A_249 : vector<16xf32> to vector<16xf32>
        %get3A_251 = arith.index_cast %multiple_of3A_248 : i32 to index
        %get3A_252 = tpu.vector_load %arg20[%get3A_251] {strides = array<i32>} : memref<10000xf32, #tpu.memory_space<vmem>>, vector<16xf32>,
        %get3A_253 = vector.shape_cast %get3A_252 : vector<16xf32> to vector<16xf32>
        %mul3A_254 = arith.mulf %get3A_253, %get3A_250 : vector<16xf32>
        %swap3A = arith.index_cast %multiple_of3A_248 : i32 to index
        %swap3A_255 = tpu.vector_load %arg20[%swap3A] {strides = array<i32>} : memref<10000xf32, #tpu.memory_space<vmem>>, vector<16xf32>,
        %swap3A_256 = vector.shape_cast %swap3A_255 : vector<16xf32> to vector<16xf32>
        %swap3A_257 = vector.shape_cast %mul3A_254 : vector<16xf32> to vector<16xf32>
        tpu.vector_store %arg20[%swap3A], %swap3A_257 {strides = array<i32>} : memref<10000xf32, #tpu.memory_space<vmem>>, vector<16xf32>,
        %get3A_258 = arith.index_cast %multiple_of3A_248 : i32 to index
        %get3A_259 = tpu.vector_load %arg21[%get3A_258] {strides = array<i32>} : memref<10000xf32, #tpu.memory_space<vmem>>, vector<16xf32>,
        %get3A_260 = vector.shape_cast %get3A_259 : vector<16xf32> to vector<16xf32>
        %mul3A_261 = arith.mulf %get3A_260, %get3A_250 : vector<16xf32>
        %swap3A_262 = arith.index_cast %multiple_of3A_248 : i32 to index
        %swap3A_263 = tpu.vector_load %arg21[%swap3A_262] {strides = array<i32>} : memref<10000xf32, #tpu.memory_space<vmem>>, vector<16xf32>,
        %swap3A_264 = vector.shape_cast %swap3A_263 : vector<16xf32> to vector<16xf32>
        %swap3A_265 = vector.shape_cast %mul3A_261 : vector<16xf32> to vector<16xf32>
        tpu.vector_store %arg21[%swap3A_262], %swap3A_265 {strides = array<i32>} : memref<10000xf32, #tpu.memory_space<vmem>>, vector<16xf32>,
        %scan3A_266 = arith.constant 0 : i32
        scf.yield %scan3A_266 : i32
      }
      %scan3A_242 = arith.constant 625 : i32
      "tpu.region"() ({
        %run_scoped3A = tpu.sem_alloc : memref<!tpu.dma_semaphore, #tpu.memory_space<semaphore_mem>>
        %dma_start3A = arith.constant 0 : i32
        %dma_start3A_244 = tpu.memref_slice %arg12[%dma_start3A] : memref<50176xf32, #tpu.memory_space<vmem_shared>> -> memref<50176xf32, #tpu.memory_space<vmem_shared>>
        tpu.enqueue_indirect_dma source(%arg20 : memref<10000xf32, #tpu.memory_space<vmem>>) target(%dma_start3A_244 : memref<50176xf32, #tpu.memory_space<vmem_shared>>) offsets(%arg18 : memref<10000xi32, #tpu.memory_space<vmem>>) semaphore(%run_scoped3A : memref<!tpu.dma_semaphore, #tpu.memory_space<semaphore_mem>>) {add = true}
        %dma_wait3A = arith.constant 0 : i32
        %dma_wait3A_245 = tpu.memref_slice %arg12[%dma_wait3A] : memref<50176xf32, #tpu.memory_space<vmem_shared>> -> memref<50176xf32, #tpu.memory_space<vmem_shared>>
        tpu.wait_indirect_dma semaphore(%run_scoped3A : memref<!tpu.dma_semaphore, #tpu.memory_space<semaphore_mem>>) src(%arg20 : memref<10000xf32, #tpu.memory_space<vmem>>) dst(%dma_wait3A_245 : memref<50176xf32, #tpu.memory_space<vmem_shared>>)
        tpu.yield
      }) : () -> ()
      "tpu.region"() ({
        %run_scoped3A = tpu.sem_alloc : memref<!tpu.dma_semaphore, #tpu.memory_space<semaphore_mem>>
        %dma_start3A = arith.constant 0 : i32
        %dma_start3A_244 = tpu.memref_slice %arg13[%dma_start3A] : memref<50176xf32, #tpu.memory_space<vmem_shared>> -> memref<50176xf32, #tpu.memory_space<vmem_shared>>
        tpu.enqueue_indirect_dma source(%arg21 : memref<10000xf32, #tpu.memory_space<vmem>>) target(%dma_start3A_244 : memref<50176xf32, #tpu.memory_space<vmem_shared>>) offsets(%arg18 : memref<10000xi32, #tpu.memory_space<vmem>>) semaphore(%run_scoped3A : memref<!tpu.dma_semaphore, #tpu.memory_space<semaphore_mem>>) {add = true}
        %dma_wait3A = arith.constant 0 : i32
        %dma_wait3A_245 = tpu.memref_slice %arg13[%dma_wait3A] : memref<50176xf32, #tpu.memory_space<vmem_shared>> -> memref<50176xf32, #tpu.memory_space<vmem_shared>>
        tpu.wait_indirect_dma semaphore(%run_scoped3A : memref<!tpu.dma_semaphore, #tpu.memory_space<semaphore_mem>>) src(%arg21 : memref<10000xf32, #tpu.memory_space<vmem>>) dst(%dma_wait3A_245 : memref<50176xf32, #tpu.memory_space<vmem_shared>>)
        tpu.yield
      }) : () -> ()
      %scan3A_243 = arith.constant 0 : i32
      scf.yield %scan3A_243 : i32
    }
    %scan3A_143 = arith.constant 5 : i32
    %barrier3A_144 = arith.constant 0 : index
    tpu.barrier barrier_id(%barrier3A_144)
    "tpu.region"() ({
      %run_scoped3A = tpu.sem_alloc : memref<!tpu.dma_semaphore, #tpu.memory_space<semaphore_mem>>
      %dma_start3A = tpu.memref_slice %arg15[%mul3A_0] : memref<50176xf32, #tpu.memory_space<vmem_shared>> -> memref<3136xf32, #tpu.memory_space<vmem_shared>>
      %dma_start3A_232 = tpu.memref_slice %arg15[%mul3A_0] : memref<50176xf32, #tpu.memory_space<vmem_shared>> -> memref<3136xf32, #tpu.memory_space<vmem_shared>>
      tpu.enqueue_dma source(%dma_start3A_232 : memref<3136xf32, #tpu.memory_space<vmem_shared>>) target(%arg24 : memref<3136xf32, #tpu.memory_space<vmem>>) target_semaphore(%run_scoped3A : memref<!tpu.dma_semaphore, #tpu.memory_space<semaphore_mem>>)
      %dma_wait3A = tpu.memref_slice %arg15[%mul3A_0] : memref<50176xf32, #tpu.memory_space<vmem_shared>> -> memref<3136xf32, #tpu.memory_space<vmem_shared>>
      %dma_wait3A_233 = tpu.memref_slice %arg15[%mul3A_0] : memref<50176xf32, #tpu.memory_space<vmem_shared>> -> memref<3136xf32, #tpu.memory_space<vmem_shared>>
      tpu.wait_dma2 semaphore(%run_scoped3A : memref<!tpu.dma_semaphore, #tpu.memory_space<semaphore_mem>>) src(%dma_wait3A_233 : memref<3136xf32, #tpu.memory_space<vmem_shared>>) dst(%arg24 : memref<3136xf32, #tpu.memory_space<vmem>>)
      tpu.yield
    }) : () -> ()
    "tpu.region"() ({
      %run_scoped3A = tpu.sem_alloc : memref<!tpu.dma_semaphore, #tpu.memory_space<semaphore_mem>>
      %dma_start3A = tpu.memref_slice %arg12[%mul3A_0] : memref<50176xf32, #tpu.memory_space<vmem_shared>> -> memref<3136xf32, #tpu.memory_space<vmem_shared>>
      %dma_start3A_232 = tpu.memref_slice %arg12[%mul3A_0] : memref<50176xf32, #tpu.memory_space<vmem_shared>> -> memref<3136xf32, #tpu.memory_space<vmem_shared>>
      tpu.enqueue_dma source(%dma_start3A_232 : memref<3136xf32, #tpu.memory_space<vmem_shared>>) target(%arg22 : memref<3136xf32, #tpu.memory_space<vmem>>) target_semaphore(%run_scoped3A : memref<!tpu.dma_semaphore, #tpu.memory_space<semaphore_mem>>)
      %dma_wait3A = tpu.memref_slice %arg12[%mul3A_0] : memref<50176xf32, #tpu.memory_space<vmem_shared>> -> memref<3136xf32, #tpu.memory_space<vmem_shared>>
      %dma_wait3A_233 = tpu.memref_slice %arg12[%mul3A_0] : memref<50176xf32, #tpu.memory_space<vmem_shared>> -> memref<3136xf32, #tpu.memory_space<vmem_shared>>
      tpu.wait_dma2 semaphore(%run_scoped3A : memref<!tpu.dma_semaphore, #tpu.memory_space<semaphore_mem>>) src(%dma_wait3A_233 : memref<3136xf32, #tpu.memory_space<vmem_shared>>) dst(%arg22 : memref<3136xf32, #tpu.memory_space<vmem>>)
      tpu.yield
    }) : () -> ()
    "tpu.region"() ({
      %run_scoped3A = tpu.sem_alloc : memref<!tpu.dma_semaphore, #tpu.memory_space<semaphore_mem>>
      %dma_start3A = tpu.memref_slice %arg13[%mul3A_0] : memref<50176xf32, #tpu.memory_space<vmem_shared>> -> memref<3136xf32, #tpu.memory_space<vmem_shared>>
      %dma_start3A_232 = tpu.memref_slice %arg13[%mul3A_0] : memref<50176xf32, #tpu.memory_space<vmem_shared>> -> memref<3136xf32, #tpu.memory_space<vmem_shared>>
      tpu.enqueue_dma source(%dma_start3A_232 : memref<3136xf32, #tpu.memory_space<vmem_shared>>) target(%arg23 : memref<3136xf32, #tpu.memory_space<vmem>>) target_semaphore(%run_scoped3A : memref<!tpu.dma_semaphore, #tpu.memory_space<semaphore_mem>>)
      %dma_wait3A = tpu.memref_slice %arg13[%mul3A_0] : memref<50176xf32, #tpu.memory_space<vmem_shared>> -> memref<3136xf32, #tpu.memory_space<vmem_shared>>
      %dma_wait3A_233 = tpu.memref_slice %arg13[%mul3A_0] : memref<50176xf32, #tpu.memory_space<vmem_shared>> -> memref<3136xf32, #tpu.memory_space<vmem_shared>>
      tpu.wait_dma2 semaphore(%run_scoped3A : memref<!tpu.dma_semaphore, #tpu.memory_space<semaphore_mem>>) src(%dma_wait3A_233 : memref<3136xf32, #tpu.memory_space<vmem_shared>>) dst(%arg23 : memref<3136xf32, #tpu.memory_space<vmem>>)
      tpu.yield
    }) : () -> ()
    %scan3A_145 = arith.constant 0 : i32
    %scan3A_146 = arith.constant 0 : i32
    %scan3A_147 = arith.constant 196 : i32
    %scan3A_148 = arith.addi %scan3A_146, %scan3A_147 : i32
    %scan3A_149 = arith.constant 1 : i32
    %scan3A_150 = scf.for %scan3A_232 = %scan3A_146 to %scan3A_148 step %scan3A_149 iter_args(%scan3A_233 = %scan3A_145) -> (i32)  : i32 {
      %mul3A_234 = arith.constant 16 : i32
      %mul3A_235 = arith.muli %scan3A_232, %mul3A_234 : i32
      %multiple_of3A = tpu.assume_multiple %mul3A_235, 16 : i32
      %get3A = arith.index_cast %multiple_of3A : i32 to index
      %get3A_236 = tpu.vector_load %arg24[%get3A] {strides = array<i32>} : memref<3136xf32, #tpu.memory_space<vmem>>, vector<16xf32>,
      %get3A_237 = vector.shape_cast %get3A_236 : vector<16xf32> to vector<16xf32>
      %get3A_238 = arith.index_cast %multiple_of3A : i32 to index
      %get3A_239 = tpu.vector_load %arg22[%get3A_238] {strides = array<i32>} : memref<3136xf32, #tpu.memory_space<vmem>>, vector<16xf32>,
      %get3A_240 = vector.shape_cast %get3A_239 : vector<16xf32> to vector<16xf32>
      %mul3A_241 = arith.mulf %get3A_240, %get3A_237 : vector<16xf32>
      %swap3A = arith.index_cast %multiple_of3A : i32 to index
      %swap3A_242 = tpu.vector_load %arg22[%swap3A] {strides = array<i32>} : memref<3136xf32, #tpu.memory_space<vmem>>, vector<16xf32>,
      %swap3A_243 = vector.shape_cast %swap3A_242 : vector<16xf32> to vector<16xf32>
      %swap3A_244 = vector.shape_cast %mul3A_241 : vector<16xf32> to vector<16xf32>
      tpu.vector_store %arg22[%swap3A], %swap3A_244 {strides = array<i32>} : memref<3136xf32, #tpu.memory_space<vmem>>, vector<16xf32>,
      %get3A_245 = arith.index_cast %multiple_of3A : i32 to index
      %get3A_246 = tpu.vector_load %arg23[%get3A_245] {strides = array<i32>} : memref<3136xf32, #tpu.memory_space<vmem>>, vector<16xf32>,
      %get3A_247 = vector.shape_cast %get3A_246 : vector<16xf32> to vector<16xf32>
      %mul3A_248 = arith.mulf %get3A_247, %get3A_237 : vector<16xf32>
      %swap3A_249 = arith.index_cast %multiple_of3A : i32 to index
      %swap3A_250 = tpu.vector_load %arg23[%swap3A_249] {strides = array<i32>} : memref<3136xf32, #tpu.memory_space<vmem>>, vector<16xf32>,
      %swap3A_251 = vector.shape_cast %swap3A_250 : vector<16xf32> to vector<16xf32>
      %swap3A_252 = vector.shape_cast %mul3A_248 : vector<16xf32> to vector<16xf32>
      tpu.vector_store %arg23[%swap3A_249], %swap3A_252 {strides = array<i32>} : memref<3136xf32, #tpu.memory_space<vmem>>, vector<16xf32>,
      %scan3A_253 = arith.constant 0 : i32
      scf.yield %scan3A_253 : i32
    }
    %scan3A_151 = arith.constant 196 : i32
    "tpu.region"() ({
      %run_scoped3A = tpu.sem_alloc : memref<!tpu.dma_semaphore, #tpu.memory_space<semaphore_mem>>
      %dma_start3A = tpu.memref_slice %arg10[%mul3A_0] : memref<50176xf32, #tpu.memory_space<vmem_shared>> -> memref<3136xf32, #tpu.memory_space<vmem_shared>>
      %dma_start3A_232 = tpu.memref_slice %arg10[%mul3A_0] : memref<50176xf32, #tpu.memory_space<vmem_shared>> -> memref<3136xf32, #tpu.memory_space<vmem_shared>>
      tpu.enqueue_dma source(%arg22 : memref<3136xf32, #tpu.memory_space<vmem>>) target(%dma_start3A_232 : memref<3136xf32, #tpu.memory_space<vmem_shared>>) target_semaphore(%run_scoped3A : memref<!tpu.dma_semaphore, #tpu.memory_space<semaphore_mem>>)
      %dma_wait3A = tpu.memref_slice %arg10[%mul3A_0] : memref<50176xf32, #tpu.memory_space<vmem_shared>> -> memref<3136xf32, #tpu.memory_space<vmem_shared>>
      %dma_wait3A_233 = tpu.memref_slice %arg10[%mul3A_0] : memref<50176xf32, #tpu.memory_space<vmem_shared>> -> memref<3136xf32, #tpu.memory_space<vmem_shared>>
      tpu.wait_dma2 semaphore(%run_scoped3A : memref<!tpu.dma_semaphore, #tpu.memory_space<semaphore_mem>>) src(%arg22 : memref<3136xf32, #tpu.memory_space<vmem>>) dst(%dma_wait3A_233 : memref<3136xf32, #tpu.memory_space<vmem_shared>>)
      tpu.yield
    }) : () -> ()
    "tpu.region"() ({
      %run_scoped3A = tpu.sem_alloc : memref<!tpu.dma_semaphore, #tpu.memory_space<semaphore_mem>>
      %dma_start3A = tpu.memref_slice %arg11[%mul3A_0] : memref<50176xf32, #tpu.memory_space<vmem_shared>> -> memref<3136xf32, #tpu.memory_space<vmem_shared>>
      %dma_start3A_232 = tpu.memref_slice %arg11[%mul3A_0] : memref<50176xf32, #tpu.memory_space<vmem_shared>> -> memref<3136xf32, #tpu.memory_space<vmem_shared>>
      tpu.enqueue_dma source(%arg23 : memref<3136xf32, #tpu.memory_space<vmem>>) target(%dma_start3A_232 : memref<3136xf32, #tpu.memory_space<vmem_shared>>) target_semaphore(%run_scoped3A : memref<!tpu.dma_semaphore, #tpu.memory_space<semaphore_mem>>)
      %dma_wait3A = tpu.memref_slice %arg11[%mul3A_0] : memref<50176xf32, #tpu.memory_space<vmem_shared>> -> memref<3136xf32, #tpu.memory_space<vmem_shared>>
      %dma_wait3A_233 = tpu.memref_slice %arg11[%mul3A_0] : memref<50176xf32, #tpu.memory_space<vmem_shared>> -> memref<3136xf32, #tpu.memory_space<vmem_shared>>
      tpu.wait_dma2 semaphore(%run_scoped3A : memref<!tpu.dma_semaphore, #tpu.memory_space<semaphore_mem>>) src(%arg23 : memref<3136xf32, #tpu.memory_space<vmem>>) dst(%dma_wait3A_233 : memref<3136xf32, #tpu.memory_space<vmem_shared>>)
      tpu.yield
    }) : () -> ()
    %barrier3A_152 = arith.constant 0 : index
    tpu.barrier barrier_id(%barrier3A_152)
    %scan3A_153 = arith.constant 0 : i32
    %scan3A_154 = arith.constant 0 : i32
    %scan3A_155 = arith.constant 5 : i32
    %scan3A_156 = arith.addi %scan3A_154, %scan3A_155 : i32
    %scan3A_157 = arith.constant 1 : i32
    %scan3A_158 = scf.for %scan3A_232 = %scan3A_154 to %scan3A_156 step %scan3A_157 iter_args(%scan3A_233 = %scan3A_153) -> (i32)  : i32 {
      %mul3A_234 = arith.constant 10000 : i32
      %mul3A_235 = arith.muli %scan3A_232, %mul3A_234 : i32
      %add3A = arith.addi %mul3A_2, %mul3A_235 : i32
      %multiple_of3A = tpu.assume_multiple %add3A, 8 : i32
      "tpu.region"() ({
        %run_scoped3A = tpu.sem_alloc : memref<!tpu.dma_semaphore, #tpu.memory_space<semaphore_mem>>
        %dma_start3A = tpu.memref_slice %arg3[%multiple_of3A] : memref<800000xi32, #tpu.memory_space<hbm>> -> memref<10000xi32, #tpu.memory_space<hbm>>
        %dma_start3A_244 = tpu.memref_slice %arg3[%multiple_of3A] : memref<800000xi32, #tpu.memory_space<hbm>> -> memref<10000xi32, #tpu.memory_space<hbm>>
        tpu.enqueue_dma source(%dma_start3A_244 : memref<10000xi32, #tpu.memory_space<hbm>>) target(%arg17 : memref<10000xi32, #tpu.memory_space<vmem>>) target_semaphore(%run_scoped3A : memref<!tpu.dma_semaphore, #tpu.memory_space<semaphore_mem>>)
        %dma_wait3A = tpu.memref_slice %arg3[%multiple_of3A] : memref<800000xi32, #tpu.memory_space<hbm>> -> memref<10000xi32, #tpu.memory_space<hbm>>
        %dma_wait3A_245 = tpu.memref_slice %arg3[%multiple_of3A] : memref<800000xi32, #tpu.memory_space<hbm>> -> memref<10000xi32, #tpu.memory_space<hbm>>
        tpu.wait_dma2 semaphore(%run_scoped3A : memref<!tpu.dma_semaphore, #tpu.memory_space<semaphore_mem>>) src(%dma_wait3A_245 : memref<10000xi32, #tpu.memory_space<hbm>>) dst(%arg17 : memref<10000xi32, #tpu.memory_space<vmem>>)
        tpu.yield
      }) : () -> ()
      "tpu.region"() ({
        %run_scoped3A = tpu.sem_alloc : memref<!tpu.dma_semaphore, #tpu.memory_space<semaphore_mem>>
        %dma_start3A = tpu.memref_slice %arg4[%multiple_of3A] : memref<800000xi32, #tpu.memory_space<hbm>> -> memref<10000xi32, #tpu.memory_space<hbm>>
        %dma_start3A_244 = tpu.memref_slice %arg4[%multiple_of3A] : memref<800000xi32, #tpu.memory_space<hbm>> -> memref<10000xi32, #tpu.memory_space<hbm>>
        tpu.enqueue_dma source(%dma_start3A_244 : memref<10000xi32, #tpu.memory_space<hbm>>) target(%arg18 : memref<10000xi32, #tpu.memory_space<vmem>>) target_semaphore(%run_scoped3A : memref<!tpu.dma_semaphore, #tpu.memory_space<semaphore_mem>>)
        %dma_wait3A = tpu.memref_slice %arg4[%multiple_of3A] : memref<800000xi32, #tpu.memory_space<hbm>> -> memref<10000xi32, #tpu.memory_space<hbm>>
        %dma_wait3A_245 = tpu.memref_slice %arg4[%multiple_of3A] : memref<800000xi32, #tpu.memory_space<hbm>> -> memref<10000xi32, #tpu.memory_space<hbm>>
        tpu.wait_dma2 semaphore(%run_scoped3A : memref<!tpu.dma_semaphore, #tpu.memory_space<semaphore_mem>>) src(%dma_wait3A_245 : memref<10000xi32, #tpu.memory_space<hbm>>) dst(%arg18 : memref<10000xi32, #tpu.memory_space<vmem>>)
        tpu.yield
      }) : () -> ()
      "tpu.region"() ({
        %run_scoped3A = tpu.sem_alloc : memref<!tpu.dma_semaphore, #tpu.memory_space<semaphore_mem>>
        %dma_start3A = tpu.memref_slice %arg16[%multiple_of3A] : memref<800000xf32, #tpu.memory_space<vmem_shared>> -> memref<10000xf32, #tpu.memory_space<vmem_shared>>
        %dma_start3A_244 = tpu.memref_slice %arg16[%multiple_of3A] : memref<800000xf32, #tpu.memory_space<vmem_shared>> -> memref<10000xf32, #tpu.memory_space<vmem_shared>>
        tpu.enqueue_dma source(%dma_start3A_244 : memref<10000xf32, #tpu.memory_space<vmem_shared>>) target(%arg19 : memref<10000xf32, #tpu.memory_space<vmem>>) target_semaphore(%run_scoped3A : memref<!tpu.dma_semaphore, #tpu.memory_space<semaphore_mem>>)
        %dma_wait3A = tpu.memref_slice %arg16[%multiple_of3A] : memref<800000xf32, #tpu.memory_space<vmem_shared>> -> memref<10000xf32, #tpu.memory_space<vmem_shared>>
        %dma_wait3A_245 = tpu.memref_slice %arg16[%multiple_of3A] : memref<800000xf32, #tpu.memory_space<vmem_shared>> -> memref<10000xf32, #tpu.memory_space<vmem_shared>>
        tpu.wait_dma2 semaphore(%run_scoped3A : memref<!tpu.dma_semaphore, #tpu.memory_space<semaphore_mem>>) src(%dma_wait3A_245 : memref<10000xf32, #tpu.memory_space<vmem_shared>>) dst(%arg19 : memref<10000xf32, #tpu.memory_space<vmem>>)
        tpu.yield
      }) : () -> ()
      "tpu.region"() ({
        %run_scoped3A = tpu.sem_alloc : memref<!tpu.dma_semaphore, #tpu.memory_space<semaphore_mem>>
        %dma_start3A = arith.constant 0 : i32
        %dma_start3A_244 = tpu.memref_slice %arg12[%dma_start3A] : memref<50176xf32, #tpu.memory_space<vmem_shared>> -> memref<50176xf32, #tpu.memory_space<vmem_shared>>
        tpu.enqueue_indirect_dma source(%dma_start3A_244 : memref<50176xf32, #tpu.memory_space<vmem_shared>>) target(%arg20 : memref<10000xf32, #tpu.memory_space<vmem>>) offsets(%arg17 : memref<10000xi32, #tpu.memory_space<vmem>>) semaphore(%run_scoped3A : memref<!tpu.dma_semaphore, #tpu.memory_space<semaphore_mem>>)
        %dma_wait3A = arith.constant 0 : i32
        %dma_wait3A_245 = tpu.memref_slice %arg12[%dma_wait3A] : memref<50176xf32, #tpu.memory_space<vmem_shared>> -> memref<50176xf32, #tpu.memory_space<vmem_shared>>
        tpu.wait_indirect_dma semaphore(%run_scoped3A : memref<!tpu.dma_semaphore, #tpu.memory_space<semaphore_mem>>) src(%dma_wait3A_245 : memref<50176xf32, #tpu.memory_space<vmem_shared>>) dst(%arg20 : memref<10000xf32, #tpu.memory_space<vmem>>)
        tpu.yield
      }) : () -> ()
      "tpu.region"() ({
        %run_scoped3A = tpu.sem_alloc : memref<!tpu.dma_semaphore, #tpu.memory_space<semaphore_mem>>
        %dma_start3A = arith.constant 0 : i32
        %dma_start3A_244 = tpu.memref_slice %arg13[%dma_start3A] : memref<50176xf32, #tpu.memory_space<vmem_shared>> -> memref<50176xf32, #tpu.memory_space<vmem_shared>>
        tpu.enqueue_indirect_dma source(%dma_start3A_244 : memref<50176xf32, #tpu.memory_space<vmem_shared>>) target(%arg21 : memref<10000xf32, #tpu.memory_space<vmem>>) offsets(%arg17 : memref<10000xi32, #tpu.memory_space<vmem>>) semaphore(%run_scoped3A : memref<!tpu.dma_semaphore, #tpu.memory_space<semaphore_mem>>)
        %dma_wait3A = arith.constant 0 : i32
        %dma_wait3A_245 = tpu.memref_slice %arg13[%dma_wait3A] : memref<50176xf32, #tpu.memory_space<vmem_shared>> -> memref<50176xf32, #tpu.memory_space<vmem_shared>>
        tpu.wait_indirect_dma semaphore(%run_scoped3A : memref<!tpu.dma_semaphore, #tpu.memory_space<semaphore_mem>>) src(%dma_wait3A_245 : memref<50176xf32, #tpu.memory_space<vmem_shared>>) dst(%arg21 : memref<10000xf32, #tpu.memory_space<vmem>>)
        tpu.yield
      }) : () -> ()
      %scan3A_236 = arith.constant 0 : i32
      %scan3A_237 = arith.constant 0 : i32
      %scan3A_238 = arith.constant 625 : i32
      %scan3A_239 = arith.addi %scan3A_237, %scan3A_238 : i32
      %scan3A_240 = arith.constant 1 : i32
      %scan3A_241 = scf.for %scan3A_244 = %scan3A_237 to %scan3A_239 step %scan3A_240 iter_args(%scan3A_245 = %scan3A_236) -> (i32)  : i32 {
        %mul3A_246 = arith.constant 16 : i32
        %mul3A_247 = arith.muli %scan3A_244, %mul3A_246 : i32
        %multiple_of3A_248 = tpu.assume_multiple %mul3A_247, 16 : i32
        %get3A = arith.index_cast %multiple_of3A_248 : i32 to index
        %get3A_249 = tpu.vector_load %arg19[%get3A] {strides = array<i32>} : memref<10000xf32, #tpu.memory_space<vmem>>, vector<16xf32>,
        %get3A_250 = vector.shape_cast %get3A_249 : vector<16xf32> to vector<16xf32>
        %get3A_251 = arith.index_cast %multiple_of3A_248 : i32 to index
        %get3A_252 = tpu.vector_load %arg20[%get3A_251] {strides = array<i32>} : memref<10000xf32, #tpu.memory_space<vmem>>, vector<16xf32>,
        %get3A_253 = vector.shape_cast %get3A_252 : vector<16xf32> to vector<16xf32>
        %mul3A_254 = arith.mulf %get3A_253, %get3A_250 : vector<16xf32>
        %swap3A = arith.index_cast %multiple_of3A_248 : i32 to index
        %swap3A_255 = tpu.vector_load %arg20[%swap3A] {strides = array<i32>} : memref<10000xf32, #tpu.memory_space<vmem>>, vector<16xf32>,
        %swap3A_256 = vector.shape_cast %swap3A_255 : vector<16xf32> to vector<16xf32>
        %swap3A_257 = vector.shape_cast %mul3A_254 : vector<16xf32> to vector<16xf32>
        tpu.vector_store %arg20[%swap3A], %swap3A_257 {strides = array<i32>} : memref<10000xf32, #tpu.memory_space<vmem>>, vector<16xf32>,
        %get3A_258 = arith.index_cast %multiple_of3A_248 : i32 to index
        %get3A_259 = tpu.vector_load %arg21[%get3A_258] {strides = array<i32>} : memref<10000xf32, #tpu.memory_space<vmem>>, vector<16xf32>,
        %get3A_260 = vector.shape_cast %get3A_259 : vector<16xf32> to vector<16xf32>
        %mul3A_261 = arith.mulf %get3A_260, %get3A_250 : vector<16xf32>
        %swap3A_262 = arith.index_cast %multiple_of3A_248 : i32 to index
        %swap3A_263 = tpu.vector_load %arg21[%swap3A_262] {strides = array<i32>} : memref<10000xf32, #tpu.memory_space<vmem>>, vector<16xf32>,
        %swap3A_264 = vector.shape_cast %swap3A_263 : vector<16xf32> to vector<16xf32>
        %swap3A_265 = vector.shape_cast %mul3A_261 : vector<16xf32> to vector<16xf32>
        tpu.vector_store %arg21[%swap3A_262], %swap3A_265 {strides = array<i32>} : memref<10000xf32, #tpu.memory_space<vmem>>, vector<16xf32>,
        %scan3A_266 = arith.constant 0 : i32
        scf.yield %scan3A_266 : i32
      }
      %scan3A_242 = arith.constant 625 : i32
      "tpu.region"() ({
        %run_scoped3A = tpu.sem_alloc : memref<!tpu.dma_semaphore, #tpu.memory_space<semaphore_mem>>
        %dma_start3A = arith.constant 0 : i32
        %dma_start3A_244 = tpu.memref_slice %arg10[%dma_start3A] : memref<50176xf32, #tpu.memory_space<vmem_shared>> -> memref<50176xf32, #tpu.memory_space<vmem_shared>>
        tpu.enqueue_indirect_dma source(%arg20 : memref<10000xf32, #tpu.memory_space<vmem>>) target(%dma_start3A_244 : memref<50176xf32, #tpu.memory_space<vmem_shared>>) offsets(%arg18 : memref<10000xi32, #tpu.memory_space<vmem>>) semaphore(%run_scoped3A : memref<!tpu.dma_semaphore, #tpu.memory_space<semaphore_mem>>) {add = true}
        %dma_wait3A = arith.constant 0 : i32
        %dma_wait3A_245 = tpu.memref_slice %arg10[%dma_wait3A] : memref<50176xf32, #tpu.memory_space<vmem_shared>> -> memref<50176xf32, #tpu.memory_space<vmem_shared>>
        tpu.wait_indirect_dma semaphore(%run_scoped3A : memref<!tpu.dma_semaphore, #tpu.memory_space<semaphore_mem>>) src(%arg20 : memref<10000xf32, #tpu.memory_space<vmem>>) dst(%dma_wait3A_245 : memref<50176xf32, #tpu.memory_space<vmem_shared>>)
        tpu.yield
      }) : () -> ()
      "tpu.region"() ({
        %run_scoped3A = tpu.sem_alloc : memref<!tpu.dma_semaphore, #tpu.memory_space<semaphore_mem>>
        %dma_start3A = arith.constant 0 : i32
        %dma_start3A_244 = tpu.memref_slice %arg11[%dma_start3A] : memref<50176xf32, #tpu.memory_space<vmem_shared>> -> memref<50176xf32, #tpu.memory_space<vmem_shared>>
        tpu.enqueue_indirect_dma source(%arg21 : memref<10000xf32, #tpu.memory_space<vmem>>) target(%dma_start3A_244 : memref<50176xf32, #tpu.memory_space<vmem_shared>>) offsets(%arg18 : memref<10000xi32, #tpu.memory_space<vmem>>) semaphore(%run_scoped3A : memref<!tpu.dma_semaphore, #tpu.memory_space<semaphore_mem>>) {add = true}
        %dma_wait3A = arith.constant 0 : i32
        %dma_wait3A_245 = tpu.memref_slice %arg11[%dma_wait3A] : memref<50176xf32, #tpu.memory_space<vmem_shared>> -> memref<50176xf32, #tpu.memory_space<vmem_shared>>
        tpu.wait_indirect_dma semaphore(%run_scoped3A : memref<!tpu.dma_semaphore, #tpu.memory_space<semaphore_mem>>) src(%arg21 : memref<10000xf32, #tpu.memory_space<vmem>>) dst(%dma_wait3A_245 : memref<50176xf32, #tpu.memory_space<vmem_shared>>)
        tpu.yield
      }) : () -> ()
      %scan3A_243 = arith.constant 0 : i32
      scf.yield %scan3A_243 : i32
    }
    %scan3A_159 = arith.constant 5 : i32
    %barrier3A_160 = arith.constant 0 : index
    tpu.barrier barrier_id(%barrier3A_160)
    "tpu.region"() ({
      %run_scoped3A = tpu.sem_alloc : memref<!tpu.dma_semaphore, #tpu.memory_space<semaphore_mem>>
      %dma_start3A = tpu.memref_slice %arg15[%mul3A_0] : memref<50176xf32, #tpu.memory_space<vmem_shared>> -> memref<3136xf32, #tpu.memory_space<vmem_shared>>
      %dma_start3A_232 = tpu.memref_slice %arg15[%mul3A_0] : memref<50176xf32, #tpu.memory_space<vmem_shared>> -> memref<3136xf32, #tpu.memory_space<vmem_shared>>
      tpu.enqueue_dma source(%dma_start3A_232 : memref<3136xf32, #tpu.memory_space<vmem_shared>>) target(%arg24 : memref<3136xf32, #tpu.memory_space<vmem>>) target_semaphore(%run_scoped3A : memref<!tpu.dma_semaphore, #tpu.memory_space<semaphore_mem>>)
      %dma_wait3A = tpu.memref_slice %arg15[%mul3A_0] : memref<50176xf32, #tpu.memory_space<vmem_shared>> -> memref<3136xf32, #tpu.memory_space<vmem_shared>>
      %dma_wait3A_233 = tpu.memref_slice %arg15[%mul3A_0] : memref<50176xf32, #tpu.memory_space<vmem_shared>> -> memref<3136xf32, #tpu.memory_space<vmem_shared>>
      tpu.wait_dma2 semaphore(%run_scoped3A : memref<!tpu.dma_semaphore, #tpu.memory_space<semaphore_mem>>) src(%dma_wait3A_233 : memref<3136xf32, #tpu.memory_space<vmem_shared>>) dst(%arg24 : memref<3136xf32, #tpu.memory_space<vmem>>)
      tpu.yield
    }) : () -> ()
    "tpu.region"() ({
      %run_scoped3A = tpu.sem_alloc : memref<!tpu.dma_semaphore, #tpu.memory_space<semaphore_mem>>
      %dma_start3A = tpu.memref_slice %arg10[%mul3A_0] : memref<50176xf32, #tpu.memory_space<vmem_shared>> -> memref<3136xf32, #tpu.memory_space<vmem_shared>>
      %dma_start3A_232 = tpu.memref_slice %arg10[%mul3A_0] : memref<50176xf32, #tpu.memory_space<vmem_shared>> -> memref<3136xf32, #tpu.memory_space<vmem_shared>>
      tpu.enqueue_dma source(%dma_start3A_232 : memref<3136xf32, #tpu.memory_space<vmem_shared>>) target(%arg22 : memref<3136xf32, #tpu.memory_space<vmem>>) target_semaphore(%run_scoped3A : memref<!tpu.dma_semaphore, #tpu.memory_space<semaphore_mem>>)
      %dma_wait3A = tpu.memref_slice %arg10[%mul3A_0] : memref<50176xf32, #tpu.memory_space<vmem_shared>> -> memref<3136xf32, #tpu.memory_space<vmem_shared>>
      %dma_wait3A_233 = tpu.memref_slice %arg10[%mul3A_0] : memref<50176xf32, #tpu.memory_space<vmem_shared>> -> memref<3136xf32, #tpu.memory_space<vmem_shared>>
      tpu.wait_dma2 semaphore(%run_scoped3A : memref<!tpu.dma_semaphore, #tpu.memory_space<semaphore_mem>>) src(%dma_wait3A_233 : memref<3136xf32, #tpu.memory_space<vmem_shared>>) dst(%arg22 : memref<3136xf32, #tpu.memory_space<vmem>>)
      tpu.yield
    }) : () -> ()
    "tpu.region"() ({
      %run_scoped3A = tpu.sem_alloc : memref<!tpu.dma_semaphore, #tpu.memory_space<semaphore_mem>>
      %dma_start3A = tpu.memref_slice %arg11[%mul3A_0] : memref<50176xf32, #tpu.memory_space<vmem_shared>> -> memref<3136xf32, #tpu.memory_space<vmem_shared>>
      %dma_start3A_232 = tpu.memref_slice %arg11[%mul3A_0] : memref<50176xf32, #tpu.memory_space<vmem_shared>> -> memref<3136xf32, #tpu.memory_space<vmem_shared>>
      tpu.enqueue_dma source(%dma_start3A_232 : memref<3136xf32, #tpu.memory_space<vmem_shared>>) target(%arg23 : memref<3136xf32, #tpu.memory_space<vmem>>) target_semaphore(%run_scoped3A : memref<!tpu.dma_semaphore, #tpu.memory_space<semaphore_mem>>)
      %dma_wait3A = tpu.memref_slice %arg11[%mul3A_0] : memref<50176xf32, #tpu.memory_space<vmem_shared>> -> memref<3136xf32, #tpu.memory_space<vmem_shared>>
      %dma_wait3A_233 = tpu.memref_slice %arg11[%mul3A_0] : memref<50176xf32, #tpu.memory_space<vmem_shared>> -> memref<3136xf32, #tpu.memory_space<vmem_shared>>
      tpu.wait_dma2 semaphore(%run_scoped3A : memref<!tpu.dma_semaphore, #tpu.memory_space<semaphore_mem>>) src(%dma_wait3A_233 : memref<3136xf32, #tpu.memory_space<vmem_shared>>) dst(%arg23 : memref<3136xf32, #tpu.memory_space<vmem>>)
      tpu.yield
    }) : () -> ()
    %scan3A_161 = arith.constant 0 : i32
    %scan3A_162 = arith.constant 0 : i32
    %scan3A_163 = arith.constant 196 : i32
    %scan3A_164 = arith.addi %scan3A_162, %scan3A_163 : i32
    %scan3A_165 = arith.constant 1 : i32
    %scan3A_166 = scf.for %scan3A_232 = %scan3A_162 to %scan3A_164 step %scan3A_165 iter_args(%scan3A_233 = %scan3A_161) -> (i32)  : i32 {
      %mul3A_234 = arith.constant 16 : i32
      %mul3A_235 = arith.muli %scan3A_232, %mul3A_234 : i32
      %multiple_of3A = tpu.assume_multiple %mul3A_235, 16 : i32
      %get3A = arith.index_cast %multiple_of3A : i32 to index
      %get3A_236 = tpu.vector_load %arg24[%get3A] {strides = array<i32>} : memref<3136xf32, #tpu.memory_space<vmem>>, vector<16xf32>,
      %get3A_237 = vector.shape_cast %get3A_236 : vector<16xf32> to vector<16xf32>
      %get3A_238 = arith.index_cast %multiple_of3A : i32 to index
      %get3A_239 = tpu.vector_load %arg22[%get3A_238] {strides = array<i32>} : memref<3136xf32, #tpu.memory_space<vmem>>, vector<16xf32>,
      %get3A_240 = vector.shape_cast %get3A_239 : vector<16xf32> to vector<16xf32>
      %mul3A_241 = arith.mulf %get3A_240, %get3A_237 : vector<16xf32>
      %swap3A = arith.index_cast %multiple_of3A : i32 to index
      %swap3A_242 = tpu.vector_load %arg22[%swap3A] {strides = array<i32>} : memref<3136xf32, #tpu.memory_space<vmem>>, vector<16xf32>,
      %swap3A_243 = vector.shape_cast %swap3A_242 : vector<16xf32> to vector<16xf32>
      %swap3A_244 = vector.shape_cast %mul3A_241 : vector<16xf32> to vector<16xf32>
      tpu.vector_store %arg22[%swap3A], %swap3A_244 {strides = array<i32>} : memref<3136xf32, #tpu.memory_space<vmem>>, vector<16xf32>,
      %get3A_245 = arith.index_cast %multiple_of3A : i32 to index
      %get3A_246 = tpu.vector_load %arg23[%get3A_245] {strides = array<i32>} : memref<3136xf32, #tpu.memory_space<vmem>>, vector<16xf32>,
      %get3A_247 = vector.shape_cast %get3A_246 : vector<16xf32> to vector<16xf32>
      %mul3A_248 = arith.mulf %get3A_247, %get3A_237 : vector<16xf32>
      %swap3A_249 = arith.index_cast %multiple_of3A : i32 to index
      %swap3A_250 = tpu.vector_load %arg23[%swap3A_249] {strides = array<i32>} : memref<3136xf32, #tpu.memory_space<vmem>>, vector<16xf32>,
      %swap3A_251 = vector.shape_cast %swap3A_250 : vector<16xf32> to vector<16xf32>
      %swap3A_252 = vector.shape_cast %mul3A_248 : vector<16xf32> to vector<16xf32>
      tpu.vector_store %arg23[%swap3A_249], %swap3A_252 {strides = array<i32>} : memref<3136xf32, #tpu.memory_space<vmem>>, vector<16xf32>,
      %scan3A_253 = arith.constant 0 : i32
      scf.yield %scan3A_253 : i32
    }
    %scan3A_167 = arith.constant 196 : i32
    "tpu.region"() ({
      %run_scoped3A = tpu.sem_alloc : memref<!tpu.dma_semaphore, #tpu.memory_space<semaphore_mem>>
      %dma_start3A = tpu.memref_slice %arg12[%mul3A_0] : memref<50176xf32, #tpu.memory_space<vmem_shared>> -> memref<3136xf32, #tpu.memory_space<vmem_shared>>
      %dma_start3A_232 = tpu.memref_slice %arg12[%mul3A_0] : memref<50176xf32, #tpu.memory_space<vmem_shared>> -> memref<3136xf32, #tpu.memory_space<vmem_shared>>
      tpu.enqueue_dma source(%arg22 : memref<3136xf32, #tpu.memory_space<vmem>>) target(%dma_start3A_232 : memref<3136xf32, #tpu.memory_space<vmem_shared>>) target_semaphore(%run_scoped3A : memref<!tpu.dma_semaphore, #tpu.memory_space<semaphore_mem>>)
      %dma_wait3A = tpu.memref_slice %arg12[%mul3A_0] : memref<50176xf32, #tpu.memory_space<vmem_shared>> -> memref<3136xf32, #tpu.memory_space<vmem_shared>>
      %dma_wait3A_233 = tpu.memref_slice %arg12[%mul3A_0] : memref<50176xf32, #tpu.memory_space<vmem_shared>> -> memref<3136xf32, #tpu.memory_space<vmem_shared>>
      tpu.wait_dma2 semaphore(%run_scoped3A : memref<!tpu.dma_semaphore, #tpu.memory_space<semaphore_mem>>) src(%arg22 : memref<3136xf32, #tpu.memory_space<vmem>>) dst(%dma_wait3A_233 : memref<3136xf32, #tpu.memory_space<vmem_shared>>)
      tpu.yield
    }) : () -> ()
    "tpu.region"() ({
      %run_scoped3A = tpu.sem_alloc : memref<!tpu.dma_semaphore, #tpu.memory_space<semaphore_mem>>
      %dma_start3A = tpu.memref_slice %arg13[%mul3A_0] : memref<50176xf32, #tpu.memory_space<vmem_shared>> -> memref<3136xf32, #tpu.memory_space<vmem_shared>>
      %dma_start3A_232 = tpu.memref_slice %arg13[%mul3A_0] : memref<50176xf32, #tpu.memory_space<vmem_shared>> -> memref<3136xf32, #tpu.memory_space<vmem_shared>>
      tpu.enqueue_dma source(%arg23 : memref<3136xf32, #tpu.memory_space<vmem>>) target(%dma_start3A_232 : memref<3136xf32, #tpu.memory_space<vmem_shared>>) target_semaphore(%run_scoped3A : memref<!tpu.dma_semaphore, #tpu.memory_space<semaphore_mem>>)
      %dma_wait3A = tpu.memref_slice %arg13[%mul3A_0] : memref<50176xf32, #tpu.memory_space<vmem_shared>> -> memref<3136xf32, #tpu.memory_space<vmem_shared>>
      %dma_wait3A_233 = tpu.memref_slice %arg13[%mul3A_0] : memref<50176xf32, #tpu.memory_space<vmem_shared>> -> memref<3136xf32, #tpu.memory_space<vmem_shared>>
      tpu.wait_dma2 semaphore(%run_scoped3A : memref<!tpu.dma_semaphore, #tpu.memory_space<semaphore_mem>>) src(%arg23 : memref<3136xf32, #tpu.memory_space<vmem>>) dst(%dma_wait3A_233 : memref<3136xf32, #tpu.memory_space<vmem_shared>>)
      tpu.yield
    }) : () -> ()
    %barrier3A_168 = arith.constant 0 : index
    tpu.barrier barrier_id(%barrier3A_168)
    %scan3A_169 = arith.constant 0 : i32
    %scan3A_170 = arith.constant 0 : i32
    %scan3A_171 = arith.constant 5 : i32
    %scan3A_172 = arith.addi %scan3A_170, %scan3A_171 : i32
    %scan3A_173 = arith.constant 1 : i32
    %scan3A_174 = scf.for %scan3A_232 = %scan3A_170 to %scan3A_172 step %scan3A_173 iter_args(%scan3A_233 = %scan3A_169) -> (i32)  : i32 {
      %mul3A_234 = arith.constant 10000 : i32
      %mul3A_235 = arith.muli %scan3A_232, %mul3A_234 : i32
      %add3A = arith.addi %mul3A_2, %mul3A_235 : i32
      %multiple_of3A = tpu.assume_multiple %add3A, 8 : i32
      "tpu.region"() ({
        %run_scoped3A = tpu.sem_alloc : memref<!tpu.dma_semaphore, #tpu.memory_space<semaphore_mem>>
        %dma_start3A = tpu.memref_slice %arg3[%multiple_of3A] : memref<800000xi32, #tpu.memory_space<hbm>> -> memref<10000xi32, #tpu.memory_space<hbm>>
        %dma_start3A_244 = tpu.memref_slice %arg3[%multiple_of3A] : memref<800000xi32, #tpu.memory_space<hbm>> -> memref<10000xi32, #tpu.memory_space<hbm>>
        tpu.enqueue_dma source(%dma_start3A_244 : memref<10000xi32, #tpu.memory_space<hbm>>) target(%arg17 : memref<10000xi32, #tpu.memory_space<vmem>>) target_semaphore(%run_scoped3A : memref<!tpu.dma_semaphore, #tpu.memory_space<semaphore_mem>>)
        %dma_wait3A = tpu.memref_slice %arg3[%multiple_of3A] : memref<800000xi32, #tpu.memory_space<hbm>> -> memref<10000xi32, #tpu.memory_space<hbm>>
        %dma_wait3A_245 = tpu.memref_slice %arg3[%multiple_of3A] : memref<800000xi32, #tpu.memory_space<hbm>> -> memref<10000xi32, #tpu.memory_space<hbm>>
        tpu.wait_dma2 semaphore(%run_scoped3A : memref<!tpu.dma_semaphore, #tpu.memory_space<semaphore_mem>>) src(%dma_wait3A_245 : memref<10000xi32, #tpu.memory_space<hbm>>) dst(%arg17 : memref<10000xi32, #tpu.memory_space<vmem>>)
        tpu.yield
      }) : () -> ()
      "tpu.region"() ({
        %run_scoped3A = tpu.sem_alloc : memref<!tpu.dma_semaphore, #tpu.memory_space<semaphore_mem>>
        %dma_start3A = tpu.memref_slice %arg4[%multiple_of3A] : memref<800000xi32, #tpu.memory_space<hbm>> -> memref<10000xi32, #tpu.memory_space<hbm>>
        %dma_start3A_244 = tpu.memref_slice %arg4[%multiple_of3A] : memref<800000xi32, #tpu.memory_space<hbm>> -> memref<10000xi32, #tpu.memory_space<hbm>>
        tpu.enqueue_dma source(%dma_start3A_244 : memref<10000xi32, #tpu.memory_space<hbm>>) target(%arg18 : memref<10000xi32, #tpu.memory_space<vmem>>) target_semaphore(%run_scoped3A : memref<!tpu.dma_semaphore, #tpu.memory_space<semaphore_mem>>)
        %dma_wait3A = tpu.memref_slice %arg4[%multiple_of3A] : memref<800000xi32, #tpu.memory_space<hbm>> -> memref<10000xi32, #tpu.memory_space<hbm>>
        %dma_wait3A_245 = tpu.memref_slice %arg4[%multiple_of3A] : memref<800000xi32, #tpu.memory_space<hbm>> -> memref<10000xi32, #tpu.memory_space<hbm>>
        tpu.wait_dma2 semaphore(%run_scoped3A : memref<!tpu.dma_semaphore, #tpu.memory_space<semaphore_mem>>) src(%dma_wait3A_245 : memref<10000xi32, #tpu.memory_space<hbm>>) dst(%arg18 : memref<10000xi32, #tpu.memory_space<vmem>>)
        tpu.yield
      }) : () -> ()
      "tpu.region"() ({
        %run_scoped3A = tpu.sem_alloc : memref<!tpu.dma_semaphore, #tpu.memory_space<semaphore_mem>>
        %dma_start3A = tpu.memref_slice %arg16[%multiple_of3A] : memref<800000xf32, #tpu.memory_space<vmem_shared>> -> memref<10000xf32, #tpu.memory_space<vmem_shared>>
        %dma_start3A_244 = tpu.memref_slice %arg16[%multiple_of3A] : memref<800000xf32, #tpu.memory_space<vmem_shared>> -> memref<10000xf32, #tpu.memory_space<vmem_shared>>
        tpu.enqueue_dma source(%dma_start3A_244 : memref<10000xf32, #tpu.memory_space<vmem_shared>>) target(%arg19 : memref<10000xf32, #tpu.memory_space<vmem>>) target_semaphore(%run_scoped3A : memref<!tpu.dma_semaphore, #tpu.memory_space<semaphore_mem>>)
        %dma_wait3A = tpu.memref_slice %arg16[%multiple_of3A] : memref<800000xf32, #tpu.memory_space<vmem_shared>> -> memref<10000xf32, #tpu.memory_space<vmem_shared>>
        %dma_wait3A_245 = tpu.memref_slice %arg16[%multiple_of3A] : memref<800000xf32, #tpu.memory_space<vmem_shared>> -> memref<10000xf32, #tpu.memory_space<vmem_shared>>
        tpu.wait_dma2 semaphore(%run_scoped3A : memref<!tpu.dma_semaphore, #tpu.memory_space<semaphore_mem>>) src(%dma_wait3A_245 : memref<10000xf32, #tpu.memory_space<vmem_shared>>) dst(%arg19 : memref<10000xf32, #tpu.memory_space<vmem>>)
        tpu.yield
      }) : () -> ()
      "tpu.region"() ({
        %run_scoped3A = tpu.sem_alloc : memref<!tpu.dma_semaphore, #tpu.memory_space<semaphore_mem>>
        %dma_start3A = arith.constant 0 : i32
        %dma_start3A_244 = tpu.memref_slice %arg10[%dma_start3A] : memref<50176xf32, #tpu.memory_space<vmem_shared>> -> memref<50176xf32, #tpu.memory_space<vmem_shared>>
        tpu.enqueue_indirect_dma source(%dma_start3A_244 : memref<50176xf32, #tpu.memory_space<vmem_shared>>) target(%arg20 : memref<10000xf32, #tpu.memory_space<vmem>>) offsets(%arg17 : memref<10000xi32, #tpu.memory_space<vmem>>) semaphore(%run_scoped3A : memref<!tpu.dma_semaphore, #tpu.memory_space<semaphore_mem>>)
        %dma_wait3A = arith.constant 0 : i32
        %dma_wait3A_245 = tpu.memref_slice %arg10[%dma_wait3A] : memref<50176xf32, #tpu.memory_space<vmem_shared>> -> memref<50176xf32, #tpu.memory_space<vmem_shared>>
        tpu.wait_indirect_dma semaphore(%run_scoped3A : memref<!tpu.dma_semaphore, #tpu.memory_space<semaphore_mem>>) src(%dma_wait3A_245 : memref<50176xf32, #tpu.memory_space<vmem_shared>>) dst(%arg20 : memref<10000xf32, #tpu.memory_space<vmem>>)
        tpu.yield
      }) : () -> ()
      "tpu.region"() ({
        %run_scoped3A = tpu.sem_alloc : memref<!tpu.dma_semaphore, #tpu.memory_space<semaphore_mem>>
        %dma_start3A = arith.constant 0 : i32
        %dma_start3A_244 = tpu.memref_slice %arg11[%dma_start3A] : memref<50176xf32, #tpu.memory_space<vmem_shared>> -> memref<50176xf32, #tpu.memory_space<vmem_shared>>
        tpu.enqueue_indirect_dma source(%dma_start3A_244 : memref<50176xf32, #tpu.memory_space<vmem_shared>>) target(%arg21 : memref<10000xf32, #tpu.memory_space<vmem>>) offsets(%arg17 : memref<10000xi32, #tpu.memory_space<vmem>>) semaphore(%run_scoped3A : memref<!tpu.dma_semaphore, #tpu.memory_space<semaphore_mem>>)
        %dma_wait3A = arith.constant 0 : i32
        %dma_wait3A_245 = tpu.memref_slice %arg11[%dma_wait3A] : memref<50176xf32, #tpu.memory_space<vmem_shared>> -> memref<50176xf32, #tpu.memory_space<vmem_shared>>
        tpu.wait_indirect_dma semaphore(%run_scoped3A : memref<!tpu.dma_semaphore, #tpu.memory_space<semaphore_mem>>) src(%dma_wait3A_245 : memref<50176xf32, #tpu.memory_space<vmem_shared>>) dst(%arg21 : memref<10000xf32, #tpu.memory_space<vmem>>)
        tpu.yield
      }) : () -> ()
      %scan3A_236 = arith.constant 0 : i32
      %scan3A_237 = arith.constant 0 : i32
      %scan3A_238 = arith.constant 625 : i32
      %scan3A_239 = arith.addi %scan3A_237, %scan3A_238 : i32
      %scan3A_240 = arith.constant 1 : i32
      %scan3A_241 = scf.for %scan3A_244 = %scan3A_237 to %scan3A_239 step %scan3A_240 iter_args(%scan3A_245 = %scan3A_236) -> (i32)  : i32 {
        %mul3A_246 = arith.constant 16 : i32
        %mul3A_247 = arith.muli %scan3A_244, %mul3A_246 : i32
        %multiple_of3A_248 = tpu.assume_multiple %mul3A_247, 16 : i32
        %get3A = arith.index_cast %multiple_of3A_248 : i32 to index
        %get3A_249 = tpu.vector_load %arg19[%get3A] {strides = array<i32>} : memref<10000xf32, #tpu.memory_space<vmem>>, vector<16xf32>,
        %get3A_250 = vector.shape_cast %get3A_249 : vector<16xf32> to vector<16xf32>
        %get3A_251 = arith.index_cast %multiple_of3A_248 : i32 to index
        %get3A_252 = tpu.vector_load %arg20[%get3A_251] {strides = array<i32>} : memref<10000xf32, #tpu.memory_space<vmem>>, vector<16xf32>,
        %get3A_253 = vector.shape_cast %get3A_252 : vector<16xf32> to vector<16xf32>
        %mul3A_254 = arith.mulf %get3A_253, %get3A_250 : vector<16xf32>
        %swap3A = arith.index_cast %multiple_of3A_248 : i32 to index
        %swap3A_255 = tpu.vector_load %arg20[%swap3A] {strides = array<i32>} : memref<10000xf32, #tpu.memory_space<vmem>>, vector<16xf32>,
        %swap3A_256 = vector.shape_cast %swap3A_255 : vector<16xf32> to vector<16xf32>
        %swap3A_257 = vector.shape_cast %mul3A_254 : vector<16xf32> to vector<16xf32>
        tpu.vector_store %arg20[%swap3A], %swap3A_257 {strides = array<i32>} : memref<10000xf32, #tpu.memory_space<vmem>>, vector<16xf32>,
        %get3A_258 = arith.index_cast %multiple_of3A_248 : i32 to index
        %get3A_259 = tpu.vector_load %arg21[%get3A_258] {strides = array<i32>} : memref<10000xf32, #tpu.memory_space<vmem>>, vector<16xf32>,
        %get3A_260 = vector.shape_cast %get3A_259 : vector<16xf32> to vector<16xf32>
        %mul3A_261 = arith.mulf %get3A_260, %get3A_250 : vector<16xf32>
        %swap3A_262 = arith.index_cast %multiple_of3A_248 : i32 to index
        %swap3A_263 = tpu.vector_load %arg21[%swap3A_262] {strides = array<i32>} : memref<10000xf32, #tpu.memory_space<vmem>>, vector<16xf32>,
        %swap3A_264 = vector.shape_cast %swap3A_263 : vector<16xf32> to vector<16xf32>
        %swap3A_265 = vector.shape_cast %mul3A_261 : vector<16xf32> to vector<16xf32>
        tpu.vector_store %arg21[%swap3A_262], %swap3A_265 {strides = array<i32>} : memref<10000xf32, #tpu.memory_space<vmem>>, vector<16xf32>,
        %scan3A_266 = arith.constant 0 : i32
        scf.yield %scan3A_266 : i32
      }
      %scan3A_242 = arith.constant 625 : i32
      "tpu.region"() ({
        %run_scoped3A = tpu.sem_alloc : memref<!tpu.dma_semaphore, #tpu.memory_space<semaphore_mem>>
        %dma_start3A = arith.constant 0 : i32
        %dma_start3A_244 = tpu.memref_slice %arg12[%dma_start3A] : memref<50176xf32, #tpu.memory_space<vmem_shared>> -> memref<50176xf32, #tpu.memory_space<vmem_shared>>
        tpu.enqueue_indirect_dma source(%arg20 : memref<10000xf32, #tpu.memory_space<vmem>>) target(%dma_start3A_244 : memref<50176xf32, #tpu.memory_space<vmem_shared>>) offsets(%arg18 : memref<10000xi32, #tpu.memory_space<vmem>>) semaphore(%run_scoped3A : memref<!tpu.dma_semaphore, #tpu.memory_space<semaphore_mem>>) {add = true}
        %dma_wait3A = arith.constant 0 : i32
        %dma_wait3A_245 = tpu.memref_slice %arg12[%dma_wait3A] : memref<50176xf32, #tpu.memory_space<vmem_shared>> -> memref<50176xf32, #tpu.memory_space<vmem_shared>>
        tpu.wait_indirect_dma semaphore(%run_scoped3A : memref<!tpu.dma_semaphore, #tpu.memory_space<semaphore_mem>>) src(%arg20 : memref<10000xf32, #tpu.memory_space<vmem>>) dst(%dma_wait3A_245 : memref<50176xf32, #tpu.memory_space<vmem_shared>>)
        tpu.yield
      }) : () -> ()
      "tpu.region"() ({
        %run_scoped3A = tpu.sem_alloc : memref<!tpu.dma_semaphore, #tpu.memory_space<semaphore_mem>>
        %dma_start3A = arith.constant 0 : i32
        %dma_start3A_244 = tpu.memref_slice %arg13[%dma_start3A] : memref<50176xf32, #tpu.memory_space<vmem_shared>> -> memref<50176xf32, #tpu.memory_space<vmem_shared>>
        tpu.enqueue_indirect_dma source(%arg21 : memref<10000xf32, #tpu.memory_space<vmem>>) target(%dma_start3A_244 : memref<50176xf32, #tpu.memory_space<vmem_shared>>) offsets(%arg18 : memref<10000xi32, #tpu.memory_space<vmem>>) semaphore(%run_scoped3A : memref<!tpu.dma_semaphore, #tpu.memory_space<semaphore_mem>>) {add = true}
        %dma_wait3A = arith.constant 0 : i32
        %dma_wait3A_245 = tpu.memref_slice %arg13[%dma_wait3A] : memref<50176xf32, #tpu.memory_space<vmem_shared>> -> memref<50176xf32, #tpu.memory_space<vmem_shared>>
        tpu.wait_indirect_dma semaphore(%run_scoped3A : memref<!tpu.dma_semaphore, #tpu.memory_space<semaphore_mem>>) src(%arg21 : memref<10000xf32, #tpu.memory_space<vmem>>) dst(%dma_wait3A_245 : memref<50176xf32, #tpu.memory_space<vmem_shared>>)
        tpu.yield
      }) : () -> ()
      %scan3A_243 = arith.constant 0 : i32
      scf.yield %scan3A_243 : i32
    }
    %scan3A_175 = arith.constant 5 : i32
    %barrier3A_176 = arith.constant 0 : index
    tpu.barrier barrier_id(%barrier3A_176)
    "tpu.region"() ({
      %run_scoped3A = tpu.sem_alloc : memref<!tpu.dma_semaphore, #tpu.memory_space<semaphore_mem>>
      %dma_start3A = tpu.memref_slice %arg15[%mul3A_0] : memref<50176xf32, #tpu.memory_space<vmem_shared>> -> memref<3136xf32, #tpu.memory_space<vmem_shared>>
      %dma_start3A_232 = tpu.memref_slice %arg15[%mul3A_0] : memref<50176xf32, #tpu.memory_space<vmem_shared>> -> memref<3136xf32, #tpu.memory_space<vmem_shared>>
      tpu.enqueue_dma source(%dma_start3A_232 : memref<3136xf32, #tpu.memory_space<vmem_shared>>) target(%arg24 : memref<3136xf32, #tpu.memory_space<vmem>>) target_semaphore(%run_scoped3A : memref<!tpu.dma_semaphore, #tpu.memory_space<semaphore_mem>>)
      %dma_wait3A = tpu.memref_slice %arg15[%mul3A_0] : memref<50176xf32, #tpu.memory_space<vmem_shared>> -> memref<3136xf32, #tpu.memory_space<vmem_shared>>
      %dma_wait3A_233 = tpu.memref_slice %arg15[%mul3A_0] : memref<50176xf32, #tpu.memory_space<vmem_shared>> -> memref<3136xf32, #tpu.memory_space<vmem_shared>>
      tpu.wait_dma2 semaphore(%run_scoped3A : memref<!tpu.dma_semaphore, #tpu.memory_space<semaphore_mem>>) src(%dma_wait3A_233 : memref<3136xf32, #tpu.memory_space<vmem_shared>>) dst(%arg24 : memref<3136xf32, #tpu.memory_space<vmem>>)
      tpu.yield
    }) : () -> ()
    "tpu.region"() ({
      %run_scoped3A = tpu.sem_alloc : memref<!tpu.dma_semaphore, #tpu.memory_space<semaphore_mem>>
      %dma_start3A = tpu.memref_slice %arg12[%mul3A_0] : memref<50176xf32, #tpu.memory_space<vmem_shared>> -> memref<3136xf32, #tpu.memory_space<vmem_shared>>
      %dma_start3A_232 = tpu.memref_slice %arg12[%mul3A_0] : memref<50176xf32, #tpu.memory_space<vmem_shared>> -> memref<3136xf32, #tpu.memory_space<vmem_shared>>
      tpu.enqueue_dma source(%dma_start3A_232 : memref<3136xf32, #tpu.memory_space<vmem_shared>>) target(%arg22 : memref<3136xf32, #tpu.memory_space<vmem>>) target_semaphore(%run_scoped3A : memref<!tpu.dma_semaphore, #tpu.memory_space<semaphore_mem>>)
      %dma_wait3A = tpu.memref_slice %arg12[%mul3A_0] : memref<50176xf32, #tpu.memory_space<vmem_shared>> -> memref<3136xf32, #tpu.memory_space<vmem_shared>>
      %dma_wait3A_233 = tpu.memref_slice %arg12[%mul3A_0] : memref<50176xf32, #tpu.memory_space<vmem_shared>> -> memref<3136xf32, #tpu.memory_space<vmem_shared>>
      tpu.wait_dma2 semaphore(%run_scoped3A : memref<!tpu.dma_semaphore, #tpu.memory_space<semaphore_mem>>) src(%dma_wait3A_233 : memref<3136xf32, #tpu.memory_space<vmem_shared>>) dst(%arg22 : memref<3136xf32, #tpu.memory_space<vmem>>)
      tpu.yield
    }) : () -> ()
    "tpu.region"() ({
      %run_scoped3A = tpu.sem_alloc : memref<!tpu.dma_semaphore, #tpu.memory_space<semaphore_mem>>
      %dma_start3A = tpu.memref_slice %arg13[%mul3A_0] : memref<50176xf32, #tpu.memory_space<vmem_shared>> -> memref<3136xf32, #tpu.memory_space<vmem_shared>>
      %dma_start3A_232 = tpu.memref_slice %arg13[%mul3A_0] : memref<50176xf32, #tpu.memory_space<vmem_shared>> -> memref<3136xf32, #tpu.memory_space<vmem_shared>>
      tpu.enqueue_dma source(%dma_start3A_232 : memref<3136xf32, #tpu.memory_space<vmem_shared>>) target(%arg23 : memref<3136xf32, #tpu.memory_space<vmem>>) target_semaphore(%run_scoped3A : memref<!tpu.dma_semaphore, #tpu.memory_space<semaphore_mem>>)
      %dma_wait3A = tpu.memref_slice %arg13[%mul3A_0] : memref<50176xf32, #tpu.memory_space<vmem_shared>> -> memref<3136xf32, #tpu.memory_space<vmem_shared>>
      %dma_wait3A_233 = tpu.memref_slice %arg13[%mul3A_0] : memref<50176xf32, #tpu.memory_space<vmem_shared>> -> memref<3136xf32, #tpu.memory_space<vmem_shared>>
      tpu.wait_dma2 semaphore(%run_scoped3A : memref<!tpu.dma_semaphore, #tpu.memory_space<semaphore_mem>>) src(%dma_wait3A_233 : memref<3136xf32, #tpu.memory_space<vmem_shared>>) dst(%arg23 : memref<3136xf32, #tpu.memory_space<vmem>>)
      tpu.yield
    }) : () -> ()
    %scan3A_177 = arith.constant 0 : i32
    %scan3A_178 = arith.constant 0 : i32
    %scan3A_179 = arith.constant 196 : i32
    %scan3A_180 = arith.addi %scan3A_178, %scan3A_179 : i32
    %scan3A_181 = arith.constant 1 : i32
    %scan3A_182 = scf.for %scan3A_232 = %scan3A_178 to %scan3A_180 step %scan3A_181 iter_args(%scan3A_233 = %scan3A_177) -> (i32)  : i32 {
      %mul3A_234 = arith.constant 16 : i32
      %mul3A_235 = arith.muli %scan3A_232, %mul3A_234 : i32
      %multiple_of3A = tpu.assume_multiple %mul3A_235, 16 : i32
      %get3A = arith.index_cast %multiple_of3A : i32 to index
      %get3A_236 = tpu.vector_load %arg24[%get3A] {strides = array<i32>} : memref<3136xf32, #tpu.memory_space<vmem>>, vector<16xf32>,
      %get3A_237 = vector.shape_cast %get3A_236 : vector<16xf32> to vector<16xf32>
      %get3A_238 = arith.index_cast %multiple_of3A : i32 to index
      %get3A_239 = tpu.vector_load %arg22[%get3A_238] {strides = array<i32>} : memref<3136xf32, #tpu.memory_space<vmem>>, vector<16xf32>,
      %get3A_240 = vector.shape_cast %get3A_239 : vector<16xf32> to vector<16xf32>
      %mul3A_241 = arith.mulf %get3A_240, %get3A_237 : vector<16xf32>
      %swap3A = arith.index_cast %multiple_of3A : i32 to index
      %swap3A_242 = tpu.vector_load %arg22[%swap3A] {strides = array<i32>} : memref<3136xf32, #tpu.memory_space<vmem>>, vector<16xf32>,
      %swap3A_243 = vector.shape_cast %swap3A_242 : vector<16xf32> to vector<16xf32>
      %swap3A_244 = vector.shape_cast %mul3A_241 : vector<16xf32> to vector<16xf32>
      tpu.vector_store %arg22[%swap3A], %swap3A_244 {strides = array<i32>} : memref<3136xf32, #tpu.memory_space<vmem>>, vector<16xf32>,
      %get3A_245 = arith.index_cast %multiple_of3A : i32 to index
      %get3A_246 = tpu.vector_load %arg23[%get3A_245] {strides = array<i32>} : memref<3136xf32, #tpu.memory_space<vmem>>, vector<16xf32>,
      %get3A_247 = vector.shape_cast %get3A_246 : vector<16xf32> to vector<16xf32>
      %mul3A_248 = arith.mulf %get3A_247, %get3A_237 : vector<16xf32>
      %swap3A_249 = arith.index_cast %multiple_of3A : i32 to index
      %swap3A_250 = tpu.vector_load %arg23[%swap3A_249] {strides = array<i32>} : memref<3136xf32, #tpu.memory_space<vmem>>, vector<16xf32>,
      %swap3A_251 = vector.shape_cast %swap3A_250 : vector<16xf32> to vector<16xf32>
      %swap3A_252 = vector.shape_cast %mul3A_248 : vector<16xf32> to vector<16xf32>
      tpu.vector_store %arg23[%swap3A_249], %swap3A_252 {strides = array<i32>} : memref<3136xf32, #tpu.memory_space<vmem>>, vector<16xf32>,
      %scan3A_253 = arith.constant 0 : i32
      scf.yield %scan3A_253 : i32
    }
    %scan3A_183 = arith.constant 196 : i32
    "tpu.region"() ({
      %run_scoped3A = tpu.sem_alloc : memref<!tpu.dma_semaphore, #tpu.memory_space<semaphore_mem>>
      %dma_start3A = tpu.memref_slice %arg10[%mul3A_0] : memref<50176xf32, #tpu.memory_space<vmem_shared>> -> memref<3136xf32, #tpu.memory_space<vmem_shared>>
      %dma_start3A_232 = tpu.memref_slice %arg10[%mul3A_0] : memref<50176xf32, #tpu.memory_space<vmem_shared>> -> memref<3136xf32, #tpu.memory_space<vmem_shared>>
      tpu.enqueue_dma source(%arg22 : memref<3136xf32, #tpu.memory_space<vmem>>) target(%dma_start3A_232 : memref<3136xf32, #tpu.memory_space<vmem_shared>>) target_semaphore(%run_scoped3A : memref<!tpu.dma_semaphore, #tpu.memory_space<semaphore_mem>>)
      %dma_wait3A = tpu.memref_slice %arg10[%mul3A_0] : memref<50176xf32, #tpu.memory_space<vmem_shared>> -> memref<3136xf32, #tpu.memory_space<vmem_shared>>
      %dma_wait3A_233 = tpu.memref_slice %arg10[%mul3A_0] : memref<50176xf32, #tpu.memory_space<vmem_shared>> -> memref<3136xf32, #tpu.memory_space<vmem_shared>>
      tpu.wait_dma2 semaphore(%run_scoped3A : memref<!tpu.dma_semaphore, #tpu.memory_space<semaphore_mem>>) src(%arg22 : memref<3136xf32, #tpu.memory_space<vmem>>) dst(%dma_wait3A_233 : memref<3136xf32, #tpu.memory_space<vmem_shared>>)
      tpu.yield
    }) : () -> ()
    "tpu.region"() ({
      %run_scoped3A = tpu.sem_alloc : memref<!tpu.dma_semaphore, #tpu.memory_space<semaphore_mem>>
      %dma_start3A = tpu.memref_slice %arg11[%mul3A_0] : memref<50176xf32, #tpu.memory_space<vmem_shared>> -> memref<3136xf32, #tpu.memory_space<vmem_shared>>
      %dma_start3A_232 = tpu.memref_slice %arg11[%mul3A_0] : memref<50176xf32, #tpu.memory_space<vmem_shared>> -> memref<3136xf32, #tpu.memory_space<vmem_shared>>
      tpu.enqueue_dma source(%arg23 : memref<3136xf32, #tpu.memory_space<vmem>>) target(%dma_start3A_232 : memref<3136xf32, #tpu.memory_space<vmem_shared>>) target_semaphore(%run_scoped3A : memref<!tpu.dma_semaphore, #tpu.memory_space<semaphore_mem>>)
      %dma_wait3A = tpu.memref_slice %arg11[%mul3A_0] : memref<50176xf32, #tpu.memory_space<vmem_shared>> -> memref<3136xf32, #tpu.memory_space<vmem_shared>>
      %dma_wait3A_233 = tpu.memref_slice %arg11[%mul3A_0] : memref<50176xf32, #tpu.memory_space<vmem_shared>> -> memref<3136xf32, #tpu.memory_space<vmem_shared>>
      tpu.wait_dma2 semaphore(%run_scoped3A : memref<!tpu.dma_semaphore, #tpu.memory_space<semaphore_mem>>) src(%arg23 : memref<3136xf32, #tpu.memory_space<vmem>>) dst(%dma_wait3A_233 : memref<3136xf32, #tpu.memory_space<vmem_shared>>)
      tpu.yield
    }) : () -> ()
    %barrier3A_184 = arith.constant 0 : index
    tpu.barrier barrier_id(%barrier3A_184)
    %scan3A_185 = arith.constant 0 : i32
    %scan3A_186 = arith.constant 0 : i32
    %scan3A_187 = arith.constant 5 : i32
    %scan3A_188 = arith.addi %scan3A_186, %scan3A_187 : i32
    %scan3A_189 = arith.constant 1 : i32
    %scan3A_190 = scf.for %scan3A_232 = %scan3A_186 to %scan3A_188 step %scan3A_189 iter_args(%scan3A_233 = %scan3A_185) -> (i32)  : i32 {
      %mul3A_234 = arith.constant 10000 : i32
      %mul3A_235 = arith.muli %scan3A_232, %mul3A_234 : i32
      %add3A = arith.addi %mul3A_2, %mul3A_235 : i32
      %multiple_of3A = tpu.assume_multiple %add3A, 8 : i32
      "tpu.region"() ({
        %run_scoped3A = tpu.sem_alloc : memref<!tpu.dma_semaphore, #tpu.memory_space<semaphore_mem>>
        %dma_start3A = tpu.memref_slice %arg3[%multiple_of3A] : memref<800000xi32, #tpu.memory_space<hbm>> -> memref<10000xi32, #tpu.memory_space<hbm>>
        %dma_start3A_244 = tpu.memref_slice %arg3[%multiple_of3A] : memref<800000xi32, #tpu.memory_space<hbm>> -> memref<10000xi32, #tpu.memory_space<hbm>>
        tpu.enqueue_dma source(%dma_start3A_244 : memref<10000xi32, #tpu.memory_space<hbm>>) target(%arg17 : memref<10000xi32, #tpu.memory_space<vmem>>) target_semaphore(%run_scoped3A : memref<!tpu.dma_semaphore, #tpu.memory_space<semaphore_mem>>)
        %dma_wait3A = tpu.memref_slice %arg3[%multiple_of3A] : memref<800000xi32, #tpu.memory_space<hbm>> -> memref<10000xi32, #tpu.memory_space<hbm>>
        %dma_wait3A_245 = tpu.memref_slice %arg3[%multiple_of3A] : memref<800000xi32, #tpu.memory_space<hbm>> -> memref<10000xi32, #tpu.memory_space<hbm>>
        tpu.wait_dma2 semaphore(%run_scoped3A : memref<!tpu.dma_semaphore, #tpu.memory_space<semaphore_mem>>) src(%dma_wait3A_245 : memref<10000xi32, #tpu.memory_space<hbm>>) dst(%arg17 : memref<10000xi32, #tpu.memory_space<vmem>>)
        tpu.yield
      }) : () -> ()
      "tpu.region"() ({
        %run_scoped3A = tpu.sem_alloc : memref<!tpu.dma_semaphore, #tpu.memory_space<semaphore_mem>>
        %dma_start3A = tpu.memref_slice %arg4[%multiple_of3A] : memref<800000xi32, #tpu.memory_space<hbm>> -> memref<10000xi32, #tpu.memory_space<hbm>>
        %dma_start3A_244 = tpu.memref_slice %arg4[%multiple_of3A] : memref<800000xi32, #tpu.memory_space<hbm>> -> memref<10000xi32, #tpu.memory_space<hbm>>
        tpu.enqueue_dma source(%dma_start3A_244 : memref<10000xi32, #tpu.memory_space<hbm>>) target(%arg18 : memref<10000xi32, #tpu.memory_space<vmem>>) target_semaphore(%run_scoped3A : memref<!tpu.dma_semaphore, #tpu.memory_space<semaphore_mem>>)
        %dma_wait3A = tpu.memref_slice %arg4[%multiple_of3A] : memref<800000xi32, #tpu.memory_space<hbm>> -> memref<10000xi32, #tpu.memory_space<hbm>>
        %dma_wait3A_245 = tpu.memref_slice %arg4[%multiple_of3A] : memref<800000xi32, #tpu.memory_space<hbm>> -> memref<10000xi32, #tpu.memory_space<hbm>>
        tpu.wait_dma2 semaphore(%run_scoped3A : memref<!tpu.dma_semaphore, #tpu.memory_space<semaphore_mem>>) src(%dma_wait3A_245 : memref<10000xi32, #tpu.memory_space<hbm>>) dst(%arg18 : memref<10000xi32, #tpu.memory_space<vmem>>)
        tpu.yield
      }) : () -> ()
      "tpu.region"() ({
        %run_scoped3A = tpu.sem_alloc : memref<!tpu.dma_semaphore, #tpu.memory_space<semaphore_mem>>
        %dma_start3A = tpu.memref_slice %arg16[%multiple_of3A] : memref<800000xf32, #tpu.memory_space<vmem_shared>> -> memref<10000xf32, #tpu.memory_space<vmem_shared>>
        %dma_start3A_244 = tpu.memref_slice %arg16[%multiple_of3A] : memref<800000xf32, #tpu.memory_space<vmem_shared>> -> memref<10000xf32, #tpu.memory_space<vmem_shared>>
        tpu.enqueue_dma source(%dma_start3A_244 : memref<10000xf32, #tpu.memory_space<vmem_shared>>) target(%arg19 : memref<10000xf32, #tpu.memory_space<vmem>>) target_semaphore(%run_scoped3A : memref<!tpu.dma_semaphore, #tpu.memory_space<semaphore_mem>>)
        %dma_wait3A = tpu.memref_slice %arg16[%multiple_of3A] : memref<800000xf32, #tpu.memory_space<vmem_shared>> -> memref<10000xf32, #tpu.memory_space<vmem_shared>>
        %dma_wait3A_245 = tpu.memref_slice %arg16[%multiple_of3A] : memref<800000xf32, #tpu.memory_space<vmem_shared>> -> memref<10000xf32, #tpu.memory_space<vmem_shared>>
        tpu.wait_dma2 semaphore(%run_scoped3A : memref<!tpu.dma_semaphore, #tpu.memory_space<semaphore_mem>>) src(%dma_wait3A_245 : memref<10000xf32, #tpu.memory_space<vmem_shared>>) dst(%arg19 : memref<10000xf32, #tpu.memory_space<vmem>>)
        tpu.yield
      }) : () -> ()
      "tpu.region"() ({
        %run_scoped3A = tpu.sem_alloc : memref<!tpu.dma_semaphore, #tpu.memory_space<semaphore_mem>>
        %dma_start3A = arith.constant 0 : i32
        %dma_start3A_244 = tpu.memref_slice %arg12[%dma_start3A] : memref<50176xf32, #tpu.memory_space<vmem_shared>> -> memref<50176xf32, #tpu.memory_space<vmem_shared>>
        tpu.enqueue_indirect_dma source(%dma_start3A_244 : memref<50176xf32, #tpu.memory_space<vmem_shared>>) target(%arg20 : memref<10000xf32, #tpu.memory_space<vmem>>) offsets(%arg17 : memref<10000xi32, #tpu.memory_space<vmem>>) semaphore(%run_scoped3A : memref<!tpu.dma_semaphore, #tpu.memory_space<semaphore_mem>>)
        %dma_wait3A = arith.constant 0 : i32
        %dma_wait3A_245 = tpu.memref_slice %arg12[%dma_wait3A] : memref<50176xf32, #tpu.memory_space<vmem_shared>> -> memref<50176xf32, #tpu.memory_space<vmem_shared>>
        tpu.wait_indirect_dma semaphore(%run_scoped3A : memref<!tpu.dma_semaphore, #tpu.memory_space<semaphore_mem>>) src(%dma_wait3A_245 : memref<50176xf32, #tpu.memory_space<vmem_shared>>) dst(%arg20 : memref<10000xf32, #tpu.memory_space<vmem>>)
        tpu.yield
      }) : () -> ()
      "tpu.region"() ({
        %run_scoped3A = tpu.sem_alloc : memref<!tpu.dma_semaphore, #tpu.memory_space<semaphore_mem>>
        %dma_start3A = arith.constant 0 : i32
        %dma_start3A_244 = tpu.memref_slice %arg13[%dma_start3A] : memref<50176xf32, #tpu.memory_space<vmem_shared>> -> memref<50176xf32, #tpu.memory_space<vmem_shared>>
        tpu.enqueue_indirect_dma source(%dma_start3A_244 : memref<50176xf32, #tpu.memory_space<vmem_shared>>) target(%arg21 : memref<10000xf32, #tpu.memory_space<vmem>>) offsets(%arg17 : memref<10000xi32, #tpu.memory_space<vmem>>) semaphore(%run_scoped3A : memref<!tpu.dma_semaphore, #tpu.memory_space<semaphore_mem>>)
        %dma_wait3A = arith.constant 0 : i32
        %dma_wait3A_245 = tpu.memref_slice %arg13[%dma_wait3A] : memref<50176xf32, #tpu.memory_space<vmem_shared>> -> memref<50176xf32, #tpu.memory_space<vmem_shared>>
        tpu.wait_indirect_dma semaphore(%run_scoped3A : memref<!tpu.dma_semaphore, #tpu.memory_space<semaphore_mem>>) src(%dma_wait3A_245 : memref<50176xf32, #tpu.memory_space<vmem_shared>>) dst(%arg21 : memref<10000xf32, #tpu.memory_space<vmem>>)
        tpu.yield
      }) : () -> ()
      %scan3A_236 = arith.constant 0 : i32
      %scan3A_237 = arith.constant 0 : i32
      %scan3A_238 = arith.constant 625 : i32
      %scan3A_239 = arith.addi %scan3A_237, %scan3A_238 : i32
      %scan3A_240 = arith.constant 1 : i32
      %scan3A_241 = scf.for %scan3A_244 = %scan3A_237 to %scan3A_239 step %scan3A_240 iter_args(%scan3A_245 = %scan3A_236) -> (i32)  : i32 {
        %mul3A_246 = arith.constant 16 : i32
        %mul3A_247 = arith.muli %scan3A_244, %mul3A_246 : i32
        %multiple_of3A_248 = tpu.assume_multiple %mul3A_247, 16 : i32
        %get3A = arith.index_cast %multiple_of3A_248 : i32 to index
        %get3A_249 = tpu.vector_load %arg19[%get3A] {strides = array<i32>} : memref<10000xf32, #tpu.memory_space<vmem>>, vector<16xf32>,
        %get3A_250 = vector.shape_cast %get3A_249 : vector<16xf32> to vector<16xf32>
        %get3A_251 = arith.index_cast %multiple_of3A_248 : i32 to index
        %get3A_252 = tpu.vector_load %arg20[%get3A_251] {strides = array<i32>} : memref<10000xf32, #tpu.memory_space<vmem>>, vector<16xf32>,
        %get3A_253 = vector.shape_cast %get3A_252 : vector<16xf32> to vector<16xf32>
        %mul3A_254 = arith.mulf %get3A_253, %get3A_250 : vector<16xf32>
        %swap3A = arith.index_cast %multiple_of3A_248 : i32 to index
        %swap3A_255 = tpu.vector_load %arg20[%swap3A] {strides = array<i32>} : memref<10000xf32, #tpu.memory_space<vmem>>, vector<16xf32>,
        %swap3A_256 = vector.shape_cast %swap3A_255 : vector<16xf32> to vector<16xf32>
        %swap3A_257 = vector.shape_cast %mul3A_254 : vector<16xf32> to vector<16xf32>
        tpu.vector_store %arg20[%swap3A], %swap3A_257 {strides = array<i32>} : memref<10000xf32, #tpu.memory_space<vmem>>, vector<16xf32>,
        %get3A_258 = arith.index_cast %multiple_of3A_248 : i32 to index
        %get3A_259 = tpu.vector_load %arg21[%get3A_258] {strides = array<i32>} : memref<10000xf32, #tpu.memory_space<vmem>>, vector<16xf32>,
        %get3A_260 = vector.shape_cast %get3A_259 : vector<16xf32> to vector<16xf32>
        %mul3A_261 = arith.mulf %get3A_260, %get3A_250 : vector<16xf32>
        %swap3A_262 = arith.index_cast %multiple_of3A_248 : i32 to index
        %swap3A_263 = tpu.vector_load %arg21[%swap3A_262] {strides = array<i32>} : memref<10000xf32, #tpu.memory_space<vmem>>, vector<16xf32>,
        %swap3A_264 = vector.shape_cast %swap3A_263 : vector<16xf32> to vector<16xf32>
        %swap3A_265 = vector.shape_cast %mul3A_261 : vector<16xf32> to vector<16xf32>
        tpu.vector_store %arg21[%swap3A_262], %swap3A_265 {strides = array<i32>} : memref<10000xf32, #tpu.memory_space<vmem>>, vector<16xf32>,
        %scan3A_266 = arith.constant 0 : i32
        scf.yield %scan3A_266 : i32
      }
      %scan3A_242 = arith.constant 625 : i32
      "tpu.region"() ({
        %run_scoped3A = tpu.sem_alloc : memref<!tpu.dma_semaphore, #tpu.memory_space<semaphore_mem>>
        %dma_start3A = arith.constant 0 : i32
        %dma_start3A_244 = tpu.memref_slice %arg10[%dma_start3A] : memref<50176xf32, #tpu.memory_space<vmem_shared>> -> memref<50176xf32, #tpu.memory_space<vmem_shared>>
        tpu.enqueue_indirect_dma source(%arg20 : memref<10000xf32, #tpu.memory_space<vmem>>) target(%dma_start3A_244 : memref<50176xf32, #tpu.memory_space<vmem_shared>>) offsets(%arg18 : memref<10000xi32, #tpu.memory_space<vmem>>) semaphore(%run_scoped3A : memref<!tpu.dma_semaphore, #tpu.memory_space<semaphore_mem>>) {add = true}
        %dma_wait3A = arith.constant 0 : i32
        %dma_wait3A_245 = tpu.memref_slice %arg10[%dma_wait3A] : memref<50176xf32, #tpu.memory_space<vmem_shared>> -> memref<50176xf32, #tpu.memory_space<vmem_shared>>
        tpu.wait_indirect_dma semaphore(%run_scoped3A : memref<!tpu.dma_semaphore, #tpu.memory_space<semaphore_mem>>) src(%arg20 : memref<10000xf32, #tpu.memory_space<vmem>>) dst(%dma_wait3A_245 : memref<50176xf32, #tpu.memory_space<vmem_shared>>)
        tpu.yield
      }) : () -> ()
      "tpu.region"() ({
        %run_scoped3A = tpu.sem_alloc : memref<!tpu.dma_semaphore, #tpu.memory_space<semaphore_mem>>
        %dma_start3A = arith.constant 0 : i32
        %dma_start3A_244 = tpu.memref_slice %arg11[%dma_start3A] : memref<50176xf32, #tpu.memory_space<vmem_shared>> -> memref<50176xf32, #tpu.memory_space<vmem_shared>>
        tpu.enqueue_indirect_dma source(%arg21 : memref<10000xf32, #tpu.memory_space<vmem>>) target(%dma_start3A_244 : memref<50176xf32, #tpu.memory_space<vmem_shared>>) offsets(%arg18 : memref<10000xi32, #tpu.memory_space<vmem>>) semaphore(%run_scoped3A : memref<!tpu.dma_semaphore, #tpu.memory_space<semaphore_mem>>) {add = true}
        %dma_wait3A = arith.constant 0 : i32
        %dma_wait3A_245 = tpu.memref_slice %arg11[%dma_wait3A] : memref<50176xf32, #tpu.memory_space<vmem_shared>> -> memref<50176xf32, #tpu.memory_space<vmem_shared>>
        tpu.wait_indirect_dma semaphore(%run_scoped3A : memref<!tpu.dma_semaphore, #tpu.memory_space<semaphore_mem>>) src(%arg21 : memref<10000xf32, #tpu.memory_space<vmem>>) dst(%dma_wait3A_245 : memref<50176xf32, #tpu.memory_space<vmem_shared>>)
        tpu.yield
      }) : () -> ()
      %scan3A_243 = arith.constant 0 : i32
      scf.yield %scan3A_243 : i32
    }
    %scan3A_191 = arith.constant 5 : i32
    %barrier3A_192 = arith.constant 0 : index
    tpu.barrier barrier_id(%barrier3A_192)
    "tpu.region"() ({
      %run_scoped3A = tpu.sem_alloc : memref<!tpu.dma_semaphore, #tpu.memory_space<semaphore_mem>>
      %dma_start3A = tpu.memref_slice %arg15[%mul3A_0] : memref<50176xf32, #tpu.memory_space<vmem_shared>> -> memref<3136xf32, #tpu.memory_space<vmem_shared>>
      %dma_start3A_232 = tpu.memref_slice %arg15[%mul3A_0] : memref<50176xf32, #tpu.memory_space<vmem_shared>> -> memref<3136xf32, #tpu.memory_space<vmem_shared>>
      tpu.enqueue_dma source(%dma_start3A_232 : memref<3136xf32, #tpu.memory_space<vmem_shared>>) target(%arg24 : memref<3136xf32, #tpu.memory_space<vmem>>) target_semaphore(%run_scoped3A : memref<!tpu.dma_semaphore, #tpu.memory_space<semaphore_mem>>)
      %dma_wait3A = tpu.memref_slice %arg15[%mul3A_0] : memref<50176xf32, #tpu.memory_space<vmem_shared>> -> memref<3136xf32, #tpu.memory_space<vmem_shared>>
      %dma_wait3A_233 = tpu.memref_slice %arg15[%mul3A_0] : memref<50176xf32, #tpu.memory_space<vmem_shared>> -> memref<3136xf32, #tpu.memory_space<vmem_shared>>
      tpu.wait_dma2 semaphore(%run_scoped3A : memref<!tpu.dma_semaphore, #tpu.memory_space<semaphore_mem>>) src(%dma_wait3A_233 : memref<3136xf32, #tpu.memory_space<vmem_shared>>) dst(%arg24 : memref<3136xf32, #tpu.memory_space<vmem>>)
      tpu.yield
    }) : () -> ()
    "tpu.region"() ({
      %run_scoped3A = tpu.sem_alloc : memref<!tpu.dma_semaphore, #tpu.memory_space<semaphore_mem>>
      %dma_start3A = tpu.memref_slice %arg10[%mul3A_0] : memref<50176xf32, #tpu.memory_space<vmem_shared>> -> memref<3136xf32, #tpu.memory_space<vmem_shared>>
      %dma_start3A_232 = tpu.memref_slice %arg10[%mul3A_0] : memref<50176xf32, #tpu.memory_space<vmem_shared>> -> memref<3136xf32, #tpu.memory_space<vmem_shared>>
      tpu.enqueue_dma source(%dma_start3A_232 : memref<3136xf32, #tpu.memory_space<vmem_shared>>) target(%arg22 : memref<3136xf32, #tpu.memory_space<vmem>>) target_semaphore(%run_scoped3A : memref<!tpu.dma_semaphore, #tpu.memory_space<semaphore_mem>>)
      %dma_wait3A = tpu.memref_slice %arg10[%mul3A_0] : memref<50176xf32, #tpu.memory_space<vmem_shared>> -> memref<3136xf32, #tpu.memory_space<vmem_shared>>
      %dma_wait3A_233 = tpu.memref_slice %arg10[%mul3A_0] : memref<50176xf32, #tpu.memory_space<vmem_shared>> -> memref<3136xf32, #tpu.memory_space<vmem_shared>>
      tpu.wait_dma2 semaphore(%run_scoped3A : memref<!tpu.dma_semaphore, #tpu.memory_space<semaphore_mem>>) src(%dma_wait3A_233 : memref<3136xf32, #tpu.memory_space<vmem_shared>>) dst(%arg22 : memref<3136xf32, #tpu.memory_space<vmem>>)
      tpu.yield
    }) : () -> ()
    "tpu.region"() ({
      %run_scoped3A = tpu.sem_alloc : memref<!tpu.dma_semaphore, #tpu.memory_space<semaphore_mem>>
      %dma_start3A = tpu.memref_slice %arg11[%mul3A_0] : memref<50176xf32, #tpu.memory_space<vmem_shared>> -> memref<3136xf32, #tpu.memory_space<vmem_shared>>
      %dma_start3A_232 = tpu.memref_slice %arg11[%mul3A_0] : memref<50176xf32, #tpu.memory_space<vmem_shared>> -> memref<3136xf32, #tpu.memory_space<vmem_shared>>
      tpu.enqueue_dma source(%dma_start3A_232 : memref<3136xf32, #tpu.memory_space<vmem_shared>>) target(%arg23 : memref<3136xf32, #tpu.memory_space<vmem>>) target_semaphore(%run_scoped3A : memref<!tpu.dma_semaphore, #tpu.memory_space<semaphore_mem>>)
      %dma_wait3A = tpu.memref_slice %arg11[%mul3A_0] : memref<50176xf32, #tpu.memory_space<vmem_shared>> -> memref<3136xf32, #tpu.memory_space<vmem_shared>>
      %dma_wait3A_233 = tpu.memref_slice %arg11[%mul3A_0] : memref<50176xf32, #tpu.memory_space<vmem_shared>> -> memref<3136xf32, #tpu.memory_space<vmem_shared>>
      tpu.wait_dma2 semaphore(%run_scoped3A : memref<!tpu.dma_semaphore, #tpu.memory_space<semaphore_mem>>) src(%dma_wait3A_233 : memref<3136xf32, #tpu.memory_space<vmem_shared>>) dst(%arg23 : memref<3136xf32, #tpu.memory_space<vmem>>)
      tpu.yield
    }) : () -> ()
    %scan3A_193 = arith.constant 0 : i32
    %scan3A_194 = arith.constant 0 : i32
    %scan3A_195 = arith.constant 196 : i32
    %scan3A_196 = arith.addi %scan3A_194, %scan3A_195 : i32
    %scan3A_197 = arith.constant 1 : i32
    %scan3A_198 = scf.for %scan3A_232 = %scan3A_194 to %scan3A_196 step %scan3A_197 iter_args(%scan3A_233 = %scan3A_193) -> (i32)  : i32 {
      %mul3A_234 = arith.constant 16 : i32
      %mul3A_235 = arith.muli %scan3A_232, %mul3A_234 : i32
      %multiple_of3A = tpu.assume_multiple %mul3A_235, 16 : i32
      %get3A = arith.index_cast %multiple_of3A : i32 to index
      %get3A_236 = tpu.vector_load %arg24[%get3A] {strides = array<i32>} : memref<3136xf32, #tpu.memory_space<vmem>>, vector<16xf32>,
      %get3A_237 = vector.shape_cast %get3A_236 : vector<16xf32> to vector<16xf32>
      %get3A_238 = arith.index_cast %multiple_of3A : i32 to index
      %get3A_239 = tpu.vector_load %arg22[%get3A_238] {strides = array<i32>} : memref<3136xf32, #tpu.memory_space<vmem>>, vector<16xf32>,
      %get3A_240 = vector.shape_cast %get3A_239 : vector<16xf32> to vector<16xf32>
      %mul3A_241 = arith.mulf %get3A_240, %get3A_237 : vector<16xf32>
      %swap3A = arith.index_cast %multiple_of3A : i32 to index
      %swap3A_242 = tpu.vector_load %arg22[%swap3A] {strides = array<i32>} : memref<3136xf32, #tpu.memory_space<vmem>>, vector<16xf32>,
      %swap3A_243 = vector.shape_cast %swap3A_242 : vector<16xf32> to vector<16xf32>
      %swap3A_244 = vector.shape_cast %mul3A_241 : vector<16xf32> to vector<16xf32>
      tpu.vector_store %arg22[%swap3A], %swap3A_244 {strides = array<i32>} : memref<3136xf32, #tpu.memory_space<vmem>>, vector<16xf32>,
      %get3A_245 = arith.index_cast %multiple_of3A : i32 to index
      %get3A_246 = tpu.vector_load %arg23[%get3A_245] {strides = array<i32>} : memref<3136xf32, #tpu.memory_space<vmem>>, vector<16xf32>,
      %get3A_247 = vector.shape_cast %get3A_246 : vector<16xf32> to vector<16xf32>
      %mul3A_248 = arith.mulf %get3A_247, %get3A_237 : vector<16xf32>
      %swap3A_249 = arith.index_cast %multiple_of3A : i32 to index
      %swap3A_250 = tpu.vector_load %arg23[%swap3A_249] {strides = array<i32>} : memref<3136xf32, #tpu.memory_space<vmem>>, vector<16xf32>,
      %swap3A_251 = vector.shape_cast %swap3A_250 : vector<16xf32> to vector<16xf32>
      %swap3A_252 = vector.shape_cast %mul3A_248 : vector<16xf32> to vector<16xf32>
      tpu.vector_store %arg23[%swap3A_249], %swap3A_252 {strides = array<i32>} : memref<3136xf32, #tpu.memory_space<vmem>>, vector<16xf32>,
      %scan3A_253 = arith.constant 0 : i32
      scf.yield %scan3A_253 : i32
    }
    %scan3A_199 = arith.constant 196 : i32
    "tpu.region"() ({
      %run_scoped3A = tpu.sem_alloc : memref<!tpu.dma_semaphore, #tpu.memory_space<semaphore_mem>>
      %dma_start3A = tpu.memref_slice %arg12[%mul3A_0] : memref<50176xf32, #tpu.memory_space<vmem_shared>> -> memref<3136xf32, #tpu.memory_space<vmem_shared>>
      %dma_start3A_232 = tpu.memref_slice %arg12[%mul3A_0] : memref<50176xf32, #tpu.memory_space<vmem_shared>> -> memref<3136xf32, #tpu.memory_space<vmem_shared>>
      tpu.enqueue_dma source(%arg22 : memref<3136xf32, #tpu.memory_space<vmem>>) target(%dma_start3A_232 : memref<3136xf32, #tpu.memory_space<vmem_shared>>) target_semaphore(%run_scoped3A : memref<!tpu.dma_semaphore, #tpu.memory_space<semaphore_mem>>)
      %dma_wait3A = tpu.memref_slice %arg12[%mul3A_0] : memref<50176xf32, #tpu.memory_space<vmem_shared>> -> memref<3136xf32, #tpu.memory_space<vmem_shared>>
      %dma_wait3A_233 = tpu.memref_slice %arg12[%mul3A_0] : memref<50176xf32, #tpu.memory_space<vmem_shared>> -> memref<3136xf32, #tpu.memory_space<vmem_shared>>
      tpu.wait_dma2 semaphore(%run_scoped3A : memref<!tpu.dma_semaphore, #tpu.memory_space<semaphore_mem>>) src(%arg22 : memref<3136xf32, #tpu.memory_space<vmem>>) dst(%dma_wait3A_233 : memref<3136xf32, #tpu.memory_space<vmem_shared>>)
      tpu.yield
    }) : () -> ()
    "tpu.region"() ({
      %run_scoped3A = tpu.sem_alloc : memref<!tpu.dma_semaphore, #tpu.memory_space<semaphore_mem>>
      %dma_start3A = tpu.memref_slice %arg13[%mul3A_0] : memref<50176xf32, #tpu.memory_space<vmem_shared>> -> memref<3136xf32, #tpu.memory_space<vmem_shared>>
      %dma_start3A_232 = tpu.memref_slice %arg13[%mul3A_0] : memref<50176xf32, #tpu.memory_space<vmem_shared>> -> memref<3136xf32, #tpu.memory_space<vmem_shared>>
      tpu.enqueue_dma source(%arg23 : memref<3136xf32, #tpu.memory_space<vmem>>) target(%dma_start3A_232 : memref<3136xf32, #tpu.memory_space<vmem_shared>>) target_semaphore(%run_scoped3A : memref<!tpu.dma_semaphore, #tpu.memory_space<semaphore_mem>>)
      %dma_wait3A = tpu.memref_slice %arg13[%mul3A_0] : memref<50176xf32, #tpu.memory_space<vmem_shared>> -> memref<3136xf32, #tpu.memory_space<vmem_shared>>
      %dma_wait3A_233 = tpu.memref_slice %arg13[%mul3A_0] : memref<50176xf32, #tpu.memory_space<vmem_shared>> -> memref<3136xf32, #tpu.memory_space<vmem_shared>>
      tpu.wait_dma2 semaphore(%run_scoped3A : memref<!tpu.dma_semaphore, #tpu.memory_space<semaphore_mem>>) src(%arg23 : memref<3136xf32, #tpu.memory_space<vmem>>) dst(%dma_wait3A_233 : memref<3136xf32, #tpu.memory_space<vmem_shared>>)
      tpu.yield
    }) : () -> ()
    %barrier3A_200 = arith.constant 0 : index
    tpu.barrier barrier_id(%barrier3A_200)
    %scan3A_201 = arith.constant 0 : i32
    %scan3A_202 = arith.constant 0 : i32
    %scan3A_203 = arith.constant 5 : i32
    %scan3A_204 = arith.addi %scan3A_202, %scan3A_203 : i32
    %scan3A_205 = arith.constant 1 : i32
    %scan3A_206 = scf.for %scan3A_232 = %scan3A_202 to %scan3A_204 step %scan3A_205 iter_args(%scan3A_233 = %scan3A_201) -> (i32)  : i32 {
      %mul3A_234 = arith.constant 10000 : i32
      %mul3A_235 = arith.muli %scan3A_232, %mul3A_234 : i32
      %add3A = arith.addi %mul3A_2, %mul3A_235 : i32
      %multiple_of3A = tpu.assume_multiple %add3A, 8 : i32
      "tpu.region"() ({
        %run_scoped3A = tpu.sem_alloc : memref<!tpu.dma_semaphore, #tpu.memory_space<semaphore_mem>>
        %dma_start3A = tpu.memref_slice %arg3[%multiple_of3A] : memref<800000xi32, #tpu.memory_space<hbm>> -> memref<10000xi32, #tpu.memory_space<hbm>>
        %dma_start3A_244 = tpu.memref_slice %arg3[%multiple_of3A] : memref<800000xi32, #tpu.memory_space<hbm>> -> memref<10000xi32, #tpu.memory_space<hbm>>
        tpu.enqueue_dma source(%dma_start3A_244 : memref<10000xi32, #tpu.memory_space<hbm>>) target(%arg17 : memref<10000xi32, #tpu.memory_space<vmem>>) target_semaphore(%run_scoped3A : memref<!tpu.dma_semaphore, #tpu.memory_space<semaphore_mem>>)
        %dma_wait3A = tpu.memref_slice %arg3[%multiple_of3A] : memref<800000xi32, #tpu.memory_space<hbm>> -> memref<10000xi32, #tpu.memory_space<hbm>>
        %dma_wait3A_245 = tpu.memref_slice %arg3[%multiple_of3A] : memref<800000xi32, #tpu.memory_space<hbm>> -> memref<10000xi32, #tpu.memory_space<hbm>>
        tpu.wait_dma2 semaphore(%run_scoped3A : memref<!tpu.dma_semaphore, #tpu.memory_space<semaphore_mem>>) src(%dma_wait3A_245 : memref<10000xi32, #tpu.memory_space<hbm>>) dst(%arg17 : memref<10000xi32, #tpu.memory_space<vmem>>)
        tpu.yield
      }) : () -> ()
      "tpu.region"() ({
        %run_scoped3A = tpu.sem_alloc : memref<!tpu.dma_semaphore, #tpu.memory_space<semaphore_mem>>
        %dma_start3A = tpu.memref_slice %arg4[%multiple_of3A] : memref<800000xi32, #tpu.memory_space<hbm>> -> memref<10000xi32, #tpu.memory_space<hbm>>
        %dma_start3A_244 = tpu.memref_slice %arg4[%multiple_of3A] : memref<800000xi32, #tpu.memory_space<hbm>> -> memref<10000xi32, #tpu.memory_space<hbm>>
        tpu.enqueue_dma source(%dma_start3A_244 : memref<10000xi32, #tpu.memory_space<hbm>>) target(%arg18 : memref<10000xi32, #tpu.memory_space<vmem>>) target_semaphore(%run_scoped3A : memref<!tpu.dma_semaphore, #tpu.memory_space<semaphore_mem>>)
        %dma_wait3A = tpu.memref_slice %arg4[%multiple_of3A] : memref<800000xi32, #tpu.memory_space<hbm>> -> memref<10000xi32, #tpu.memory_space<hbm>>
        %dma_wait3A_245 = tpu.memref_slice %arg4[%multiple_of3A] : memref<800000xi32, #tpu.memory_space<hbm>> -> memref<10000xi32, #tpu.memory_space<hbm>>
        tpu.wait_dma2 semaphore(%run_scoped3A : memref<!tpu.dma_semaphore, #tpu.memory_space<semaphore_mem>>) src(%dma_wait3A_245 : memref<10000xi32, #tpu.memory_space<hbm>>) dst(%arg18 : memref<10000xi32, #tpu.memory_space<vmem>>)
        tpu.yield
      }) : () -> ()
      "tpu.region"() ({
        %run_scoped3A = tpu.sem_alloc : memref<!tpu.dma_semaphore, #tpu.memory_space<semaphore_mem>>
        %dma_start3A = tpu.memref_slice %arg16[%multiple_of3A] : memref<800000xf32, #tpu.memory_space<vmem_shared>> -> memref<10000xf32, #tpu.memory_space<vmem_shared>>
        %dma_start3A_244 = tpu.memref_slice %arg16[%multiple_of3A] : memref<800000xf32, #tpu.memory_space<vmem_shared>> -> memref<10000xf32, #tpu.memory_space<vmem_shared>>
        tpu.enqueue_dma source(%dma_start3A_244 : memref<10000xf32, #tpu.memory_space<vmem_shared>>) target(%arg19 : memref<10000xf32, #tpu.memory_space<vmem>>) target_semaphore(%run_scoped3A : memref<!tpu.dma_semaphore, #tpu.memory_space<semaphore_mem>>)
        %dma_wait3A = tpu.memref_slice %arg16[%multiple_of3A] : memref<800000xf32, #tpu.memory_space<vmem_shared>> -> memref<10000xf32, #tpu.memory_space<vmem_shared>>
        %dma_wait3A_245 = tpu.memref_slice %arg16[%multiple_of3A] : memref<800000xf32, #tpu.memory_space<vmem_shared>> -> memref<10000xf32, #tpu.memory_space<vmem_shared>>
        tpu.wait_dma2 semaphore(%run_scoped3A : memref<!tpu.dma_semaphore, #tpu.memory_space<semaphore_mem>>) src(%dma_wait3A_245 : memref<10000xf32, #tpu.memory_space<vmem_shared>>) dst(%arg19 : memref<10000xf32, #tpu.memory_space<vmem>>)
        tpu.yield
      }) : () -> ()
      "tpu.region"() ({
        %run_scoped3A = tpu.sem_alloc : memref<!tpu.dma_semaphore, #tpu.memory_space<semaphore_mem>>
        %dma_start3A = arith.constant 0 : i32
        %dma_start3A_244 = tpu.memref_slice %arg10[%dma_start3A] : memref<50176xf32, #tpu.memory_space<vmem_shared>> -> memref<50176xf32, #tpu.memory_space<vmem_shared>>
        tpu.enqueue_indirect_dma source(%dma_start3A_244 : memref<50176xf32, #tpu.memory_space<vmem_shared>>) target(%arg20 : memref<10000xf32, #tpu.memory_space<vmem>>) offsets(%arg17 : memref<10000xi32, #tpu.memory_space<vmem>>) semaphore(%run_scoped3A : memref<!tpu.dma_semaphore, #tpu.memory_space<semaphore_mem>>)
        %dma_wait3A = arith.constant 0 : i32
        %dma_wait3A_245 = tpu.memref_slice %arg10[%dma_wait3A] : memref<50176xf32, #tpu.memory_space<vmem_shared>> -> memref<50176xf32, #tpu.memory_space<vmem_shared>>
        tpu.wait_indirect_dma semaphore(%run_scoped3A : memref<!tpu.dma_semaphore, #tpu.memory_space<semaphore_mem>>) src(%dma_wait3A_245 : memref<50176xf32, #tpu.memory_space<vmem_shared>>) dst(%arg20 : memref<10000xf32, #tpu.memory_space<vmem>>)
        tpu.yield
      }) : () -> ()
      "tpu.region"() ({
        %run_scoped3A = tpu.sem_alloc : memref<!tpu.dma_semaphore, #tpu.memory_space<semaphore_mem>>
        %dma_start3A = arith.constant 0 : i32
        %dma_start3A_244 = tpu.memref_slice %arg11[%dma_start3A] : memref<50176xf32, #tpu.memory_space<vmem_shared>> -> memref<50176xf32, #tpu.memory_space<vmem_shared>>
        tpu.enqueue_indirect_dma source(%dma_start3A_244 : memref<50176xf32, #tpu.memory_space<vmem_shared>>) target(%arg21 : memref<10000xf32, #tpu.memory_space<vmem>>) offsets(%arg17 : memref<10000xi32, #tpu.memory_space<vmem>>) semaphore(%run_scoped3A : memref<!tpu.dma_semaphore, #tpu.memory_space<semaphore_mem>>)
        %dma_wait3A = arith.constant 0 : i32
        %dma_wait3A_245 = tpu.memref_slice %arg11[%dma_wait3A] : memref<50176xf32, #tpu.memory_space<vmem_shared>> -> memref<50176xf32, #tpu.memory_space<vmem_shared>>
        tpu.wait_indirect_dma semaphore(%run_scoped3A : memref<!tpu.dma_semaphore, #tpu.memory_space<semaphore_mem>>) src(%dma_wait3A_245 : memref<50176xf32, #tpu.memory_space<vmem_shared>>) dst(%arg21 : memref<10000xf32, #tpu.memory_space<vmem>>)
        tpu.yield
      }) : () -> ()
      %scan3A_236 = arith.constant 0 : i32
      %scan3A_237 = arith.constant 0 : i32
      %scan3A_238 = arith.constant 625 : i32
      %scan3A_239 = arith.addi %scan3A_237, %scan3A_238 : i32
      %scan3A_240 = arith.constant 1 : i32
      %scan3A_241 = scf.for %scan3A_244 = %scan3A_237 to %scan3A_239 step %scan3A_240 iter_args(%scan3A_245 = %scan3A_236) -> (i32)  : i32 {
        %mul3A_246 = arith.constant 16 : i32
        %mul3A_247 = arith.muli %scan3A_244, %mul3A_246 : i32
        %multiple_of3A_248 = tpu.assume_multiple %mul3A_247, 16 : i32
        %get3A = arith.index_cast %multiple_of3A_248 : i32 to index
        %get3A_249 = tpu.vector_load %arg19[%get3A] {strides = array<i32>} : memref<10000xf32, #tpu.memory_space<vmem>>, vector<16xf32>,
        %get3A_250 = vector.shape_cast %get3A_249 : vector<16xf32> to vector<16xf32>
        %get3A_251 = arith.index_cast %multiple_of3A_248 : i32 to index
        %get3A_252 = tpu.vector_load %arg20[%get3A_251] {strides = array<i32>} : memref<10000xf32, #tpu.memory_space<vmem>>, vector<16xf32>,
        %get3A_253 = vector.shape_cast %get3A_252 : vector<16xf32> to vector<16xf32>
        %mul3A_254 = arith.mulf %get3A_253, %get3A_250 : vector<16xf32>
        %swap3A = arith.index_cast %multiple_of3A_248 : i32 to index
        %swap3A_255 = tpu.vector_load %arg20[%swap3A] {strides = array<i32>} : memref<10000xf32, #tpu.memory_space<vmem>>, vector<16xf32>,
        %swap3A_256 = vector.shape_cast %swap3A_255 : vector<16xf32> to vector<16xf32>
        %swap3A_257 = vector.shape_cast %mul3A_254 : vector<16xf32> to vector<16xf32>
        tpu.vector_store %arg20[%swap3A], %swap3A_257 {strides = array<i32>} : memref<10000xf32, #tpu.memory_space<vmem>>, vector<16xf32>,
        %get3A_258 = arith.index_cast %multiple_of3A_248 : i32 to index
        %get3A_259 = tpu.vector_load %arg21[%get3A_258] {strides = array<i32>} : memref<10000xf32, #tpu.memory_space<vmem>>, vector<16xf32>,
        %get3A_260 = vector.shape_cast %get3A_259 : vector<16xf32> to vector<16xf32>
        %mul3A_261 = arith.mulf %get3A_260, %get3A_250 : vector<16xf32>
        %swap3A_262 = arith.index_cast %multiple_of3A_248 : i32 to index
        %swap3A_263 = tpu.vector_load %arg21[%swap3A_262] {strides = array<i32>} : memref<10000xf32, #tpu.memory_space<vmem>>, vector<16xf32>,
        %swap3A_264 = vector.shape_cast %swap3A_263 : vector<16xf32> to vector<16xf32>
        %swap3A_265 = vector.shape_cast %mul3A_261 : vector<16xf32> to vector<16xf32>
        tpu.vector_store %arg21[%swap3A_262], %swap3A_265 {strides = array<i32>} : memref<10000xf32, #tpu.memory_space<vmem>>, vector<16xf32>,
        %scan3A_266 = arith.constant 0 : i32
        scf.yield %scan3A_266 : i32
      }
      %scan3A_242 = arith.constant 625 : i32
      "tpu.region"() ({
        %run_scoped3A = tpu.sem_alloc : memref<!tpu.dma_semaphore, #tpu.memory_space<semaphore_mem>>
        %dma_start3A = arith.constant 0 : i32
        %dma_start3A_244 = tpu.memref_slice %arg12[%dma_start3A] : memref<50176xf32, #tpu.memory_space<vmem_shared>> -> memref<50176xf32, #tpu.memory_space<vmem_shared>>
        tpu.enqueue_indirect_dma source(%arg20 : memref<10000xf32, #tpu.memory_space<vmem>>) target(%dma_start3A_244 : memref<50176xf32, #tpu.memory_space<vmem_shared>>) offsets(%arg18 : memref<10000xi32, #tpu.memory_space<vmem>>) semaphore(%run_scoped3A : memref<!tpu.dma_semaphore, #tpu.memory_space<semaphore_mem>>) {add = true}
        %dma_wait3A = arith.constant 0 : i32
        %dma_wait3A_245 = tpu.memref_slice %arg12[%dma_wait3A] : memref<50176xf32, #tpu.memory_space<vmem_shared>> -> memref<50176xf32, #tpu.memory_space<vmem_shared>>
        tpu.wait_indirect_dma semaphore(%run_scoped3A : memref<!tpu.dma_semaphore, #tpu.memory_space<semaphore_mem>>) src(%arg20 : memref<10000xf32, #tpu.memory_space<vmem>>) dst(%dma_wait3A_245 : memref<50176xf32, #tpu.memory_space<vmem_shared>>)
        tpu.yield
      }) : () -> ()
      "tpu.region"() ({
        %run_scoped3A = tpu.sem_alloc : memref<!tpu.dma_semaphore, #tpu.memory_space<semaphore_mem>>
        %dma_start3A = arith.constant 0 : i32
        %dma_start3A_244 = tpu.memref_slice %arg13[%dma_start3A] : memref<50176xf32, #tpu.memory_space<vmem_shared>> -> memref<50176xf32, #tpu.memory_space<vmem_shared>>
        tpu.enqueue_indirect_dma source(%arg21 : memref<10000xf32, #tpu.memory_space<vmem>>) target(%dma_start3A_244 : memref<50176xf32, #tpu.memory_space<vmem_shared>>) offsets(%arg18 : memref<10000xi32, #tpu.memory_space<vmem>>) semaphore(%run_scoped3A : memref<!tpu.dma_semaphore, #tpu.memory_space<semaphore_mem>>) {add = true}
        %dma_wait3A = arith.constant 0 : i32
        %dma_wait3A_245 = tpu.memref_slice %arg13[%dma_wait3A] : memref<50176xf32, #tpu.memory_space<vmem_shared>> -> memref<50176xf32, #tpu.memory_space<vmem_shared>>
        tpu.wait_indirect_dma semaphore(%run_scoped3A : memref<!tpu.dma_semaphore, #tpu.memory_space<semaphore_mem>>) src(%arg21 : memref<10000xf32, #tpu.memory_space<vmem>>) dst(%dma_wait3A_245 : memref<50176xf32, #tpu.memory_space<vmem_shared>>)
        tpu.yield
      }) : () -> ()
      %scan3A_243 = arith.constant 0 : i32
      scf.yield %scan3A_243 : i32
    }
    %scan3A_207 = arith.constant 5 : i32
    %barrier3A_208 = arith.constant 0 : index
    tpu.barrier barrier_id(%barrier3A_208)
    "tpu.region"() ({
      %run_scoped3A = tpu.sem_alloc : memref<!tpu.dma_semaphore, #tpu.memory_space<semaphore_mem>>
      %dma_start3A = tpu.memref_slice %arg15[%mul3A_0] : memref<50176xf32, #tpu.memory_space<vmem_shared>> -> memref<3136xf32, #tpu.memory_space<vmem_shared>>
      %dma_start3A_232 = tpu.memref_slice %arg15[%mul3A_0] : memref<50176xf32, #tpu.memory_space<vmem_shared>> -> memref<3136xf32, #tpu.memory_space<vmem_shared>>
      tpu.enqueue_dma source(%dma_start3A_232 : memref<3136xf32, #tpu.memory_space<vmem_shared>>) target(%arg24 : memref<3136xf32, #tpu.memory_space<vmem>>) target_semaphore(%run_scoped3A : memref<!tpu.dma_semaphore, #tpu.memory_space<semaphore_mem>>)
      %dma_wait3A = tpu.memref_slice %arg15[%mul3A_0] : memref<50176xf32, #tpu.memory_space<vmem_shared>> -> memref<3136xf32, #tpu.memory_space<vmem_shared>>
      %dma_wait3A_233 = tpu.memref_slice %arg15[%mul3A_0] : memref<50176xf32, #tpu.memory_space<vmem_shared>> -> memref<3136xf32, #tpu.memory_space<vmem_shared>>
      tpu.wait_dma2 semaphore(%run_scoped3A : memref<!tpu.dma_semaphore, #tpu.memory_space<semaphore_mem>>) src(%dma_wait3A_233 : memref<3136xf32, #tpu.memory_space<vmem_shared>>) dst(%arg24 : memref<3136xf32, #tpu.memory_space<vmem>>)
      tpu.yield
    }) : () -> ()
    "tpu.region"() ({
      %run_scoped3A = tpu.sem_alloc : memref<!tpu.dma_semaphore, #tpu.memory_space<semaphore_mem>>
      %dma_start3A = tpu.memref_slice %arg12[%mul3A_0] : memref<50176xf32, #tpu.memory_space<vmem_shared>> -> memref<3136xf32, #tpu.memory_space<vmem_shared>>
      %dma_start3A_232 = tpu.memref_slice %arg12[%mul3A_0] : memref<50176xf32, #tpu.memory_space<vmem_shared>> -> memref<3136xf32, #tpu.memory_space<vmem_shared>>
      tpu.enqueue_dma source(%dma_start3A_232 : memref<3136xf32, #tpu.memory_space<vmem_shared>>) target(%arg22 : memref<3136xf32, #tpu.memory_space<vmem>>) target_semaphore(%run_scoped3A : memref<!tpu.dma_semaphore, #tpu.memory_space<semaphore_mem>>)
      %dma_wait3A = tpu.memref_slice %arg12[%mul3A_0] : memref<50176xf32, #tpu.memory_space<vmem_shared>> -> memref<3136xf32, #tpu.memory_space<vmem_shared>>
      %dma_wait3A_233 = tpu.memref_slice %arg12[%mul3A_0] : memref<50176xf32, #tpu.memory_space<vmem_shared>> -> memref<3136xf32, #tpu.memory_space<vmem_shared>>
      tpu.wait_dma2 semaphore(%run_scoped3A : memref<!tpu.dma_semaphore, #tpu.memory_space<semaphore_mem>>) src(%dma_wait3A_233 : memref<3136xf32, #tpu.memory_space<vmem_shared>>) dst(%arg22 : memref<3136xf32, #tpu.memory_space<vmem>>)
      tpu.yield
    }) : () -> ()
    "tpu.region"() ({
      %run_scoped3A = tpu.sem_alloc : memref<!tpu.dma_semaphore, #tpu.memory_space<semaphore_mem>>
      %dma_start3A = tpu.memref_slice %arg13[%mul3A_0] : memref<50176xf32, #tpu.memory_space<vmem_shared>> -> memref<3136xf32, #tpu.memory_space<vmem_shared>>
      %dma_start3A_232 = tpu.memref_slice %arg13[%mul3A_0] : memref<50176xf32, #tpu.memory_space<vmem_shared>> -> memref<3136xf32, #tpu.memory_space<vmem_shared>>
      tpu.enqueue_dma source(%dma_start3A_232 : memref<3136xf32, #tpu.memory_space<vmem_shared>>) target(%arg23 : memref<3136xf32, #tpu.memory_space<vmem>>) target_semaphore(%run_scoped3A : memref<!tpu.dma_semaphore, #tpu.memory_space<semaphore_mem>>)
      %dma_wait3A = tpu.memref_slice %arg13[%mul3A_0] : memref<50176xf32, #tpu.memory_space<vmem_shared>> -> memref<3136xf32, #tpu.memory_space<vmem_shared>>
      %dma_wait3A_233 = tpu.memref_slice %arg13[%mul3A_0] : memref<50176xf32, #tpu.memory_space<vmem_shared>> -> memref<3136xf32, #tpu.memory_space<vmem_shared>>
      tpu.wait_dma2 semaphore(%run_scoped3A : memref<!tpu.dma_semaphore, #tpu.memory_space<semaphore_mem>>) src(%dma_wait3A_233 : memref<3136xf32, #tpu.memory_space<vmem_shared>>) dst(%arg23 : memref<3136xf32, #tpu.memory_space<vmem>>)
      tpu.yield
    }) : () -> ()
    %scan3A_209 = arith.constant 0 : i32
    %scan3A_210 = arith.constant 0 : i32
    %scan3A_211 = arith.constant 196 : i32
    %scan3A_212 = arith.addi %scan3A_210, %scan3A_211 : i32
    %scan3A_213 = arith.constant 1 : i32
    %scan3A_214 = scf.for %scan3A_232 = %scan3A_210 to %scan3A_212 step %scan3A_213 iter_args(%scan3A_233 = %scan3A_209) -> (i32)  : i32 {
      %mul3A_234 = arith.constant 16 : i32
      %mul3A_235 = arith.muli %scan3A_232, %mul3A_234 : i32
      %multiple_of3A = tpu.assume_multiple %mul3A_235, 16 : i32
      %get3A = arith.index_cast %multiple_of3A : i32 to index
      %get3A_236 = tpu.vector_load %arg24[%get3A] {strides = array<i32>} : memref<3136xf32, #tpu.memory_space<vmem>>, vector<16xf32>,
      %get3A_237 = vector.shape_cast %get3A_236 : vector<16xf32> to vector<16xf32>
      %get3A_238 = arith.index_cast %multiple_of3A : i32 to index
      %get3A_239 = tpu.vector_load %arg22[%get3A_238] {strides = array<i32>} : memref<3136xf32, #tpu.memory_space<vmem>>, vector<16xf32>,
      %get3A_240 = vector.shape_cast %get3A_239 : vector<16xf32> to vector<16xf32>
      %mul3A_241 = arith.mulf %get3A_240, %get3A_237 : vector<16xf32>
      %swap3A = arith.index_cast %multiple_of3A : i32 to index
      %swap3A_242 = tpu.vector_load %arg22[%swap3A] {strides = array<i32>} : memref<3136xf32, #tpu.memory_space<vmem>>, vector<16xf32>,
      %swap3A_243 = vector.shape_cast %swap3A_242 : vector<16xf32> to vector<16xf32>
      %swap3A_244 = vector.shape_cast %mul3A_241 : vector<16xf32> to vector<16xf32>
      tpu.vector_store %arg22[%swap3A], %swap3A_244 {strides = array<i32>} : memref<3136xf32, #tpu.memory_space<vmem>>, vector<16xf32>,
      %get3A_245 = arith.index_cast %multiple_of3A : i32 to index
      %get3A_246 = tpu.vector_load %arg23[%get3A_245] {strides = array<i32>} : memref<3136xf32, #tpu.memory_space<vmem>>, vector<16xf32>,
      %get3A_247 = vector.shape_cast %get3A_246 : vector<16xf32> to vector<16xf32>
      %mul3A_248 = arith.mulf %get3A_247, %get3A_237 : vector<16xf32>
      %swap3A_249 = arith.index_cast %multiple_of3A : i32 to index
      %swap3A_250 = tpu.vector_load %arg23[%swap3A_249] {strides = array<i32>} : memref<3136xf32, #tpu.memory_space<vmem>>, vector<16xf32>,
      %swap3A_251 = vector.shape_cast %swap3A_250 : vector<16xf32> to vector<16xf32>
      %swap3A_252 = vector.shape_cast %mul3A_248 : vector<16xf32> to vector<16xf32>
      tpu.vector_store %arg23[%swap3A_249], %swap3A_252 {strides = array<i32>} : memref<3136xf32, #tpu.memory_space<vmem>>, vector<16xf32>,
      %scan3A_253 = arith.constant 0 : i32
      scf.yield %scan3A_253 : i32
    }
    %scan3A_215 = arith.constant 196 : i32
    "tpu.region"() ({
      %run_scoped3A = tpu.sem_alloc : memref<!tpu.dma_semaphore, #tpu.memory_space<semaphore_mem>>
      %dma_start3A = tpu.memref_slice %arg10[%mul3A_0] : memref<50176xf32, #tpu.memory_space<vmem_shared>> -> memref<3136xf32, #tpu.memory_space<vmem_shared>>
      %dma_start3A_232 = tpu.memref_slice %arg10[%mul3A_0] : memref<50176xf32, #tpu.memory_space<vmem_shared>> -> memref<3136xf32, #tpu.memory_space<vmem_shared>>
      tpu.enqueue_dma source(%arg22 : memref<3136xf32, #tpu.memory_space<vmem>>) target(%dma_start3A_232 : memref<3136xf32, #tpu.memory_space<vmem_shared>>) target_semaphore(%run_scoped3A : memref<!tpu.dma_semaphore, #tpu.memory_space<semaphore_mem>>)
      %dma_wait3A = tpu.memref_slice %arg10[%mul3A_0] : memref<50176xf32, #tpu.memory_space<vmem_shared>> -> memref<3136xf32, #tpu.memory_space<vmem_shared>>
      %dma_wait3A_233 = tpu.memref_slice %arg10[%mul3A_0] : memref<50176xf32, #tpu.memory_space<vmem_shared>> -> memref<3136xf32, #tpu.memory_space<vmem_shared>>
      tpu.wait_dma2 semaphore(%run_scoped3A : memref<!tpu.dma_semaphore, #tpu.memory_space<semaphore_mem>>) src(%arg22 : memref<3136xf32, #tpu.memory_space<vmem>>) dst(%dma_wait3A_233 : memref<3136xf32, #tpu.memory_space<vmem_shared>>)
      tpu.yield
    }) : () -> ()
    "tpu.region"() ({
      %run_scoped3A = tpu.sem_alloc : memref<!tpu.dma_semaphore, #tpu.memory_space<semaphore_mem>>
      %dma_start3A = tpu.memref_slice %arg11[%mul3A_0] : memref<50176xf32, #tpu.memory_space<vmem_shared>> -> memref<3136xf32, #tpu.memory_space<vmem_shared>>
      %dma_start3A_232 = tpu.memref_slice %arg11[%mul3A_0] : memref<50176xf32, #tpu.memory_space<vmem_shared>> -> memref<3136xf32, #tpu.memory_space<vmem_shared>>
      tpu.enqueue_dma source(%arg23 : memref<3136xf32, #tpu.memory_space<vmem>>) target(%dma_start3A_232 : memref<3136xf32, #tpu.memory_space<vmem_shared>>) target_semaphore(%run_scoped3A : memref<!tpu.dma_semaphore, #tpu.memory_space<semaphore_mem>>)
      %dma_wait3A = tpu.memref_slice %arg11[%mul3A_0] : memref<50176xf32, #tpu.memory_space<vmem_shared>> -> memref<3136xf32, #tpu.memory_space<vmem_shared>>
      %dma_wait3A_233 = tpu.memref_slice %arg11[%mul3A_0] : memref<50176xf32, #tpu.memory_space<vmem_shared>> -> memref<3136xf32, #tpu.memory_space<vmem_shared>>
      tpu.wait_dma2 semaphore(%run_scoped3A : memref<!tpu.dma_semaphore, #tpu.memory_space<semaphore_mem>>) src(%arg23 : memref<3136xf32, #tpu.memory_space<vmem>>) dst(%dma_wait3A_233 : memref<3136xf32, #tpu.memory_space<vmem_shared>>)
      tpu.yield
    }) : () -> ()
    %barrier3A_216 = arith.constant 0 : index
    tpu.barrier barrier_id(%barrier3A_216)
    %scan3A_217 = arith.constant 0 : i32
    %scan3A_218 = arith.constant 0 : i32
    %scan3A_219 = arith.constant 5 : i32
    %scan3A_220 = arith.addi %scan3A_218, %scan3A_219 : i32
    %scan3A_221 = arith.constant 1 : i32
    %scan3A_222 = scf.for %scan3A_232 = %scan3A_218 to %scan3A_220 step %scan3A_221 iter_args(%scan3A_233 = %scan3A_217) -> (i32)  : i32 {
      %mul3A_234 = arith.constant 10000 : i32
      %mul3A_235 = arith.muli %scan3A_232, %mul3A_234 : i32
      %add3A = arith.addi %mul3A_2, %mul3A_235 : i32
      %multiple_of3A = tpu.assume_multiple %add3A, 8 : i32
      "tpu.region"() ({
        %run_scoped3A = tpu.sem_alloc : memref<!tpu.dma_semaphore, #tpu.memory_space<semaphore_mem>>
        %dma_start3A = tpu.memref_slice %arg3[%multiple_of3A] : memref<800000xi32, #tpu.memory_space<hbm>> -> memref<10000xi32, #tpu.memory_space<hbm>>
        %dma_start3A_244 = tpu.memref_slice %arg3[%multiple_of3A] : memref<800000xi32, #tpu.memory_space<hbm>> -> memref<10000xi32, #tpu.memory_space<hbm>>
        tpu.enqueue_dma source(%dma_start3A_244 : memref<10000xi32, #tpu.memory_space<hbm>>) target(%arg17 : memref<10000xi32, #tpu.memory_space<vmem>>) target_semaphore(%run_scoped3A : memref<!tpu.dma_semaphore, #tpu.memory_space<semaphore_mem>>)
        %dma_wait3A = tpu.memref_slice %arg3[%multiple_of3A] : memref<800000xi32, #tpu.memory_space<hbm>> -> memref<10000xi32, #tpu.memory_space<hbm>>
        %dma_wait3A_245 = tpu.memref_slice %arg3[%multiple_of3A] : memref<800000xi32, #tpu.memory_space<hbm>> -> memref<10000xi32, #tpu.memory_space<hbm>>
        tpu.wait_dma2 semaphore(%run_scoped3A : memref<!tpu.dma_semaphore, #tpu.memory_space<semaphore_mem>>) src(%dma_wait3A_245 : memref<10000xi32, #tpu.memory_space<hbm>>) dst(%arg17 : memref<10000xi32, #tpu.memory_space<vmem>>)
        tpu.yield
      }) : () -> ()
      "tpu.region"() ({
        %run_scoped3A = tpu.sem_alloc : memref<!tpu.dma_semaphore, #tpu.memory_space<semaphore_mem>>
        %dma_start3A = tpu.memref_slice %arg4[%multiple_of3A] : memref<800000xi32, #tpu.memory_space<hbm>> -> memref<10000xi32, #tpu.memory_space<hbm>>
        %dma_start3A_244 = tpu.memref_slice %arg4[%multiple_of3A] : memref<800000xi32, #tpu.memory_space<hbm>> -> memref<10000xi32, #tpu.memory_space<hbm>>
        tpu.enqueue_dma source(%dma_start3A_244 : memref<10000xi32, #tpu.memory_space<hbm>>) target(%arg18 : memref<10000xi32, #tpu.memory_space<vmem>>) target_semaphore(%run_scoped3A : memref<!tpu.dma_semaphore, #tpu.memory_space<semaphore_mem>>)
        %dma_wait3A = tpu.memref_slice %arg4[%multiple_of3A] : memref<800000xi32, #tpu.memory_space<hbm>> -> memref<10000xi32, #tpu.memory_space<hbm>>
        %dma_wait3A_245 = tpu.memref_slice %arg4[%multiple_of3A] : memref<800000xi32, #tpu.memory_space<hbm>> -> memref<10000xi32, #tpu.memory_space<hbm>>
        tpu.wait_dma2 semaphore(%run_scoped3A : memref<!tpu.dma_semaphore, #tpu.memory_space<semaphore_mem>>) src(%dma_wait3A_245 : memref<10000xi32, #tpu.memory_space<hbm>>) dst(%arg18 : memref<10000xi32, #tpu.memory_space<vmem>>)
        tpu.yield
      }) : () -> ()
      "tpu.region"() ({
        %run_scoped3A = tpu.sem_alloc : memref<!tpu.dma_semaphore, #tpu.memory_space<semaphore_mem>>
        %dma_start3A = tpu.memref_slice %arg16[%multiple_of3A] : memref<800000xf32, #tpu.memory_space<vmem_shared>> -> memref<10000xf32, #tpu.memory_space<vmem_shared>>
        %dma_start3A_244 = tpu.memref_slice %arg16[%multiple_of3A] : memref<800000xf32, #tpu.memory_space<vmem_shared>> -> memref<10000xf32, #tpu.memory_space<vmem_shared>>
        tpu.enqueue_dma source(%dma_start3A_244 : memref<10000xf32, #tpu.memory_space<vmem_shared>>) target(%arg19 : memref<10000xf32, #tpu.memory_space<vmem>>) target_semaphore(%run_scoped3A : memref<!tpu.dma_semaphore, #tpu.memory_space<semaphore_mem>>)
        %dma_wait3A = tpu.memref_slice %arg16[%multiple_of3A] : memref<800000xf32, #tpu.memory_space<vmem_shared>> -> memref<10000xf32, #tpu.memory_space<vmem_shared>>
        %dma_wait3A_245 = tpu.memref_slice %arg16[%multiple_of3A] : memref<800000xf32, #tpu.memory_space<vmem_shared>> -> memref<10000xf32, #tpu.memory_space<vmem_shared>>
        tpu.wait_dma2 semaphore(%run_scoped3A : memref<!tpu.dma_semaphore, #tpu.memory_space<semaphore_mem>>) src(%dma_wait3A_245 : memref<10000xf32, #tpu.memory_space<vmem_shared>>) dst(%arg19 : memref<10000xf32, #tpu.memory_space<vmem>>)
        tpu.yield
      }) : () -> ()
      "tpu.region"() ({
        %run_scoped3A = tpu.sem_alloc : memref<!tpu.dma_semaphore, #tpu.memory_space<semaphore_mem>>
        %dma_start3A = arith.constant 0 : i32
        %dma_start3A_244 = tpu.memref_slice %arg12[%dma_start3A] : memref<50176xf32, #tpu.memory_space<vmem_shared>> -> memref<50176xf32, #tpu.memory_space<vmem_shared>>
        tpu.enqueue_indirect_dma source(%dma_start3A_244 : memref<50176xf32, #tpu.memory_space<vmem_shared>>) target(%arg20 : memref<10000xf32, #tpu.memory_space<vmem>>) offsets(%arg17 : memref<10000xi32, #tpu.memory_space<vmem>>) semaphore(%run_scoped3A : memref<!tpu.dma_semaphore, #tpu.memory_space<semaphore_mem>>)
        %dma_wait3A = arith.constant 0 : i32
        %dma_wait3A_245 = tpu.memref_slice %arg12[%dma_wait3A] : memref<50176xf32, #tpu.memory_space<vmem_shared>> -> memref<50176xf32, #tpu.memory_space<vmem_shared>>
        tpu.wait_indirect_dma semaphore(%run_scoped3A : memref<!tpu.dma_semaphore, #tpu.memory_space<semaphore_mem>>) src(%dma_wait3A_245 : memref<50176xf32, #tpu.memory_space<vmem_shared>>) dst(%arg20 : memref<10000xf32, #tpu.memory_space<vmem>>)
        tpu.yield
      }) : () -> ()
      "tpu.region"() ({
        %run_scoped3A = tpu.sem_alloc : memref<!tpu.dma_semaphore, #tpu.memory_space<semaphore_mem>>
        %dma_start3A = arith.constant 0 : i32
        %dma_start3A_244 = tpu.memref_slice %arg13[%dma_start3A] : memref<50176xf32, #tpu.memory_space<vmem_shared>> -> memref<50176xf32, #tpu.memory_space<vmem_shared>>
        tpu.enqueue_indirect_dma source(%dma_start3A_244 : memref<50176xf32, #tpu.memory_space<vmem_shared>>) target(%arg21 : memref<10000xf32, #tpu.memory_space<vmem>>) offsets(%arg17 : memref<10000xi32, #tpu.memory_space<vmem>>) semaphore(%run_scoped3A : memref<!tpu.dma_semaphore, #tpu.memory_space<semaphore_mem>>)
        %dma_wait3A = arith.constant 0 : i32
        %dma_wait3A_245 = tpu.memref_slice %arg13[%dma_wait3A] : memref<50176xf32, #tpu.memory_space<vmem_shared>> -> memref<50176xf32, #tpu.memory_space<vmem_shared>>
        tpu.wait_indirect_dma semaphore(%run_scoped3A : memref<!tpu.dma_semaphore, #tpu.memory_space<semaphore_mem>>) src(%dma_wait3A_245 : memref<50176xf32, #tpu.memory_space<vmem_shared>>) dst(%arg21 : memref<10000xf32, #tpu.memory_space<vmem>>)
        tpu.yield
      }) : () -> ()
      %scan3A_236 = arith.constant 0 : i32
      %scan3A_237 = arith.constant 0 : i32
      %scan3A_238 = arith.constant 625 : i32
      %scan3A_239 = arith.addi %scan3A_237, %scan3A_238 : i32
      %scan3A_240 = arith.constant 1 : i32
      %scan3A_241 = scf.for %scan3A_244 = %scan3A_237 to %scan3A_239 step %scan3A_240 iter_args(%scan3A_245 = %scan3A_236) -> (i32)  : i32 {
        %mul3A_246 = arith.constant 16 : i32
        %mul3A_247 = arith.muli %scan3A_244, %mul3A_246 : i32
        %multiple_of3A_248 = tpu.assume_multiple %mul3A_247, 16 : i32
        %get3A = arith.index_cast %multiple_of3A_248 : i32 to index
        %get3A_249 = tpu.vector_load %arg19[%get3A] {strides = array<i32>} : memref<10000xf32, #tpu.memory_space<vmem>>, vector<16xf32>,
        %get3A_250 = vector.shape_cast %get3A_249 : vector<16xf32> to vector<16xf32>
        %get3A_251 = arith.index_cast %multiple_of3A_248 : i32 to index
        %get3A_252 = tpu.vector_load %arg20[%get3A_251] {strides = array<i32>} : memref<10000xf32, #tpu.memory_space<vmem>>, vector<16xf32>,
        %get3A_253 = vector.shape_cast %get3A_252 : vector<16xf32> to vector<16xf32>
        %mul3A_254 = arith.mulf %get3A_253, %get3A_250 : vector<16xf32>
        %swap3A = arith.index_cast %multiple_of3A_248 : i32 to index
        %swap3A_255 = tpu.vector_load %arg20[%swap3A] {strides = array<i32>} : memref<10000xf32, #tpu.memory_space<vmem>>, vector<16xf32>,
        %swap3A_256 = vector.shape_cast %swap3A_255 : vector<16xf32> to vector<16xf32>
        %swap3A_257 = vector.shape_cast %mul3A_254 : vector<16xf32> to vector<16xf32>
        tpu.vector_store %arg20[%swap3A], %swap3A_257 {strides = array<i32>} : memref<10000xf32, #tpu.memory_space<vmem>>, vector<16xf32>,
        %get3A_258 = arith.index_cast %multiple_of3A_248 : i32 to index
        %get3A_259 = tpu.vector_load %arg21[%get3A_258] {strides = array<i32>} : memref<10000xf32, #tpu.memory_space<vmem>>, vector<16xf32>,
        %get3A_260 = vector.shape_cast %get3A_259 : vector<16xf32> to vector<16xf32>
        %mul3A_261 = arith.mulf %get3A_260, %get3A_250 : vector<16xf32>
        %swap3A_262 = arith.index_cast %multiple_of3A_248 : i32 to index
        %swap3A_263 = tpu.vector_load %arg21[%swap3A_262] {strides = array<i32>} : memref<10000xf32, #tpu.memory_space<vmem>>, vector<16xf32>,
        %swap3A_264 = vector.shape_cast %swap3A_263 : vector<16xf32> to vector<16xf32>
        %swap3A_265 = vector.shape_cast %mul3A_261 : vector<16xf32> to vector<16xf32>
        tpu.vector_store %arg21[%swap3A_262], %swap3A_265 {strides = array<i32>} : memref<10000xf32, #tpu.memory_space<vmem>>, vector<16xf32>,
        %scan3A_266 = arith.constant 0 : i32
        scf.yield %scan3A_266 : i32
      }
      %scan3A_242 = arith.constant 625 : i32
      "tpu.region"() ({
        %run_scoped3A = tpu.sem_alloc : memref<!tpu.dma_semaphore, #tpu.memory_space<semaphore_mem>>
        %dma_start3A = arith.constant 0 : i32
        %dma_start3A_244 = tpu.memref_slice %arg10[%dma_start3A] : memref<50176xf32, #tpu.memory_space<vmem_shared>> -> memref<50176xf32, #tpu.memory_space<vmem_shared>>
        tpu.enqueue_indirect_dma source(%arg20 : memref<10000xf32, #tpu.memory_space<vmem>>) target(%dma_start3A_244 : memref<50176xf32, #tpu.memory_space<vmem_shared>>) offsets(%arg18 : memref<10000xi32, #tpu.memory_space<vmem>>) semaphore(%run_scoped3A : memref<!tpu.dma_semaphore, #tpu.memory_space<semaphore_mem>>) {add = true}
        %dma_wait3A = arith.constant 0 : i32
        %dma_wait3A_245 = tpu.memref_slice %arg10[%dma_wait3A] : memref<50176xf32, #tpu.memory_space<vmem_shared>> -> memref<50176xf32, #tpu.memory_space<vmem_shared>>
        tpu.wait_indirect_dma semaphore(%run_scoped3A : memref<!tpu.dma_semaphore, #tpu.memory_space<semaphore_mem>>) src(%arg20 : memref<10000xf32, #tpu.memory_space<vmem>>) dst(%dma_wait3A_245 : memref<50176xf32, #tpu.memory_space<vmem_shared>>)
        tpu.yield
      }) : () -> ()
      "tpu.region"() ({
        %run_scoped3A = tpu.sem_alloc : memref<!tpu.dma_semaphore, #tpu.memory_space<semaphore_mem>>
        %dma_start3A = arith.constant 0 : i32
        %dma_start3A_244 = tpu.memref_slice %arg11[%dma_start3A] : memref<50176xf32, #tpu.memory_space<vmem_shared>> -> memref<50176xf32, #tpu.memory_space<vmem_shared>>
        tpu.enqueue_indirect_dma source(%arg21 : memref<10000xf32, #tpu.memory_space<vmem>>) target(%dma_start3A_244 : memref<50176xf32, #tpu.memory_space<vmem_shared>>) offsets(%arg18 : memref<10000xi32, #tpu.memory_space<vmem>>) semaphore(%run_scoped3A : memref<!tpu.dma_semaphore, #tpu.memory_space<semaphore_mem>>) {add = true}
        %dma_wait3A = arith.constant 0 : i32
        %dma_wait3A_245 = tpu.memref_slice %arg11[%dma_wait3A] : memref<50176xf32, #tpu.memory_space<vmem_shared>> -> memref<50176xf32, #tpu.memory_space<vmem_shared>>
        tpu.wait_indirect_dma semaphore(%run_scoped3A : memref<!tpu.dma_semaphore, #tpu.memory_space<semaphore_mem>>) src(%arg21 : memref<10000xf32, #tpu.memory_space<vmem>>) dst(%dma_wait3A_245 : memref<50176xf32, #tpu.memory_space<vmem_shared>>)
        tpu.yield
      }) : () -> ()
      %scan3A_243 = arith.constant 0 : i32
      scf.yield %scan3A_243 : i32
    }
    %scan3A_223 = arith.constant 5 : i32
    %barrier3A_224 = arith.constant 0 : index
    tpu.barrier barrier_id(%barrier3A_224)
    "tpu.region"() ({
      %run_scoped3A = tpu.sem_alloc : memref<!tpu.dma_semaphore, #tpu.memory_space<semaphore_mem>>
      %dma_start3A = tpu.memref_slice %arg10[%mul3A_0] : memref<50176xf32, #tpu.memory_space<vmem_shared>> -> memref<3136xf32, #tpu.memory_space<vmem_shared>>
      %dma_start3A_232 = tpu.memref_slice %arg10[%mul3A_0] : memref<50176xf32, #tpu.memory_space<vmem_shared>> -> memref<3136xf32, #tpu.memory_space<vmem_shared>>
      tpu.enqueue_dma source(%dma_start3A_232 : memref<3136xf32, #tpu.memory_space<vmem_shared>>) target(%arg22 : memref<3136xf32, #tpu.memory_space<vmem>>) target_semaphore(%run_scoped3A : memref<!tpu.dma_semaphore, #tpu.memory_space<semaphore_mem>>)
      %dma_wait3A = tpu.memref_slice %arg10[%mul3A_0] : memref<50176xf32, #tpu.memory_space<vmem_shared>> -> memref<3136xf32, #tpu.memory_space<vmem_shared>>
      %dma_wait3A_233 = tpu.memref_slice %arg10[%mul3A_0] : memref<50176xf32, #tpu.memory_space<vmem_shared>> -> memref<3136xf32, #tpu.memory_space<vmem_shared>>
      tpu.wait_dma2 semaphore(%run_scoped3A : memref<!tpu.dma_semaphore, #tpu.memory_space<semaphore_mem>>) src(%dma_wait3A_233 : memref<3136xf32, #tpu.memory_space<vmem_shared>>) dst(%arg22 : memref<3136xf32, #tpu.memory_space<vmem>>)
      tpu.yield
    }) : () -> ()
    "tpu.region"() ({
      %run_scoped3A = tpu.sem_alloc : memref<!tpu.dma_semaphore, #tpu.memory_space<semaphore_mem>>
      %dma_start3A = tpu.memref_slice %arg13[%mul3A_0] : memref<50176xf32, #tpu.memory_space<vmem_shared>> -> memref<3136xf32, #tpu.memory_space<vmem_shared>>
      %dma_start3A_232 = tpu.memref_slice %arg13[%mul3A_0] : memref<50176xf32, #tpu.memory_space<vmem_shared>> -> memref<3136xf32, #tpu.memory_space<vmem_shared>>
      tpu.enqueue_dma source(%dma_start3A_232 : memref<3136xf32, #tpu.memory_space<vmem_shared>>) target(%arg23 : memref<3136xf32, #tpu.memory_space<vmem>>) target_semaphore(%run_scoped3A : memref<!tpu.dma_semaphore, #tpu.memory_space<semaphore_mem>>)
      %dma_wait3A = tpu.memref_slice %arg13[%mul3A_0] : memref<50176xf32, #tpu.memory_space<vmem_shared>> -> memref<3136xf32, #tpu.memory_space<vmem_shared>>
      %dma_wait3A_233 = tpu.memref_slice %arg13[%mul3A_0] : memref<50176xf32, #tpu.memory_space<vmem_shared>> -> memref<3136xf32, #tpu.memory_space<vmem_shared>>
      tpu.wait_dma2 semaphore(%run_scoped3A : memref<!tpu.dma_semaphore, #tpu.memory_space<semaphore_mem>>) src(%dma_wait3A_233 : memref<3136xf32, #tpu.memory_space<vmem_shared>>) dst(%arg23 : memref<3136xf32, #tpu.memory_space<vmem>>)
      tpu.yield
    }) : () -> ()
    %scan3A_225 = arith.constant 0 : i32
    %scan3A_226 = arith.constant 0 : i32
    %scan3A_227 = arith.constant 196 : i32
    %scan3A_228 = arith.addi %scan3A_226, %scan3A_227 : i32
    %scan3A_229 = arith.constant 1 : i32
    %scan3A_230 = scf.for %scan3A_232 = %scan3A_226 to %scan3A_228 step %scan3A_229 iter_args(%scan3A_233 = %scan3A_225) -> (i32)  : i32 {
      %mul3A_234 = arith.constant 16 : i32
      %mul3A_235 = arith.muli %scan3A_232, %mul3A_234 : i32
      %multiple_of3A = tpu.assume_multiple %mul3A_235, 16 : i32
      %get3A = arith.constant 0 : index
      %get3A_236 = tpu.vector_load %arg25[%get3A] {strides = array<i32>} : memref<16xf32, #tpu.memory_space<vmem>>, vector<16xf32>,
      %get3A_237 = vector.shape_cast %get3A_236 : vector<16xf32> to vector<16xf32>
      %get3A_238 = arith.index_cast %multiple_of3A : i32 to index
      %get3A_239 = tpu.vector_load %arg22[%get3A_238] {strides = array<i32>} : memref<3136xf32, #tpu.memory_space<vmem>>, vector<16xf32>,
      %get3A_240 = vector.shape_cast %get3A_239 : vector<16xf32> to vector<16xf32>
      %mul3A_241 = arith.mulf %get3A_237, %get3A_240 : vector<16xf32>
      %get3A_242 = arith.constant 0 : index
      %get3A_243 = tpu.vector_load %arg26[%get3A_242] {strides = array<i32>} : memref<16xf32, #tpu.memory_space<vmem>>, vector<16xf32>,
      %get3A_244 = vector.shape_cast %get3A_243 : vector<16xf32> to vector<16xf32>
      %get3A_245 = arith.index_cast %multiple_of3A : i32 to index
      %get3A_246 = tpu.vector_load %arg23[%get3A_245] {strides = array<i32>} : memref<3136xf32, #tpu.memory_space<vmem>>, vector<16xf32>,
      %get3A_247 = vector.shape_cast %get3A_246 : vector<16xf32> to vector<16xf32>
      %mul3A_248 = arith.mulf %get3A_244, %get3A_247 : vector<16xf32>
      %add3A = arith.addf %mul3A_241, %mul3A_248 : vector<16xf32>
      %get3A_249 = arith.constant 0 : index
      %get3A_250 = tpu.vector_load %arg27[%get3A_249] {strides = array<i32>} : memref<16xf32, #tpu.memory_space<vmem>>, vector<16xf32>,
      %get3A_251 = vector.shape_cast %get3A_250 : vector<16xf32> to vector<16xf32>
      %add3A_252 = arith.addf %add3A, %get3A_251 : vector<16xf32>
      %swap3A = arith.index_cast %multiple_of3A : i32 to index
      %swap3A_253 = tpu.vector_load %arg22[%swap3A] {strides = array<i32>} : memref<3136xf32, #tpu.memory_space<vmem>>, vector<16xf32>,
      %swap3A_254 = vector.shape_cast %swap3A_253 : vector<16xf32> to vector<16xf32>
      %swap3A_255 = vector.shape_cast %add3A_252 : vector<16xf32> to vector<16xf32>
      tpu.vector_store %arg22[%swap3A], %swap3A_255 {strides = array<i32>} : memref<3136xf32, #tpu.memory_space<vmem>>, vector<16xf32>,
      %scan3A_256 = arith.constant 0 : i32
      scf.yield %scan3A_256 : i32
    }
    %scan3A_231 = arith.constant 196 : i32
    "tpu.region"() ({
      %run_scoped3A = tpu.sem_alloc : memref<!tpu.dma_semaphore, #tpu.memory_space<semaphore_mem>>
      %dma_start3A = tpu.memref_slice %arg9[%mul3A_0] : memref<50176xf32, #tpu.memory_space<hbm>> -> memref<3136xf32, #tpu.memory_space<hbm>>
      %dma_start3A_232 = tpu.memref_slice %arg9[%mul3A_0] : memref<50176xf32, #tpu.memory_space<hbm>> -> memref<3136xf32, #tpu.memory_space<hbm>>
      tpu.enqueue_dma source(%arg22 : memref<3136xf32, #tpu.memory_space<vmem>>) target(%dma_start3A_232 : memref<3136xf32, #tpu.memory_space<hbm>>) target_semaphore(%run_scoped3A : memref<!tpu.dma_semaphore, #tpu.memory_space<semaphore_mem>>)
      %dma_wait3A = tpu.memref_slice %arg9[%mul3A_0] : memref<50176xf32, #tpu.memory_space<hbm>> -> memref<3136xf32, #tpu.memory_space<hbm>>
      %dma_wait3A_233 = tpu.memref_slice %arg9[%mul3A_0] : memref<50176xf32, #tpu.memory_space<hbm>> -> memref<3136xf32, #tpu.memory_space<hbm>>
      tpu.wait_dma2 semaphore(%run_scoped3A : memref<!tpu.dma_semaphore, #tpu.memory_space<semaphore_mem>>) src(%arg22 : memref<3136xf32, #tpu.memory_space<vmem>>) dst(%dma_wait3A_233 : memref<3136xf32, #tpu.memory_space<hbm>>)
      tpu.yield
    }) : () -> ()
    return
  }
}

</mosaic_0001>

<sc_bundles>
// kernel: _sc_propagate.3.cloned.1.call-start
scs
__scs_entry_jumppad:
0x0: {  	(pc) =	sbr.rel $0x88, $3  }
0x1: {  	(tag) =	ssettag $0x0;
	lr =	simm.s32 $0x1  }
0x2: {  	[smem:$0x3F9A] =	sst lr;
	_ =	strace $0xD0000000  }
0x3: {  	_ = 	snop  }
0x4: {  	_ = 	snop  }
0x5: {  	_ = 	snop  }
0x6: {  	_ = 	snop  }
0x7: {  	_ = 	snop  }
__scs_overlays_trampoline_lowered:
0x8: {  	[smem:$0x3FA9] =	sst s0  }
0x9: {  	[smem:$0x3FAA] =	sst s1  }
0xa: {  	[smem:$0x3FAB] =	sst s2  }
0xb: {  	[smem:$0x3FAC] =	sst s3  }
0xc: {  	[smem:$0x3FAD] =	sst s4  }
0xd: {  	[smem:$0x3FAE] =	sst s5  }
0xe: {  	[smem:$0x3FAF] =	sst s6  }
0xf: {  	[smem:$0x3FB0] =	sst s7  }
0x10: {  	[smem:$0x3FB1] =	sst s8  }
0x11: {  	[smem:$0x3FB2] =	sst s9;
	s0 =	simm.s32 @!p0 $0x0  }
0x12: {  	s1 =	sld [smem:$0x3F98];
	s0 =	simm.s32 @p0 $0x1  }
0x13: {  	[smem:$0x3FB3] =	sst s0;
	s0 =	simm.s32 @!p1 $0x0  }
0x14: {  	s2 =	sld [smem:$0x3F97];
	s0 =	simm.s32 @p1 $0x1  }
0x15: {  	[smem:$0x3FB4] =	sst s0;
	s0 =	simm.s32 @!p2 $0x0  }
0x16: {  	s3 =	sld [smem:$0x3FDB];
	s0 =	simm.s32 @p2 $0x1  }
0x17: {  	s4 =	simm.s32 $0x1BF5;
	[smem:$0x3FB6] =	sst s0  }
0x18: {  	s0 =	sld [smem:$0x3F99];
	_ =	swait.ge [sflag:s4], $0x0  }
0x19: {  	s7 =	sld [smem:$0x3F9A]  }
0x1a: {  	s8 =	sadd.s32 $0xFFFFE003, lr  }
0x1b: {  	s9 =	sadd.s32 $0xFFFFFEF7, lr;
	s5 =	simm.s32 $0xFFFFFFFF;
	p2 =	slt.u32 s8, $0xFFFFF086  }
0x1c: {  	p1 =	slt.u32 s9, $0xF7A;
	s5 =	simm.s32 @!p2 $0x0  }
0x1d: {  	s5 =	simm.s32 @p1 $0x1;
	p0 =	seq.s32 s7, s2  }
0x1e: {  	s7 =	smul.u32 @!p0 $0xF7A, s2;
	p2 =	seq.s32 @!p0 s5, $0x0  }
0x1f: {  	s9 =	smul.u32 $0xF7A, s1;
	s8 =	simm.s32 @!p0 $0x1BF5;
	p2 =	por !p2, p0  }
0x20: {  	[sflag:s8] =	ssyncset.s32 @!p0 $0xFFFFF086;
	s6 =	sadd.s32 @!p0 s3, s7;
	s7 =	simm.s32 @!p0 $0x108  }
0x21: {  	s3 =	sadd.s32 s3, s9;
	s6 =	sadd.s32 @!p0 $0x88, s6;
	s7 =	simm.s32 @p2 $0x1082  }
0x22: {  	[simem:s7], [sflag:s8] =	dma.local @!p0 [hbm:s6], $0xF7A  }
0x23: {  	s9 =	sor.u32 $0xD0000000, s2;
	s6 =	simm.s32 $0x108;
	_ =	swait.ge @!p0 [sflag:s8], $0x0  }
0x24: {  	s3 =	sadd.s32 $0x88, s3;
	s6 =	simm.s32 @!p1 $0x1082;
	[sflag:s4] =	ssyncset.s32 $0xFFFFF086  }
0x25: {  	[simem:s6], [sflag:s4] =	dma.local [hbm:s3], $0xF7A  }
0x26: {  	[smem:$0x3F9A] =	sst s1;
	(tag) =	ssettag s2;
	_ =	strace s9  }
0x27: {  	s1 =	sld [smem:$0x3FAA]  }
0x28: {  	s2 =	sld [smem:$0x3FAB]  }
0x29: {  	s4 =	sld [smem:$0x3FAD]  }
0x2a: {  	p0 =	seq.s32 s5, $0x0;
	s5 =	sld [smem:$0x3FAE]  }
0x2b: {  	s6 =	sld [smem:$0x3FAF]  }
0x2c: {  	s7 =	sld [smem:$0x3FB0]  }
0x2d: {  	s3 =	simm.s32 $0x108;
	s8 =	sld [smem:$0x3FB1]  }
0x2e: {  	s3 =	simm.s32 @!p0 $0x1082;
	s9 =	sld [smem:$0x3FB2]  }
0x2f: {  	lr =	sadd.s32 s0, s3;
	s0 =	sld [smem:$0x3FA9]  }
0x30: {  	s3 =	sld [smem:$0x3FAC]  }
0x31: {  	[smem:$0x3FB5] =	sst s10  }
0x32: {  	s10 =	sld [smem:$0x3FB3];
	_ =	sdelay $0x3  }
0x33: {  	p0 =	seq.s32 s10, $0x1;
	s10 =	sld [smem:$0x3FB5];
	_ =	sdelay $0x3  }
0x34: {  	[smem:$0x3FB5] =	sst s10  }
0x35: {  	s10 =	sld [smem:$0x3FB4];
	_ =	sdelay $0x3  }
0x36: {  	p1 =	seq.s32 s10, $0x1;
	s10 =	sld [smem:$0x3FB5];
	_ =	sdelay $0x3  }
0x37: {  	[smem:$0x3FB5] =	sst s10  }
0x38: {  	s10 =	sld [smem:$0x3FB6]  }
0x39: {  	_ = 	snop;
	(pc) =	sbr.ind lr, $3  }
0x3a: {  	_ = 	snop  }
0x3b: {  	_ = 	snop  }
0x3c: {  	p2 =	seq.s32 s10, $0x1;
	s10 =	sld [smem:$0x3FB5]  }
0x3d: {  	_ =	shalt  }
0x3e: {  	_ =	shalt  }
0x3f: {  	_ =	shalt  }
0x40: {  	_ =	shalt  }
0x41: {  	_ =	shalt  }
0x42: {  	_ =	shalt  }
0x43: {  	_ =	shalt  }
0x44: {  	_ =	shalt  }
0x45: {  	_ =	shalt  }
0x46: {  	_ =	shalt  }
0x47: {  	_ =	shalt  }
0x48: {  	_ =	shalt  }
0x49: {  	_ =	shalt  }
0x4a: {  	_ =	shalt  }
0x4b: {  	_ =	shalt  }
0x4c: {  	_ =	shalt  }
0x4d: {  	_ =	shalt  }
0x4e: {  	_ =	shalt  }
0x4f: {  	_ =	shalt  }
0x50: {  	_ =	shalt  }
0x51: {  	_ =	shalt  }
0x52: {  	_ =	shalt  }
0x53: {  	_ =	shalt  }
0x54: {  	_ =	shalt  }
0x55: {  	_ =	shalt  }
0x56: {  	_ =	shalt  }
0x57: {  	_ =	shalt  }
0x58: {  	_ =	shalt  }
0x59: {  	_ =	shalt  }
0x5a: {  	_ =	shalt  }
0x5b: {  	_ =	shalt  }
0x5c: {  	_ =	shalt  }
0x5d: {  	_ =	shalt  }
0x5e: {  	_ =	shalt  }
0x5f: {  	_ =	shalt  }
0x60: {  	_ =	shalt  }
0x61: {  	_ =	shalt  }
0x62: {  	_ =	shalt  }
0x63: {  	_ =	shalt  }
0x64: {  	_ =	shalt  }
0x65: {  	_ =	shalt  }
0x66: {  	_ =	shalt  }
0x67: {  	_ =	shalt  }
0x68: {  	_ =	shalt  }
0x69: {  	_ =	shalt  }
0x6a: {  	_ =	shalt  }
0x6b: {  	_ =	shalt  }
0x6c: {  	_ =	shalt  }
0x6d: {  	_ =	shalt  }
0x6e: {  	_ =	shalt  }
0x6f: {  	_ =	shalt  }
0x70: {  	_ =	shalt  }
0x71: {  	_ =	shalt  }
0x72: {  	_ =	shalt  }
0x73: {  	_ =	shalt  }
0x74: {  	_ =	shalt  }
0x75: {  	_ =	shalt  }
0x76: {  	_ =	shalt  }
0x77: {  	_ =	shalt  }
0x78: {  	_ =	shalt  }
0x79: {  	_ =	shalt  }
0x7a: {  	_ =	shalt  }
0x7b: {  	_ =	shalt  }
0x7c: {  	_ =	shalt  }
0x7d: {  	_ =	shalt  }
0x7e: {  	_ =	shalt  }
0x7f: {  	_ =	shalt  }
0x80: {  	_ =	shalt  }
0x81: {  	_ =	shalt  }
0x82: {  	_ =	shalt  }
0x83: {  	_ =	shalt  }
0x84: {  	_ =	shalt  }
0x85: {  	_ =	shalt  }
0x86: {  	_ =	shalt  }
0x87: {  	_ =	shalt  }
.Lfunc_end0:
.L_simem_size_0:
called_computation_lowered:
.L_overlay_start_0:
0x88: {  	s0 =	sld [smem:$0x3FD9]  }
0x89: {  	s1 =	sld [smem:$0x3FFE];
	_ =	sdelay $0x3  }
0x8a: {  	s0 =	sadd.s32 s1, s0  }
0x8b: {  	[smem:$0x3FC1] =	sst s0  }
0x8c: {  	_ = 	snop  }
0x8d: {  	s31 =	sld [smem:$0x3FC9]  }
0x8e: {  	s2 =	sld [smem:$0x3FC8]  }
0x8f: {  	s3 =	sld [smem:$0x3FC7]  }
0x90: {  	s4 =	sld [smem:$0x3FC6]  }
0x91: {  	s5 =	sld [smem:$0x3FC5]  }
0x92: {  	s6 =	sld [smem:$0x3FC4]  }
0x93: {  	s7 =	sld [smem:$0x3FC3]  }
0x94: {  	s8 =	sld [smem:$0x3FD0];
	(tm) =	ssettm $0x1  }
0x95: {  	s12 =	sld [smem:$0x3FFB];
	_ =	sdelay $0x3  }
0x96: {  	_ =	strace s12  }
0x97: {  	s0 =	sld [smem:$0x3FFC];
	_ =	sdelay $0x3  }
0x98: {  	_ =	strace s0  }
0x99: {  	s0 =	sld [smem:$0x3FFD];
	_ =	sdelay $0x3  }
0x9a: {  	_ =	strace s0  }
0x9b: {  	_ =	strace $0x8FFFFFFF  }
0x9c: {  	s13 =	sld [smem:$0x3FDB];
	_ =	sdelay $0x1  }
0x9d: {  	s9 =	simm.s32 $_scs_section_size  }
0x9e: {  	s10 =	simm.s32 $_size__tile_task_arg_handler_lowered;
	s11 =	simm.s32 $_tile_task_arg_handler_lowered  }
0x9f: {  	s16 =	simm.s32 $0x1BFF;
	s15 =	sshll.u32 s11, $0x1;
	s9 =	sadd.s32 s9, s13  }
0xa0: {  	s14 =	sshll.u32 s10, $0x1;
	s12 =	simm.s32 $0x60;
	s10 =	sadd.s32 s15, s9  }
0xa1: {  	[timem:s12], [sflag:s16] =	dma.local [hbm:s10], s14  }
0xa2: {  	_ =	swait.ge [sflag:s16], s14  }
0xa3: {  	s17 =	simm.s32 $_tile_overlayer_lowered;
	s0 =	ssub.s32 $0x0, s14;
	[sflag:s16] =	ssyncset.done $0x0  }
0xa4: {  	s18 =	simm.s32 $_size__tile_overlayer_lowered;
	s10 =	sshll.u32 s17, $0x1;
	[sflag:s16] =	ssyncadd.s32 s0  }
0xa5: {  	s20 =	simm.s32 $0x0;
	s19 =	sshll.u32 s18, $0x1;
	s10 =	sadd.s32 s10, s9  }
0xa6: {  	[timem:s20], [sflag:s16] =	dma.local [hbm:s10], s19  }
0xa7: {  	_ =	swait.ge [sflag:s16], s19  }
0xa8: {  	s21 =	ssub.s32 $0x0, s19;
	[sflag:s16] =	ssyncset.done $0x0  }
0xa9: {  	[sflag:s16] =	ssyncadd.s32 s21;
	_ =	sdelay $0x1  }
0xaa: {  	s22 =	simm.s32 $0x1B8B  }
0xab: {  	_ =	swait.ge [sflag:s22], $0x1  }
0xac: {  	[sflag:s22] =	ssyncset.done $0x0  }
0xad: {  	s23 =	simm.s32 $0x1B8E;
	[sflag:s22] =	ssyncadd.s32 $0xFFFFFFFF  }
0xae: {  	s24 =	simm.s32 $execute0_lowered;
	[smem:$0x3FD2] =	sst s23  }
0xaf: {  	s10 =	sshll.u32 s24, $0x1;
	_ =	strace $0x80000046;
	[dreg:$0x1] =	wrdreg $0xFFFFFFFF  }
0xb0: {  	s25 =	simm.s32 $_size_execute0_lowered;
	s9 =	sadd.s32 s9, s10;
	[dreg:$0x0] =	wrdreg $0x0  }
0xb1: {  	s10 =	sshll.u32 s25, $0x1;
	[dreg:$0x2] =	wrdreg s9  }
0xb2: {  	[dreg:$0x3] =	wrdreg s10  }
0xb3: {  	[dreg:$0x4] =	wrdreg $0xC0  }
0xb4: {  	_ =	task [dreg:s20], $0x5FFFF  }
0xb5: {  	[dreg:$0x1] =	wrdreg $0xFFFFFFFF  }
0xb6: {  	[dreg:$0x0] =	wrdreg $0x30  }
0xb7: {  	[dreg:$0x2] =	wrdreg $0x0  }
0xb8: {  	[dreg:$0x3] =	wrdreg $0x24C00  }
0xb9: {  	[dreg:$0x4] =	wrdreg $0x9  }
0xba: {  	_ =	task [dreg:s20], $0x5FFFF  }
0xbb: {  	[dreg:$0x1] =	wrdreg $0xFFFFFFFF  }
0xbc: {  	[dreg:$0x0] =	wrdreg $0x60  }
0xbd: {  	[dreg:$0x2] =	wrdreg s31  }
0xbe: {  	[dreg:$0x3] =	wrdreg s2  }
0xbf: {  	[dreg:$0x4] =	wrdreg s3  }
0xc0: {  	[dreg:$0x5] =	wrdreg s4  }
0xc1: {  	[dreg:$0x6] =	wrdreg s5  }
0xc2: {  	[dreg:$0x7] =	wrdreg s6  }
0xc3: {  	[dreg:$0x8] =	wrdreg s7  }
0xc4: {  	[dreg:$0x9] =	wrdreg s8  }
0xc5: {  	[dreg:$0xa] =	wrdreg $0x49800  }
0xc6: {  	[dreg:$0xb] =	wrdreg $0xC400  }
0xc7: {  	[dreg:$0xc] =	wrdreg $0x0  }
0xc8: {  	[dreg:$0xd] =	wrdreg $0x31000  }
0xc9: {  	[dreg:$0xe] =	wrdreg $0x3D400  }
0xca: {  	[dreg:$0xf] =	wrdreg $0x18800  }
0xcb: {  	_ =	task.clear_ibuf [dreg:s20], $0x10FFFF;
	_ =	strace $0x90000046  }
0xcc: {  	s26 =	simm.s32 $0x9;
	_ =	strace $0x80000048  }
0xcd: {  	_ =	swait.ge [sflag:s26], $0x1  }
0xce: {  	[sflag:s26] =	ssyncadd.s32 $0xFFFFFFFF  }
0xcf: {  	_ =	strace $0x90000048  }
0xd0: {  	_ =	sfence  }
0xd1: {  	s28 =	sld [smem:$0x0];
	_ =	sdelay $0x1  }
0xd2: {  	s29 =	srdreg.scid  }
0xd3: {  	s30 =	sshll.u32 s29, $0xD;
	s31 =	sshrl.u32 s29, $0x2  }
0xd4: {  	s2 =	sand.u32 $0x1, s29;
	s3 =	sand.u32 $0x4000, s30;
	s1 =	sadd.s32 s31, s28  }
0xd5: {  	s2 =	sor.u32 s3, s2;
	s1 =	sshll.u32 s1, $0x11  }
0xd6: {  	s1 =	sor.u32 s1, s2  }
0xd7: {  	s1 =	sadd.s32 $0x8F2B, s1  }
0xd8: {  	[sflag:s1] =	ssyncadd.remote.s32 $0x1  }
0xd9: {  	_ =	sfence.sel $0xFFFF  }
0xda: {  	[dreg:$0x0] =	wrdreg $0xFFFFFFFF;
	(pc) =	sbr.abs _section_cstart, $3  }
0xdb: {  	[dreg:$0x1] =	wrdreg $0xFFFFFFFF  }
0xdc: {  	_ =	task.clear_ibuf [dreg:s20], $0x2FFFF;
	_ =	strace $0x9FFFFFFF  }
0xdd: {  	(tm) =	ssettm $0x7FFFFFFF  }
tec
_tile_task_arg_handler_lowered:
.L_overlay_start_1:
0x0: {  	(tag) =	ssettag $0x1  }
0x1: {  	s0 =	rddreg [dreg:$0x0]  }
0x2: {  	s1 =	rddreg [dreg:$0x1]  }
0x3: {  	s2 =	rddreg [dreg:$0x2]  }
0x4: {  	s3 =	rddreg [dreg:$0x3]  }
0x5: {  	s4 =	rddreg [dreg:$0x4]  }
0x6: {  	s5 =	rddreg [dreg:$0x5]  }
0x7: {  	s6 =	rddreg [dreg:$0x6]  }
0x8: {  	s7 =	rddreg [dreg:$0x7]  }
0x9: {  	s8 =	rddreg [dreg:$0x8]  }
0xa: {  	s9 =	rddreg [dreg:$0x9]  }
0xb: {  	s10 =	rddreg [dreg:$0xa]  }
0xc: {  	s11 =	rddreg [dreg:$0xb]  }
0xd: {  	s12 =	rddreg [dreg:$0xc]  }
0xe: {  	s13 =	rddreg [dreg:$0xd]  }
0xf: {  	[smem:s0] =	sst s1  }
0x10: {  	[smem:s0+$0x1] =	sst s2  }
0x11: {  	[smem:s0+$0x2] =	sst s3  }
0x12: {  	[smem:s0+$0x3] =	sst s4  }
0x13: {  	[smem:s0+$0x4] =	sst s5  }
0x14: {  	[smem:s0+$0x5] =	sst s6  }
0x15: {  	[smem:s0+$0x6] =	sst s7  }
0x16: {  	[smem:s0+$0x7] =	sst s8  }
0x17: {  	[smem:s0+$0x8] =	sst s9  }
0x18: {  	[smem:s0+$0x9] =	sst s10  }
0x19: {  	[smem:s0+$0xA] =	sst s11  }
0x1a: {  	[smem:s0+$0xB] =	sst s12  }
0x1b: {  	[smem:s0+$0xC] =	sst s13;
	_ =	shalt  }
.Lfunc_end2:
execute0_lowered:
.L_overlay_start_2:
0x1c: {  	(tag) =	ssettag $0x2  }
0x1d: {  	s11 =	rddreg [dreg:$0x0]  }
0x1e: {  	s3 =	rddreg [dreg:$0x1]  }
0x1f: {  	s4 =	rddreg [dreg:$0x2]  }
0x20: {  	s16 =	rddreg [dreg:$0x3]  }
0x21: {  	s2 =	rddreg [dreg:$0x4]  }
0x22: {  	s5 =	rddreg [dreg:$0x5]  }
0x23: {  	s12 =	rddreg [dreg:$0x6]  }
0x24: {  	s1 =	rddreg [dreg:$0x7]  }
0x25: {  	s6 =	rddreg [dreg:$0x8]  }
0x26: {  	s7 =	rddreg [dreg:$0x9]  }
0x27: {  	s8 =	rddreg [dreg:$0xa]  }
0x28: {  	s17 =	rddreg [dreg:$0xb]  }
0x29: {  	s15 =	rddreg [dreg:$0xc]  }
0x2a: {  	s9 =	rddreg [dreg:$0xd];
	s13 =	simm.s32 $0x0  }
0x2b: {  	[smem:$0x7FF] =	sst s13  }
0x2c: {  	s14 =	simm.s32 $0x1F7D0;
	s10 =	sld [smem:$0x0]  }
0x2d: {  	s29 =	simm.s32 $0x1;
	s0 =	sld [smem:$0x1];
	_ =	strace $0x80000047  }
0x2e: {  	[tilespmem:s14], [sflag:$0x1] =	stream.linear.gather [hbm4b:s2+s13], $0x80, $0x38;
	[tilespmem:$0x1F950] =	vst v63  }
0x2f: {  	_ =	swait.ge [sflag:s29], $0x80  }
0x30: {  	[sflag:s29] =	ssyncset.done $0x0  }
0x31: {  	s30 =	simm.s32 $0x1F850;
	[sflag:s29] =	ssyncadd.s32 $0xFFFFFF80  }
0x32: {  	[tilespmem:s30], [sflag:$0x1] =	stream.linear.gather [hbm4b:s5+s13], $0x80, $0x38;
	[tilespmem:$0x1F950] =	vst v63  }
0x33: {  	_ =	swait.ge [sflag:s29], $0x80  }
0x34: {  	[sflag:s29] =	ssyncset.done $0x0  }
0x35: {  	s31 =	simm.s32 $0x1F8D0;
	[sflag:s29] =	ssyncadd.s32 $0xFFFFFF80  }
0x36: {  	[tilespmem:s31], [sflag:$0x1] =	stream.linear.gather [hbm4b:s12+s13], $0x80, $0x38;
	[tilespmem:$0x1F950] =	vst v63  }
0x37: {  	_ =	swait.ge [sflag:s29], $0x80  }
0x38: {  	s2 =	stileid.u32;
	[sflag:s29] =	ssyncset.done $0x0  }
0x39: {  	v0 =	vimm.f32 $1.000000000e+00;
	s5 =	simm.s32 $0x40;
	s12 =	simm.s32 $0x0;
	[sflag:s29] =	ssyncadd.s32 $0xFFFFFF80  }
.LBB3_1:
0x3a: {  	p0 =	sne.s32 s5, $0x30C0;
	[tilespmem:s12+$0x1EB50] =	vst v0;
	s12 =	smov.u32 s5;
	s5 =	sadd.s32 $0x40, s5  }
.Ltmp0:
0x3b: {  	(pc) =	sbr.rel @p0 .LBB3_1-.Ltmp0, $2  }
0x3c: {  	_ =	sdelay $0x2  }
0x3d: {  	s12 =	sshra.s32 s12, $0x2  }
0x3e: {  	s14 =	smul.u32 $0xC40, s2;
	_ =	sdelay $0x1  }
0x3f: {  	[tilespmem:s12+$0x1EB50] =	vst v0;
	s5 =	simm.s32 $0x1EB50;
	s19 =	simm.s32 $0x1;
	s18 =	sadd.s32 s14, s6  }
0x40: {  	[spmem:s18] =	stream.linear.scatter [tilespmem:s5], [sflag:$0x1], $0xC40, $0x38;
	[tilespmem:$0x1F950] =	vst v63  }
0x41: {  	_ =	swait.ge [sflag:s19], $0xC40  }
0x42: {  	[sflag:s19] =	ssyncset.done $0x0  }
0x43: {  	s13 =	sadd.s32 s14, s7;
	[sflag:s19] =	ssyncadd.s32 $0xFFFFF3C0  }
0x44: {  	[spmem:s13] =	stream.linear.scatter [tilespmem:s5], [sflag:$0x1], $0xC40, $0x38;
	[tilespmem:$0x1F950] =	vst v63  }
0x45: {  	_ =	swait.ge [sflag:s19], $0xC40  }
0x46: {  	s21 =	simm.s32 $0x0;
	s5 =	sshrl.u32 s14, $0x3;
	[sflag:s19] =	ssyncset.done $0x0  }
0x47: {  	s20 =	simm.s32 $0x1D250;
	s11 =	sadd.s32 s11, s5;
	[sflag:s19] =	ssyncadd.s32 $0xFFFFF3C0  }
0x48: {  	[tilespmem:s20], [sflag:$0x1] =	stream.linear.gather [hbm4b:s11+s21], $0xC40, $0x38;
	[tilespmem:$0x1F950] =	vst v63  }
0x49: {  	_ =	swait.ge [sflag:s19], $0xC40  }
0x4a: {  	[sflag:s19] =	ssyncset.done $0x0  }
0x4b: {  	s11 =	sadd.s32 s14, s8;
	[sflag:s19] =	ssyncadd.s32 $0xFFFFF3C0  }
0x4c: {  	[spmem:s11] =	stream.linear.scatter [tilespmem:s20], [sflag:$0x1], $0xC40, $0x38;
	[tilespmem:$0x1F950] =	vst v63  }
0x4d: {  	s12 =	smul.u32 $0xC350, s2;
	_ =	swait.ge [sflag:s19], $0xC40  }
0x4e: {  	[sflag:s19] =	ssyncset.done $0x0  }
0x4f: {  	s24 =	sshrl.u32 s12, $0x3;
	[sflag:s19] =	ssyncadd.s32 $0xFFFFF3C0  }
0x50: {  	s22 =	simm.s32 $0x13450;
	s23 =	sadd.s32 s4, s24;
	[bflag:$0x0] =	sbarrier.arrive $0xFFFF  }
0x51: {  	[tilespmem:s22], [sflag:$0x1] =	stream.linear.gather [hbm4b:s23+s21], $0x2710, $0x38;
	[tilespmem:$0x1F950] =	vst v63  }
0x52: {  	_ =	swait.ge [sflag:s19], $0x2710  }
0x53: {  	[sflag:s19] =	ssyncset.done $0x0  }
0x54: {  	s25 =	sadd.s32 s16, s24;
	s23 =	simm.s32 $0x15BD0;
	[sflag:s19] =	ssyncadd.s32 $0xFFFFD8F0  }
0x55: {  	[tilespmem:s23], [sflag:$0x1] =	stream.linear.gather [hbm4b:s25+s21], $0x2710, $0x38;
	[tilespmem:$0x1F950] =	vst v63  }
0x56: {  	_ =	swait.ge [sflag:s19], $0x2710  }
0x57: {  	[sflag:s19] =	ssyncset.done $0x0  }
0x58: {  	s25 =	simm.s32 $0x2710;
	[sflag:s19] =	ssyncadd.s32 $0xFFFFD8F0  }
0x59: {  	[spmem:s6] =	stream.indirect.scatter.add.f32 [tilespmem:s23], [sflag:$0x1], $0x1, s22, s25, $0xb8;
	[tilespmem:$0x1F950] =	vst v63  }
0x5a: {  	_ =	swait.ge [sflag:s19], $0x2710  }
0x5b: {  	s26 =	sadd.s32 $0x4E2, s24;
	[sflag:s19] =	ssyncset.done $0x0  }
0x5c: {  	s28 =	sadd.s32 s4, s26;
	[sflag:s19] =	ssyncadd.s32 $0xFFFFD8F0  }
0x5d: {  	[tilespmem:s22], [sflag:$0x1] =	stream.linear.gather [hbm4b:s28+s21], $0x2710, $0x38;
	[tilespmem:$0x1F950] =	vst v63  }
0x5e: {  	_ =	swait.ge [sflag:s19], $0x2710  }
0x5f: {  	[sflag:s19] =	ssyncset.done $0x0  }
0x60: {  	s26 =	sadd.s32 s16, s26;
	[sflag:s19] =	ssyncadd.s32 $0xFFFFD8F0  }
0x61: {  	[tilespmem:s23], [sflag:$0x1] =	stream.linear.gather [hbm4b:s26+s21], $0x2710, $0x38;
	[tilespmem:$0x1F950] =	vst v63  }
0x62: {  	_ =	swait.ge [sflag:s19], $0x2710  }
0x63: {  	[sflag:s19] =	ssyncset.done $0x0  }
0x64: {  	[sflag:s19] =	ssyncadd.s32 $0xFFFFD8F0  }
0x65: {  	[spmem:s6] =	stream.indirect.scatter.add.f32 [tilespmem:s23], [sflag:$0x1], $0x1, s22, s25, $0xb8;
	[tilespmem:$0x1F950] =	vst v63  }
0x66: {  	_ =	swait.ge [sflag:s19], $0x2710  }
0x67: {  	s30 =	sadd.s32 $0x9C4, s24;
	[sflag:s19] =	ssyncset.done $0x0  }
0x68: {  	s31 =	sadd.s32 s4, s30;
	[sflag:s19] =	ssyncadd.s32 $0xFFFFD8F0  }
0x69: {  	[tilespmem:s22], [sflag:$0x1] =	stream.linear.gather [hbm4b:s31+s21], $0x2710, $0x38;
	[tilespmem:$0x1F950] =	vst v63  }
0x6a: {  	_ =	swait.ge [sflag:s19], $0x2710  }
0x6b: {  	[sflag:s19] =	ssyncset.done $0x0  }
0x6c: {  	s26 =	sadd.s32 s16, s30;
	[sflag:s19] =	ssyncadd.s32 $0xFFFFD8F0  }
0x6d: {  	[tilespmem:s23], [sflag:$0x1] =	stream.linear.gather [hbm4b:s26+s21], $0x2710, $0x38;
	[tilespmem:$0x1F950] =	vst v63  }
0x6e: {  	_ =	swait.ge [sflag:s19], $0x2710  }
0x6f: {  	[sflag:s19] =	ssyncset.done $0x0  }
0x70: {  	[sflag:s19] =	ssyncadd.s32 $0xFFFFD8F0  }
0x71: {  	[spmem:s6] =	stream.indirect.scatter.add.f32 [tilespmem:s23], [sflag:$0x1], $0x1, s22, s25, $0xb8;
	[tilespmem:$0x1F950] =	vst v63  }
0x72: {  	_ =	swait.ge [sflag:s19], $0x2710  }
0x73: {  	s29 =	sadd.s32 $0xEA6, s24;
	[sflag:s19] =	ssyncset.done $0x0  }
0x74: {  	s30 =	sadd.s32 s4, s29;
	[sflag:s19] =	ssyncadd.s32 $0xFFFFD8F0  }
0x75: {  	[tilespmem:s22], [sflag:$0x1] =	stream.linear.gather [hbm4b:s30+s21], $0x2710, $0x38;
	[tilespmem:$0x1F950] =	vst v63  }
0x76: {  	_ =	swait.ge [sflag:s19], $0x2710  }
0x77: {  	[sflag:s19] =	ssyncset.done $0x0  }
0x78: {  	s26 =	sadd.s32 s16, s29;
	[sflag:s19] =	ssyncadd.s32 $0xFFFFD8F0  }
0x79: {  	[tilespmem:s23], [sflag:$0x1] =	stream.linear.gather [hbm4b:s26+s21], $0x2710, $0x38;
	[tilespmem:$0x1F950] =	vst v63  }
0x7a: {  	_ =	swait.ge [sflag:s19], $0x2710  }
0x7b: {  	[sflag:s19] =	ssyncset.done $0x0  }
0x7c: {  	[sflag:s19] =	ssyncadd.s32 $0xFFFFD8F0  }
0x7d: {  	[spmem:s6] =	stream.indirect.scatter.add.f32 [tilespmem:s23], [sflag:$0x1], $0x1, s22, s25, $0xb8;
	[tilespmem:$0x1F950] =	vst v63  }
0x7e: {  	_ =	swait.ge [sflag:s19], $0x2710  }
0x7f: {  	s24 =	sadd.s32 $0x1388, s24;
	[sflag:s19] =	ssyncset.done $0x0  }
0x80: {  	s31 =	sadd.s32 s4, s24;
	[sflag:s19] =	ssyncadd.s32 $0xFFFFD8F0  }
0x81: {  	[tilespmem:s22], [sflag:$0x1] =	stream.linear.gather [hbm4b:s31+s21], $0x2710, $0x38;
	[tilespmem:$0x1F950] =	vst v63  }
0x82: {  	_ =	swait.ge [sflag:s19], $0x2710  }
0x83: {  	[sflag:s19] =	ssyncset.done $0x0  }
0x84: {  	s24 =	sadd.s32 s16, s24;
	[sflag:s19] =	ssyncadd.s32 $0xFFFFD8F0  }
0x85: {  	[tilespmem:s23], [sflag:$0x1] =	stream.linear.gather [hbm4b:s24+s21], $0x2710, $0x38;
	[tilespmem:$0x1F950] =	vst v63  }
0x86: {  	_ =	swait.ge [sflag:s19], $0x2710  }
0x87: {  	[sflag:s19] =	ssyncset.done $0x0  }
0x88: {  	[sflag:s19] =	ssyncadd.s32 $0xFFFFD8F0  }
0x89: {  	[spmem:s6] =	stream.indirect.scatter.add.f32 [tilespmem:s23], [sflag:$0x1], $0x1, s22, s25, $0xb8;
	[tilespmem:$0x1F950] =	vst v63  }
0x8a: {  	_ =	swait.ge [sflag:s19], $0x2710  }
0x8b: {  	[sflag:s19] =	ssyncset.done $0x0  }
0x8c: {  	[sflag:s19] =	ssyncadd.s32 $0xFFFFD8F0  }
0x8d: {  	[bflag:$0x0] =	sbarrier.arrive $0xFFFF  }
0x8e: {  	[tilespmem:s20], [sflag:$0x1] =	stream.linear.gather [spmem:s18], $0xC40, $0x38;
	[tilespmem:$0x1F950] =	vst v63  }
0x8f: {  	_ =	swait.ge [sflag:s19], $0xC40  }
0x90: {  	[sflag:s19] =	ssyncset.done $0x0  }
0x91: {  	[sflag:s19] =	ssyncadd.s32 $0xFFFFF3C0;
	s19 =	simm.s32 $0x0  }
0x92: {  	v0 =	vld [tilespmem:s19+$0x1D250];
	_ =	sdelay $0x4  }
0x93: {  	s18 =	simm.s32 $0x10;
	v1 =	vshra.s32 v0, $0x1;
	v2 =	vmul.f32 $5.000000000e-01, v0  }
0x94: {  	v0 =	vld [tilespmem:s18+$0x1D250];
	v1 =	vsub.s32 $0x5F3759DF, v1  }
0x95: {  	v3 =	vmul.f32 v1, v2;
	_ =	sdelay $0x1  }
0x96: {  	v3 =	vmul.f32 v1, v3  }
0x97: {  	s20 =	simm.s32 $0x20  }
0x98: {  	v5 =	vld [tilespmem:s20+$0x1D250];
	v4 =	vshra.s32 v0, $0x1;
	v6 =	vmul.f32 $5.000000000e-01, v0;
	v0 =	vsub.f32 $1.500000000e+00, v3  }
0x99: {  	v3 =	vsub.s32 $0x5F3759DF, v4  }
0x9a: {  	v4 =	vmul.f32 v3, v6;
	v1 =	vmul.f32 v1, v0;
	_ =	sdelay $0x1  }
0x9b: {  	v4 =	vmul.f32 v3, v4;
	v7 =	vmul.f32 v1, v2  }
0x9c: {  	s21 =	simm.s32 $0x30;
	v8 =	vshra.s32 v5, $0x1;
	v0 =	vmul.f32 $5.000000000e-01, v5  }
0x9d: {  	v8 =	vsub.s32 $0x5F3759DF, v8;
	v5 =	vld [tilespmem:s21+$0x1D250];
	v4 =	vsub.f32 $1.500000000e+00, v4;
	v7 =	vmul.f32 v7, v1  }
0x9e: {  	v9 =	vmul.f32 v8, v0  }
0x9f: {  	v3 =	vmul.f32 v3, v4;
	v4 =	vsub.f32 $1.500000000e+00, v7  }
0xa0: {  	v7 =	vmul.f32 v8, v9  }
0xa1: {  	s22 =	simm.s32 $0x40;
	v9 =	vmul.f32 v3, v6;
	v10 =	vmul.f32 v4, v1  }
0xa2: {  	v11 =	vld [tilespmem:s22+$0x1D250];
	v4 =	vshra.s32 v5, $0x1;
	v1 =	vmul.f32 $5.000000000e-01, v5;
	v5 =	vsub.f32 $1.500000000e+00, v7  }
0xa3: {  	v7 =	vmul.f32 v9, v3;
	v9 =	vsub.s32 $0x5F3759DF, v4;
	v2 =	vmul.f32 v10, v2  }
0xa4: {  	v12 =	vmul.f32 v9, v1;
	v4 =	vmul.f32 v8, v5  }
0xa5: {  	v5 =	vsub.f32 $1.500000000e+00, v7;
	v2 =	vmul.f32 v2, v10  }
0xa6: {  	v7 =	vmul.f32 v9, v12;
	v8 =	vmul.f32 v4, v0  }
0xa7: {  	v12 =	vshra.s32 v11, $0x1;
	v3 =	vmul.f32 v5, v3;
	v13 =	vsub.f32 $1.500000000e+00, v2  }
0xa8: {  	s23 =	simm.s32 $0x50;
	v2 =	vmul.f32 $5.000000000e-01, v11;
	v7 =	vsub.f32 $1.500000000e+00, v7;
	v11 =	vmul.f32 v8, v4  }
0xa9: {  	v5 =	vsub.s32 $0x5F3759DF, v12;
	v12 =	vmul.f32 v3, v6;
	v6 =	vld [tilespmem:s23+$0x1D250];
	v13 =	vmul.f32 v13, v10  }
0xaa: {  	v14 =	vmul.f32 v5, v2;
	v8 =	vmul.f32 v9, v7  }
0xab: {  	v9 =	vmul.f32 v12, v3;
	v7 =	vmul.f32 v13, v13  }
0xac: {  	s24 =	simm.s32 $0x180;
	v10 =	vsub.f32 $1.500000000e+00, v11;
	[tilespmem:s19+$0x1DED0] =	vst v13;
	v12 =	vmul.f32 v5, v14;
	v11 =	vmul.f32 v8, v1  }
.LBB3_3:
0xad: {  	s25 =	sshra.s32 s24, $0x2  }
0xae: {  	v13 =	vshra.s32 v6, $0x1;
	v10 =	vmul.f32 v10, v4;
	v9 =	vsub.f32 $1.500000000e+00, v9;
	[tilespmem:s19+$0x1EB50] =	vst v7;
	v4 =	vmovc v8;
	s19 =	smov.u32 s18;
	s18 =	smov.u32 s20;
	p0 =	sne.s32 s24, $0x30C0  }
.Ltmp1:
0xaf: {  	v7 =	vmul.f32 $5.000000000e-01, v6;
	s20 =	smov.u32 s21;
	s21 =	smov.u32 s22;
	v6 =	vld [tilespmem:s25+$0x1D250];
	v8 =	vsub.f32 $1.500000000e+00, v12;
	v11 =	vmul.f32 v11, v4;
	(pc) =	sbr.rel @p0 .LBB3_3-.Ltmp1, $4  }
0xb0: {  	s24 =	sadd.s32 $0x40, s24;
	s22 =	smov.u32 s23;
	v12 =	vsub.s32 $0x5F3759DF, v13;
	v13 =	vmul.f32 v10, v0;
	v14 =	vmul.f32 v9, v3;
	v3 =	vmovc v10;
	v0 =	vmovc v1  }
0xb1: {  	s23 =	smov.u32 s25;
	v15 =	vmul.f32 v12, v7;
	v1 =	vmovc v2;
	v2 =	vmovc v7;
	v8 =	vmul.f32 v5, v8;
	v5 =	vmov v12  }
0xb2: {  	v10 =	vsub.f32 $1.500000000e+00, v11;
	v9 =	vmul.f32 v13, v3;
	[tilespmem:s19+$0x1DED0] =	vst v14;
	v7 =	vmul.f32 v14, v14  }
0xb3: {  	v12 =	vmul.f32 v5, v15;
	v11 =	vmul.f32 v8, v1  }
0xb4: {  	v13 =	vshra.s32 v6, $0x1;
	v44 =	vmul.f32 $5.000000000e-01, v6  }
0xb5: {  	v13 =	vsub.s32 $0x5F3759DF, v13  }
0xb6: {  	v14 =	vmul.f32 v13, v44;
	_ =	sdelay $0x1  }
0xb7: {  	v12 =	vsub.f32 $1.500000000e+00, v12;
	v14 =	vmul.f32 v13, v14;
	_ =	sdelay $0x1  }
0xb8: {  	v5 =	vmul.f32 v5, v12;
	v45 =	vsub.f32 $1.500000000e+00, v14  }
0xb9: {  	v11 =	vmul.f32 v11, v8  }
0xba: {  	v46 =	vmul.f32 v5, v2;
	v12 =	vmul.f32 v13, v45  }
0xbb: {  	v4 =	vmul.f32 v10, v4;
	v47 =	vsub.f32 $1.500000000e+00, v11  }
0xbc: {  	v48 =	vmul.f32 v46, v5;
	v49 =	vmul.f32 v12, v44  }
0xbd: {  	v0 =	vmul.f32 v4, v0;
	v50 =	vmul.f32 v47, v8  }
0xbe: {  	v51 =	vsub.f32 $1.500000000e+00, v48;
	v52 =	vmul.f32 v49, v12  }
0xbf: {  	v9 =	vsub.f32 $1.500000000e+00, v9;
	v0 =	vmul.f32 v0, v4;
	v1 =	vmul.f32 v50, v1  }
0xc0: {  	v5 =	vmul.f32 v51, v5;
	v53 =	vsub.f32 $1.500000000e+00, v52  }
0xc1: {  	v3 =	vmul.f32 v9, v3;
	v0 =	vsub.f32 $1.500000000e+00, v0;
	v1 =	vmul.f32 v1, v50  }
0xc2: {  	v54 =	vmul.f32 v5, v2;
	v55 =	vmul.f32 v53, v12  }
0xc3: {  	v56 =	vmul.f32 v3, v3;
	v0 =	vmul.f32 v0, v4  }
0xc4: {  	[tilespmem:s19+$0x1EB50] =	vst v7;
	v1 =	vsub.f32 $1.500000000e+00, v1;
	v2 =	vmul.f32 v54, v5;
	v57 =	vmul.f32 v55, v44  }
0xc5: {  	[tilespmem:s18+$0x1DED0] =	vst v3;
	v58 =	vmul.f32 v0, v0  }
0xc6: {  	[tilespmem:s18+$0x1EB50] =	vst v56;
	v1 =	vmul.f32 v1, v50;
	v2 =	vsub.f32 $1.500000000e+00, v2;
	v4 =	vmul.f32 v57, v55  }
0xc7: {  	[tilespmem:s20+$0x1DED0] =	vst v0  }
0xc8: {  	[tilespmem:s20+$0x1EB50] =	vst v58;
	v59 =	vmul.f32 v1, v1;
	v2 =	vmul.f32 v2, v5;
	v60 =	vsub.f32 $1.500000000e+00, v4  }
0xc9: {  	[tilespmem:s21+$0x1DED0] =	vst v1  }
0xca: {  	[tilespmem:s21+$0x1EB50] =	vst v59;
	v61 =	vmul.f32 v2, v2;
	v62 =	vmul.f32 v60, v55  }
0xcb: {  	[tilespmem:s22+$0x1DED0] =	vst v2  }
0xcc: {  	[tilespmem:s22+$0x1EB50] =	vst v61;
	v63 =	vmul.f32 v62, v62  }
0xcd: {  	[tilespmem:s23+$0x1DED0] =	vst v62  }
0xce: {  	s29 =	sadd.s32 s14, s17;
	s30 =	simm.s32 $0x1DED0;
	s18 =	simm.s32 $0x1;
	[tilespmem:s23+$0x1EB50] =	vst v63  }
0xcf: {  	[spmem:s29] =	stream.linear.scatter [tilespmem:s30], [sflag:$0x1], $0xC40, $0x38;
	[tilespmem:$0x1F950] =	vst v63  }
0xd0: {  	_ =	swait.ge [sflag:s18], $0xC40  }
0xd1: {  	[sflag:s18] =	ssyncset.done $0x0  }
0xd2: {  	s15 =	sadd.s32 s14, s15;
	s31 =	simm.s32 $0x1EB50;
	[sflag:s18] =	ssyncadd.s32 $0xFFFFF3C0  }
0xd3: {  	[spmem:s15] =	stream.linear.scatter [tilespmem:s31], [sflag:$0x1], $0xC40, $0x38;
	[tilespmem:$0x1F950] =	vst v63  }
0xd4: {  	s19 =	simm.s32 $0x0;
	s24 =	simm.s32 $0x18350;
	_ =	swait.ge [sflag:s18], $0xC40  }
0xd5: {  	s25 =	simm.s32 $0x1AAD0;
	s26 =	simm.s32 $0x0;
	[sflag:s18] =	ssyncset.done $0x0  }
0xd6: {  	s20 =	simm.s32 $0x10CD0;
	s21 =	simm.s32 $0x13450;
	[sflag:s18] =	ssyncadd.s32 $0xFFFFF3C0  }
0xd7: {  	s22 =	simm.s32 $0x15BD0;
	s23 =	simm.s32 $0x2710;
	[bflag:$0x0] =	sbarrier.arrive $0xFFFF  }
.LBB3_5:
0xd8: {  	s28 =	smul.u32 $0x2710, s26;
	_ =	sdelay $0x1  }
0xd9: {  	s28 =	sadd.s32 s12, s28  }
0xda: {  	s29 =	sshrl.u32 s28, $0x3  }
0xdb: {  	s30 =	sadd.s32 s3, s29  }
0xdc: {  	[tilespmem:s20], [sflag:$0x1] =	stream.linear.gather [hbm4b:s30+s19], $0x2710, $0x38;
	[tilespmem:$0x1F950] =	vst v63  }
0xdd: {  	_ =	swait.ge [sflag:s18], $0x2710  }
0xde: {  	[sflag:s18] =	ssyncset.done $0x0  }
0xdf: {  	s30 =	sadd.s32 s4, s29;
	[sflag:s18] =	ssyncadd.s32 $0xFFFFD8F0  }
0xe0: {  	[tilespmem:s21], [sflag:$0x1] =	stream.linear.gather [hbm4b:s30+s19], $0x2710, $0x38;
	[tilespmem:$0x1F950] =	vst v63  }
0xe1: {  	_ =	swait.ge [sflag:s18], $0x2710  }
0xe2: {  	[sflag:s18] =	ssyncset.done $0x0  }
0xe3: {  	s29 =	sadd.s32 s16, s29;
	[sflag:s18] =	ssyncadd.s32 $0xFFFFD8F0  }
0xe4: {  	[tilespmem:s22], [sflag:$0x1] =	stream.linear.gather [hbm4b:s29+s19], $0x2710, $0x38;
	[tilespmem:$0x1F950] =	vst v63  }
0xe5: {  	_ =	swait.ge [sflag:s18], $0x2710  }
0xe6: {  	[sflag:s18] =	ssyncset.done $0x0  }
0xe7: {  	[sflag:s18] =	ssyncadd.s32 $0xFFFFD8F0  }
0xe8: {  	[tilespmem:s24], [sflag:$0x1] =	stream.indirect.gather [spmem:s17], $0x1, s20, s23, $0xb8;
	[tilespmem:$0x1F950] =	vst v63  }
0xe9: {  	_ =	swait.ge [sflag:s18], $0x2710  }
0xea: {  	[sflag:s18] =	ssyncset.done $0x0  }
0xeb: {  	[sflag:s18] =	ssyncadd.s32 $0xFFFFD8F0  }
0xec: {  	[tilespmem:s25], [sflag:$0x1] =	stream.indirect.gather [spmem:s17], $0x1, s21, s23, $0xb8;
	[tilespmem:$0x1F950] =	vst v63  }
0xed: {  	_ =	swait.ge [sflag:s18], $0x2710  }
0xee: {  	[sflag:s18] =	ssyncset.done $0x0  }
0xef: {  	s29 =	simm.s32 $0x0;
	[sflag:s18] =	ssyncadd.s32 $0xFFFFD8F0  }
0xf0: {  	v0 =	vld [tilespmem:s29+$0x18350]  }
0xf1: {  	v1 =	vld [tilespmem:s29+$0x1AAD0];
	_ =	sdelay $0x1  }
0xf2: {  	v2 =	vld [tilespmem:s29+$0x15BD0];
	_ =	sdelay $0x2  }
0xf3: {  	v1 =	vmul.f32 v1, v0  }
0xf4: {  	s30 =	simm.s32 $0x10  }
0xf5: {  	s31 =	simm.s32 $0x80;
	v0 =	vld [tilespmem:s30+$0x18350];
	v1 =	vmul.f32 v2, v1  }
.LBB3_6:
0xf6: {  	p0 =	sne.s32 s31, $0x9C00;
	v2 =	vld [tilespmem:s30+$0x1AAD0]  }
0xf7: {  	[tilespmem:s29+$0x15BD0] =	vst v1;
	s29 =	smov.u32 s30  }
0xf8: {  	v1 =	vld [tilespmem:s29+$0x15BD0]  }
.Ltmp2:
0xf9: {  	(pc) =	sbr.rel @p0 .LBB3_6-.Ltmp2, $4  }
0xfa: {  	_ = 	snop  }
0xfb: {  	v2 =	vmul.f32 v2, v0  }
0xfc: {  	s30 =	sshra.s32 s31, $0x2  }
0xfd: {  	s31 =	sadd.s32 $0x40, s31;
	v0 =	vld [tilespmem:s30+$0x18350];
	v1 =	vmul.f32 v1, v2  }
0xfe: {  	v2 =	vld [tilespmem:s30+$0x1AAD0]  }
0xff: {  	[tilespmem:s29+$0x15BD0] =	vst v1  }
0x100: {  	v1 =	vld [tilespmem:s30+$0x15BD0];
	_ =	sdelay $0x2  }
0x101: {  	v0 =	vmul.f32 v2, v0;
	_ =	sdelay $0x1  }
0x102: {  	s26 =	sadd.s32 $0x1, s26;
	v0 =	vmul.f32 v1, v0  }
0x103: {  	p0 =	sne.s32 s26, $0x5  }
.Ltmp3:
0x104: {  	s28 =	sadd.s32 s28, s6;
	[tilespmem:s30+$0x15BD0] =	vst v0;
	(pc) =	sbr.rel @p0 .LBB3_5-.Ltmp3, $4  }
0x105: {  	[spmem:s28] =	stream.linear.scatter [tilespmem:s22], [sflag:$0x1], $0x2710, $0x38;
	[tilespmem:$0x1F950] =	vst v63  }
0x106: {  	_ =	swait.ge [sflag:s18], $0x2710  }
0x107: {  	[sflag:s18] =	ssyncset.done $0x0  }
0x108: {  	[sflag:s18] =	ssyncadd.s32 $0xFFFFD8F0  }
0x109: {  	[bflag:$0x0] =	sbarrier.arrive $0xFFFF;
	s16 =	simm.s32 $0x1EB50;
	s30 =	simm.s32 $0x1  }
0x10a: {  	[tilespmem:s16], [sflag:$0x1] =	stream.linear.gather [spmem:s15], $0xC40, $0x38;
	[tilespmem:$0x1F950] =	vst v63  }
0x10b: {  	_ =	swait.ge [sflag:s30], $0xC40  }
0x10c: {  	[sflag:s30] =	ssyncset.done $0x0  }
0x10d: {  	s17 =	simm.s32 $0x1D250;
	[sflag:s30] =	ssyncadd.s32 $0xFFFFF3C0  }
0x10e: {  	[tilespmem:s17], [sflag:$0x1] =	stream.linear.gather [spmem:s11], $0xC40, $0x38;
	[tilespmem:$0x1F950] =	vst v63  }
0x10f: {  	_ =	swait.ge [sflag:s30], $0xC40  }
0x110: {  	[sflag:s30] =	ssyncset.done $0x0  }
0x111: {  	s31 =	simm.s32 $0x1DED0;
	[sflag:s30] =	ssyncadd.s32 $0xFFFFF3C0  }
0x112: {  	[tilespmem:s31], [sflag:$0x1] =	stream.linear.gather [spmem:s13], $0xC40, $0x38;
	[tilespmem:$0x1F950] =	vst v63  }
0x113: {  	_ =	swait.ge [sflag:s30], $0xC40  }
0x114: {  	[sflag:s30] =	ssyncset.done $0x0  }
0x115: {  	s16 =	simm.s32 $0x0;
	[sflag:s30] =	ssyncadd.s32 $0xFFFFF3C0  }
0x116: {  	v0 =	vld [tilespmem:s16+$0x1EB50]  }
0x117: {  	s17 =	simm.s32 $0x40;
	v1 =	vld [tilespmem:s16+$0x1D250]  }
.LBB3_9:
0x118: {  	p0 =	sne.s32 s17, $0x30C0;
	v2 =	vld [tilespmem:s16+$0x1DED0];
	_ =	sdelay $0x2  }
.Ltmp4:
0x119: {  	(pc) =	sbr.rel @p0 .LBB3_9-.Ltmp4, $4  }
0x11a: {  	v1 =	vmul.f32 v1, v0  }
0x11b: {  	s18 =	sshra.s32 s17, $0x2;
	v2 =	vmul.f32 v2, v0  }
0x11c: {  	v0 =	vld [tilespmem:s18+$0x1EB50];
	[tilespmem:s16+$0x1D250] =	vst v1  }
0x11d: {  	s17 =	sadd.s32 $0x40, s17;
	v1 =	vld [tilespmem:s18+$0x1D250];
	[tilespmem:s16+$0x1DED0] =	vst v2;
	s16 =	smov.u32 s18  }
0x11e: {  	v2 =	vld [tilespmem:s16+$0x1DED0];
	_ =	sdelay $0x3  }
0x11f: {  	v1 =	vmul.f32 v1, v0  }
0x120: {  	v63 =	vmul.f32 v2, v0  }
0x121: {  	[tilespmem:s16+$0x1D250] =	vst v1  }
0x122: {  	s17 =	simm.s32 $0x1D250;
	[tilespmem:s16+$0x1DED0] =	vst v63;
	s16 =	sadd.s32 s14, s9  }
0x123: {  	[spmem:s16] =	stream.linear.scatter [tilespmem:s17], [sflag:$0x1], $0xC40, $0x38;
	[tilespmem:$0x1F950] =	vst v63  }
0x124: {  	s17 =	simm.s32 $0x1  }
0x125: {  	_ =	swait.ge [sflag:s17], $0xC40  }
0x126: {  	[sflag:s17] =	ssyncset.done $0x0  }
0x127: {  	s18 =	simm.s32 $0x1DED0;
	s14 =	sadd.s32 s14, s10;
	[sflag:s17] =	ssyncadd.s32 $0xFFFFF3C0  }
0x128: {  	[spmem:s14] =	stream.linear.scatter [tilespmem:s18], [sflag:$0x1], $0xC40, $0x38;
	[tilespmem:$0x1F950] =	vst v63  }
0x129: {  	s19 =	simm.s32 $0x10CD0;
	s20 =	simm.s32 $0x13450;
	_ =	swait.ge [sflag:s17], $0xC40  }
0x12a: {  	s21 =	simm.s32 $0x15BD0;
	s22 =	simm.s32 $0x2710;
	[sflag:s17] =	ssyncset.done $0x0  }
0x12b: {  	s23 =	simm.s32 $0x18350;
	s24 =	simm.s32 $0x1AAD0;
	[sflag:s17] =	ssyncadd.s32 $0xFFFFF3C0  }
0x12c: {  	s25 =	simm.s32 $0x0;
	s18 =	simm.s32 $0x0;
	[bflag:$0x0] =	sbarrier.arrive $0xFFFF  }
.LBB3_11:
0x12d: {  	s26 =	smul.u32 $0x2710, s25;
	_ =	sdelay $0x1  }
0x12e: {  	s26 =	sadd.s32 s12, s26  }
0x12f: {  	s28 =	sshrl.u32 s26, $0x3  }
0x130: {  	s29 =	sadd.s32 s3, s28  }
0x131: {  	[tilespmem:s19], [sflag:$0x1] =	stream.linear.gather [hbm4b:s29+s18], $0x2710, $0x38;
	[tilespmem:$0x1F950] =	vst v63  }
0x132: {  	_ =	swait.ge [sflag:s17], $0x2710  }
0x133: {  	[sflag:s17] =	ssyncset.done $0x0  }
0x134: {  	s28 =	sadd.s32 s4, s28;
	[sflag:s17] =	ssyncadd.s32 $0xFFFFD8F0  }
0x135: {  	[tilespmem:s20], [sflag:$0x1] =	stream.linear.gather [hbm4b:s28+s18], $0x2710, $0x38;
	[tilespmem:$0x1F950] =	vst v63  }
0x136: {  	_ =	swait.ge [sflag:s17], $0x2710  }
0x137: {  	[sflag:s17] =	ssyncset.done $0x0  }
0x138: {  	s26 =	sadd.s32 s26, s6;
	[sflag:s17] =	ssyncadd.s32 $0xFFFFD8F0  }
0x139: {  	[tilespmem:s21], [sflag:$0x1] =	stream.linear.gather [spmem:s26], $0x2710, $0x38;
	[tilespmem:$0x1F950] =	vst v63  }
0x13a: {  	_ =	swait.ge [sflag:s17], $0x2710  }
0x13b: {  	[sflag:s17] =	ssyncset.done $0x0  }
0x13c: {  	[sflag:s17] =	ssyncadd.s32 $0xFFFFD8F0  }
0x13d: {  	[tilespmem:s23], [sflag:$0x1] =	stream.indirect.gather [spmem:s8], $0x1, s19, s22, $0xb8;
	[tilespmem:$0x1F950] =	vst v63  }
0x13e: {  	_ =	swait.ge [sflag:s17], $0x2710  }
0x13f: {  	[sflag:s17] =	ssyncset.done $0x0  }
0x140: {  	[sflag:s17] =	ssyncadd.s32 $0xFFFFD8F0  }
0x141: {  	[tilespmem:s24], [sflag:$0x1] =	stream.indirect.gather [spmem:s7], $0x1, s19, s22, $0xb8;
	[tilespmem:$0x1F950] =	vst v63  }
0x142: {  	_ =	swait.ge [sflag:s17], $0x2710  }
0x143: {  	[sflag:s17] =	ssyncset.done $0x0  }
0x144: {  	s26 =	simm.s32 $0x0;
	[sflag:s17] =	ssyncadd.s32 $0xFFFFD8F0  }
0x145: {  	v0 =	vld [tilespmem:s26+$0x15BD0]  }
0x146: {  	s28 =	simm.s32 $0x40;
	v1 =	vld [tilespmem:s26+$0x18350]  }
.LBB3_12:
0x147: {  	p0 =	sne.s32 s28, $0x9C00;
	v2 =	vld [tilespmem:s26+$0x1AAD0];
	_ =	sdelay $0x2  }
.Ltmp5:
0x148: {  	(pc) =	sbr.rel @p0 .LBB3_12-.Ltmp5, $4  }
0x149: {  	v1 =	vmul.f32 v1, v0  }
0x14a: {  	s29 =	sshra.s32 s28, $0x2;
	v2 =	vmul.f32 v2, v0  }
0x14b: {  	v0 =	vld [tilespmem:s29+$0x15BD0];
	[tilespmem:s26+$0x18350] =	vst v1  }
0x14c: {  	s28 =	sadd.s32 $0x40, s28;
	v1 =	vld [tilespmem:s29+$0x18350];
	[tilespmem:s26+$0x1AAD0] =	vst v2;
	s26 =	smov.u32 s29  }
0x14d: {  	v2 =	vld [tilespmem:s26+$0x1AAD0];
	_ =	sdelay $0x3  }
0x14e: {  	v1 =	vmul.f32 v1, v0  }
0x14f: {  	v63 =	vmul.f32 v2, v0  }
0x150: {  	[tilespmem:s26+$0x18350] =	vst v1  }
0x151: {  	[tilespmem:s26+$0x1AAD0] =	vst v63  }
0x152: {  	[spmem:s9] =	stream.indirect.scatter.add.f32 [tilespmem:s23], [sflag:$0x1], $0x1, s20, s22, $0xb8;
	[tilespmem:$0x1F950] =	vst v63  }
0x153: {  	s25 =	sadd.s32 $0x1, s25;
	_ =	swait.ge [sflag:s17], $0x2710  }
0x154: {  	p0 =	sne.s32 s25, $0x5;
	[sflag:s17] =	ssyncset.done $0x0  }
.Ltmp6:
0x155: {  	[sflag:s17] =	ssyncadd.s32 $0xFFFFD8F0;
	(pc) =	sbr.rel @p0 .LBB3_11-.Ltmp6, $4  }
0x156: {  	[spmem:s10] =	stream.indirect.scatter.add.f32 [tilespmem:s24], [sflag:$0x1], $0x1, s20, s22, $0xb8;
	[tilespmem:$0x1F950] =	vst v63  }
0x157: {  	_ =	swait.ge [sflag:s17], $0x2710  }
0x158: {  	[sflag:s17] =	ssyncset.done $0x0  }
0x159: {  	[sflag:s17] =	ssyncadd.s32 $0xFFFFD8F0  }
0x15a: {  	[bflag:$0x0] =	sbarrier.arrive $0xFFFF;
	s17 =	simm.s32 $0x1EB50;
	s30 =	simm.s32 $0x1  }
0x15b: {  	[tilespmem:s17], [sflag:$0x1] =	stream.linear.gather [spmem:s15], $0xC40, $0x38;
	[tilespmem:$0x1F950] =	vst v63  }
0x15c: {  	_ =	swait.ge [sflag:s30], $0xC40  }
0x15d: {  	[sflag:s30] =	ssyncset.done $0x0  }
0x15e: {  	s18 =	simm.s32 $0x1D250;
	[sflag:s30] =	ssyncadd.s32 $0xFFFFF3C0  }
0x15f: {  	[tilespmem:s18], [sflag:$0x1] =	stream.linear.gather [spmem:s16], $0xC40, $0x38;
	[tilespmem:$0x1F950] =	vst v63  }
0x160: {  	_ =	swait.ge [sflag:s30], $0xC40  }
0x161: {  	[sflag:s30] =	ssyncset.done $0x0  }
0x162: {  	s31 =	simm.s32 $0x1DED0;
	[sflag:s30] =	ssyncadd.s32 $0xFFFFF3C0  }
0x163: {  	[tilespmem:s31], [sflag:$0x1] =	stream.linear.gather [spmem:s14], $0xC40, $0x38;
	[tilespmem:$0x1F950] =	vst v63  }
0x164: {  	_ =	swait.ge [sflag:s30], $0xC40  }
0x165: {  	[sflag:s30] =	ssyncset.done $0x0  }
0x166: {  	s17 =	simm.s32 $0x0;
	[sflag:s30] =	ssyncadd.s32 $0xFFFFF3C0  }
0x167: {  	v0 =	vld [tilespmem:s17+$0x1EB50]  }
0x168: {  	s18 =	simm.s32 $0x40;
	v1 =	vld [tilespmem:s17+$0x1D250]  }
.LBB3_15:
0x169: {  	p0 =	sne.s32 s18, $0x30C0;
	v2 =	vld [tilespmem:s17+$0x1DED0];
	_ =	sdelay $0x2  }
.Ltmp7:
0x16a: {  	(pc) =	sbr.rel @p0 .LBB3_15-.Ltmp7, $4  }
0x16b: {  	v1 =	vmul.f32 v1, v0  }
0x16c: {  	s19 =	sshra.s32 s18, $0x2;
	v2 =	vmul.f32 v2, v0  }
0x16d: {  	v0 =	vld [tilespmem:s19+$0x1EB50];
	[tilespmem:s17+$0x1D250] =	vst v1  }
0x16e: {  	s18 =	sadd.s32 $0x40, s18;
	v1 =	vld [tilespmem:s19+$0x1D250];
	[tilespmem:s17+$0x1DED0] =	vst v2;
	s17 =	smov.u32 s19  }
0x16f: {  	v2 =	vld [tilespmem:s17+$0x1DED0];
	_ =	sdelay $0x3  }
0x170: {  	v1 =	vmul.f32 v1, v0  }
0x171: {  	v63 =	vmul.f32 v2, v0  }
0x172: {  	[tilespmem:s17+$0x1D250] =	vst v1  }
0x173: {  	s31 =	simm.s32 $0x1D250;
	[tilespmem:s17+$0x1DED0] =	vst v63;
	s17 =	simm.s32 $0x1  }
0x174: {  	[spmem:s11] =	stream.linear.scatter [tilespmem:s31], [sflag:$0x1], $0xC40, $0x38;
	[tilespmem:$0x1F950] =	vst v63  }
0x175: {  	_ =	swait.ge [sflag:s17], $0xC40  }
0x176: {  	[sflag:s17] =	ssyncset.done $0x0  }
0x177: {  	s18 =	simm.s32 $0x1DED0;
	[sflag:s17] =	ssyncadd.s32 $0xFFFFF3C0  }
0x178: {  	[spmem:s13] =	stream.linear.scatter [tilespmem:s18], [sflag:$0x1], $0xC40, $0x38;
	[tilespmem:$0x1F950] =	vst v63  }
0x179: {  	s19 =	simm.s32 $0x10CD0;
	s20 =	simm.s32 $0x13450;
	_ =	swait.ge [sflag:s17], $0xC40  }
0x17a: {  	s21 =	simm.s32 $0x15BD0;
	s22 =	simm.s32 $0x2710;
	[sflag:s17] =	ssyncset.done $0x0  }
0x17b: {  	s23 =	simm.s32 $0x18350;
	s24 =	simm.s32 $0x1AAD0;
	[sflag:s17] =	ssyncadd.s32 $0xFFFFF3C0  }
0x17c: {  	s25 =	simm.s32 $0x0;
	s18 =	simm.s32 $0x0;
	[bflag:$0x0] =	sbarrier.arrive $0xFFFF  }
.LBB3_17:
0x17d: {  	s26 =	smul.u32 $0x2710, s25;
	_ =	sdelay $0x1  }
0x17e: {  	s26 =	sadd.s32 s12, s26  }
0x17f: {  	s28 =	sshrl.u32 s26, $0x3  }
0x180: {  	s29 =	sadd.s32 s3, s28  }
0x181: {  	[tilespmem:s19], [sflag:$0x1] =	stream.linear.gather [hbm4b:s29+s18], $0x2710, $0x38;
	[tilespmem:$0x1F950] =	vst v63  }
0x182: {  	_ =	swait.ge [sflag:s17], $0x2710  }
0x183: {  	[sflag:s17] =	ssyncset.done $0x0  }
0x184: {  	s28 =	sadd.s32 s4, s28;
	[sflag:s17] =	ssyncadd.s32 $0xFFFFD8F0  }
0x185: {  	[tilespmem:s20], [sflag:$0x1] =	stream.linear.gather [hbm4b:s28+s18], $0x2710, $0x38;
	[tilespmem:$0x1F950] =	vst v63  }
0x186: {  	_ =	swait.ge [sflag:s17], $0x2710  }
0x187: {  	[sflag:s17] =	ssyncset.done $0x0  }
0x188: {  	s26 =	sadd.s32 s26, s6;
	[sflag:s17] =	ssyncadd.s32 $0xFFFFD8F0  }
0x189: {  	[tilespmem:s21], [sflag:$0x1] =	stream.linear.gather [spmem:s26], $0x2710, $0x38;
	[tilespmem:$0x1F950] =	vst v63  }
0x18a: {  	_ =	swait.ge [sflag:s17], $0x2710  }
0x18b: {  	[sflag:s17] =	ssyncset.done $0x0  }
0x18c: {  	[sflag:s17] =	ssyncadd.s32 $0xFFFFD8F0  }
0x18d: {  	[tilespmem:s23], [sflag:$0x1] =	stream.indirect.gather [spmem:s9], $0x1, s19, s22, $0xb8;
	[tilespmem:$0x1F950] =	vst v63  }
0x18e: {  	_ =	swait.ge [sflag:s17], $0x2710  }
0x18f: {  	[sflag:s17] =	ssyncset.done $0x0  }
0x190: {  	[sflag:s17] =	ssyncadd.s32 $0xFFFFD8F0  }
0x191: {  	[tilespmem:s24], [sflag:$0x1] =	stream.indirect.gather [spmem:s10], $0x1, s19, s22, $0xb8;
	[tilespmem:$0x1F950] =	vst v63  }
0x192: {  	_ =	swait.ge [sflag:s17], $0x2710  }
0x193: {  	[sflag:s17] =	ssyncset.done $0x0  }
0x194: {  	s26 =	simm.s32 $0x0;
	[sflag:s17] =	ssyncadd.s32 $0xFFFFD8F0  }
0x195: {  	v0 =	vld [tilespmem:s26+$0x15BD0]  }
0x196: {  	s28 =	simm.s32 $0x40;
	v1 =	vld [tilespmem:s26+$0x18350]  }
.LBB3_18:
0x197: {  	p0 =	sne.s32 s28, $0x9C00;
	v2 =	vld [tilespmem:s26+$0x1AAD0];
	_ =	sdelay $0x2  }
.Ltmp8:
0x198: {  	(pc) =	sbr.rel @p0 .LBB3_18-.Ltmp8, $4  }
0x199: {  	v1 =	vmul.f32 v1, v0  }
0x19a: {  	s29 =	sshra.s32 s28, $0x2;
	v2 =	vmul.f32 v2, v0  }
0x19b: {  	v0 =	vld [tilespmem:s29+$0x15BD0];
	[tilespmem:s26+$0x18350] =	vst v1  }
0x19c: {  	s28 =	sadd.s32 $0x40, s28;
	v1 =	vld [tilespmem:s29+$0x18350];
	[tilespmem:s26+$0x1AAD0] =	vst v2;
	s26 =	smov.u32 s29  }
0x19d: {  	v2 =	vld [tilespmem:s26+$0x1AAD0];
	_ =	sdelay $0x3  }
0x19e: {  	v1 =	vmul.f32 v1, v0  }
0x19f: {  	v63 =	vmul.f32 v2, v0  }
0x1a0: {  	[tilespmem:s26+$0x18350] =	vst v1  }
0x1a1: {  	[tilespmem:s26+$0x1AAD0] =	vst v63  }
0x1a2: {  	[spmem:s8] =	stream.indirect.scatter.add.f32 [tilespmem:s23], [sflag:$0x1], $0x1, s20, s22, $0xb8;
	[tilespmem:$0x1F950] =	vst v63  }
0x1a3: {  	s25 =	sadd.s32 $0x1, s25;
	_ =	swait.ge [sflag:s17], $0x2710  }
0x1a4: {  	p0 =	sne.s32 s25, $0x5;
	[sflag:s17] =	ssyncset.done $0x0  }
.Ltmp9:
0x1a5: {  	[sflag:s17] =	ssyncadd.s32 $0xFFFFD8F0;
	(pc) =	sbr.rel @p0 .LBB3_17-.Ltmp9, $4  }
0x1a6: {  	[spmem:s7] =	stream.indirect.scatter.add.f32 [tilespmem:s24], [sflag:$0x1], $0x1, s20, s22, $0xb8;
	[tilespmem:$0x1F950] =	vst v63  }
0x1a7: {  	_ =	swait.ge [sflag:s17], $0x2710  }
0x1a8: {  	[sflag:s17] =	ssyncset.done $0x0  }
0x1a9: {  	[sflag:s17] =	ssyncadd.s32 $0xFFFFD8F0  }
0x1aa: {  	[bflag:$0x0] =	sbarrier.arrive $0xFFFF;
	s17 =	simm.s32 $0x1EB50;
	s30 =	simm.s32 $0x1  }
0x1ab: {  	[tilespmem:s17], [sflag:$0x1] =	stream.linear.gather [spmem:s15], $0xC40, $0x38;
	[tilespmem:$0x1F950] =	vst v63  }
0x1ac: {  	_ =	swait.ge [sflag:s30], $0xC40  }
0x1ad: {  	[sflag:s30] =	ssyncset.done $0x0  }
0x1ae: {  	s18 =	simm.s32 $0x1D250;
	[sflag:s30] =	ssyncadd.s32 $0xFFFFF3C0  }
0x1af: {  	[tilespmem:s18], [sflag:$0x1] =	stream.linear.gather [spmem:s11], $0xC40, $0x38;
	[tilespmem:$0x1F950] =	vst v63  }
0x1b0: {  	_ =	swait.ge [sflag:s30], $0xC40  }
0x1b1: {  	[sflag:s30] =	ssyncset.done $0x0  }
0x1b2: {  	s31 =	simm.s32 $0x1DED0;
	[sflag:s30] =	ssyncadd.s32 $0xFFFFF3C0  }
0x1b3: {  	[tilespmem:s31], [sflag:$0x1] =	stream.linear.gather [spmem:s13], $0xC40, $0x38;
	[tilespmem:$0x1F950] =	vst v63  }
0x1b4: {  	_ =	swait.ge [sflag:s30], $0xC40  }
0x1b5: {  	[sflag:s30] =	ssyncset.done $0x0  }
0x1b6: {  	s17 =	simm.s32 $0x0;
	[sflag:s30] =	ssyncadd.s32 $0xFFFFF3C0  }
0x1b7: {  	v0 =	vld [tilespmem:s17+$0x1EB50]  }
0x1b8: {  	s18 =	simm.s32 $0x40;
	v1 =	vld [tilespmem:s17+$0x1D250]  }
.LBB3_21:
0x1b9: {  	p0 =	sne.s32 s18, $0x30C0;
	v2 =	vld [tilespmem:s17+$0x1DED0];
	_ =	sdelay $0x2  }
.Ltmp10:
0x1ba: {  	(pc) =	sbr.rel @p0 .LBB3_21-.Ltmp10, $4  }
0x1bb: {  	v1 =	vmul.f32 v1, v0  }
0x1bc: {  	s19 =	sshra.s32 s18, $0x2;
	v2 =	vmul.f32 v2, v0  }
0x1bd: {  	v0 =	vld [tilespmem:s19+$0x1EB50];
	[tilespmem:s17+$0x1D250] =	vst v1  }
0x1be: {  	s18 =	sadd.s32 $0x40, s18;
	v1 =	vld [tilespmem:s19+$0x1D250];
	[tilespmem:s17+$0x1DED0] =	vst v2;
	s17 =	smov.u32 s19  }
0x1bf: {  	v2 =	vld [tilespmem:s17+$0x1DED0];
	_ =	sdelay $0x3  }
0x1c0: {  	v1 =	vmul.f32 v1, v0  }
0x1c1: {  	v63 =	vmul.f32 v2, v0  }
0x1c2: {  	[tilespmem:s17+$0x1D250] =	vst v1  }
0x1c3: {  	s31 =	simm.s32 $0x1D250;
	[tilespmem:s17+$0x1DED0] =	vst v63;
	s17 =	simm.s32 $0x1  }
0x1c4: {  	[spmem:s16] =	stream.linear.scatter [tilespmem:s31], [sflag:$0x1], $0xC40, $0x38;
	[tilespmem:$0x1F950] =	vst v63  }
0x1c5: {  	_ =	swait.ge [sflag:s17], $0xC40  }
0x1c6: {  	[sflag:s17] =	ssyncset.done $0x0  }
0x1c7: {  	s18 =	simm.s32 $0x1DED0;
	[sflag:s17] =	ssyncadd.s32 $0xFFFFF3C0  }
0x1c8: {  	[spmem:s14] =	stream.linear.scatter [tilespmem:s18], [sflag:$0x1], $0xC40, $0x38;
	[tilespmem:$0x1F950] =	vst v63  }
0x1c9: {  	s19 =	simm.s32 $0x10CD0;
	s20 =	simm.s32 $0x13450;
	_ =	swait.ge [sflag:s17], $0xC40  }
0x1ca: {  	s21 =	simm.s32 $0x15BD0;
	s22 =	simm.s32 $0x2710;
	[sflag:s17] =	ssyncset.done $0x0  }
0x1cb: {  	s23 =	simm.s32 $0x18350;
	s24 =	simm.s32 $0x1AAD0;
	[sflag:s17] =	ssyncadd.s32 $0xFFFFF3C0  }
0x1cc: {  	s25 =	simm.s32 $0x0;
	s18 =	simm.s32 $0x0;
	[bflag:$0x0] =	sbarrier.arrive $0xFFFF  }
.LBB3_23:
0x1cd: {  	s26 =	smul.u32 $0x2710, s25;
	_ =	sdelay $0x1  }
0x1ce: {  	s26 =	sadd.s32 s12, s26  }
0x1cf: {  	s28 =	sshrl.u32 s26, $0x3  }
0x1d0: {  	s29 =	sadd.s32 s3, s28  }
0x1d1: {  	[tilespmem:s19], [sflag:$0x1] =	stream.linear.gather [hbm4b:s29+s18], $0x2710, $0x38;
	[tilespmem:$0x1F950] =	vst v63  }
0x1d2: {  	_ =	swait.ge [sflag:s17], $0x2710  }
0x1d3: {  	[sflag:s17] =	ssyncset.done $0x0  }
0x1d4: {  	s28 =	sadd.s32 s4, s28;
	[sflag:s17] =	ssyncadd.s32 $0xFFFFD8F0  }
0x1d5: {  	[tilespmem:s20], [sflag:$0x1] =	stream.linear.gather [hbm4b:s28+s18], $0x2710, $0x38;
	[tilespmem:$0x1F950] =	vst v63  }
0x1d6: {  	_ =	swait.ge [sflag:s17], $0x2710  }
0x1d7: {  	[sflag:s17] =	ssyncset.done $0x0  }
0x1d8: {  	s26 =	sadd.s32 s26, s6;
	[sflag:s17] =	ssyncadd.s32 $0xFFFFD8F0  }
0x1d9: {  	[tilespmem:s21], [sflag:$0x1] =	stream.linear.gather [spmem:s26], $0x2710, $0x38;
	[tilespmem:$0x1F950] =	vst v63  }
0x1da: {  	_ =	swait.ge [sflag:s17], $0x2710  }
0x1db: {  	[sflag:s17] =	ssyncset.done $0x0  }
0x1dc: {  	[sflag:s17] =	ssyncadd.s32 $0xFFFFD8F0  }
0x1dd: {  	[tilespmem:s23], [sflag:$0x1] =	stream.indirect.gather [spmem:s8], $0x1, s19, s22, $0xb8;
	[tilespmem:$0x1F950] =	vst v63  }
0x1de: {  	_ =	swait.ge [sflag:s17], $0x2710  }
0x1df: {  	[sflag:s17] =	ssyncset.done $0x0  }
0x1e0: {  	[sflag:s17] =	ssyncadd.s32 $0xFFFFD8F0  }
0x1e1: {  	[tilespmem:s24], [sflag:$0x1] =	stream.indirect.gather [spmem:s7], $0x1, s19, s22, $0xb8;
	[tilespmem:$0x1F950] =	vst v63  }
0x1e2: {  	_ =	swait.ge [sflag:s17], $0x2710  }
0x1e3: {  	[sflag:s17] =	ssyncset.done $0x0  }
0x1e4: {  	s26 =	simm.s32 $0x0;
	[sflag:s17] =	ssyncadd.s32 $0xFFFFD8F0  }
0x1e5: {  	v0 =	vld [tilespmem:s26+$0x15BD0]  }
0x1e6: {  	s28 =	simm.s32 $0x40;
	v1 =	vld [tilespmem:s26+$0x18350]  }
.LBB3_24:
0x1e7: {  	p0 =	sne.s32 s28, $0x9C00;
	v2 =	vld [tilespmem:s26+$0x1AAD0];
	_ =	sdelay $0x2  }
.Ltmp11:
0x1e8: {  	(pc) =	sbr.rel @p0 .LBB3_24-.Ltmp11, $4  }
0x1e9: {  	v1 =	vmul.f32 v1, v0  }
0x1ea: {  	s29 =	sshra.s32 s28, $0x2;
	v2 =	vmul.f32 v2, v0  }
0x1eb: {  	v0 =	vld [tilespmem:s29+$0x15BD0];
	[tilespmem:s26+$0x18350] =	vst v1  }
0x1ec: {  	s28 =	sadd.s32 $0x40, s28;
	v1 =	vld [tilespmem:s29+$0x18350];
	[tilespmem:s26+$0x1AAD0] =	vst v2;
	s26 =	smov.u32 s29  }
0x1ed: {  	v2 =	vld [tilespmem:s26+$0x1AAD0];
	_ =	sdelay $0x3  }
0x1ee: {  	v1 =	vmul.f32 v1, v0  }
0x1ef: {  	v63 =	vmul.f32 v2, v0  }
0x1f0: {  	[tilespmem:s26+$0x18350] =	vst v1  }
0x1f1: {  	[tilespmem:s26+$0x1AAD0] =	vst v63  }
0x1f2: {  	[spmem:s9] =	stream.indirect.scatter.add.f32 [tilespmem:s23], [sflag:$0x1], $0x1, s20, s22, $0xb8;
	[tilespmem:$0x1F950] =	vst v63  }
0x1f3: {  	s25 =	sadd.s32 $0x1, s25;
	_ =	swait.ge [sflag:s17], $0x2710  }
0x1f4: {  	p0 =	sne.s32 s25, $0x5;
	[sflag:s17] =	ssyncset.done $0x0  }
.Ltmp12:
0x1f5: {  	[sflag:s17] =	ssyncadd.s32 $0xFFFFD8F0;
	(pc) =	sbr.rel @p0 .LBB3_23-.Ltmp12, $4  }
0x1f6: {  	[spmem:s10] =	stream.indirect.scatter.add.f32 [tilespmem:s24], [sflag:$0x1], $0x1, s20, s22, $0xb8;
	[tilespmem:$0x1F950] =	vst v63  }
0x1f7: {  	_ =	swait.ge [sflag:s17], $0x2710  }
0x1f8: {  	[sflag:s17] =	ssyncset.done $0x0  }
0x1f9: {  	[sflag:s17] =	ssyncadd.s32 $0xFFFFD8F0  }
0x1fa: {  	[bflag:$0x0] =	sbarrier.arrive $0xFFFF;
	s17 =	simm.s32 $0x1EB50;
	s30 =	simm.s32 $0x1  }
0x1fb: {  	[tilespmem:s17], [sflag:$0x1] =	stream.linear.gather [spmem:s15], $0xC40, $0x38;
	[tilespmem:$0x1F950] =	vst v63  }
0x1fc: {  	_ =	swait.ge [sflag:s30], $0xC40  }
0x1fd: {  	[sflag:s30] =	ssyncset.done $0x0  }
0x1fe: {  	s18 =	simm.s32 $0x1D250;
	[sflag:s30] =	ssyncadd.s32 $0xFFFFF3C0  }
0x1ff: {  	[tilespmem:s18], [sflag:$0x1] =	stream.linear.gather [spmem:s16], $0xC40, $0x38;
	[tilespmem:$0x1F950] =	vst v63  }
0x200: {  	_ =	swait.ge [sflag:s30], $0xC40  }
0x201: {  	[sflag:s30] =	ssyncset.done $0x0  }
0x202: {  	s31 =	simm.s32 $0x1DED0;
	[sflag:s30] =	ssyncadd.s32 $0xFFFFF3C0  }
0x203: {  	[tilespmem:s31], [sflag:$0x1] =	stream.linear.gather [spmem:s14], $0xC40, $0x38;
	[tilespmem:$0x1F950] =	vst v63  }
0x204: {  	_ =	swait.ge [sflag:s30], $0xC40  }
0x205: {  	[sflag:s30] =	ssyncset.done $0x0  }
0x206: {  	s17 =	simm.s32 $0x0;
	[sflag:s30] =	ssyncadd.s32 $0xFFFFF3C0  }
0x207: {  	v0 =	vld [tilespmem:s17+$0x1EB50]  }
0x208: {  	s18 =	simm.s32 $0x40;
	v1 =	vld [tilespmem:s17+$0x1D250]  }
.LBB3_27:
0x209: {  	p0 =	sne.s32 s18, $0x30C0;
	v2 =	vld [tilespmem:s17+$0x1DED0];
	_ =	sdelay $0x2  }
.Ltmp13:
0x20a: {  	(pc) =	sbr.rel @p0 .LBB3_27-.Ltmp13, $4  }
0x20b: {  	v1 =	vmul.f32 v1, v0  }
0x20c: {  	s19 =	sshra.s32 s18, $0x2;
	v2 =	vmul.f32 v2, v0  }
0x20d: {  	v0 =	vld [tilespmem:s19+$0x1EB50];
	[tilespmem:s17+$0x1D250] =	vst v1  }
0x20e: {  	s18 =	sadd.s32 $0x40, s18;
	v1 =	vld [tilespmem:s19+$0x1D250];
	[tilespmem:s17+$0x1DED0] =	vst v2;
	s17 =	smov.u32 s19  }
0x20f: {  	v2 =	vld [tilespmem:s17+$0x1DED0];
	_ =	sdelay $0x3  }
0x210: {  	v1 =	vmul.f32 v1, v0  }
0x211: {  	v63 =	vmul.f32 v2, v0  }
0x212: {  	[tilespmem:s17+$0x1D250] =	vst v1  }
0x213: {  	s31 =	simm.s32 $0x1D250;
	[tilespmem:s17+$0x1DED0] =	vst v63;
	s17 =	simm.s32 $0x1  }
0x214: {  	[spmem:s11] =	stream.linear.scatter [tilespmem:s31], [sflag:$0x1], $0xC40, $0x38;
	[tilespmem:$0x1F950] =	vst v63  }
0x215: {  	_ =	swait.ge [sflag:s17], $0xC40  }
0x216: {  	[sflag:s17] =	ssyncset.done $0x0  }
0x217: {  	s18 =	simm.s32 $0x1DED0;
	[sflag:s17] =	ssyncadd.s32 $0xFFFFF3C0  }
0x218: {  	[spmem:s13] =	stream.linear.scatter [tilespmem:s18], [sflag:$0x1], $0xC40, $0x38;
	[tilespmem:$0x1F950] =	vst v63  }
0x219: {  	s19 =	simm.s32 $0x10CD0;
	s20 =	simm.s32 $0x13450;
	_ =	swait.ge [sflag:s17], $0xC40  }
0x21a: {  	s21 =	simm.s32 $0x15BD0;
	s22 =	simm.s32 $0x2710;
	[sflag:s17] =	ssyncset.done $0x0  }
0x21b: {  	s23 =	simm.s32 $0x18350;
	s24 =	simm.s32 $0x1AAD0;
	[sflag:s17] =	ssyncadd.s32 $0xFFFFF3C0  }
0x21c: {  	s25 =	simm.s32 $0x0;
	s18 =	simm.s32 $0x0;
	[bflag:$0x0] =	sbarrier.arrive $0xFFFF  }
.LBB3_29:
0x21d: {  	s26 =	smul.u32 $0x2710, s25;
	_ =	sdelay $0x1  }
0x21e: {  	s26 =	sadd.s32 s12, s26  }
0x21f: {  	s28 =	sshrl.u32 s26, $0x3  }
0x220: {  	s29 =	sadd.s32 s3, s28  }
0x221: {  	[tilespmem:s19], [sflag:$0x1] =	stream.linear.gather [hbm4b:s29+s18], $0x2710, $0x38;
	[tilespmem:$0x1F950] =	vst v63  }
0x222: {  	_ =	swait.ge [sflag:s17], $0x2710  }
0x223: {  	[sflag:s17] =	ssyncset.done $0x0  }
0x224: {  	s28 =	sadd.s32 s4, s28;
	[sflag:s17] =	ssyncadd.s32 $0xFFFFD8F0  }
0x225: {  	[tilespmem:s20], [sflag:$0x1] =	stream.linear.gather [hbm4b:s28+s18], $0x2710, $0x38;
	[tilespmem:$0x1F950] =	vst v63  }
0x226: {  	_ =	swait.ge [sflag:s17], $0x2710  }
0x227: {  	[sflag:s17] =	ssyncset.done $0x0  }
0x228: {  	s26 =	sadd.s32 s26, s6;
	[sflag:s17] =	ssyncadd.s32 $0xFFFFD8F0  }
0x229: {  	[tilespmem:s21], [sflag:$0x1] =	stream.linear.gather [spmem:s26], $0x2710, $0x38;
	[tilespmem:$0x1F950] =	vst v63  }
0x22a: {  	_ =	swait.ge [sflag:s17], $0x2710  }
0x22b: {  	[sflag:s17] =	ssyncset.done $0x0  }
0x22c: {  	[sflag:s17] =	ssyncadd.s32 $0xFFFFD8F0  }
0x22d: {  	[tilespmem:s23], [sflag:$0x1] =	stream.indirect.gather [spmem:s9], $0x1, s19, s22, $0xb8;
	[tilespmem:$0x1F950] =	vst v63  }
0x22e: {  	_ =	swait.ge [sflag:s17], $0x2710  }
0x22f: {  	[sflag:s17] =	ssyncset.done $0x0  }
0x230: {  	[sflag:s17] =	ssyncadd.s32 $0xFFFFD8F0  }
0x231: {  	[tilespmem:s24], [sflag:$0x1] =	stream.indirect.gather [spmem:s10], $0x1, s19, s22, $0xb8;
	[tilespmem:$0x1F950] =	vst v63  }
0x232: {  	_ =	swait.ge [sflag:s17], $0x2710  }
0x233: {  	[sflag:s17] =	ssyncset.done $0x0  }
0x234: {  	s26 =	simm.s32 $0x0;
	[sflag:s17] =	ssyncadd.s32 $0xFFFFD8F0  }
0x235: {  	v0 =	vld [tilespmem:s26+$0x15BD0]  }
0x236: {  	s28 =	simm.s32 $0x40;
	v1 =	vld [tilespmem:s26+$0x18350]  }
.LBB3_30:
0x237: {  	p0 =	sne.s32 s28, $0x9C00;
	v2 =	vld [tilespmem:s26+$0x1AAD0];
	_ =	sdelay $0x2  }
.Ltmp14:
0x238: {  	(pc) =	sbr.rel @p0 .LBB3_30-.Ltmp14, $4  }
0x239: {  	v1 =	vmul.f32 v1, v0  }
0x23a: {  	s29 =	sshra.s32 s28, $0x2;
	v2 =	vmul.f32 v2, v0  }
0x23b: {  	v0 =	vld [tilespmem:s29+$0x15BD0];
	[tilespmem:s26+$0x18350] =	vst v1  }
0x23c: {  	s28 =	sadd.s32 $0x40, s28;
	v1 =	vld [tilespmem:s29+$0x18350];
	[tilespmem:s26+$0x1AAD0] =	vst v2;
	s26 =	smov.u32 s29  }
0x23d: {  	v2 =	vld [tilespmem:s26+$0x1AAD0];
	_ =	sdelay $0x3  }
0x23e: {  	v1 =	vmul.f32 v1, v0  }
0x23f: {  	v63 =	vmul.f32 v2, v0  }
0x240: {  	[tilespmem:s26+$0x18350] =	vst v1  }
0x241: {  	[tilespmem:s26+$0x1AAD0] =	vst v63  }
0x242: {  	[spmem:s8] =	stream.indirect.scatter.add.f32 [tilespmem:s23], [sflag:$0x1], $0x1, s20, s22, $0xb8;
	[tilespmem:$0x1F950] =	vst v63  }
0x243: {  	s25 =	sadd.s32 $0x1, s25;
	_ =	swait.ge [sflag:s17], $0x2710  }
0x244: {  	p0 =	sne.s32 s25, $0x5;
	[sflag:s17] =	ssyncset.done $0x0  }
.Ltmp15:
0x245: {  	[sflag:s17] =	ssyncadd.s32 $0xFFFFD8F0;
	(pc) =	sbr.rel @p0 .LBB3_29-.Ltmp15, $4  }
0x246: {  	[spmem:s7] =	stream.indirect.scatter.add.f32 [tilespmem:s24], [sflag:$0x1], $0x1, s20, s22, $0xb8;
	[tilespmem:$0x1F950] =	vst v63  }
0x247: {  	_ =	swait.ge [sflag:s17], $0x2710  }
0x248: {  	[sflag:s17] =	ssyncset.done $0x0  }
0x249: {  	[sflag:s17] =	ssyncadd.s32 $0xFFFFD8F0  }
0x24a: {  	[bflag:$0x0] =	sbarrier.arrive $0xFFFF;
	s17 =	simm.s32 $0x1EB50;
	s30 =	simm.s32 $0x1  }
0x24b: {  	[tilespmem:s17], [sflag:$0x1] =	stream.linear.gather [spmem:s15], $0xC40, $0x38;
	[tilespmem:$0x1F950] =	vst v63  }
0x24c: {  	_ =	swait.ge [sflag:s30], $0xC40  }
0x24d: {  	[sflag:s30] =	ssyncset.done $0x0  }
0x24e: {  	s18 =	simm.s32 $0x1D250;
	[sflag:s30] =	ssyncadd.s32 $0xFFFFF3C0  }
0x24f: {  	[tilespmem:s18], [sflag:$0x1] =	stream.linear.gather [spmem:s11], $0xC40, $0x38;
	[tilespmem:$0x1F950] =	vst v63  }
0x250: {  	_ =	swait.ge [sflag:s30], $0xC40  }
0x251: {  	[sflag:s30] =	ssyncset.done $0x0  }
0x252: {  	s31 =	simm.s32 $0x1DED0;
	[sflag:s30] =	ssyncadd.s32 $0xFFFFF3C0  }
0x253: {  	[tilespmem:s31], [sflag:$0x1] =	stream.linear.gather [spmem:s13], $0xC40, $0x38;
	[tilespmem:$0x1F950] =	vst v63  }
0x254: {  	_ =	swait.ge [sflag:s30], $0xC40  }
0x255: {  	[sflag:s30] =	ssyncset.done $0x0  }
0x256: {  	s17 =	simm.s32 $0x0;
	[sflag:s30] =	ssyncadd.s32 $0xFFFFF3C0  }
0x257: {  	v0 =	vld [tilespmem:s17+$0x1EB50]  }
0x258: {  	s18 =	simm.s32 $0x40;
	v1 =	vld [tilespmem:s17+$0x1D250]  }
.LBB3_33:
0x259: {  	p0 =	sne.s32 s18, $0x30C0;
	v2 =	vld [tilespmem:s17+$0x1DED0];
	_ =	sdelay $0x2  }
.Ltmp16:
0x25a: {  	(pc) =	sbr.rel @p0 .LBB3_33-.Ltmp16, $4  }
0x25b: {  	v1 =	vmul.f32 v1, v0  }
0x25c: {  	s19 =	sshra.s32 s18, $0x2;
	v2 =	vmul.f32 v2, v0  }
0x25d: {  	v0 =	vld [tilespmem:s19+$0x1EB50];
	[tilespmem:s17+$0x1D250] =	vst v1  }
0x25e: {  	s18 =	sadd.s32 $0x40, s18;
	v1 =	vld [tilespmem:s19+$0x1D250];
	[tilespmem:s17+$0x1DED0] =	vst v2;
	s17 =	smov.u32 s19  }
0x25f: {  	v2 =	vld [tilespmem:s17+$0x1DED0];
	_ =	sdelay $0x3  }
0x260: {  	v1 =	vmul.f32 v1, v0  }
0x261: {  	v63 =	vmul.f32 v2, v0  }
0x262: {  	[tilespmem:s17+$0x1D250] =	vst v1  }
0x263: {  	s31 =	simm.s32 $0x1D250;
	[tilespmem:s17+$0x1DED0] =	vst v63;
	s17 =	simm.s32 $0x1  }
0x264: {  	[spmem:s16] =	stream.linear.scatter [tilespmem:s31], [sflag:$0x1], $0xC40, $0x38;
	[tilespmem:$0x1F950] =	vst v63  }
0x265: {  	_ =	swait.ge [sflag:s17], $0xC40  }
0x266: {  	[sflag:s17] =	ssyncset.done $0x0  }
0x267: {  	s18 =	simm.s32 $0x1DED0;
	[sflag:s17] =	ssyncadd.s32 $0xFFFFF3C0  }
0x268: {  	[spmem:s14] =	stream.linear.scatter [tilespmem:s18], [sflag:$0x1], $0xC40, $0x38;
	[tilespmem:$0x1F950] =	vst v63  }
0x269: {  	s19 =	simm.s32 $0x10CD0;
	s20 =	simm.s32 $0x13450;
	_ =	swait.ge [sflag:s17], $0xC40  }
0x26a: {  	s21 =	simm.s32 $0x15BD0;
	s22 =	simm.s32 $0x2710;
	[sflag:s17] =	ssyncset.done $0x0  }
0x26b: {  	s23 =	simm.s32 $0x18350;
	s24 =	simm.s32 $0x1AAD0;
	[sflag:s17] =	ssyncadd.s32 $0xFFFFF3C0  }
0x26c: {  	s25 =	simm.s32 $0x0;
	s18 =	simm.s32 $0x0;
	[bflag:$0x0] =	sbarrier.arrive $0xFFFF  }
.LBB3_35:
0x26d: {  	s26 =	smul.u32 $0x2710, s25;
	_ =	sdelay $0x1  }
0x26e: {  	s26 =	sadd.s32 s12, s26  }
0x26f: {  	s28 =	sshrl.u32 s26, $0x3  }
0x270: {  	s29 =	sadd.s32 s3, s28  }
0x271: {  	[tilespmem:s19], [sflag:$0x1] =	stream.linear.gather [hbm4b:s29+s18], $0x2710, $0x38;
	[tilespmem:$0x1F950] =	vst v63  }
0x272: {  	_ =	swait.ge [sflag:s17], $0x2710  }
0x273: {  	[sflag:s17] =	ssyncset.done $0x0  }
0x274: {  	s28 =	sadd.s32 s4, s28;
	[sflag:s17] =	ssyncadd.s32 $0xFFFFD8F0  }
0x275: {  	[tilespmem:s20], [sflag:$0x1] =	stream.linear.gather [hbm4b:s28+s18], $0x2710, $0x38;
	[tilespmem:$0x1F950] =	vst v63  }
0x276: {  	_ =	swait.ge [sflag:s17], $0x2710  }
0x277: {  	[sflag:s17] =	ssyncset.done $0x0  }
0x278: {  	s26 =	sadd.s32 s26, s6;
	[sflag:s17] =	ssyncadd.s32 $0xFFFFD8F0  }
0x279: {  	[tilespmem:s21], [sflag:$0x1] =	stream.linear.gather [spmem:s26], $0x2710, $0x38;
	[tilespmem:$0x1F950] =	vst v63  }
0x27a: {  	_ =	swait.ge [sflag:s17], $0x2710  }
0x27b: {  	[sflag:s17] =	ssyncset.done $0x0  }
0x27c: {  	[sflag:s17] =	ssyncadd.s32 $0xFFFFD8F0  }
0x27d: {  	[tilespmem:s23], [sflag:$0x1] =	stream.indirect.gather [spmem:s8], $0x1, s19, s22, $0xb8;
	[tilespmem:$0x1F950] =	vst v63  }
0x27e: {  	_ =	swait.ge [sflag:s17], $0x2710  }
0x27f: {  	[sflag:s17] =	ssyncset.done $0x0  }
0x280: {  	[sflag:s17] =	ssyncadd.s32 $0xFFFFD8F0  }
0x281: {  	[tilespmem:s24], [sflag:$0x1] =	stream.indirect.gather [spmem:s7], $0x1, s19, s22, $0xb8;
	[tilespmem:$0x1F950] =	vst v63  }
0x282: {  	_ =	swait.ge [sflag:s17], $0x2710  }
0x283: {  	[sflag:s17] =	ssyncset.done $0x0  }
0x284: {  	s26 =	simm.s32 $0x0;
	[sflag:s17] =	ssyncadd.s32 $0xFFFFD8F0  }
0x285: {  	v0 =	vld [tilespmem:s26+$0x15BD0]  }
0x286: {  	s28 =	simm.s32 $0x40;
	v1 =	vld [tilespmem:s26+$0x18350]  }
.LBB3_36:
0x287: {  	p0 =	sne.s32 s28, $0x9C00;
	v2 =	vld [tilespmem:s26+$0x1AAD0];
	_ =	sdelay $0x2  }
.Ltmp17:
0x288: {  	(pc) =	sbr.rel @p0 .LBB3_36-.Ltmp17, $4  }
0x289: {  	v1 =	vmul.f32 v1, v0  }
0x28a: {  	s29 =	sshra.s32 s28, $0x2;
	v2 =	vmul.f32 v2, v0  }
0x28b: {  	v0 =	vld [tilespmem:s29+$0x15BD0];
	[tilespmem:s26+$0x18350] =	vst v1  }
0x28c: {  	s28 =	sadd.s32 $0x40, s28;
	v1 =	vld [tilespmem:s29+$0x18350];
	[tilespmem:s26+$0x1AAD0] =	vst v2;
	s26 =	smov.u32 s29  }
0x28d: {  	v2 =	vld [tilespmem:s26+$0x1AAD0];
	_ =	sdelay $0x3  }
0x28e: {  	v1 =	vmul.f32 v1, v0  }
0x28f: {  	v63 =	vmul.f32 v2, v0  }
0x290: {  	[tilespmem:s26+$0x18350] =	vst v1  }
0x291: {  	[tilespmem:s26+$0x1AAD0] =	vst v63  }
0x292: {  	[spmem:s9] =	stream.indirect.scatter.add.f32 [tilespmem:s23], [sflag:$0x1], $0x1, s20, s22, $0xb8;
	[tilespmem:$0x1F950] =	vst v63  }
0x293: {  	s25 =	sadd.s32 $0x1, s25;
	_ =	swait.ge [sflag:s17], $0x2710  }
0x294: {  	p0 =	sne.s32 s25, $0x5;
	[sflag:s17] =	ssyncset.done $0x0  }
.Ltmp18:
0x295: {  	[sflag:s17] =	ssyncadd.s32 $0xFFFFD8F0;
	(pc) =	sbr.rel @p0 .LBB3_35-.Ltmp18, $4  }
0x296: {  	[spmem:s10] =	stream.indirect.scatter.add.f32 [tilespmem:s24], [sflag:$0x1], $0x1, s20, s22, $0xb8;
	[tilespmem:$0x1F950] =	vst v63  }
0x297: {  	_ =	swait.ge [sflag:s17], $0x2710  }
0x298: {  	[sflag:s17] =	ssyncset.done $0x0  }
0x299: {  	[sflag:s17] =	ssyncadd.s32 $0xFFFFD8F0  }
0x29a: {  	[bflag:$0x0] =	sbarrier.arrive $0xFFFF;
	s17 =	simm.s32 $0x1EB50;
	s30 =	simm.s32 $0x1  }
0x29b: {  	[tilespmem:s17], [sflag:$0x1] =	stream.linear.gather [spmem:s15], $0xC40, $0x38;
	[tilespmem:$0x1F950] =	vst v63  }
0x29c: {  	_ =	swait.ge [sflag:s30], $0xC40  }
0x29d: {  	[sflag:s30] =	ssyncset.done $0x0  }
0x29e: {  	s18 =	simm.s32 $0x1D250;
	[sflag:s30] =	ssyncadd.s32 $0xFFFFF3C0  }
0x29f: {  	[tilespmem:s18], [sflag:$0x1] =	stream.linear.gather [spmem:s16], $0xC40, $0x38;
	[tilespmem:$0x1F950] =	vst v63  }
0x2a0: {  	_ =	swait.ge [sflag:s30], $0xC40  }
0x2a1: {  	[sflag:s30] =	ssyncset.done $0x0  }
0x2a2: {  	s31 =	simm.s32 $0x1DED0;
	[sflag:s30] =	ssyncadd.s32 $0xFFFFF3C0  }
0x2a3: {  	[tilespmem:s31], [sflag:$0x1] =	stream.linear.gather [spmem:s14], $0xC40, $0x38;
	[tilespmem:$0x1F950] =	vst v63  }
0x2a4: {  	_ =	swait.ge [sflag:s30], $0xC40  }
0x2a5: {  	[sflag:s30] =	ssyncset.done $0x0  }
0x2a6: {  	s17 =	simm.s32 $0x0;
	[sflag:s30] =	ssyncadd.s32 $0xFFFFF3C0  }
0x2a7: {  	v0 =	vld [tilespmem:s17+$0x1EB50]  }
0x2a8: {  	s18 =	simm.s32 $0x40;
	v1 =	vld [tilespmem:s17+$0x1D250]  }
.LBB3_39:
0x2a9: {  	p0 =	sne.s32 s18, $0x30C0;
	v2 =	vld [tilespmem:s17+$0x1DED0];
	_ =	sdelay $0x2  }
.Ltmp19:
0x2aa: {  	(pc) =	sbr.rel @p0 .LBB3_39-.Ltmp19, $4  }
0x2ab: {  	v1 =	vmul.f32 v1, v0  }
0x2ac: {  	s19 =	sshra.s32 s18, $0x2;
	v2 =	vmul.f32 v2, v0  }
0x2ad: {  	v0 =	vld [tilespmem:s19+$0x1EB50];
	[tilespmem:s17+$0x1D250] =	vst v1  }
0x2ae: {  	s18 =	sadd.s32 $0x40, s18;
	v1 =	vld [tilespmem:s19+$0x1D250];
	[tilespmem:s17+$0x1DED0] =	vst v2;
	s17 =	smov.u32 s19  }
0x2af: {  	v2 =	vld [tilespmem:s17+$0x1DED0];
	_ =	sdelay $0x3  }
0x2b0: {  	v1 =	vmul.f32 v1, v0  }
0x2b1: {  	v63 =	vmul.f32 v2, v0  }
0x2b2: {  	[tilespmem:s17+$0x1D250] =	vst v1  }
0x2b3: {  	s31 =	simm.s32 $0x1D250;
	[tilespmem:s17+$0x1DED0] =	vst v63;
	s17 =	simm.s32 $0x1  }
0x2b4: {  	[spmem:s11] =	stream.linear.scatter [tilespmem:s31], [sflag:$0x1], $0xC40, $0x38;
	[tilespmem:$0x1F950] =	vst v63  }
0x2b5: {  	_ =	swait.ge [sflag:s17], $0xC40  }
0x2b6: {  	[sflag:s17] =	ssyncset.done $0x0  }
0x2b7: {  	s18 =	simm.s32 $0x1DED0;
	[sflag:s17] =	ssyncadd.s32 $0xFFFFF3C0  }
0x2b8: {  	[spmem:s13] =	stream.linear.scatter [tilespmem:s18], [sflag:$0x1], $0xC40, $0x38;
	[tilespmem:$0x1F950] =	vst v63  }
0x2b9: {  	s19 =	simm.s32 $0x10CD0;
	s20 =	simm.s32 $0x13450;
	_ =	swait.ge [sflag:s17], $0xC40  }
0x2ba: {  	s21 =	simm.s32 $0x15BD0;
	s22 =	simm.s32 $0x2710;
	[sflag:s17] =	ssyncset.done $0x0  }
0x2bb: {  	s23 =	simm.s32 $0x18350;
	s24 =	simm.s32 $0x1AAD0;
	[sflag:s17] =	ssyncadd.s32 $0xFFFFF3C0  }
0x2bc: {  	s25 =	simm.s32 $0x0;
	s18 =	simm.s32 $0x0;
	[bflag:$0x0] =	sbarrier.arrive $0xFFFF  }
.LBB3_41:
0x2bd: {  	s26 =	smul.u32 $0x2710, s25;
	_ =	sdelay $0x1  }
0x2be: {  	s26 =	sadd.s32 s12, s26  }
0x2bf: {  	s28 =	sshrl.u32 s26, $0x3  }
0x2c0: {  	s29 =	sadd.s32 s3, s28  }
0x2c1: {  	[tilespmem:s19], [sflag:$0x1] =	stream.linear.gather [hbm4b:s29+s18], $0x2710, $0x38;
	[tilespmem:$0x1F950] =	vst v63  }
0x2c2: {  	_ =	swait.ge [sflag:s17], $0x2710  }
0x2c3: {  	[sflag:s17] =	ssyncset.done $0x0  }
0x2c4: {  	s28 =	sadd.s32 s4, s28;
	[sflag:s17] =	ssyncadd.s32 $0xFFFFD8F0  }
0x2c5: {  	[tilespmem:s20], [sflag:$0x1] =	stream.linear.gather [hbm4b:s28+s18], $0x2710, $0x38;
	[tilespmem:$0x1F950] =	vst v63  }
0x2c6: {  	_ =	swait.ge [sflag:s17], $0x2710  }
0x2c7: {  	[sflag:s17] =	ssyncset.done $0x0  }
0x2c8: {  	s26 =	sadd.s32 s26, s6;
	[sflag:s17] =	ssyncadd.s32 $0xFFFFD8F0  }
0x2c9: {  	[tilespmem:s21], [sflag:$0x1] =	stream.linear.gather [spmem:s26], $0x2710, $0x38;
	[tilespmem:$0x1F950] =	vst v63  }
0x2ca: {  	_ =	swait.ge [sflag:s17], $0x2710  }
0x2cb: {  	[sflag:s17] =	ssyncset.done $0x0  }
0x2cc: {  	[sflag:s17] =	ssyncadd.s32 $0xFFFFD8F0  }
0x2cd: {  	[tilespmem:s23], [sflag:$0x1] =	stream.indirect.gather [spmem:s9], $0x1, s19, s22, $0xb8;
	[tilespmem:$0x1F950] =	vst v63  }
0x2ce: {  	_ =	swait.ge [sflag:s17], $0x2710  }
0x2cf: {  	[sflag:s17] =	ssyncset.done $0x0  }
0x2d0: {  	[sflag:s17] =	ssyncadd.s32 $0xFFFFD8F0  }
0x2d1: {  	[tilespmem:s24], [sflag:$0x1] =	stream.indirect.gather [spmem:s10], $0x1, s19, s22, $0xb8;
	[tilespmem:$0x1F950] =	vst v63  }
0x2d2: {  	_ =	swait.ge [sflag:s17], $0x2710  }
0x2d3: {  	[sflag:s17] =	ssyncset.done $0x0  }
0x2d4: {  	s26 =	simm.s32 $0x0;
	[sflag:s17] =	ssyncadd.s32 $0xFFFFD8F0  }
0x2d5: {  	v0 =	vld [tilespmem:s26+$0x15BD0]  }
0x2d6: {  	s28 =	simm.s32 $0x40;
	v1 =	vld [tilespmem:s26+$0x18350]  }
.LBB3_42:
0x2d7: {  	p0 =	sne.s32 s28, $0x9C00;
	v2 =	vld [tilespmem:s26+$0x1AAD0];
	_ =	sdelay $0x2  }
.Ltmp20:
0x2d8: {  	(pc) =	sbr.rel @p0 .LBB3_42-.Ltmp20, $4  }
0x2d9: {  	v1 =	vmul.f32 v1, v0  }
0x2da: {  	s29 =	sshra.s32 s28, $0x2;
	v2 =	vmul.f32 v2, v0  }
0x2db: {  	v0 =	vld [tilespmem:s29+$0x15BD0];
	[tilespmem:s26+$0x18350] =	vst v1  }
0x2dc: {  	s28 =	sadd.s32 $0x40, s28;
	v1 =	vld [tilespmem:s29+$0x18350];
	[tilespmem:s26+$0x1AAD0] =	vst v2;
	s26 =	smov.u32 s29  }
0x2dd: {  	v2 =	vld [tilespmem:s26+$0x1AAD0];
	_ =	sdelay $0x3  }
0x2de: {  	v1 =	vmul.f32 v1, v0  }
0x2df: {  	v63 =	vmul.f32 v2, v0  }
0x2e0: {  	[tilespmem:s26+$0x18350] =	vst v1  }
0x2e1: {  	[tilespmem:s26+$0x1AAD0] =	vst v63  }
0x2e2: {  	[spmem:s8] =	stream.indirect.scatter.add.f32 [tilespmem:s23], [sflag:$0x1], $0x1, s20, s22, $0xb8;
	[tilespmem:$0x1F950] =	vst v63  }
0x2e3: {  	s25 =	sadd.s32 $0x1, s25;
	_ =	swait.ge [sflag:s17], $0x2710  }
0x2e4: {  	p0 =	sne.s32 s25, $0x5;
	[sflag:s17] =	ssyncset.done $0x0  }
.Ltmp21:
0x2e5: {  	[sflag:s17] =	ssyncadd.s32 $0xFFFFD8F0;
	(pc) =	sbr.rel @p0 .LBB3_41-.Ltmp21, $4  }
0x2e6: {  	[spmem:s7] =	stream.indirect.scatter.add.f32 [tilespmem:s24], [sflag:$0x1], $0x1, s20, s22, $0xb8;
	[tilespmem:$0x1F950] =	vst v63  }
0x2e7: {  	_ =	swait.ge [sflag:s17], $0x2710  }
0x2e8: {  	[sflag:s17] =	ssyncset.done $0x0  }
0x2e9: {  	[sflag:s17] =	ssyncadd.s32 $0xFFFFD8F0  }
0x2ea: {  	[bflag:$0x0] =	sbarrier.arrive $0xFFFF;
	s17 =	simm.s32 $0x1EB50;
	s30 =	simm.s32 $0x1  }
0x2eb: {  	[tilespmem:s17], [sflag:$0x1] =	stream.linear.gather [spmem:s15], $0xC40, $0x38;
	[tilespmem:$0x1F950] =	vst v63  }
0x2ec: {  	_ =	swait.ge [sflag:s30], $0xC40  }
0x2ed: {  	[sflag:s30] =	ssyncset.done $0x0  }
0x2ee: {  	s18 =	simm.s32 $0x1D250;
	[sflag:s30] =	ssyncadd.s32 $0xFFFFF3C0  }
0x2ef: {  	[tilespmem:s18], [sflag:$0x1] =	stream.linear.gather [spmem:s11], $0xC40, $0x38;
	[tilespmem:$0x1F950] =	vst v63  }
0x2f0: {  	_ =	swait.ge [sflag:s30], $0xC40  }
0x2f1: {  	[sflag:s30] =	ssyncset.done $0x0  }
0x2f2: {  	s31 =	simm.s32 $0x1DED0;
	[sflag:s30] =	ssyncadd.s32 $0xFFFFF3C0  }
0x2f3: {  	[tilespmem:s31], [sflag:$0x1] =	stream.linear.gather [spmem:s13], $0xC40, $0x38;
	[tilespmem:$0x1F950] =	vst v63  }
0x2f4: {  	_ =	swait.ge [sflag:s30], $0xC40  }
0x2f5: {  	[sflag:s30] =	ssyncset.done $0x0  }
0x2f6: {  	s17 =	simm.s32 $0x0;
	[sflag:s30] =	ssyncadd.s32 $0xFFFFF3C0  }
0x2f7: {  	v0 =	vld [tilespmem:s17+$0x1EB50]  }
0x2f8: {  	s18 =	simm.s32 $0x40;
	v1 =	vld [tilespmem:s17+$0x1D250]  }
.LBB3_45:
0x2f9: {  	p0 =	sne.s32 s18, $0x30C0;
	v2 =	vld [tilespmem:s17+$0x1DED0];
	_ =	sdelay $0x2  }
.Ltmp22:
0x2fa: {  	(pc) =	sbr.rel @p0 .LBB3_45-.Ltmp22, $4  }
0x2fb: {  	v1 =	vmul.f32 v1, v0  }
0x2fc: {  	s19 =	sshra.s32 s18, $0x2;
	v2 =	vmul.f32 v2, v0  }
0x2fd: {  	v0 =	vld [tilespmem:s19+$0x1EB50];
	[tilespmem:s17+$0x1D250] =	vst v1  }
0x2fe: {  	s18 =	sadd.s32 $0x40, s18;
	v1 =	vld [tilespmem:s19+$0x1D250];
	[tilespmem:s17+$0x1DED0] =	vst v2;
	s17 =	smov.u32 s19  }
0x2ff: {  	v2 =	vld [tilespmem:s17+$0x1DED0];
	_ =	sdelay $0x3  }
0x300: {  	v1 =	vmul.f32 v1, v0  }
0x301: {  	v63 =	vmul.f32 v2, v0  }
0x302: {  	[tilespmem:s17+$0x1D250] =	vst v1  }
0x303: {  	s31 =	simm.s32 $0x1D250;
	[tilespmem:s17+$0x1DED0] =	vst v63;
	s17 =	simm.s32 $0x1  }
0x304: {  	[spmem:s16] =	stream.linear.scatter [tilespmem:s31], [sflag:$0x1], $0xC40, $0x38;
	[tilespmem:$0x1F950] =	vst v63  }
0x305: {  	_ =	swait.ge [sflag:s17], $0xC40  }
0x306: {  	[sflag:s17] =	ssyncset.done $0x0  }
0x307: {  	s18 =	simm.s32 $0x1DED0;
	[sflag:s17] =	ssyncadd.s32 $0xFFFFF3C0  }
0x308: {  	[spmem:s14] =	stream.linear.scatter [tilespmem:s18], [sflag:$0x1], $0xC40, $0x38;
	[tilespmem:$0x1F950] =	vst v63  }
0x309: {  	s19 =	simm.s32 $0x10CD0;
	s20 =	simm.s32 $0x13450;
	_ =	swait.ge [sflag:s17], $0xC40  }
0x30a: {  	s21 =	simm.s32 $0x15BD0;
	s22 =	simm.s32 $0x2710;
	[sflag:s17] =	ssyncset.done $0x0  }
0x30b: {  	s23 =	simm.s32 $0x18350;
	s24 =	simm.s32 $0x1AAD0;
	[sflag:s17] =	ssyncadd.s32 $0xFFFFF3C0  }
0x30c: {  	s25 =	simm.s32 $0x0;
	s18 =	simm.s32 $0x0;
	[bflag:$0x0] =	sbarrier.arrive $0xFFFF  }
.LBB3_47:
0x30d: {  	s26 =	smul.u32 $0x2710, s25;
	_ =	sdelay $0x1  }
0x30e: {  	s26 =	sadd.s32 s12, s26  }
0x30f: {  	s28 =	sshrl.u32 s26, $0x3  }
0x310: {  	s29 =	sadd.s32 s3, s28  }
0x311: {  	[tilespmem:s19], [sflag:$0x1] =	stream.linear.gather [hbm4b:s29+s18], $0x2710, $0x38;
	[tilespmem:$0x1F950] =	vst v63  }
0x312: {  	_ =	swait.ge [sflag:s17], $0x2710  }
0x313: {  	[sflag:s17] =	ssyncset.done $0x0  }
0x314: {  	s28 =	sadd.s32 s4, s28;
	[sflag:s17] =	ssyncadd.s32 $0xFFFFD8F0  }
0x315: {  	[tilespmem:s20], [sflag:$0x1] =	stream.linear.gather [hbm4b:s28+s18], $0x2710, $0x38;
	[tilespmem:$0x1F950] =	vst v63  }
0x316: {  	_ =	swait.ge [sflag:s17], $0x2710  }
0x317: {  	[sflag:s17] =	ssyncset.done $0x0  }
0x318: {  	s26 =	sadd.s32 s26, s6;
	[sflag:s17] =	ssyncadd.s32 $0xFFFFD8F0  }
0x319: {  	[tilespmem:s21], [sflag:$0x1] =	stream.linear.gather [spmem:s26], $0x2710, $0x38;
	[tilespmem:$0x1F950] =	vst v63  }
0x31a: {  	_ =	swait.ge [sflag:s17], $0x2710  }
0x31b: {  	[sflag:s17] =	ssyncset.done $0x0  }
0x31c: {  	[sflag:s17] =	ssyncadd.s32 $0xFFFFD8F0  }
0x31d: {  	[tilespmem:s23], [sflag:$0x1] =	stream.indirect.gather [spmem:s8], $0x1, s19, s22, $0xb8;
	[tilespmem:$0x1F950] =	vst v63  }
0x31e: {  	_ =	swait.ge [sflag:s17], $0x2710  }
0x31f: {  	[sflag:s17] =	ssyncset.done $0x0  }
0x320: {  	[sflag:s17] =	ssyncadd.s32 $0xFFFFD8F0  }
0x321: {  	[tilespmem:s24], [sflag:$0x1] =	stream.indirect.gather [spmem:s7], $0x1, s19, s22, $0xb8;
	[tilespmem:$0x1F950] =	vst v63  }
0x322: {  	_ =	swait.ge [sflag:s17], $0x2710  }
0x323: {  	[sflag:s17] =	ssyncset.done $0x0  }
0x324: {  	s26 =	simm.s32 $0x0;
	[sflag:s17] =	ssyncadd.s32 $0xFFFFD8F0  }
0x325: {  	v0 =	vld [tilespmem:s26+$0x15BD0]  }
0x326: {  	s28 =	simm.s32 $0x40;
	v1 =	vld [tilespmem:s26+$0x18350]  }
.LBB3_48:
0x327: {  	p0 =	sne.s32 s28, $0x9C00;
	v2 =	vld [tilespmem:s26+$0x1AAD0];
	_ =	sdelay $0x2  }
.Ltmp23:
0x328: {  	(pc) =	sbr.rel @p0 .LBB3_48-.Ltmp23, $4  }
0x329: {  	v1 =	vmul.f32 v1, v0  }
0x32a: {  	s29 =	sshra.s32 s28, $0x2;
	v2 =	vmul.f32 v2, v0  }
0x32b: {  	v0 =	vld [tilespmem:s29+$0x15BD0];
	[tilespmem:s26+$0x18350] =	vst v1  }
0x32c: {  	s28 =	sadd.s32 $0x40, s28;
	v1 =	vld [tilespmem:s29+$0x18350];
	[tilespmem:s26+$0x1AAD0] =	vst v2;
	s26 =	smov.u32 s29  }
0x32d: {  	v2 =	vld [tilespmem:s26+$0x1AAD0];
	_ =	sdelay $0x3  }
0x32e: {  	v1 =	vmul.f32 v1, v0  }
0x32f: {  	v63 =	vmul.f32 v2, v0  }
0x330: {  	[tilespmem:s26+$0x18350] =	vst v1  }
0x331: {  	[tilespmem:s26+$0x1AAD0] =	vst v63  }
0x332: {  	[spmem:s9] =	stream.indirect.scatter.add.f32 [tilespmem:s23], [sflag:$0x1], $0x1, s20, s22, $0xb8;
	[tilespmem:$0x1F950] =	vst v63  }
0x333: {  	s25 =	sadd.s32 $0x1, s25;
	_ =	swait.ge [sflag:s17], $0x2710  }
0x334: {  	p0 =	sne.s32 s25, $0x5;
	[sflag:s17] =	ssyncset.done $0x0  }
.Ltmp24:
0x335: {  	[sflag:s17] =	ssyncadd.s32 $0xFFFFD8F0;
	(pc) =	sbr.rel @p0 .LBB3_47-.Ltmp24, $4  }
0x336: {  	[spmem:s10] =	stream.indirect.scatter.add.f32 [tilespmem:s24], [sflag:$0x1], $0x1, s20, s22, $0xb8;
	[tilespmem:$0x1F950] =	vst v63  }
0x337: {  	_ =	swait.ge [sflag:s17], $0x2710  }
0x338: {  	[sflag:s17] =	ssyncset.done $0x0  }
0x339: {  	[sflag:s17] =	ssyncadd.s32 $0xFFFFD8F0  }
0x33a: {  	[bflag:$0x0] =	sbarrier.arrive $0xFFFF;
	s17 =	simm.s32 $0x1EB50;
	s30 =	simm.s32 $0x1  }
0x33b: {  	[tilespmem:s17], [sflag:$0x1] =	stream.linear.gather [spmem:s15], $0xC40, $0x38;
	[tilespmem:$0x1F950] =	vst v63  }
0x33c: {  	_ =	swait.ge [sflag:s30], $0xC40  }
0x33d: {  	[sflag:s30] =	ssyncset.done $0x0  }
0x33e: {  	s18 =	simm.s32 $0x1D250;
	[sflag:s30] =	ssyncadd.s32 $0xFFFFF3C0  }
0x33f: {  	[tilespmem:s18], [sflag:$0x1] =	stream.linear.gather [spmem:s16], $0xC40, $0x38;
	[tilespmem:$0x1F950] =	vst v63  }
0x340: {  	_ =	swait.ge [sflag:s30], $0xC40  }
0x341: {  	[sflag:s30] =	ssyncset.done $0x0  }
0x342: {  	s31 =	simm.s32 $0x1DED0;
	[sflag:s30] =	ssyncadd.s32 $0xFFFFF3C0  }
0x343: {  	[tilespmem:s31], [sflag:$0x1] =	stream.linear.gather [spmem:s14], $0xC40, $0x38;
	[tilespmem:$0x1F950] =	vst v63  }
0x344: {  	_ =	swait.ge [sflag:s30], $0xC40  }
0x345: {  	[sflag:s30] =	ssyncset.done $0x0  }
0x346: {  	s17 =	simm.s32 $0x0;
	[sflag:s30] =	ssyncadd.s32 $0xFFFFF3C0  }
0x347: {  	v0 =	vld [tilespmem:s17+$0x1EB50]  }
0x348: {  	s18 =	simm.s32 $0x40;
	v1 =	vld [tilespmem:s17+$0x1D250]  }
.LBB3_51:
0x349: {  	p0 =	sne.s32 s18, $0x30C0;
	v2 =	vld [tilespmem:s17+$0x1DED0];
	_ =	sdelay $0x2  }
.Ltmp25:
0x34a: {  	(pc) =	sbr.rel @p0 .LBB3_51-.Ltmp25, $4  }
0x34b: {  	v1 =	vmul.f32 v1, v0  }
0x34c: {  	s19 =	sshra.s32 s18, $0x2;
	v2 =	vmul.f32 v2, v0  }
0x34d: {  	v0 =	vld [tilespmem:s19+$0x1EB50];
	[tilespmem:s17+$0x1D250] =	vst v1  }
0x34e: {  	s18 =	sadd.s32 $0x40, s18;
	v1 =	vld [tilespmem:s19+$0x1D250];
	[tilespmem:s17+$0x1DED0] =	vst v2;
	s17 =	smov.u32 s19  }
0x34f: {  	v2 =	vld [tilespmem:s17+$0x1DED0];
	_ =	sdelay $0x3  }
0x350: {  	v1 =	vmul.f32 v1, v0  }
0x351: {  	v63 =	vmul.f32 v2, v0  }
0x352: {  	[tilespmem:s17+$0x1D250] =	vst v1  }
0x353: {  	s31 =	simm.s32 $0x1D250;
	[tilespmem:s17+$0x1DED0] =	vst v63;
	s17 =	simm.s32 $0x1  }
0x354: {  	[spmem:s11] =	stream.linear.scatter [tilespmem:s31], [sflag:$0x1], $0xC40, $0x38;
	[tilespmem:$0x1F950] =	vst v63  }
0x355: {  	_ =	swait.ge [sflag:s17], $0xC40  }
0x356: {  	[sflag:s17] =	ssyncset.done $0x0  }
0x357: {  	s18 =	simm.s32 $0x1DED0;
	[sflag:s17] =	ssyncadd.s32 $0xFFFFF3C0  }
0x358: {  	[spmem:s13] =	stream.linear.scatter [tilespmem:s18], [sflag:$0x1], $0xC40, $0x38;
	[tilespmem:$0x1F950] =	vst v63  }
0x359: {  	s19 =	simm.s32 $0x10CD0;
	s20 =	simm.s32 $0x13450;
	_ =	swait.ge [sflag:s17], $0xC40  }
0x35a: {  	s21 =	simm.s32 $0x15BD0;
	s22 =	simm.s32 $0x2710;
	[sflag:s17] =	ssyncset.done $0x0  }
0x35b: {  	s23 =	simm.s32 $0x18350;
	s24 =	simm.s32 $0x1AAD0;
	[sflag:s17] =	ssyncadd.s32 $0xFFFFF3C0  }
0x35c: {  	s25 =	simm.s32 $0x0;
	s18 =	simm.s32 $0x0;
	[bflag:$0x0] =	sbarrier.arrive $0xFFFF  }
.LBB3_53:
0x35d: {  	s26 =	smul.u32 $0x2710, s25;
	_ =	sdelay $0x1  }
0x35e: {  	s26 =	sadd.s32 s12, s26  }
0x35f: {  	s28 =	sshrl.u32 s26, $0x3  }
0x360: {  	s29 =	sadd.s32 s3, s28  }
0x361: {  	[tilespmem:s19], [sflag:$0x1] =	stream.linear.gather [hbm4b:s29+s18], $0x2710, $0x38;
	[tilespmem:$0x1F950] =	vst v63  }
0x362: {  	_ =	swait.ge [sflag:s17], $0x2710  }
0x363: {  	[sflag:s17] =	ssyncset.done $0x0  }
0x364: {  	s28 =	sadd.s32 s4, s28;
	[sflag:s17] =	ssyncadd.s32 $0xFFFFD8F0  }
0x365: {  	[tilespmem:s20], [sflag:$0x1] =	stream.linear.gather [hbm4b:s28+s18], $0x2710, $0x38;
	[tilespmem:$0x1F950] =	vst v63  }
0x366: {  	_ =	swait.ge [sflag:s17], $0x2710  }
0x367: {  	[sflag:s17] =	ssyncset.done $0x0  }
0x368: {  	s26 =	sadd.s32 s26, s6;
	[sflag:s17] =	ssyncadd.s32 $0xFFFFD8F0  }
0x369: {  	[tilespmem:s21], [sflag:$0x1] =	stream.linear.gather [spmem:s26], $0x2710, $0x38;
	[tilespmem:$0x1F950] =	vst v63  }
0x36a: {  	_ =	swait.ge [sflag:s17], $0x2710  }
0x36b: {  	[sflag:s17] =	ssyncset.done $0x0  }
0x36c: {  	[sflag:s17] =	ssyncadd.s32 $0xFFFFD8F0  }
0x36d: {  	[tilespmem:s23], [sflag:$0x1] =	stream.indirect.gather [spmem:s9], $0x1, s19, s22, $0xb8;
	[tilespmem:$0x1F950] =	vst v63  }
0x36e: {  	_ =	swait.ge [sflag:s17], $0x2710  }
0x36f: {  	[sflag:s17] =	ssyncset.done $0x0  }
0x370: {  	[sflag:s17] =	ssyncadd.s32 $0xFFFFD8F0  }
0x371: {  	[tilespmem:s24], [sflag:$0x1] =	stream.indirect.gather [spmem:s10], $0x1, s19, s22, $0xb8;
	[tilespmem:$0x1F950] =	vst v63  }
0x372: {  	_ =	swait.ge [sflag:s17], $0x2710  }
0x373: {  	[sflag:s17] =	ssyncset.done $0x0  }
0x374: {  	s26 =	simm.s32 $0x0;
	[sflag:s17] =	ssyncadd.s32 $0xFFFFD8F0  }
0x375: {  	v0 =	vld [tilespmem:s26+$0x15BD0]  }
0x376: {  	s28 =	simm.s32 $0x40;
	v1 =	vld [tilespmem:s26+$0x18350]  }
.LBB3_54:
0x377: {  	p0 =	sne.s32 s28, $0x9C00;
	v2 =	vld [tilespmem:s26+$0x1AAD0];
	_ =	sdelay $0x2  }
.Ltmp26:
0x378: {  	(pc) =	sbr.rel @p0 .LBB3_54-.Ltmp26, $4  }
0x379: {  	v1 =	vmul.f32 v1, v0  }
0x37a: {  	s29 =	sshra.s32 s28, $0x2;
	v2 =	vmul.f32 v2, v0  }
0x37b: {  	v0 =	vld [tilespmem:s29+$0x15BD0];
	[tilespmem:s26+$0x18350] =	vst v1  }
0x37c: {  	s28 =	sadd.s32 $0x40, s28;
	v1 =	vld [tilespmem:s29+$0x18350];
	[tilespmem:s26+$0x1AAD0] =	vst v2;
	s26 =	smov.u32 s29  }
0x37d: {  	v2 =	vld [tilespmem:s26+$0x1AAD0];
	_ =	sdelay $0x3  }
0x37e: {  	v1 =	vmul.f32 v1, v0  }
0x37f: {  	v63 =	vmul.f32 v2, v0  }
0x380: {  	[tilespmem:s26+$0x18350] =	vst v1  }
0x381: {  	[tilespmem:s26+$0x1AAD0] =	vst v63  }
0x382: {  	[spmem:s8] =	stream.indirect.scatter.add.f32 [tilespmem:s23], [sflag:$0x1], $0x1, s20, s22, $0xb8;
	[tilespmem:$0x1F950] =	vst v63  }
0x383: {  	s25 =	sadd.s32 $0x1, s25;
	_ =	swait.ge [sflag:s17], $0x2710  }
0x384: {  	p0 =	sne.s32 s25, $0x5;
	[sflag:s17] =	ssyncset.done $0x0  }
.Ltmp27:
0x385: {  	[sflag:s17] =	ssyncadd.s32 $0xFFFFD8F0;
	(pc) =	sbr.rel @p0 .LBB3_53-.Ltmp27, $4  }
0x386: {  	[spmem:s7] =	stream.indirect.scatter.add.f32 [tilespmem:s24], [sflag:$0x1], $0x1, s20, s22, $0xb8;
	[tilespmem:$0x1F950] =	vst v63  }
0x387: {  	_ =	swait.ge [sflag:s17], $0x2710  }
0x388: {  	[sflag:s17] =	ssyncset.done $0x0  }
0x389: {  	[sflag:s17] =	ssyncadd.s32 $0xFFFFD8F0  }
0x38a: {  	[bflag:$0x0] =	sbarrier.arrive $0xFFFF;
	s17 =	simm.s32 $0x1EB50;
	s30 =	simm.s32 $0x1  }
0x38b: {  	[tilespmem:s17], [sflag:$0x1] =	stream.linear.gather [spmem:s15], $0xC40, $0x38;
	[tilespmem:$0x1F950] =	vst v63  }
0x38c: {  	_ =	swait.ge [sflag:s30], $0xC40  }
0x38d: {  	[sflag:s30] =	ssyncset.done $0x0  }
0x38e: {  	s18 =	simm.s32 $0x1D250;
	[sflag:s30] =	ssyncadd.s32 $0xFFFFF3C0  }
0x38f: {  	[tilespmem:s18], [sflag:$0x1] =	stream.linear.gather [spmem:s11], $0xC40, $0x38;
	[tilespmem:$0x1F950] =	vst v63  }
0x390: {  	_ =	swait.ge [sflag:s30], $0xC40  }
0x391: {  	[sflag:s30] =	ssyncset.done $0x0  }
0x392: {  	s31 =	simm.s32 $0x1DED0;
	[sflag:s30] =	ssyncadd.s32 $0xFFFFF3C0  }
0x393: {  	[tilespmem:s31], [sflag:$0x1] =	stream.linear.gather [spmem:s13], $0xC40, $0x38;
	[tilespmem:$0x1F950] =	vst v63  }
0x394: {  	_ =	swait.ge [sflag:s30], $0xC40  }
0x395: {  	[sflag:s30] =	ssyncset.done $0x0  }
0x396: {  	s17 =	simm.s32 $0x0;
	[sflag:s30] =	ssyncadd.s32 $0xFFFFF3C0  }
0x397: {  	v0 =	vld [tilespmem:s17+$0x1EB50]  }
0x398: {  	s18 =	simm.s32 $0x40;
	v1 =	vld [tilespmem:s17+$0x1D250]  }
.LBB3_57:
0x399: {  	p0 =	sne.s32 s18, $0x30C0;
	v2 =	vld [tilespmem:s17+$0x1DED0];
	_ =	sdelay $0x2  }
.Ltmp28:
0x39a: {  	(pc) =	sbr.rel @p0 .LBB3_57-.Ltmp28, $4  }
0x39b: {  	v1 =	vmul.f32 v1, v0  }
0x39c: {  	s19 =	sshra.s32 s18, $0x2;
	v2 =	vmul.f32 v2, v0  }
0x39d: {  	v0 =	vld [tilespmem:s19+$0x1EB50];
	[tilespmem:s17+$0x1D250] =	vst v1  }
0x39e: {  	s18 =	sadd.s32 $0x40, s18;
	v1 =	vld [tilespmem:s19+$0x1D250];
	[tilespmem:s17+$0x1DED0] =	vst v2;
	s17 =	smov.u32 s19  }
0x39f: {  	v2 =	vld [tilespmem:s17+$0x1DED0];
	_ =	sdelay $0x3  }
0x3a0: {  	v1 =	vmul.f32 v1, v0  }
0x3a1: {  	v63 =	vmul.f32 v2, v0  }
0x3a2: {  	[tilespmem:s17+$0x1D250] =	vst v1  }
0x3a3: {  	s31 =	simm.s32 $0x1D250;
	[tilespmem:s17+$0x1DED0] =	vst v63;
	s17 =	simm.s32 $0x1  }
0x3a4: {  	[spmem:s16] =	stream.linear.scatter [tilespmem:s31], [sflag:$0x1], $0xC40, $0x38;
	[tilespmem:$0x1F950] =	vst v63  }
0x3a5: {  	_ =	swait.ge [sflag:s17], $0xC40  }
0x3a6: {  	[sflag:s17] =	ssyncset.done $0x0  }
0x3a7: {  	s18 =	simm.s32 $0x1DED0;
	[sflag:s17] =	ssyncadd.s32 $0xFFFFF3C0  }
0x3a8: {  	[spmem:s14] =	stream.linear.scatter [tilespmem:s18], [sflag:$0x1], $0xC40, $0x38;
	[tilespmem:$0x1F950] =	vst v63  }
0x3a9: {  	s19 =	simm.s32 $0x10CD0;
	s20 =	simm.s32 $0x13450;
	_ =	swait.ge [sflag:s17], $0xC40  }
0x3aa: {  	s21 =	simm.s32 $0x15BD0;
	s22 =	simm.s32 $0x2710;
	[sflag:s17] =	ssyncset.done $0x0  }
0x3ab: {  	s23 =	simm.s32 $0x18350;
	s24 =	simm.s32 $0x1AAD0;
	[sflag:s17] =	ssyncadd.s32 $0xFFFFF3C0  }
0x3ac: {  	s25 =	simm.s32 $0x0;
	s18 =	simm.s32 $0x0;
	[bflag:$0x0] =	sbarrier.arrive $0xFFFF  }
.LBB3_59:
0x3ad: {  	s26 =	smul.u32 $0x2710, s25;
	_ =	sdelay $0x1  }
0x3ae: {  	s26 =	sadd.s32 s12, s26  }
0x3af: {  	s28 =	sshrl.u32 s26, $0x3  }
0x3b0: {  	s29 =	sadd.s32 s3, s28  }
0x3b1: {  	[tilespmem:s19], [sflag:$0x1] =	stream.linear.gather [hbm4b:s29+s18], $0x2710, $0x38;
	[tilespmem:$0x1F950] =	vst v63  }
0x3b2: {  	_ =	swait.ge [sflag:s17], $0x2710  }
0x3b3: {  	[sflag:s17] =	ssyncset.done $0x0  }
0x3b4: {  	s28 =	sadd.s32 s4, s28;
	[sflag:s17] =	ssyncadd.s32 $0xFFFFD8F0  }
0x3b5: {  	[tilespmem:s20], [sflag:$0x1] =	stream.linear.gather [hbm4b:s28+s18], $0x2710, $0x38;
	[tilespmem:$0x1F950] =	vst v63  }
0x3b6: {  	_ =	swait.ge [sflag:s17], $0x2710  }
0x3b7: {  	[sflag:s17] =	ssyncset.done $0x0  }
0x3b8: {  	s26 =	sadd.s32 s26, s6;
	[sflag:s17] =	ssyncadd.s32 $0xFFFFD8F0  }
0x3b9: {  	[tilespmem:s21], [sflag:$0x1] =	stream.linear.gather [spmem:s26], $0x2710, $0x38;
	[tilespmem:$0x1F950] =	vst v63  }
0x3ba: {  	_ =	swait.ge [sflag:s17], $0x2710  }
0x3bb: {  	[sflag:s17] =	ssyncset.done $0x0  }
0x3bc: {  	[sflag:s17] =	ssyncadd.s32 $0xFFFFD8F0  }
0x3bd: {  	[tilespmem:s23], [sflag:$0x1] =	stream.indirect.gather [spmem:s8], $0x1, s19, s22, $0xb8;
	[tilespmem:$0x1F950] =	vst v63  }
0x3be: {  	_ =	swait.ge [sflag:s17], $0x2710  }
0x3bf: {  	[sflag:s17] =	ssyncset.done $0x0  }
0x3c0: {  	[sflag:s17] =	ssyncadd.s32 $0xFFFFD8F0  }
0x3c1: {  	[tilespmem:s24], [sflag:$0x1] =	stream.indirect.gather [spmem:s7], $0x1, s19, s22, $0xb8;
	[tilespmem:$0x1F950] =	vst v63  }
0x3c2: {  	_ =	swait.ge [sflag:s17], $0x2710  }
0x3c3: {  	[sflag:s17] =	ssyncset.done $0x0  }
0x3c4: {  	s26 =	simm.s32 $0x0;
	[sflag:s17] =	ssyncadd.s32 $0xFFFFD8F0  }
0x3c5: {  	v0 =	vld [tilespmem:s26+$0x15BD0]  }
0x3c6: {  	s28 =	simm.s32 $0x40;
	v1 =	vld [tilespmem:s26+$0x18350]  }
.LBB3_60:
0x3c7: {  	p0 =	sne.s32 s28, $0x9C00;
	v2 =	vld [tilespmem:s26+$0x1AAD0];
	_ =	sdelay $0x2  }
.Ltmp29:
0x3c8: {  	(pc) =	sbr.rel @p0 .LBB3_60-.Ltmp29, $4  }
0x3c9: {  	v1 =	vmul.f32 v1, v0  }
0x3ca: {  	s29 =	sshra.s32 s28, $0x2;
	v2 =	vmul.f32 v2, v0  }
0x3cb: {  	v0 =	vld [tilespmem:s29+$0x15BD0];
	[tilespmem:s26+$0x18350] =	vst v1  }
0x3cc: {  	s28 =	sadd.s32 $0x40, s28;
	v1 =	vld [tilespmem:s29+$0x18350];
	[tilespmem:s26+$0x1AAD0] =	vst v2;
	s26 =	smov.u32 s29  }
0x3cd: {  	v2 =	vld [tilespmem:s26+$0x1AAD0];
	_ =	sdelay $0x3  }
0x3ce: {  	v1 =	vmul.f32 v1, v0  }
0x3cf: {  	v63 =	vmul.f32 v2, v0  }
0x3d0: {  	[tilespmem:s26+$0x18350] =	vst v1  }
0x3d1: {  	[tilespmem:s26+$0x1AAD0] =	vst v63  }
0x3d2: {  	[spmem:s9] =	stream.indirect.scatter.add.f32 [tilespmem:s23], [sflag:$0x1], $0x1, s20, s22, $0xb8;
	[tilespmem:$0x1F950] =	vst v63  }
0x3d3: {  	s25 =	sadd.s32 $0x1, s25;
	_ =	swait.ge [sflag:s17], $0x2710  }
0x3d4: {  	p0 =	sne.s32 s25, $0x5;
	[sflag:s17] =	ssyncset.done $0x0  }
.Ltmp30:
0x3d5: {  	[sflag:s17] =	ssyncadd.s32 $0xFFFFD8F0;
	(pc) =	sbr.rel @p0 .LBB3_59-.Ltmp30, $4  }
0x3d6: {  	[spmem:s10] =	stream.indirect.scatter.add.f32 [tilespmem:s24], [sflag:$0x1], $0x1, s20, s22, $0xb8;
	[tilespmem:$0x1F950] =	vst v63  }
0x3d7: {  	_ =	swait.ge [sflag:s17], $0x2710  }
0x3d8: {  	[sflag:s17] =	ssyncset.done $0x0  }
0x3d9: {  	[sflag:s17] =	ssyncadd.s32 $0xFFFFD8F0  }
0x3da: {  	[bflag:$0x0] =	sbarrier.arrive $0xFFFF;
	s17 =	simm.s32 $0x1EB50;
	s30 =	simm.s32 $0x1  }
0x3db: {  	[tilespmem:s17], [sflag:$0x1] =	stream.linear.gather [spmem:s15], $0xC40, $0x38;
	[tilespmem:$0x1F950] =	vst v63  }
0x3dc: {  	_ =	swait.ge [sflag:s30], $0xC40  }
0x3dd: {  	[sflag:s30] =	ssyncset.done $0x0  }
0x3de: {  	s18 =	simm.s32 $0x1D250;
	[sflag:s30] =	ssyncadd.s32 $0xFFFFF3C0  }
0x3df: {  	[tilespmem:s18], [sflag:$0x1] =	stream.linear.gather [spmem:s16], $0xC40, $0x38;
	[tilespmem:$0x1F950] =	vst v63  }
0x3e0: {  	_ =	swait.ge [sflag:s30], $0xC40  }
0x3e1: {  	[sflag:s30] =	ssyncset.done $0x0  }
0x3e2: {  	s31 =	simm.s32 $0x1DED0;
	[sflag:s30] =	ssyncadd.s32 $0xFFFFF3C0  }
0x3e3: {  	[tilespmem:s31], [sflag:$0x1] =	stream.linear.gather [spmem:s14], $0xC40, $0x38;
	[tilespmem:$0x1F950] =	vst v63  }
0x3e4: {  	_ =	swait.ge [sflag:s30], $0xC40  }
0x3e5: {  	[sflag:s30] =	ssyncset.done $0x0  }
0x3e6: {  	s17 =	simm.s32 $0x0;
	[sflag:s30] =	ssyncadd.s32 $0xFFFFF3C0  }
0x3e7: {  	v0 =	vld [tilespmem:s17+$0x1EB50]  }
0x3e8: {  	s18 =	simm.s32 $0x40;
	v1 =	vld [tilespmem:s17+$0x1D250]  }
.LBB3_63:
0x3e9: {  	p0 =	sne.s32 s18, $0x30C0;
	v2 =	vld [tilespmem:s17+$0x1DED0];
	_ =	sdelay $0x2  }
.Ltmp31:
0x3ea: {  	(pc) =	sbr.rel @p0 .LBB3_63-.Ltmp31, $4  }
0x3eb: {  	v1 =	vmul.f32 v1, v0  }
0x3ec: {  	s19 =	sshra.s32 s18, $0x2;
	v2 =	vmul.f32 v2, v0  }
0x3ed: {  	v0 =	vld [tilespmem:s19+$0x1EB50];
	[tilespmem:s17+$0x1D250] =	vst v1  }
0x3ee: {  	s18 =	sadd.s32 $0x40, s18;
	v1 =	vld [tilespmem:s19+$0x1D250];
	[tilespmem:s17+$0x1DED0] =	vst v2;
	s17 =	smov.u32 s19  }
0x3ef: {  	v2 =	vld [tilespmem:s17+$0x1DED0];
	_ =	sdelay $0x3  }
0x3f0: {  	v1 =	vmul.f32 v1, v0  }
0x3f1: {  	v63 =	vmul.f32 v2, v0  }
0x3f2: {  	[tilespmem:s17+$0x1D250] =	vst v1  }
0x3f3: {  	s31 =	simm.s32 $0x1D250;
	[tilespmem:s17+$0x1DED0] =	vst v63;
	s17 =	simm.s32 $0x1  }
0x3f4: {  	[spmem:s11] =	stream.linear.scatter [tilespmem:s31], [sflag:$0x1], $0xC40, $0x38;
	[tilespmem:$0x1F950] =	vst v63  }
0x3f5: {  	_ =	swait.ge [sflag:s17], $0xC40  }
0x3f6: {  	[sflag:s17] =	ssyncset.done $0x0  }
0x3f7: {  	s18 =	simm.s32 $0x1DED0;
	[sflag:s17] =	ssyncadd.s32 $0xFFFFF3C0  }
0x3f8: {  	[spmem:s13] =	stream.linear.scatter [tilespmem:s18], [sflag:$0x1], $0xC40, $0x38;
	[tilespmem:$0x1F950] =	vst v63  }
0x3f9: {  	s19 =	simm.s32 $0x10CD0;
	s20 =	simm.s32 $0x13450;
	_ =	swait.ge [sflag:s17], $0xC40  }
0x3fa: {  	s21 =	simm.s32 $0x15BD0;
	s22 =	simm.s32 $0x2710;
	[sflag:s17] =	ssyncset.done $0x0  }
0x3fb: {  	s23 =	simm.s32 $0x18350;
	s24 =	simm.s32 $0x1AAD0;
	[sflag:s17] =	ssyncadd.s32 $0xFFFFF3C0  }
0x3fc: {  	s25 =	simm.s32 $0x0;
	s18 =	simm.s32 $0x0;
	[bflag:$0x0] =	sbarrier.arrive $0xFFFF  }
.LBB3_65:
0x3fd: {  	s26 =	smul.u32 $0x2710, s25;
	_ =	sdelay $0x1  }
0x3fe: {  	s26 =	sadd.s32 s12, s26  }
0x3ff: {  	s28 =	sshrl.u32 s26, $0x3  }
0x400: {  	s29 =	sadd.s32 s3, s28  }
0x401: {  	[tilespmem:s19], [sflag:$0x1] =	stream.linear.gather [hbm4b:s29+s18], $0x2710, $0x38;
	[tilespmem:$0x1F950] =	vst v63  }
0x402: {  	_ =	swait.ge [sflag:s17], $0x2710  }
0x403: {  	[sflag:s17] =	ssyncset.done $0x0  }
0x404: {  	s28 =	sadd.s32 s4, s28;
	[sflag:s17] =	ssyncadd.s32 $0xFFFFD8F0  }
0x405: {  	[tilespmem:s20], [sflag:$0x1] =	stream.linear.gather [hbm4b:s28+s18], $0x2710, $0x38;
	[tilespmem:$0x1F950] =	vst v63  }
0x406: {  	_ =	swait.ge [sflag:s17], $0x2710  }
0x407: {  	[sflag:s17] =	ssyncset.done $0x0  }
0x408: {  	s26 =	sadd.s32 s26, s6;
	[sflag:s17] =	ssyncadd.s32 $0xFFFFD8F0  }
0x409: {  	[tilespmem:s21], [sflag:$0x1] =	stream.linear.gather [spmem:s26], $0x2710, $0x38;
	[tilespmem:$0x1F950] =	vst v63  }
0x40a: {  	_ =	swait.ge [sflag:s17], $0x2710  }
0x40b: {  	[sflag:s17] =	ssyncset.done $0x0  }
0x40c: {  	[sflag:s17] =	ssyncadd.s32 $0xFFFFD8F0  }
0x40d: {  	[tilespmem:s23], [sflag:$0x1] =	stream.indirect.gather [spmem:s9], $0x1, s19, s22, $0xb8;
	[tilespmem:$0x1F950] =	vst v63  }
0x40e: {  	_ =	swait.ge [sflag:s17], $0x2710  }
0x40f: {  	[sflag:s17] =	ssyncset.done $0x0  }
0x410: {  	[sflag:s17] =	ssyncadd.s32 $0xFFFFD8F0  }
0x411: {  	[tilespmem:s24], [sflag:$0x1] =	stream.indirect.gather [spmem:s10], $0x1, s19, s22, $0xb8;
	[tilespmem:$0x1F950] =	vst v63  }
0x412: {  	_ =	swait.ge [sflag:s17], $0x2710  }
0x413: {  	[sflag:s17] =	ssyncset.done $0x0  }
0x414: {  	s26 =	simm.s32 $0x0;
	[sflag:s17] =	ssyncadd.s32 $0xFFFFD8F0  }
0x415: {  	v0 =	vld [tilespmem:s26+$0x15BD0]  }
0x416: {  	s28 =	simm.s32 $0x40;
	v1 =	vld [tilespmem:s26+$0x18350]  }
.LBB3_66:
0x417: {  	p0 =	sne.s32 s28, $0x9C00;
	v2 =	vld [tilespmem:s26+$0x1AAD0];
	_ =	sdelay $0x2  }
.Ltmp32:
0x418: {  	(pc) =	sbr.rel @p0 .LBB3_66-.Ltmp32, $4  }
0x419: {  	v1 =	vmul.f32 v1, v0  }
0x41a: {  	s29 =	sshra.s32 s28, $0x2;
	v2 =	vmul.f32 v2, v0  }
0x41b: {  	v0 =	vld [tilespmem:s29+$0x15BD0];
	[tilespmem:s26+$0x18350] =	vst v1  }
0x41c: {  	s28 =	sadd.s32 $0x40, s28;
	v1 =	vld [tilespmem:s29+$0x18350];
	[tilespmem:s26+$0x1AAD0] =	vst v2;
	s26 =	smov.u32 s29  }
0x41d: {  	v2 =	vld [tilespmem:s26+$0x1AAD0];
	_ =	sdelay $0x3  }
0x41e: {  	v1 =	vmul.f32 v1, v0  }
0x41f: {  	v63 =	vmul.f32 v2, v0  }
0x420: {  	[tilespmem:s26+$0x18350] =	vst v1  }
0x421: {  	[tilespmem:s26+$0x1AAD0] =	vst v63  }
0x422: {  	[spmem:s8] =	stream.indirect.scatter.add.f32 [tilespmem:s23], [sflag:$0x1], $0x1, s20, s22, $0xb8;
	[tilespmem:$0x1F950] =	vst v63  }
0x423: {  	s25 =	sadd.s32 $0x1, s25;
	_ =	swait.ge [sflag:s17], $0x2710  }
0x424: {  	p0 =	sne.s32 s25, $0x5;
	[sflag:s17] =	ssyncset.done $0x0  }
.Ltmp33:
0x425: {  	[sflag:s17] =	ssyncadd.s32 $0xFFFFD8F0;
	(pc) =	sbr.rel @p0 .LBB3_65-.Ltmp33, $4  }
0x426: {  	[spmem:s7] =	stream.indirect.scatter.add.f32 [tilespmem:s24], [sflag:$0x1], $0x1, s20, s22, $0xb8;
	[tilespmem:$0x1F950] =	vst v63  }
0x427: {  	_ =	swait.ge [sflag:s17], $0x2710  }
0x428: {  	[sflag:s17] =	ssyncset.done $0x0  }
0x429: {  	[sflag:s17] =	ssyncadd.s32 $0xFFFFD8F0  }
0x42a: {  	[bflag:$0x0] =	sbarrier.arrive $0xFFFF;
	s17 =	simm.s32 $0x1EB50;
	s30 =	simm.s32 $0x1  }
0x42b: {  	[tilespmem:s17], [sflag:$0x1] =	stream.linear.gather [spmem:s15], $0xC40, $0x38;
	[tilespmem:$0x1F950] =	vst v63  }
0x42c: {  	_ =	swait.ge [sflag:s30], $0xC40  }
0x42d: {  	[sflag:s30] =	ssyncset.done $0x0  }
0x42e: {  	s18 =	simm.s32 $0x1D250;
	[sflag:s30] =	ssyncadd.s32 $0xFFFFF3C0  }
0x42f: {  	[tilespmem:s18], [sflag:$0x1] =	stream.linear.gather [spmem:s11], $0xC40, $0x38;
	[tilespmem:$0x1F950] =	vst v63  }
0x430: {  	_ =	swait.ge [sflag:s30], $0xC40  }
0x431: {  	[sflag:s30] =	ssyncset.done $0x0  }
0x432: {  	s31 =	simm.s32 $0x1DED0;
	[sflag:s30] =	ssyncadd.s32 $0xFFFFF3C0  }
0x433: {  	[tilespmem:s31], [sflag:$0x1] =	stream.linear.gather [spmem:s13], $0xC40, $0x38;
	[tilespmem:$0x1F950] =	vst v63  }
0x434: {  	_ =	swait.ge [sflag:s30], $0xC40  }
0x435: {  	[sflag:s30] =	ssyncset.done $0x0  }
0x436: {  	s17 =	simm.s32 $0x0;
	[sflag:s30] =	ssyncadd.s32 $0xFFFFF3C0  }
0x437: {  	v0 =	vld [tilespmem:s17+$0x1EB50]  }
0x438: {  	s18 =	simm.s32 $0x40;
	v1 =	vld [tilespmem:s17+$0x1D250]  }
.LBB3_69:
0x439: {  	p0 =	sne.s32 s18, $0x30C0;
	v2 =	vld [tilespmem:s17+$0x1DED0];
	_ =	sdelay $0x2  }
.Ltmp34:
0x43a: {  	(pc) =	sbr.rel @p0 .LBB3_69-.Ltmp34, $4  }
0x43b: {  	v1 =	vmul.f32 v1, v0  }
0x43c: {  	s19 =	sshra.s32 s18, $0x2;
	v2 =	vmul.f32 v2, v0  }
0x43d: {  	v0 =	vld [tilespmem:s19+$0x1EB50];
	[tilespmem:s17+$0x1D250] =	vst v1  }
0x43e: {  	s18 =	sadd.s32 $0x40, s18;
	v1 =	vld [tilespmem:s19+$0x1D250];
	[tilespmem:s17+$0x1DED0] =	vst v2;
	s17 =	smov.u32 s19  }
0x43f: {  	v2 =	vld [tilespmem:s17+$0x1DED0];
	_ =	sdelay $0x3  }
0x440: {  	v1 =	vmul.f32 v1, v0  }
0x441: {  	v63 =	vmul.f32 v2, v0  }
0x442: {  	[tilespmem:s17+$0x1D250] =	vst v1  }
0x443: {  	s31 =	simm.s32 $0x1D250;
	[tilespmem:s17+$0x1DED0] =	vst v63;
	s17 =	simm.s32 $0x1  }
0x444: {  	[spmem:s16] =	stream.linear.scatter [tilespmem:s31], [sflag:$0x1], $0xC40, $0x38;
	[tilespmem:$0x1F950] =	vst v63  }
0x445: {  	_ =	swait.ge [sflag:s17], $0xC40  }
0x446: {  	[sflag:s17] =	ssyncset.done $0x0  }
0x447: {  	s18 =	simm.s32 $0x1DED0;
	[sflag:s17] =	ssyncadd.s32 $0xFFFFF3C0  }
0x448: {  	[spmem:s14] =	stream.linear.scatter [tilespmem:s18], [sflag:$0x1], $0xC40, $0x38;
	[tilespmem:$0x1F950] =	vst v63  }
0x449: {  	s19 =	simm.s32 $0x10CD0;
	s20 =	simm.s32 $0x13450;
	_ =	swait.ge [sflag:s17], $0xC40  }
0x44a: {  	s21 =	simm.s32 $0x15BD0;
	s22 =	simm.s32 $0x2710;
	[sflag:s17] =	ssyncset.done $0x0  }
0x44b: {  	s23 =	simm.s32 $0x18350;
	s24 =	simm.s32 $0x1AAD0;
	[sflag:s17] =	ssyncadd.s32 $0xFFFFF3C0  }
0x44c: {  	s25 =	simm.s32 $0x0;
	s18 =	simm.s32 $0x0;
	[bflag:$0x0] =	sbarrier.arrive $0xFFFF  }
.LBB3_71:
0x44d: {  	s26 =	smul.u32 $0x2710, s25;
	_ =	sdelay $0x1  }
0x44e: {  	s26 =	sadd.s32 s12, s26  }
0x44f: {  	s28 =	sshrl.u32 s26, $0x3  }
0x450: {  	s29 =	sadd.s32 s3, s28  }
0x451: {  	[tilespmem:s19], [sflag:$0x1] =	stream.linear.gather [hbm4b:s29+s18], $0x2710, $0x38;
	[tilespmem:$0x1F950] =	vst v63  }
0x452: {  	_ =	swait.ge [sflag:s17], $0x2710  }
0x453: {  	[sflag:s17] =	ssyncset.done $0x0  }
0x454: {  	s28 =	sadd.s32 s4, s28;
	[sflag:s17] =	ssyncadd.s32 $0xFFFFD8F0  }
0x455: {  	[tilespmem:s20], [sflag:$0x1] =	stream.linear.gather [hbm4b:s28+s18], $0x2710, $0x38;
	[tilespmem:$0x1F950] =	vst v63  }
0x456: {  	_ =	swait.ge [sflag:s17], $0x2710  }
0x457: {  	[sflag:s17] =	ssyncset.done $0x0  }
0x458: {  	s26 =	sadd.s32 s26, s6;
	[sflag:s17] =	ssyncadd.s32 $0xFFFFD8F0  }
0x459: {  	[tilespmem:s21], [sflag:$0x1] =	stream.linear.gather [spmem:s26], $0x2710, $0x38;
	[tilespmem:$0x1F950] =	vst v63  }
0x45a: {  	_ =	swait.ge [sflag:s17], $0x2710  }
0x45b: {  	[sflag:s17] =	ssyncset.done $0x0  }
0x45c: {  	[sflag:s17] =	ssyncadd.s32 $0xFFFFD8F0  }
0x45d: {  	[tilespmem:s23], [sflag:$0x1] =	stream.indirect.gather [spmem:s8], $0x1, s19, s22, $0xb8;
	[tilespmem:$0x1F950] =	vst v63  }
0x45e: {  	_ =	swait.ge [sflag:s17], $0x2710  }
0x45f: {  	[sflag:s17] =	ssyncset.done $0x0  }
0x460: {  	[sflag:s17] =	ssyncadd.s32 $0xFFFFD8F0  }
0x461: {  	[tilespmem:s24], [sflag:$0x1] =	stream.indirect.gather [spmem:s7], $0x1, s19, s22, $0xb8;
	[tilespmem:$0x1F950] =	vst v63  }
0x462: {  	_ =	swait.ge [sflag:s17], $0x2710  }
0x463: {  	[sflag:s17] =	ssyncset.done $0x0  }
0x464: {  	s26 =	simm.s32 $0x0;
	[sflag:s17] =	ssyncadd.s32 $0xFFFFD8F0  }
0x465: {  	v0 =	vld [tilespmem:s26+$0x15BD0]  }
0x466: {  	s28 =	simm.s32 $0x40;
	v1 =	vld [tilespmem:s26+$0x18350]  }
.LBB3_72:
0x467: {  	p0 =	sne.s32 s28, $0x9C00;
	v2 =	vld [tilespmem:s26+$0x1AAD0];
	_ =	sdelay $0x2  }
.Ltmp35:
0x468: {  	(pc) =	sbr.rel @p0 .LBB3_72-.Ltmp35, $4  }
0x469: {  	v1 =	vmul.f32 v1, v0  }
0x46a: {  	s29 =	sshra.s32 s28, $0x2;
	v2 =	vmul.f32 v2, v0  }
0x46b: {  	v0 =	vld [tilespmem:s29+$0x15BD0];
	[tilespmem:s26+$0x18350] =	vst v1  }
0x46c: {  	s28 =	sadd.s32 $0x40, s28;
	v1 =	vld [tilespmem:s29+$0x18350];
	[tilespmem:s26+$0x1AAD0] =	vst v2;
	s26 =	smov.u32 s29  }
0x46d: {  	v2 =	vld [tilespmem:s26+$0x1AAD0];
	_ =	sdelay $0x3  }
0x46e: {  	v1 =	vmul.f32 v1, v0  }
0x46f: {  	v63 =	vmul.f32 v2, v0  }
0x470: {  	[tilespmem:s26+$0x18350] =	vst v1  }
0x471: {  	[tilespmem:s26+$0x1AAD0] =	vst v63  }
0x472: {  	[spmem:s9] =	stream.indirect.scatter.add.f32 [tilespmem:s23], [sflag:$0x1], $0x1, s20, s22, $0xb8;
	[tilespmem:$0x1F950] =	vst v63  }
0x473: {  	s25 =	sadd.s32 $0x1, s25;
	_ =	swait.ge [sflag:s17], $0x2710  }
0x474: {  	p0 =	sne.s32 s25, $0x5;
	[sflag:s17] =	ssyncset.done $0x0  }
.Ltmp36:
0x475: {  	[sflag:s17] =	ssyncadd.s32 $0xFFFFD8F0;
	(pc) =	sbr.rel @p0 .LBB3_71-.Ltmp36, $4  }
0x476: {  	[spmem:s10] =	stream.indirect.scatter.add.f32 [tilespmem:s24], [sflag:$0x1], $0x1, s20, s22, $0xb8;
	[tilespmem:$0x1F950] =	vst v63  }
0x477: {  	_ =	swait.ge [sflag:s17], $0x2710  }
0x478: {  	[sflag:s17] =	ssyncset.done $0x0  }
0x479: {  	[sflag:s17] =	ssyncadd.s32 $0xFFFFD8F0  }
0x47a: {  	[bflag:$0x0] =	sbarrier.arrive $0xFFFF;
	s17 =	simm.s32 $0x1EB50;
	s29 =	simm.s32 $0x1  }
0x47b: {  	[tilespmem:s17], [sflag:$0x1] =	stream.linear.gather [spmem:s15], $0xC40, $0x38;
	[tilespmem:$0x1F950] =	vst v63  }
0x47c: {  	_ =	swait.ge [sflag:s29], $0xC40  }
0x47d: {  	[sflag:s29] =	ssyncset.done $0x0  }
0x47e: {  	s30 =	simm.s32 $0x1D250;
	[sflag:s29] =	ssyncadd.s32 $0xFFFFF3C0  }
0x47f: {  	[tilespmem:s30], [sflag:$0x1] =	stream.linear.gather [spmem:s16], $0xC40, $0x38;
	[tilespmem:$0x1F950] =	vst v63  }
0x480: {  	_ =	swait.ge [sflag:s29], $0xC40  }
0x481: {  	[sflag:s29] =	ssyncset.done $0x0  }
0x482: {  	s31 =	simm.s32 $0x1DED0;
	[sflag:s29] =	ssyncadd.s32 $0xFFFFF3C0  }
0x483: {  	[tilespmem:s31], [sflag:$0x1] =	stream.linear.gather [spmem:s14], $0xC40, $0x38;
	[tilespmem:$0x1F950] =	vst v63  }
0x484: {  	_ =	swait.ge [sflag:s29], $0xC40  }
0x485: {  	[sflag:s29] =	ssyncset.done $0x0  }
0x486: {  	s15 =	simm.s32 $0x0;
	[sflag:s29] =	ssyncadd.s32 $0xFFFFF3C0  }
0x487: {  	v0 =	vld [tilespmem:s15+$0x1EB50]  }
0x488: {  	s16 =	simm.s32 $0x40;
	v1 =	vld [tilespmem:s15+$0x1D250]  }
.LBB3_75:
0x489: {  	p0 =	sne.s32 s16, $0x30C0;
	v2 =	vld [tilespmem:s15+$0x1DED0];
	_ =	sdelay $0x2  }
.Ltmp37:
0x48a: {  	(pc) =	sbr.rel @p0 .LBB3_75-.Ltmp37, $4  }
0x48b: {  	v1 =	vmul.f32 v1, v0  }
0x48c: {  	s17 =	sshra.s32 s16, $0x2;
	v2 =	vmul.f32 v2, v0  }
0x48d: {  	v0 =	vld [tilespmem:s17+$0x1EB50];
	[tilespmem:s15+$0x1D250] =	vst v1  }
0x48e: {  	s16 =	sadd.s32 $0x40, s16;
	v1 =	vld [tilespmem:s17+$0x1D250];
	[tilespmem:s15+$0x1DED0] =	vst v2;
	s15 =	smov.u32 s17  }
0x48f: {  	v2 =	vld [tilespmem:s15+$0x1DED0];
	_ =	sdelay $0x3  }
0x490: {  	v1 =	vmul.f32 v1, v0  }
0x491: {  	v63 =	vmul.f32 v2, v0  }
0x492: {  	[tilespmem:s15+$0x1D250] =	vst v1  }
0x493: {  	s31 =	simm.s32 $0x1D250;
	[tilespmem:s15+$0x1DED0] =	vst v63;
	s15 =	simm.s32 $0x1  }
0x494: {  	[spmem:s11] =	stream.linear.scatter [tilespmem:s31], [sflag:$0x1], $0xC40, $0x38;
	[tilespmem:$0x1F950] =	vst v63  }
0x495: {  	_ =	swait.ge [sflag:s15], $0xC40  }
0x496: {  	[sflag:s15] =	ssyncset.done $0x0  }
0x497: {  	s16 =	simm.s32 $0x1DED0;
	[sflag:s15] =	ssyncadd.s32 $0xFFFFF3C0  }
0x498: {  	[spmem:s13] =	stream.linear.scatter [tilespmem:s16], [sflag:$0x1], $0xC40, $0x38;
	[tilespmem:$0x1F950] =	vst v63  }
0x499: {  	s17 =	simm.s32 $0x13450;
	s18 =	simm.s32 $0x15BD0;
	_ =	swait.ge [sflag:s15], $0xC40  }
0x49a: {  	s19 =	simm.s32 $0x2710;
	s20 =	simm.s32 $0x18350;
	[sflag:s15] =	ssyncset.done $0x0  }
0x49b: {  	s21 =	simm.s32 $0x1AAD0;
	s22 =	simm.s32 $0x0;
	[sflag:s15] =	ssyncadd.s32 $0xFFFFF3C0  }
0x49c: {  	s13 =	simm.s32 $0x0;
	s16 =	simm.s32 $0x10CD0;
	[bflag:$0x0] =	sbarrier.arrive $0xFFFF  }
.LBB3_77:
0x49d: {  	s23 =	smul.u32 $0x2710, s22;
	_ =	sdelay $0x1  }
0x49e: {  	s23 =	sadd.s32 s12, s23  }
0x49f: {  	s24 =	sshrl.u32 s23, $0x3  }
0x4a0: {  	s25 =	sadd.s32 s3, s24  }
0x4a1: {  	[tilespmem:s16], [sflag:$0x1] =	stream.linear.gather [hbm4b:s25+s13], $0x2710, $0x38;
	[tilespmem:$0x1F950] =	vst v63  }
0x4a2: {  	_ =	swait.ge [sflag:s15], $0x2710  }
0x4a3: {  	[sflag:s15] =	ssyncset.done $0x0  }
0x4a4: {  	s24 =	sadd.s32 s4, s24;
	[sflag:s15] =	ssyncadd.s32 $0xFFFFD8F0  }
0x4a5: {  	[tilespmem:s17], [sflag:$0x1] =	stream.linear.gather [hbm4b:s24+s13], $0x2710, $0x38;
	[tilespmem:$0x1F950] =	vst v63  }
0x4a6: {  	_ =	swait.ge [sflag:s15], $0x2710  }
0x4a7: {  	[sflag:s15] =	ssyncset.done $0x0  }
0x4a8: {  	s23 =	sadd.s32 s23, s6;
	[sflag:s15] =	ssyncadd.s32 $0xFFFFD8F0  }
0x4a9: {  	[tilespmem:s18], [sflag:$0x1] =	stream.linear.gather [spmem:s23], $0x2710, $0x38;
	[tilespmem:$0x1F950] =	vst v63  }
0x4aa: {  	_ =	swait.ge [sflag:s15], $0x2710  }
0x4ab: {  	[sflag:s15] =	ssyncset.done $0x0  }
0x4ac: {  	[sflag:s15] =	ssyncadd.s32 $0xFFFFD8F0  }
0x4ad: {  	[tilespmem:s20], [sflag:$0x1] =	stream.indirect.gather [spmem:s9], $0x1, s16, s19, $0xb8;
	[tilespmem:$0x1F950] =	vst v63  }
0x4ae: {  	_ =	swait.ge [sflag:s15], $0x2710  }
0x4af: {  	[sflag:s15] =	ssyncset.done $0x0  }
0x4b0: {  	[sflag:s15] =	ssyncadd.s32 $0xFFFFD8F0  }
0x4b1: {  	[tilespmem:s21], [sflag:$0x1] =	stream.indirect.gather [spmem:s10], $0x1, s16, s19, $0xb8;
	[tilespmem:$0x1F950] =	vst v63  }
0x4b2: {  	_ =	swait.ge [sflag:s15], $0x2710  }
0x4b3: {  	[sflag:s15] =	ssyncset.done $0x0  }
0x4b4: {  	s23 =	simm.s32 $0x0;
	[sflag:s15] =	ssyncadd.s32 $0xFFFFD8F0  }
0x4b5: {  	v0 =	vld [tilespmem:s23+$0x15BD0]  }
0x4b6: {  	s24 =	simm.s32 $0x40;
	v1 =	vld [tilespmem:s23+$0x18350]  }
.LBB3_78:
0x4b7: {  	p0 =	sne.s32 s24, $0x9C00;
	v2 =	vld [tilespmem:s23+$0x1AAD0];
	_ =	sdelay $0x2  }
.Ltmp38:
0x4b8: {  	(pc) =	sbr.rel @p0 .LBB3_78-.Ltmp38, $4  }
0x4b9: {  	v1 =	vmul.f32 v1, v0  }
0x4ba: {  	s25 =	sshra.s32 s24, $0x2;
	v2 =	vmul.f32 v2, v0  }
0x4bb: {  	v0 =	vld [tilespmem:s25+$0x15BD0];
	[tilespmem:s23+$0x18350] =	vst v1  }
0x4bc: {  	s24 =	sadd.s32 $0x40, s24;
	v1 =	vld [tilespmem:s25+$0x18350];
	[tilespmem:s23+$0x1AAD0] =	vst v2;
	s23 =	smov.u32 s25  }
0x4bd: {  	v2 =	vld [tilespmem:s23+$0x1AAD0];
	_ =	sdelay $0x3  }
0x4be: {  	v1 =	vmul.f32 v1, v0  }
0x4bf: {  	v63 =	vmul.f32 v2, v0  }
0x4c0: {  	[tilespmem:s23+$0x18350] =	vst v1  }
0x4c1: {  	[tilespmem:s23+$0x1AAD0] =	vst v63  }
0x4c2: {  	[spmem:s8] =	stream.indirect.scatter.add.f32 [tilespmem:s20], [sflag:$0x1], $0x1, s17, s19, $0xb8;
	[tilespmem:$0x1F950] =	vst v63  }
0x4c3: {  	s22 =	sadd.s32 $0x1, s22;
	_ =	swait.ge [sflag:s15], $0x2710  }
0x4c4: {  	p0 =	sne.s32 s22, $0x5;
	[sflag:s15] =	ssyncset.done $0x0  }
.Ltmp39:
0x4c5: {  	[sflag:s15] =	ssyncadd.s32 $0xFFFFD8F0;
	(pc) =	sbr.rel @p0 .LBB3_77-.Ltmp39, $4  }
0x4c6: {  	[spmem:s7] =	stream.indirect.scatter.add.f32 [tilespmem:s21], [sflag:$0x1], $0x1, s17, s19, $0xb8;
	[tilespmem:$0x1F950] =	vst v63  }
0x4c7: {  	_ =	swait.ge [sflag:s15], $0x2710  }
0x4c8: {  	[sflag:s15] =	ssyncset.done $0x0  }
0x4c9: {  	[sflag:s15] =	ssyncadd.s32 $0xFFFFD8F0  }
0x4ca: {  	[bflag:$0x0] =	sbarrier.arrive $0xFFFF;
	s3 =	simm.s32 $0x1D250;
	s31 =	simm.s32 $0x1  }
0x4cb: {  	[tilespmem:s3], [sflag:$0x1] =	stream.linear.gather [spmem:s11], $0xC40, $0x38;
	[tilespmem:$0x1F950] =	vst v63  }
0x4cc: {  	_ =	swait.ge [sflag:s31], $0xC40  }
0x4cd: {  	[sflag:s31] =	ssyncset.done $0x0  }
0x4ce: {  	s4 =	simm.s32 $0x1DED0;
	[sflag:s31] =	ssyncadd.s32 $0xFFFFF3C0  }
0x4cf: {  	[tilespmem:s4], [sflag:$0x1] =	stream.linear.gather [spmem:s14], $0xC40, $0x38;
	[tilespmem:$0x1F950] =	vst v63  }
0x4d0: {  	_ =	swait.ge [sflag:s31], $0xC40  }
0x4d1: {  	[sflag:s31] =	ssyncset.done $0x0  }
0x4d2: {  	s3 =	simm.s32 $0x0;
	[sflag:s31] =	ssyncadd.s32 $0xFFFFF3C0  }
0x4d3: {  	v0 =	vld [tilespmem:s3+$0x1DED0]  }
0x4d4: {  	v1 =	vld [tilespmem:s3+$0x1D250]  }
0x4d5: {  	s4 =	simm.s32 $0x40;
	v2 =	vld [tilespmem:$0x1F7D0]  }
.LBB3_81:
0x4d6: {  	p0 =	sne.s32 s4, $0x30C0;
	v3 =	vld [tilespmem:$0x1F850];
	_ =	sdelay $0x3  }
0x4d7: {  	v4 =	vld [tilespmem:$0x1F8D0]  }
0x4d8: {  	v1 =	vmul.f32 v1, v2;
	v0 =	vmul.f32 v0, v3;
	_ =	sdelay $0x1  }
0x4d9: {  	v0 =	vadd.f32 v0, v1;
	_ =	sdelay $0x1  }
.Ltmp40:
0x4da: {  	v1 =	vadd.f32 v0, v4;
	(pc) =	sbr.rel @p0 .LBB3_81-.Ltmp40, $4  }
0x4db: {  	s6 =	sshra.s32 s4, $0x2  }
0x4dc: {  	v0 =	vld [tilespmem:s6+$0x1DED0];
	[tilespmem:s3+$0x1D250] =	vst v1;
	s3 =	smov.u32 s6  }
0x4dd: {  	v1 =	vld [tilespmem:s3+$0x1D250]  }
0x4de: {  	s4 =	sadd.s32 $0x40, s4;
	v2 =	vld [tilespmem:$0x1F7D0]  }
0x4df: {  	v3 =	vld [tilespmem:$0x1F850];
	_ =	sdelay $0x3  }
0x4e0: {  	v4 =	vld [tilespmem:$0x1F8D0]  }
0x4e1: {  	v1 =	vmul.f32 v1, v2;
	v0 =	vmul.f32 v0, v3;
	_ =	sdelay $0x1  }
0x4e2: {  	v0 =	vadd.f32 v0, v1;
	_ =	sdelay $0x1  }
0x4e3: {  	v0 =	vadd.f32 v0, v4  }
0x4e4: {  	s1 =	sadd.s32 s1, s5  }
0x4e5: {  	s30 =	simm.s32 $0x0;
	s4 =	simm.s32 $0x1D250;
	s31 =	simm.s32 $0x1;
	[tilespmem:s3+$0x1D250] =	vst v0  }
0x4e6: {  	[hbm4b:s1+s30] =	stream.linear.scatter [tilespmem:s4], [sflag:$0x1], $0xC40, $0x38;
	[tilespmem:$0x1F950] =	vst v63  }
0x4e7: {  	_ =	swait.ge [sflag:s31], $0xC40  }
0x4e8: {  	[sflag:s31] =	ssyncset.done $0x0  }
0x4e9: {  	[sflag:s31] =	ssyncadd.s32 $0xFFFFF3C0  }
0x4ea: {  	_ =	sfence.sel $0x180000  }
0x4eb: {  	[bflag:$0x0] =	sbarrier.arrive $0xFFFF  }
0x4ec: {  	p0 =	sne.s32 s2, $0x0;
	_ =	strace $0x90000047  }
0x4ed: {  	s0 =	sadd.s32 @!p0 $0x100000, s0;
	[bflag:$0x2] =	sbarrier.arrive $0xFFFF  }
0x4ee: {  	[sflag:s0] =	ssyncadd.tile.s32 @!p0 $0x1;
	_ =	shalt  }
.Lfunc_end3:
_tile_overlayer_lowered:
.L_overlay_start_3:
0x4ef: {  	(tag) =	ssettag $0x3  }
0x4f0: {  	s0 =	rddreg [dreg:$0x0];
	s2 =	stileid.u32  }
0x4f1: {  	s1 =	rddreg [dreg:$0x1];
	p0 =	sne.s32 s2, $0x0  }
0x4f2: {  	s3 =	rddreg [dreg:$0x2];
	[bflag:$0x3] =	sbarrier.arrive $0xFFFF;
	s2 =	simm.s32 @!p0 $0x1C01  }
0x4f3: {  	[timem:s3], [sflag:s2] =	dma.local @!p0 [hbm:s0], s1  }
0x4f4: {  	s0 =	simm.s32 @!p0 $0x1  }
0x4f5: {  	_ =	swait.ge @!p0 [sflag:s0], s1  }
0x4f6: {  	s1 =	ssub.s32 @!p0 $0x0, s1;
	[sflag:s0] =	ssyncset.done @!p0 $0x0  }
0x4f7: {  	[sflag:s0] =	ssyncadd.s32 @!p0 s1  }
0x4f8: {  	[bflag:$0x3] =	sbarrier.arrive $0xFFFF  }
0x4f9: {  	_ =	shalt  }

</sc_bundles>
